<compile_context>
chip_gen: v7x
topology: tpu7x:2x2x1
jax: 0.10.2.dev20260603
libtpu: 0.0.44.dev20260713+nightly
codegen_flags: <defaults>
</compile_context>

<pallas_src>
import jax
import jax.numpy as jnp
from jax import lax
from jax.experimental import pallas as pl
from jax.experimental.pallas import tpu as pltpu
from jax.experimental.pallas import tpu_sc as plsc

N_NODES = 10000
N_EDGES = 320000
D = 128
DH = D // 2
N_REL = 50

NC = 2
NS = 16
CHUNK = 128
CHUNKS_PER_W = 159
EPW = CHUNKS_PER_W * CHUNK
E_PAD = NS * EPW
N_PAD = 10016
ACC_ROWS = 10240
ROWS_PER_TILE = ACC_ROWS // NS


def _tc_prep(x_ref, wl_ref, wa_ref, rel_ref, xt_ref, s_ref, r_ref):
    xv = x_ref[...]
    xt = lax.dot_general(
        xv, wl_ref[...], (((1,), (1,)), ((), ())),
        preferred_element_type=jnp.float32)
    pad_z = jnp.zeros((N_PAD - N_NODES, DH), jnp.float32)
    xt_ref[0:N_NODES, :] = xt[:, 0:DH]
    xt_ref[N_NODES:N_PAD, :] = pad_z
    xt_ref[N_PAD:N_PAD + N_NODES, :] = xt[:, DH:D]
    xt_ref[N_PAD + N_NODES:2 * N_PAD, :] = pad_z
    wa = wa_ref[...]
    sv = lax.dot_general(
        xv, wa, (((1,), (1,)), ((), ())), preferred_element_type=jnp.float32)
    s_ref[0:N_NODES, :] = sv
    s_ref[N_NODES:N_PAD, :] = jnp.zeros((N_PAD - N_NODES, 1), jnp.float32)
    r_ref[...] = lax.dot_general(
        rel_ref[...], wa, (((1,), (1,)), ((), ())),
        preferred_element_type=jnp.float32)


def _sc_edges(xt_hbm, s_hbm, r_hbm, src_hbm, tgt_hbm, typ_hbm, out_hbm,
              src_v, tgt_v, s_v, r_v, typb,
              rows0, rows1, rows2, acc,
              gsem0, gsem1, gsem2, ssem0, ssem1, ssem2,
              tsem0, tsem1, tsem2, gsem0b, gsem1b, gsem2b):
    c = lax.axis_index("c")
    s = lax.axis_index("s")
    bufs = (rows0, rows1, rows2)
    gsems = (gsem0, gsem1, gsem2)
    gsembs = (gsem0b, gsem1b, gsem2b)
    ssems = (ssem0, ssem1, ssem2)
    tsems = (tsem0, tsem1, tsem2)

    @pl.loop(0, CHUNK)
    def _zero_rows(i):
        zero16 = jnp.zeros((16,), jnp.float32)
        for h in range(DH // 16):
            rows0[i, pl.ds(h * 16, 16)] = zero16

    for b in range(ROWS_PER_TILE // CHUNK):
        pltpu.sync_copy(rows0, acc.at[pl.ds((s * 5 + b) * CHUNK, CHUNK)])
    plsc.subcore_barrier()

    pltpu.sync_copy(src_hbm.at[c, s], src_v)
    pltpu.sync_copy(tgt_hbm.at[s], tgt_v)
    pltpu.sync_copy(s_hbm, s_v)
    pltpu.sync_copy(r_hbm, r_v)

    coff = c * N_PAD

    def _scale(j, rows_x, X):
        @plsc.parallel_loop(0, CHUNK // 16, unroll=4)
        def _grp(k):
            sl = pl.ds(k * 16, 16)
            idx16 = src_v[j, sl] - coff
            typ16 = typb[X, sl]
            sv = plsc.load_gather(s_v, [idx16])
            rv = plsc.load_gather(r_v, [typ16])
            a16 = 1.0 / (1.0 + jnp.exp(-(sv + rv)))
            base = k * 16
            for l in range(16):
                a = lax.broadcast_in_dim(a16[l], (16,), ())
                for h in range(DH // 16):
                    fsl = pl.ds(h * 16, 16)
                    rows_x[base + l, fsl] = rows_x[base + l, fsl] * a

    HB = CHUNK // 2

    def _gth(j, X):
        pltpu.async_copy(xt_hbm.at[src_v.at[j, pl.ds(0, HB)]],
                         bufs[X].at[pl.ds(0, HB)], gsems[X])
        pltpu.async_copy(xt_hbm.at[src_v.at[j, pl.ds(HB, HB)]],
                         bufs[X].at[pl.ds(HB, HB)], gsembs[X])

    def _gth_wait(j, X):
        pltpu.make_async_copy(xt_hbm.at[src_v.at[j, pl.ds(0, HB)]],
                              bufs[X].at[pl.ds(0, HB)], gsems[X]).wait()
        pltpu.make_async_copy(xt_hbm.at[src_v.at[j, pl.ds(HB, HB)]],
                              bufs[X].at[pl.ds(HB, HB)], gsembs[X]).wait()

    _gth(0, 0)
    _gth(1, 1)
    pltpu.async_copy(typ_hbm.at[s, 0], typb.at[0], tsem0)
    pltpu.async_copy(typ_hbm.at[s, 1], typb.at[1], tsem1)

    @pl.loop(0, CHUNKS_PER_W, step=3)
    def _t(t):
        for i in range(3):
            j = t + i
            X = i
            Z = (i + 2) % 3
            _gth_wait(j, X)
            pltpu.make_async_copy(
                typ_hbm.at[s, j], typb.at[X], tsems[X]).wait()
            _scale(j, bufs[X], X)
            if i == 0:
                @pl.when(t >= 1)
                def _():
                    pltpu.make_async_copy(
                        bufs[Z], acc.at[tgt_v.at[j - 1]], ssems[Z]).wait()
                _gth(j + 2, Z)
                pltpu.async_copy(typ_hbm.at[s, j + 2], typb.at[Z], tsems[Z])
            else:
                pltpu.make_async_copy(
                    bufs[Z], acc.at[tgt_v.at[j - 1]], ssems[Z]).wait()

                @pl.when(j + 2 < CHUNKS_PER_W)
                def _():
                    _gth(j + 2, Z)
                    pltpu.async_copy(
                        typ_hbm.at[s, j + 2], typb.at[Z], tsems[Z])
            pltpu.async_copy(bufs[X], acc.at[tgt_v.at[j]], ssems[X], add=True)

    pltpu.make_async_copy(
        bufs[2], acc.at[tgt_v.at[CHUNKS_PER_W - 1]], ssems[2]).wait()

    plsc.subcore_barrier()
    for b in range(5):
        rbase = s * 625 + b * 125
        pltpu.sync_copy(acc.at[pl.ds(rbase, 125)], rows0.at[pl.ds(0, 125)])

        @pl.loop(0, 125)
        def _relu(i):
            for h in range(DH // 16):
                fsl = pl.ds(h * 16, 16)
                rows0[i, fsl] = jnp.maximum(rows0[i, fsl], 0.0)

        pltpu.sync_copy(rows0.at[pl.ds(0, 125)],
                        out_hbm.at[pl.ds(rbase, 125), pl.ds(c * DH, DH)])


@jax.jit
def _run(x, edge_index, edge_type, rel_emb, W_lin, W_attn):
    src = edge_index[0].astype(jnp.int32)
    tgt = edge_index[1].astype(jnp.int32)
    typ = edge_type.astype(jnp.int32)

    pad = E_PAD - N_EDGES
    src = jnp.concatenate([src, jnp.full((pad,), N_NODES, jnp.int32)])
    tgt = jnp.concatenate([tgt, jnp.zeros((pad,), jnp.int32)])
    typ = jnp.concatenate([typ, jnp.zeros((pad,), jnp.int32)])
    src = src.reshape(NS, CHUNKS_PER_W, CHUNK)
    tgt = tgt.reshape(NS, CHUNKS_PER_W, CHUNK)
    typ = typ.reshape(NS, CHUNKS_PER_W, CHUNK)
    src_off = src[None] + (jnp.arange(NC, dtype=jnp.int32) * N_PAD)[
        :, None, None, None]

    rel_pad = jnp.concatenate(
        [rel_emb, jnp.zeros((64 - N_REL, D), jnp.float32)], axis=0)

    xt_split, s_pad, r_pad = pl.pallas_call(
        _tc_prep,
        out_shape=[
            jax.ShapeDtypeStruct((NC * N_PAD, DH), jnp.float32),
            jax.ShapeDtypeStruct((N_PAD, 1), jnp.float32),
            jax.ShapeDtypeStruct((64, 1), jnp.float32),
        ],
    )(x, W_lin, W_attn, rel_pad)

    s1 = s_pad.reshape(N_PAD)
    r1 = r_pad.reshape(64)

    mesh = plsc.VectorSubcoreMesh(
        core_axis_name="c", subcore_axis_name="s",
        num_cores=NC, num_subcores=NS)
    sc_call = pl.kernel(
        _sc_edges,
        out_type=jax.ShapeDtypeStruct((N_NODES, D), jnp.float32),
        mesh=mesh,
        compiler_params=pltpu.CompilerParams(
            needs_layout_passes=False, use_tc_tiling_on_sc=False),
        scratch_types=[
            pltpu.VMEM((CHUNKS_PER_W, CHUNK), jnp.int32),
            pltpu.VMEM((CHUNKS_PER_W, CHUNK), jnp.int32),
            pltpu.VMEM((N_PAD,), jnp.float32),
            pltpu.VMEM((64,), jnp.float32),
            pltpu.VMEM((3, CHUNK), jnp.int32),
            pltpu.VMEM((CHUNK, DH), jnp.float32),
            pltpu.VMEM((CHUNK, DH), jnp.float32),
            pltpu.VMEM((CHUNK, DH), jnp.float32),
            pltpu.VMEM_SHARED((ACC_ROWS, DH), jnp.float32),
            pltpu.SemaphoreType.DMA,
            pltpu.SemaphoreType.DMA,
            pltpu.SemaphoreType.DMA,
            pltpu.SemaphoreType.DMA,
            pltpu.SemaphoreType.DMA,
            pltpu.SemaphoreType.DMA,
            pltpu.SemaphoreType.DMA,
            pltpu.SemaphoreType.DMA,
            pltpu.SemaphoreType.DMA,
            pltpu.SemaphoreType.DMA,
            pltpu.SemaphoreType.DMA,
            pltpu.SemaphoreType.DMA,
        ],
    )
    out = sc_call(xt_split, s1, r1, src_off, tgt, typ)
    return out


def kernel(x, edge_index, edge_type, rel_emb, W_lin, W_attn):
    return _run(x, edge_index, edge_type, rel_emb, W_lin, W_attn)

# --- scband reference (transcript-rebuilt; emitter-appended) ---
"""Pipeline reference for scband-relation-gcnlayer-2662879724148 (READ-ONLY COPY).

The authoritative reference and input builder live on the scoring server;
editing this copy changes nothing except your own understanding.
"""

import jax, jax.numpy as jnp
import numpy as np


def setup_inputs(seed: int = 0) -> dict:
    key = jax.random.key(seed)
    k1, k2, k3, k4, k5, k6 = jax.random.split(key, 6)
    n_nodes = 10000
    n_edges = 320000
    d = 128
    n_rel = 50
    x = jax.random.normal(k1, (n_nodes, d), dtype=jnp.float32)
    edge_index = jax.random.randint(k2, (2, n_edges), 0, n_nodes, dtype=jnp.int64)
    edge_type = jax.random.randint(k3, (n_edges,), 0, n_rel, dtype=jnp.int64)
    rel_emb = jax.random.normal(k4, (n_rel, d), dtype=jnp.float32)
    # parameters: nn.Linear(input_dim, output_dim, bias=False) -> weight [out, in]
    bound_lin = 1.0 / np.sqrt(d)
    W_lin = jax.random.uniform(k5, (d, d), minval=-bound_lin, maxval=bound_lin, dtype=jnp.float32)
    # attn_kernel: nn.Linear(input_dim, 1, bias=False), xavier_uniform init
    gain = 1.0
    bound_attn = gain * np.sqrt(6.0 / (d + 1))
    W_attn = jax.random.uniform(k6, (1, d), minval=-bound_attn, maxval=bound_attn, dtype=jnp.float32)
    return {"x": x, "edge_index": edge_index, "edge_type": edge_type, "rel_emb": rel_emb, "W_lin": W_lin, "W_attn": W_attn}


def reference(x, edge_index, edge_type, rel_emb, W_lin, W_attn):
    x_trans = x @ W_lin.T
    src_idx = edge_index[0]
    tgt_idx = edge_index[1]
    h_src = jnp.take(x, src_idx, axis=0)
    h_rel = jnp.take(rel_emb, edge_type, axis=0)
    sum_feat = h_src + h_rel
    attn_weights = jax.nn.sigmoid(sum_feat @ W_attn.T)  # [E, 1]
    msg = jnp.take(x_trans, src_idx, axis=0) * attn_weights
    out = jnp.zeros((x.shape[0], x_trans.shape[1]), dtype=x_trans.dtype).at[tgt_idx].add(msg)
    out = jax.nn.relu(out)
    return out

if __name__ == "__main__":
    import jax
    _d = setup_inputs()
    print(jax.jit(kernel)(*tuple(_d.values())))

</pallas_src>

<mosaic_0001>
#map = affine_map<(d0, d1) -> (0, 0)>
#map1 = affine_map<(d0, d1) -> (0)>
#map2 = affine_map<(d0, d1) -> (0, 0, 0, 0)>
#map3 = affine_map<(d0, d1) -> (0, 0, 0)>
module attributes {stable_mosaic.version = 14 : i64} {
  func.func @_sc_edges(%arg0: i32, %arg1: i32, %arg2: memref<20032x64xf32, #tpu.memory_space<hbm>>, %arg3: memref<10016xf32, #tpu.memory_space<hbm>>, %arg4: memref<64xf32, #tpu.memory_space<hbm>>, %arg5: memref<2x16x159x128xi32, #tpu.memory_space<hbm>>, %arg6: memref<16x159x128xi32, #tpu.memory_space<hbm>>, %arg7: memref<16x159x128xi32, #tpu.memory_space<hbm>>, %arg8: memref<10000x128xf32, #tpu.memory_space<hbm>>, %arg9: memref<159x128xi32, #tpu.memory_space<vmem>>, %arg10: memref<159x128xi32, #tpu.memory_space<vmem>>, %arg11: memref<10016xf32, #tpu.memory_space<vmem>>, %arg12: memref<64xf32, #tpu.memory_space<vmem>>, %arg13: memref<3x128xi32, #tpu.memory_space<vmem>>, %arg14: memref<128x64xf32, #tpu.memory_space<vmem>>, %arg15: memref<128x64xf32, #tpu.memory_space<vmem>>, %arg16: memref<128x64xf32, #tpu.memory_space<vmem>>, %arg17: memref<10240x64xf32, #tpu.memory_space<vmem_shared>>, %arg18: memref<!tpu.dma_semaphore, #tpu.memory_space<semaphore_mem>>, %arg19: memref<!tpu.dma_semaphore, #tpu.memory_space<semaphore_mem>>, %arg20: memref<!tpu.dma_semaphore, #tpu.memory_space<semaphore_mem>>, %arg21: memref<!tpu.dma_semaphore, #tpu.memory_space<semaphore_mem>>, %arg22: memref<!tpu.dma_semaphore, #tpu.memory_space<semaphore_mem>>, %arg23: memref<!tpu.dma_semaphore, #tpu.memory_space<semaphore_mem>>, %arg24: memref<!tpu.dma_semaphore, #tpu.memory_space<semaphore_mem>>, %arg25: memref<!tpu.dma_semaphore, #tpu.memory_space<semaphore_mem>>, %arg26: memref<!tpu.dma_semaphore, #tpu.memory_space<semaphore_mem>>, %arg27: memref<!tpu.dma_semaphore, #tpu.memory_space<semaphore_mem>>, %arg28: memref<!tpu.dma_semaphore, #tpu.memory_space<semaphore_mem>>, %arg29: memref<!tpu.dma_semaphore, #tpu.memory_space<semaphore_mem>>) attributes {dimension_semantics = [#tpu.dimension_semantics<core_parallel>, #tpu.dimension_semantics<subcore_parallel>], iteration_bounds = array<i64: 2, 16>, scalar_prefetch = 0 : i64, scratch_operands = 21 : i64, tpu.core_type = #tpu.core_type<sc_vector_subcore>, window_params = [{transform_indices = #map}, {transform_indices = #map1}, {transform_indices = #map1}, {transform_indices = #map2}, {transform_indices = #map3}, {transform_indices = #map3}, {transform_indices = #map}]} {
    %scan3A = arith.constant 0 : i32
    %scan3A_0 = arith.constant 128 : i32
    %scan3A_1 = arith.addi %scan3A, %scan3A_0 : i32
    %scan3A_2 = arith.constant 1 : i32
    scf.for %scan3A_168 = %scan3A to %scan3A_1 step %scan3A_2  : i32 {
      %mul3A_169 = arith.constant 1 : i32
      %mul3A_170 = arith.muli %scan3A_168, %mul3A_169 : i32
      %add3A_171 = arith.constant 0 : i32
      %add3A_172 = arith.addi %add3A_171, %mul3A_170 : i32
      %broadcast_in_dim3A = arith.constant 0.000000e+00 : f32
      %broadcast_in_dim3A_173 = vector.broadcast %broadcast_in_dim3A : f32 to vector<16xf32>
      %swap3A = arith.index_cast %add3A_172 : i32 to index
      %swap3A_174 = arith.constant 0 : index
      %swap3A_175 = tpu.vector_load %arg14[%swap3A, %swap3A_174] {strides = array<i32>} : memref<128x64xf32, #tpu.memory_space<vmem>>, vector<16xf32>,
      tpu.vector_store %arg14[%swap3A, %swap3A_174], %broadcast_in_dim3A_173 {strides = array<i32>} : memref<128x64xf32, #tpu.memory_space<vmem>>, vector<16xf32>,
      %swap3A_176 = arith.index_cast %add3A_172 : i32 to index
      %swap3A_177 = arith.constant 16 : index
      %swap3A_178 = tpu.vector_load %arg14[%swap3A_176, %swap3A_177] {strides = array<i32>} : memref<128x64xf32, #tpu.memory_space<vmem>>, vector<16xf32>,
      tpu.vector_store %arg14[%swap3A_176, %swap3A_177], %broadcast_in_dim3A_173 {strides = array<i32>} : memref<128x64xf32, #tpu.memory_space<vmem>>, vector<16xf32>,
      %swap3A_179 = arith.index_cast %add3A_172 : i32 to index
      %swap3A_180 = arith.constant 32 : index
      %swap3A_181 = tpu.vector_load %arg14[%swap3A_179, %swap3A_180] {strides = array<i32>} : memref<128x64xf32, #tpu.memory_space<vmem>>, vector<16xf32>,
      tpu.vector_store %arg14[%swap3A_179, %swap3A_180], %broadcast_in_dim3A_173 {strides = array<i32>} : memref<128x64xf32, #tpu.memory_space<vmem>>, vector<16xf32>,
      %swap3A_182 = arith.index_cast %add3A_172 : i32 to index
      %swap3A_183 = arith.constant 48 : index
      %swap3A_184 = tpu.vector_load %arg14[%swap3A_182, %swap3A_183] {strides = array<i32>} : memref<128x64xf32, #tpu.memory_space<vmem>>, vector<16xf32>,
      tpu.vector_store %arg14[%swap3A_182, %swap3A_183], %broadcast_in_dim3A_173 {strides = array<i32>} : memref<128x64xf32, #tpu.memory_space<vmem>>, vector<16xf32>,
    }
    %scan3A_3 = arith.constant 128 : i32
    %mul3A = arith.constant 5 : i32
    %mul3A_4 = arith.muli %arg1, %mul3A : i32
    %add3A = arith.constant 0 : i32
    %add3A_5 = arith.addi %mul3A_4, %add3A : i32
    %mul3A_6 = arith.constant 128 : i32
    %mul3A_7 = arith.muli %add3A_5, %mul3A_6 : i32
    "tpu.region"() ({
      %run_scoped3A = tpu.sem_alloc : memref<!tpu.dma_semaphore, #tpu.memory_space<semaphore_mem>>
      %dma_start3A_168 = arith.constant 0 : i32
      %dma_start3A_169 = tpu.memref_slice %arg17[%mul3A_7, %dma_start3A_168] : memref<10240x64xf32, #tpu.memory_space<vmem_shared>> -> memref<128x64xf32, #tpu.memory_space<vmem_shared>>
      %dma_start3A_170 = arith.constant 0 : i32
      %dma_start3A_171 = tpu.memref_slice %arg17[%mul3A_7, %dma_start3A_170] : memref<10240x64xf32, #tpu.memory_space<vmem_shared>> -> memref<128x64xf32, #tpu.memory_space<vmem_shared>>
      tpu.enqueue_dma source(%arg14 : memref<128x64xf32, #tpu.memory_space<vmem>>) target(%dma_start3A_171 : memref<128x64xf32, #tpu.memory_space<vmem_shared>>) target_semaphore(%run_scoped3A : memref<!tpu.dma_semaphore, #tpu.memory_space<semaphore_mem>>)
      %dma_wait3A_172 = arith.constant 0 : i32
      %dma_wait3A_173 = tpu.memref_slice %arg17[%mul3A_7, %dma_wait3A_172] : memref<10240x64xf32, #tpu.memory_space<vmem_shared>> -> memref<128x64xf32, #tpu.memory_space<vmem_shared>>
      %dma_wait3A_174 = arith.constant 0 : i32
      %dma_wait3A_175 = tpu.memref_slice %arg17[%mul3A_7, %dma_wait3A_174] : memref<10240x64xf32, #tpu.memory_space<vmem_shared>> -> memref<128x64xf32, #tpu.memory_space<vmem_shared>>
      tpu.wait_dma2 semaphore(%run_scoped3A : memref<!tpu.dma_semaphore, #tpu.memory_space<semaphore_mem>>) src(%arg14 : memref<128x64xf32, #tpu.memory_space<vmem>>) dst(%dma_wait3A_175 : memref<128x64xf32, #tpu.memory_space<vmem_shared>>)
      tpu.yield
    }) : () -> ()
    %mul3A_8 = arith.constant 5 : i32
    %mul3A_9 = arith.muli %arg1, %mul3A_8 : i32
    %add3A_10 = arith.constant 1 : i32
    %add3A_11 = arith.addi %mul3A_9, %add3A_10 : i32
    %mul3A_12 = arith.constant 128 : i32
    %mul3A_13 = arith.muli %add3A_11, %mul3A_12 : i32
    "tpu.region"() ({
      %run_scoped3A = tpu.sem_alloc : memref<!tpu.dma_semaphore, #tpu.memory_space<semaphore_mem>>
      %dma_start3A_168 = arith.constant 0 : i32
      %dma_start3A_169 = tpu.memref_slice %arg17[%mul3A_13, %dma_start3A_168] : memref<10240x64xf32, #tpu.memory_space<vmem_shared>> -> memref<128x64xf32, #tpu.memory_space<vmem_shared>>
      %dma_start3A_170 = arith.constant 0 : i32
      %dma_start3A_171 = tpu.memref_slice %arg17[%mul3A_13, %dma_start3A_170] : memref<10240x64xf32, #tpu.memory_space<vmem_shared>> -> memref<128x64xf32, #tpu.memory_space<vmem_shared>>
      tpu.enqueue_dma source(%arg14 : memref<128x64xf32, #tpu.memory_space<vmem>>) target(%dma_start3A_171 : memref<128x64xf32, #tpu.memory_space<vmem_shared>>) target_semaphore(%run_scoped3A : memref<!tpu.dma_semaphore, #tpu.memory_space<semaphore_mem>>)
      %dma_wait3A_172 = arith.constant 0 : i32
      %dma_wait3A_173 = tpu.memref_slice %arg17[%mul3A_13, %dma_wait3A_172] : memref<10240x64xf32, #tpu.memory_space<vmem_shared>> -> memref<128x64xf32, #tpu.memory_space<vmem_shared>>
      %dma_wait3A_174 = arith.constant 0 : i32
      %dma_wait3A_175 = tpu.memref_slice %arg17[%mul3A_13, %dma_wait3A_174] : memref<10240x64xf32, #tpu.memory_space<vmem_shared>> -> memref<128x64xf32, #tpu.memory_space<vmem_shared>>
      tpu.wait_dma2 semaphore(%run_scoped3A : memref<!tpu.dma_semaphore, #tpu.memory_space<semaphore_mem>>) src(%arg14 : memref<128x64xf32, #tpu.memory_space<vmem>>) dst(%dma_wait3A_175 : memref<128x64xf32, #tpu.memory_space<vmem_shared>>)
      tpu.yield
    }) : () -> ()
    %mul3A_14 = arith.constant 5 : i32
    %mul3A_15 = arith.muli %arg1, %mul3A_14 : i32
    %add3A_16 = arith.constant 2 : i32
    %add3A_17 = arith.addi %mul3A_15, %add3A_16 : i32
    %mul3A_18 = arith.constant 128 : i32
    %mul3A_19 = arith.muli %add3A_17, %mul3A_18 : i32
    "tpu.region"() ({
      %run_scoped3A = tpu.sem_alloc : memref<!tpu.dma_semaphore, #tpu.memory_space<semaphore_mem>>
      %dma_start3A_168 = arith.constant 0 : i32
      %dma_start3A_169 = tpu.memref_slice %arg17[%mul3A_19, %dma_start3A_168] : memref<10240x64xf32, #tpu.memory_space<vmem_shared>> -> memref<128x64xf32, #tpu.memory_space<vmem_shared>>
      %dma_start3A_170 = arith.constant 0 : i32
      %dma_start3A_171 = tpu.memref_slice %arg17[%mul3A_19, %dma_start3A_170] : memref<10240x64xf32, #tpu.memory_space<vmem_shared>> -> memref<128x64xf32, #tpu.memory_space<vmem_shared>>
      tpu.enqueue_dma source(%arg14 : memref<128x64xf32, #tpu.memory_space<vmem>>) target(%dma_start3A_171 : memref<128x64xf32, #tpu.memory_space<vmem_shared>>) target_semaphore(%run_scoped3A : memref<!tpu.dma_semaphore, #tpu.memory_space<semaphore_mem>>)
      %dma_wait3A_172 = arith.constant 0 : i32
      %dma_wait3A_173 = tpu.memref_slice %arg17[%mul3A_19, %dma_wait3A_172] : memref<10240x64xf32, #tpu.memory_space<vmem_shared>> -> memref<128x64xf32, #tpu.memory_space<vmem_shared>>
      %dma_wait3A_174 = arith.constant 0 : i32
      %dma_wait3A_175 = tpu.memref_slice %arg17[%mul3A_19, %dma_wait3A_174] : memref<10240x64xf32, #tpu.memory_space<vmem_shared>> -> memref<128x64xf32, #tpu.memory_space<vmem_shared>>
      tpu.wait_dma2 semaphore(%run_scoped3A : memref<!tpu.dma_semaphore, #tpu.memory_space<semaphore_mem>>) src(%arg14 : memref<128x64xf32, #tpu.memory_space<vmem>>) dst(%dma_wait3A_175 : memref<128x64xf32, #tpu.memory_space<vmem_shared>>)
      tpu.yield
    }) : () -> ()
    %mul3A_20 = arith.constant 5 : i32
    %mul3A_21 = arith.muli %arg1, %mul3A_20 : i32
    %add3A_22 = arith.constant 3 : i32
    %add3A_23 = arith.addi %mul3A_21, %add3A_22 : i32
    %mul3A_24 = arith.constant 128 : i32
    %mul3A_25 = arith.muli %add3A_23, %mul3A_24 : i32
    "tpu.region"() ({
      %run_scoped3A = tpu.sem_alloc : memref<!tpu.dma_semaphore, #tpu.memory_space<semaphore_mem>>
      %dma_start3A_168 = arith.constant 0 : i32
      %dma_start3A_169 = tpu.memref_slice %arg17[%mul3A_25, %dma_start3A_168] : memref<10240x64xf32, #tpu.memory_space<vmem_shared>> -> memref<128x64xf32, #tpu.memory_space<vmem_shared>>
      %dma_start3A_170 = arith.constant 0 : i32
      %dma_start3A_171 = tpu.memref_slice %arg17[%mul3A_25, %dma_start3A_170] : memref<10240x64xf32, #tpu.memory_space<vmem_shared>> -> memref<128x64xf32, #tpu.memory_space<vmem_shared>>
      tpu.enqueue_dma source(%arg14 : memref<128x64xf32, #tpu.memory_space<vmem>>) target(%dma_start3A_171 : memref<128x64xf32, #tpu.memory_space<vmem_shared>>) target_semaphore(%run_scoped3A : memref<!tpu.dma_semaphore, #tpu.memory_space<semaphore_mem>>)
      %dma_wait3A_172 = arith.constant 0 : i32
      %dma_wait3A_173 = tpu.memref_slice %arg17[%mul3A_25, %dma_wait3A_172] : memref<10240x64xf32, #tpu.memory_space<vmem_shared>> -> memref<128x64xf32, #tpu.memory_space<vmem_shared>>
      %dma_wait3A_174 = arith.constant 0 : i32
      %dma_wait3A_175 = tpu.memref_slice %arg17[%mul3A_25, %dma_wait3A_174] : memref<10240x64xf32, #tpu.memory_space<vmem_shared>> -> memref<128x64xf32, #tpu.memory_space<vmem_shared>>
      tpu.wait_dma2 semaphore(%run_scoped3A : memref<!tpu.dma_semaphore, #tpu.memory_space<semaphore_mem>>) src(%arg14 : memref<128x64xf32, #tpu.memory_space<vmem>>) dst(%dma_wait3A_175 : memref<128x64xf32, #tpu.memory_space<vmem_shared>>)
      tpu.yield
    }) : () -> ()
    %mul3A_26 = arith.constant 5 : i32
    %mul3A_27 = arith.muli %arg1, %mul3A_26 : i32
    %add3A_28 = arith.constant 4 : i32
    %add3A_29 = arith.addi %mul3A_27, %add3A_28 : i32
    %mul3A_30 = arith.constant 128 : i32
    %mul3A_31 = arith.muli %add3A_29, %mul3A_30 : i32
    "tpu.region"() ({
      %run_scoped3A = tpu.sem_alloc : memref<!tpu.dma_semaphore, #tpu.memory_space<semaphore_mem>>
      %dma_start3A_168 = arith.constant 0 : i32
      %dma_start3A_169 = tpu.memref_slice %arg17[%mul3A_31, %dma_start3A_168] : memref<10240x64xf32, #tpu.memory_space<vmem_shared>> -> memref<128x64xf32, #tpu.memory_space<vmem_shared>>
      %dma_start3A_170 = arith.constant 0 : i32
      %dma_start3A_171 = tpu.memref_slice %arg17[%mul3A_31, %dma_start3A_170] : memref<10240x64xf32, #tpu.memory_space<vmem_shared>> -> memref<128x64xf32, #tpu.memory_space<vmem_shared>>
      tpu.enqueue_dma source(%arg14 : memref<128x64xf32, #tpu.memory_space<vmem>>) target(%dma_start3A_171 : memref<128x64xf32, #tpu.memory_space<vmem_shared>>) target_semaphore(%run_scoped3A : memref<!tpu.dma_semaphore, #tpu.memory_space<semaphore_mem>>)
      %dma_wait3A_172 = arith.constant 0 : i32
      %dma_wait3A_173 = tpu.memref_slice %arg17[%mul3A_31, %dma_wait3A_172] : memref<10240x64xf32, #tpu.memory_space<vmem_shared>> -> memref<128x64xf32, #tpu.memory_space<vmem_shared>>
      %dma_wait3A_174 = arith.constant 0 : i32
      %dma_wait3A_175 = tpu.memref_slice %arg17[%mul3A_31, %dma_wait3A_174] : memref<10240x64xf32, #tpu.memory_space<vmem_shared>> -> memref<128x64xf32, #tpu.memory_space<vmem_shared>>
      tpu.wait_dma2 semaphore(%run_scoped3A : memref<!tpu.dma_semaphore, #tpu.memory_space<semaphore_mem>>) src(%arg14 : memref<128x64xf32, #tpu.memory_space<vmem>>) dst(%dma_wait3A_175 : memref<128x64xf32, #tpu.memory_space<vmem_shared>>)
      tpu.yield
    }) : () -> ()
    %barrier3A = arith.constant 0 : index
    tpu.barrier barrier_id(%barrier3A)
    "tpu.region"() ({
      %run_scoped3A = tpu.sem_alloc : memref<!tpu.dma_semaphore, #tpu.memory_space<semaphore_mem>>
      %dma_start3A_168 = arith.constant 0 : i32
      %dma_start3A_169 = arith.constant 0 : i32
      %dma_start3A_170 = tpu.memref_slice %arg5[%arg0, %arg1, %dma_start3A_168, %dma_start3A_169] : memref<2x16x159x128xi32, #tpu.memory_space<hbm>> -> memref<1x1x159x128xi32, #tpu.memory_space<hbm>>
      %dma_start3A_171 = tpu.memref_squeeze %dma_start3A_170 : memref<1x1x159x128xi32, #tpu.memory_space<hbm>> -> memref<159x128xi32, #tpu.memory_space<hbm>>
      %dma_start3A_172 = arith.constant 0 : i32
      %dma_start3A_173 = arith.constant 0 : i32
      %dma_start3A_174 = tpu.memref_slice %arg5[%arg0, %arg1, %dma_start3A_172, %dma_start3A_173] : memref<2x16x159x128xi32, #tpu.memory_space<hbm>> -> memref<1x1x159x128xi32, #tpu.memory_space<hbm>>
      %dma_start3A_175 = tpu.memref_squeeze %dma_start3A_174 : memref<1x1x159x128xi32, #tpu.memory_space<hbm>> -> memref<159x128xi32, #tpu.memory_space<hbm>>
      tpu.enqueue_dma source(%dma_start3A_175 : memref<159x128xi32, #tpu.memory_space<hbm>>) target(%arg9 : memref<159x128xi32, #tpu.memory_space<vmem>>) target_semaphore(%run_scoped3A : memref<!tpu.dma_semaphore, #tpu.memory_space<semaphore_mem>>)
      %dma_wait3A_176 = arith.constant 0 : i32
      %dma_wait3A_177 = arith.constant 0 : i32
      %dma_wait3A_178 = tpu.memref_slice %arg5[%arg0, %arg1, %dma_wait3A_176, %dma_wait3A_177] : memref<2x16x159x128xi32, #tpu.memory_space<hbm>> -> memref<1x1x159x128xi32, #tpu.memory_space<hbm>>
      %dma_wait3A_179 = tpu.memref_squeeze %dma_wait3A_178 : memref<1x1x159x128xi32, #tpu.memory_space<hbm>> -> memref<159x128xi32, #tpu.memory_space<hbm>>
      %dma_wait3A_180 = arith.constant 0 : i32
      %dma_wait3A_181 = arith.constant 0 : i32
      %dma_wait3A_182 = tpu.memref_slice %arg5[%arg0, %arg1, %dma_wait3A_180, %dma_wait3A_181] : memref<2x16x159x128xi32, #tpu.memory_space<hbm>> -> memref<1x1x159x128xi32, #tpu.memory_space<hbm>>
      %dma_wait3A_183 = tpu.memref_squeeze %dma_wait3A_182 : memref<1x1x159x128xi32, #tpu.memory_space<hbm>> -> memref<159x128xi32, #tpu.memory_space<hbm>>
      tpu.wait_dma2 semaphore(%run_scoped3A : memref<!tpu.dma_semaphore, #tpu.memory_space<semaphore_mem>>) src(%dma_wait3A_183 : memref<159x128xi32, #tpu.memory_space<hbm>>) dst(%arg9 : memref<159x128xi32, #tpu.memory_space<vmem>>)
      tpu.yield
    }) : () -> ()
    "tpu.region"() ({
      %run_scoped3A = tpu.sem_alloc : memref<!tpu.dma_semaphore, #tpu.memory_space<semaphore_mem>>
      %dma_start3A_168 = arith.constant 0 : i32
      %dma_start3A_169 = arith.constant 0 : i32
      %dma_start3A_170 = tpu.memref_slice %arg6[%arg1, %dma_start3A_168, %dma_start3A_169] : memref<16x159x128xi32, #tpu.memory_space<hbm>> -> memref<1x159x128xi32, #tpu.memory_space<hbm>>
      %dma_start3A_171 = tpu.memref_squeeze %dma_start3A_170 : memref<1x159x128xi32, #tpu.memory_space<hbm>> -> memref<159x128xi32, #tpu.memory_space<hbm>>
      %dma_start3A_172 = arith.constant 0 : i32
      %dma_start3A_173 = arith.constant 0 : i32
      %dma_start3A_174 = tpu.memref_slice %arg6[%arg1, %dma_start3A_172, %dma_start3A_173] : memref<16x159x128xi32, #tpu.memory_space<hbm>> -> memref<1x159x128xi32, #tpu.memory_space<hbm>>
      %dma_start3A_175 = tpu.memref_squeeze %dma_start3A_174 : memref<1x159x128xi32, #tpu.memory_space<hbm>> -> memref<159x128xi32, #tpu.memory_space<hbm>>
      tpu.enqueue_dma source(%dma_start3A_175 : memref<159x128xi32, #tpu.memory_space<hbm>>) target(%arg10 : memref<159x128xi32, #tpu.memory_space<vmem>>) target_semaphore(%run_scoped3A : memref<!tpu.dma_semaphore, #tpu.memory_space<semaphore_mem>>)
      %dma_wait3A_176 = arith.constant 0 : i32
      %dma_wait3A_177 = arith.constant 0 : i32
      %dma_wait3A_178 = tpu.memref_slice %arg6[%arg1, %dma_wait3A_176, %dma_wait3A_177] : memref<16x159x128xi32, #tpu.memory_space<hbm>> -> memref<1x159x128xi32, #tpu.memory_space<hbm>>
      %dma_wait3A_179 = tpu.memref_squeeze %dma_wait3A_178 : memref<1x159x128xi32, #tpu.memory_space<hbm>> -> memref<159x128xi32, #tpu.memory_space<hbm>>
      %dma_wait3A_180 = arith.constant 0 : i32
      %dma_wait3A_181 = arith.constant 0 : i32
      %dma_wait3A_182 = tpu.memref_slice %arg6[%arg1, %dma_wait3A_180, %dma_wait3A_181] : memref<16x159x128xi32, #tpu.memory_space<hbm>> -> memref<1x159x128xi32, #tpu.memory_space<hbm>>
      %dma_wait3A_183 = tpu.memref_squeeze %dma_wait3A_182 : memref<1x159x128xi32, #tpu.memory_space<hbm>> -> memref<159x128xi32, #tpu.memory_space<hbm>>
      tpu.wait_dma2 semaphore(%run_scoped3A : memref<!tpu.dma_semaphore, #tpu.memory_space<semaphore_mem>>) src(%dma_wait3A_183 : memref<159x128xi32, #tpu.memory_space<hbm>>) dst(%arg10 : memref<159x128xi32, #tpu.memory_space<vmem>>)
      tpu.yield
    }) : () -> ()
    "tpu.region"() ({
      %run_scoped3A = tpu.sem_alloc : memref<!tpu.dma_semaphore, #tpu.memory_space<semaphore_mem>>
      tpu.enqueue_dma source(%arg3 : memref<10016xf32, #tpu.memory_space<hbm>>) target(%arg11 : memref<10016xf32, #tpu.memory_space<vmem>>) target_semaphore(%run_scoped3A : memref<!tpu.dma_semaphore, #tpu.memory_space<semaphore_mem>>)
      tpu.wait_dma2 semaphore(%run_scoped3A : memref<!tpu.dma_semaphore, #tpu.memory_space<semaphore_mem>>) src(%arg3 : memref<10016xf32, #tpu.memory_space<hbm>>) dst(%arg11 : memref<10016xf32, #tpu.memory_space<vmem>>)
      tpu.yield
    }) : () -> ()
    "tpu.region"() ({
      %run_scoped3A = tpu.sem_alloc : memref<!tpu.dma_semaphore, #tpu.memory_space<semaphore_mem>>
      tpu.enqueue_dma source(%arg4 : memref<64xf32, #tpu.memory_space<hbm>>) target(%arg12 : memref<64xf32, #tpu.memory_space<vmem>>) target_semaphore(%run_scoped3A : memref<!tpu.dma_semaphore, #tpu.memory_space<semaphore_mem>>)
      tpu.wait_dma2 semaphore(%run_scoped3A : memref<!tpu.dma_semaphore, #tpu.memory_space<semaphore_mem>>) src(%arg4 : memref<64xf32, #tpu.memory_space<hbm>>) dst(%arg12 : memref<64xf32, #tpu.memory_space<vmem>>)
      tpu.yield
    }) : () -> ()
    %mul3A_32 = arith.constant 10016 : i32
    %mul3A_33 = arith.muli %arg0, %mul3A_32 : i32
    %dma_start3A = arith.constant 0 : i32
    %dma_start3A_34 = arith.constant 0 : i32
    %dma_start3A_35 = arith.constant 0 : i32
    %dma_start3A_36 = tpu.memref_slice %arg14[%dma_start3A_34, %dma_start3A_35] : memref<128x64xf32, #tpu.memory_space<vmem>> -> memref<64x64xf32, #tpu.memory_space<vmem>>
    %dma_start3A_37 = arith.constant 0 : i32
    %dma_start3A_38 = tpu.memref_slice %arg9[%dma_start3A, %dma_start3A_37] : memref<159x128xi32, #tpu.memory_space<vmem>> -> memref<1x64xi32, #tpu.memory_space<vmem>>
    %dma_start3A_39 = tpu.memref_squeeze %dma_start3A_38 : memref<1x64xi32, #tpu.memory_space<vmem>> -> memref<64xi32, #tpu.memory_space<vmem>>
    %dma_start3A_40 = arith.constant 0 : i32
    %dma_start3A_41 = arith.constant 0 : i32
    %dma_start3A_42 = tpu.memref_slice %arg2[%dma_start3A_40, %dma_start3A_41] : memref<20032x64xf32, #tpu.memory_space<hbm>> -> memref<20032x64xf32, #tpu.memory_space<hbm>>
    tpu.enqueue_indirect_dma source(%dma_start3A_42 : memref<20032x64xf32, #tpu.memory_space<hbm>>) target(%dma_start3A_36 : memref<64x64xf32, #tpu.memory_space<vmem>>) offsets(%dma_start3A_39 : memref<64xi32, #tpu.memory_space<vmem>>) semaphore(%arg18 : memref<!tpu.dma_semaphore, #tpu.memory_space<semaphore_mem>>)
    %dma_start3A_43 = arith.constant 0 : i32
    %dma_start3A_44 = arith.constant 64 : i32
    %dma_start3A_45 = arith.constant 0 : i32
    %dma_start3A_46 = tpu.memref_slice %arg14[%dma_start3A_44, %dma_start3A_45] : memref<128x64xf32, #tpu.memory_space<vmem>> -> memref<64x64xf32, #tpu.memory_space<vmem>>
    %dma_start3A_47 = arith.constant 64 : i32
    %dma_start3A_48 = tpu.memref_slice %arg9[%dma_start3A_43, %dma_start3A_47] : memref<159x128xi32, #tpu.memory_space<vmem>> -> memref<1x64xi32, #tpu.memory_space<vmem>>
    %dma_start3A_49 = tpu.memref_squeeze %dma_start3A_48 : memref<1x64xi32, #tpu.memory_space<vmem>> -> memref<64xi32, #tpu.memory_space<vmem>>
    %dma_start3A_50 = arith.constant 0 : i32
    %dma_start3A_51 = arith.constant 0 : i32
    %dma_start3A_52 = tpu.memref_slice %arg2[%dma_start3A_50, %dma_start3A_51] : memref<20032x64xf32, #tpu.memory_space<hbm>> -> memref<20032x64xf32, #tpu.memory_space<hbm>>
    tpu.enqueue_indirect_dma source(%dma_start3A_52 : memref<20032x64xf32, #tpu.memory_space<hbm>>) target(%dma_start3A_46 : memref<64x64xf32, #tpu.memory_space<vmem>>) offsets(%dma_start3A_49 : memref<64xi32, #tpu.memory_space<vmem>>) semaphore(%arg27 : memref<!tpu.dma_semaphore, #tpu.memory_space<semaphore_mem>>)
    %dma_start3A_53 = arith.constant 1 : i32
    %dma_start3A_54 = arith.constant 0 : i32
    %dma_start3A_55 = arith.constant 0 : i32
    %dma_start3A_56 = tpu.memref_slice %arg15[%dma_start3A_54, %dma_start3A_55] : memref<128x64xf32, #tpu.memory_space<vmem>> -> memref<64x64xf32, #tpu.memory_space<vmem>>
    %dma_start3A_57 = arith.constant 0 : i32
    %dma_start3A_58 = tpu.memref_slice %arg9[%dma_start3A_53, %dma_start3A_57] : memref<159x128xi32, #tpu.memory_space<vmem>> -> memref<1x64xi32, #tpu.memory_space<vmem>>
    %dma_start3A_59 = tpu.memref_squeeze %dma_start3A_58 : memref<1x64xi32, #tpu.memory_space<vmem>> -> memref<64xi32, #tpu.memory_space<vmem>>
    %dma_start3A_60 = arith.constant 0 : i32
    %dma_start3A_61 = arith.constant 0 : i32
    %dma_start3A_62 = tpu.memref_slice %arg2[%dma_start3A_60, %dma_start3A_61] : memref<20032x64xf32, #tpu.memory_space<hbm>> -> memref<20032x64xf32, #tpu.memory_space<hbm>>
    tpu.enqueue_indirect_dma source(%dma_start3A_62 : memref<20032x64xf32, #tpu.memory_space<hbm>>) target(%dma_start3A_56 : memref<64x64xf32, #tpu.memory_space<vmem>>) offsets(%dma_start3A_59 : memref<64xi32, #tpu.memory_space<vmem>>) semaphore(%arg19 : memref<!tpu.dma_semaphore, #tpu.memory_space<semaphore_mem>>)
    %dma_start3A_63 = arith.constant 1 : i32
    %dma_start3A_64 = arith.constant 64 : i32
    %dma_start3A_65 = arith.constant 0 : i32
    %dma_start3A_66 = tpu.memref_slice %arg15[%dma_start3A_64, %dma_start3A_65] : memref<128x64xf32, #tpu.memory_space<vmem>> -> memref<64x64xf32, #tpu.memory_space<vmem>>
    %dma_start3A_67 = arith.constant 64 : i32
    %dma_start3A_68 = tpu.memref_slice %arg9[%dma_start3A_63, %dma_start3A_67] : memref<159x128xi32, #tpu.memory_space<vmem>> -> memref<1x64xi32, #tpu.memory_space<vmem>>
    %dma_start3A_69 = tpu.memref_squeeze %dma_start3A_68 : memref<1x64xi32, #tpu.memory_space<vmem>> -> memref<64xi32, #tpu.memory_space<vmem>>
    %dma_start3A_70 = arith.constant 0 : i32
    %dma_start3A_71 = arith.constant 0 : i32
    %dma_start3A_72 = tpu.memref_slice %arg2[%dma_start3A_70, %dma_start3A_71] : memref<20032x64xf32, #tpu.memory_space<hbm>> -> memref<20032x64xf32, #tpu.memory_space<hbm>>
    tpu.enqueue_indirect_dma source(%dma_start3A_72 : memref<20032x64xf32, #tpu.memory_space<hbm>>) target(%dma_start3A_66 : memref<64x64xf32, #tpu.memory_space<vmem>>) offsets(%dma_start3A_69 : memref<64xi32, #tpu.memory_space<vmem>>) semaphore(%arg28 : memref<!tpu.dma_semaphore, #tpu.memory_space<semaphore_mem>>)
    %dma_start3A_73 = arith.constant 0 : i32
    %dma_start3A_74 = arith.constant 0 : i32
    %dma_start3A_75 = arith.constant 0 : i32
    %dma_start3A_76 = tpu.memref_slice %arg13[%dma_start3A_74, %dma_start3A_75] : memref<3x128xi32, #tpu.memory_space<vmem>> -> memref<1x128xi32, #tpu.memory_space<vmem>>
    %dma_start3A_77 = tpu.memref_squeeze %dma_start3A_76 : memref<1x128xi32, #tpu.memory_space<vmem>> -> memref<128xi32, #tpu.memory_space<vmem>>
    %dma_start3A_78 = arith.constant 0 : i32
    %dma_start3A_79 = tpu.memref_slice %arg7[%arg1, %dma_start3A_73, %dma_start3A_78] : memref<16x159x128xi32, #tpu.memory_space<hbm>> -> memref<1x1x128xi32, #tpu.memory_space<hbm>>
    %dma_start3A_80 = tpu.memref_squeeze %dma_start3A_79 : memref<1x1x128xi32, #tpu.memory_space<hbm>> -> memref<128xi32, #tpu.memory_space<hbm>>
    %dma_start3A_81 = arith.constant 0 : i32
    %dma_start3A_82 = tpu.memref_slice %arg13[%dma_start3A_74, %dma_start3A_81] : memref<3x128xi32, #tpu.memory_space<vmem>> -> memref<1x128xi32, #tpu.memory_space<vmem>>
    %dma_start3A_83 = tpu.memref_squeeze %dma_start3A_82 : memref<1x128xi32, #tpu.memory_space<vmem>> -> memref<128xi32, #tpu.memory_space<vmem>>
    %dma_start3A_84 = arith.constant 0 : i32
    %dma_start3A_85 = tpu.memref_slice %arg7[%arg1, %dma_start3A_73, %dma_start3A_84] : memref<16x159x128xi32, #tpu.memory_space<hbm>> -> memref<1x1x128xi32, #tpu.memory_space<hbm>>
    %dma_start3A_86 = tpu.memref_squeeze %dma_start3A_85 : memref<1x1x128xi32, #tpu.memory_space<hbm>> -> memref<128xi32, #tpu.memory_space<hbm>>
    tpu.enqueue_dma source(%dma_start3A_86 : memref<128xi32, #tpu.memory_space<hbm>>) target(%dma_start3A_83 : memref<128xi32, #tpu.memory_space<vmem>>) target_semaphore(%arg24 : memref<!tpu.dma_semaphore, #tpu.memory_space<semaphore_mem>>)
    %dma_start3A_87 = arith.constant 1 : i32
    %dma_start3A_88 = arith.constant 1 : i32
    %dma_start3A_89 = arith.constant 0 : i32
    %dma_start3A_90 = tpu.memref_slice %arg13[%dma_start3A_88, %dma_start3A_89] : memref<3x128xi32, #tpu.memory_space<vmem>> -> memref<1x128xi32, #tpu.memory_space<vmem>>
    %dma_start3A_91 = tpu.memref_squeeze %dma_start3A_90 : memref<1x128xi32, #tpu.memory_space<vmem>> -> memref<128xi32, #tpu.memory_space<vmem>>
    %dma_start3A_92 = arith.constant 0 : i32
    %dma_start3A_93 = tpu.memref_slice %arg7[%arg1, %dma_start3A_87, %dma_start3A_92] : memref<16x159x128xi32, #tpu.memory_space<hbm>> -> memref<1x1x128xi32, #tpu.memory_space<hbm>>
    %dma_start3A_94 = tpu.memref_squeeze %dma_start3A_93 : memref<1x1x128xi32, #tpu.memory_space<hbm>> -> memref<128xi32, #tpu.memory_space<hbm>>
    %dma_start3A_95 = arith.constant 0 : i32
    %dma_start3A_96 = tpu.memref_slice %arg13[%dma_start3A_88, %dma_start3A_95] : memref<3x128xi32, #tpu.memory_space<vmem>> -> memref<1x128xi32, #tpu.memory_space<vmem>>
    %dma_start3A_97 = tpu.memref_squeeze %dma_start3A_96 : memref<1x128xi32, #tpu.memory_space<vmem>> -> memref<128xi32, #tpu.memory_space<vmem>>
    %dma_start3A_98 = arith.constant 0 : i32
    %dma_start3A_99 = tpu.memref_slice %arg7[%arg1, %dma_start3A_87, %dma_start3A_98] : memref<16x159x128xi32, #tpu.memory_space<hbm>> -> memref<1x1x128xi32, #tpu.memory_space<hbm>>
    %dma_start3A_100 = tpu.memref_squeeze %dma_start3A_99 : memref<1x1x128xi32, #tpu.memory_space<hbm>> -> memref<128xi32, #tpu.memory_space<hbm>>
    tpu.enqueue_dma source(%dma_start3A_100 : memref<128xi32, #tpu.memory_space<hbm>>) target(%dma_start3A_97 : memref<128xi32, #tpu.memory_space<vmem>>) target_semaphore(%arg25 : memref<!tpu.dma_semaphore, #tpu.memory_space<semaphore_mem>>)
    %scan3A_101 = arith.constant 0 : i32
    %scan3A_102 = arith.constant 53 : i32
    %scan3A_103 = arith.addi %scan3A_101, %scan3A_102 : i32
    %scan3A_104 = arith.constant 1 : i32
    scf.for %scan3A_168 = %scan3A_101 to %scan3A_103 step %scan3A_104  : i32 {
      %mul3A_169 = arith.constant 3 : i32
      %mul3A_170 = arith.muli %scan3A_168, %mul3A_169 : i32
      %add3A_171 = arith.constant 0 : i32
      %add3A_172 = arith.addi %add3A_171, %mul3A_170 : i32
      %add3A_173 = arith.constant 0 : i32
      %add3A_174 = arith.addi %add3A_172, %add3A_173 : i32
      %dma_wait3A_175 = arith.constant 0 : i32
      %dma_wait3A_176 = arith.constant 0 : i32
      %dma_wait3A_177 = tpu.memref_slice %arg14[%dma_wait3A_175, %dma_wait3A_176] : memref<128x64xf32, #tpu.memory_space<vmem>> -> memref<64x64xf32, #tpu.memory_space<vmem>>
      %dma_wait3A_178 = arith.constant 0 : i32
      %dma_wait3A_179 = tpu.memref_slice %arg9[%add3A_174, %dma_wait3A_178] : memref<159x128xi32, #tpu.memory_space<vmem>> -> memref<1x64xi32, #tpu.memory_space<vmem>>
      %dma_wait3A_180 = tpu.memref_squeeze %dma_wait3A_179 : memref<1x64xi32, #tpu.memory_space<vmem>> -> memref<64xi32, #tpu.memory_space<vmem>>
      %dma_wait3A_181 = arith.constant 0 : i32
      %dma_wait3A_182 = arith.constant 0 : i32
      %dma_wait3A_183 = tpu.memref_slice %arg2[%dma_wait3A_181, %dma_wait3A_182] : memref<20032x64xf32, #tpu.memory_space<hbm>> -> memref<20032x64xf32, #tpu.memory_space<hbm>>
      tpu.wait_indirect_dma semaphore(%arg18 : memref<!tpu.dma_semaphore, #tpu.memory_space<semaphore_mem>>) src(%dma_wait3A_183 : memref<20032x64xf32, #tpu.memory_space<hbm>>) dst(%dma_wait3A_177 : memref<64x64xf32, #tpu.memory_space<vmem>>)
      %dma_wait3A_184 = arith.constant 64 : i32
      %dma_wait3A_185 = arith.constant 0 : i32
      %dma_wait3A_186 = tpu.memref_slice %arg14[%dma_wait3A_184, %dma_wait3A_185] : memref<128x64xf32, #tpu.memory_space<vmem>> -> memref<64x64xf32, #tpu.memory_space<vmem>>
      %dma_wait3A_187 = arith.constant 64 : i32
      %dma_wait3A_188 = tpu.memref_slice %arg9[%add3A_174, %dma_wait3A_187] : memref<159x128xi32, #tpu.memory_space<vmem>> -> memref<1x64xi32, #tpu.memory_space<vmem>>
      %dma_wait3A_189 = tpu.memref_squeeze %dma_wait3A_188 : memref<1x64xi32, #tpu.memory_space<vmem>> -> memref<64xi32, #tpu.memory_space<vmem>>
      %dma_wait3A_190 = arith.constant 0 : i32
      %dma_wait3A_191 = arith.constant 0 : i32
      %dma_wait3A_192 = tpu.memref_slice %arg2[%dma_wait3A_190, %dma_wait3A_191] : memref<20032x64xf32, #tpu.memory_space<hbm>> -> memref<20032x64xf32, #tpu.memory_space<hbm>>
      tpu.wait_indirect_dma semaphore(%arg27 : memref<!tpu.dma_semaphore, #tpu.memory_space<semaphore_mem>>) src(%dma_wait3A_192 : memref<20032x64xf32, #tpu.memory_space<hbm>>) dst(%dma_wait3A_186 : memref<64x64xf32, #tpu.memory_space<vmem>>)
      %dma_wait3A_193 = arith.constant 0 : i32
      %dma_wait3A_194 = arith.constant 0 : i32
      %dma_wait3A_195 = tpu.memref_slice %arg13[%dma_wait3A_193, %dma_wait3A_194] : memref<3x128xi32, #tpu.memory_space<vmem>> -> memref<1x128xi32, #tpu.memory_space<vmem>>
      %dma_wait3A_196 = tpu.memref_squeeze %dma_wait3A_195 : memref<1x128xi32, #tpu.memory_space<vmem>> -> memref<128xi32, #tpu.memory_space<vmem>>
      %dma_wait3A_197 = arith.constant 0 : i32
      %dma_wait3A_198 = tpu.memref_slice %arg7[%arg1, %add3A_174, %dma_wait3A_197] : memref<16x159x128xi32, #tpu.memory_space<hbm>> -> memref<1x1x128xi32, #tpu.memory_space<hbm>>
      %dma_wait3A_199 = tpu.memref_squeeze %dma_wait3A_198 : memref<1x1x128xi32, #tpu.memory_space<hbm>> -> memref<128xi32, #tpu.memory_space<hbm>>
      %dma_wait3A_200 = arith.constant 0 : i32
      %dma_wait3A_201 = tpu.memref_slice %arg13[%dma_wait3A_193, %dma_wait3A_200] : memref<3x128xi32, #tpu.memory_space<vmem>> -> memref<1x128xi32, #tpu.memory_space<vmem>>
      %dma_wait3A_202 = tpu.memref_squeeze %dma_wait3A_201 : memref<1x128xi32, #tpu.memory_space<vmem>> -> memref<128xi32, #tpu.memory_space<vmem>>
      %dma_wait3A_203 = arith.constant 0 : i32
      %dma_wait3A_204 = tpu.memref_slice %arg7[%arg1, %add3A_174, %dma_wait3A_203] : memref<16x159x128xi32, #tpu.memory_space<hbm>> -> memref<1x1x128xi32, #tpu.memory_space<hbm>>
      %dma_wait3A_205 = tpu.memref_squeeze %dma_wait3A_204 : memref<1x1x128xi32, #tpu.memory_space<hbm>> -> memref<128xi32, #tpu.memory_space<hbm>>
      tpu.wait_dma2 semaphore(%arg24 : memref<!tpu.dma_semaphore, #tpu.memory_space<semaphore_mem>>) src(%dma_wait3A_205 : memref<128xi32, #tpu.memory_space<hbm>>) dst(%dma_wait3A_202 : memref<128xi32, #tpu.memory_space<vmem>>)
      %parallel_loop3A = arith.constant 0 : i32
      %parallel_loop3A_206 = arith.constant 8 : i32
      %parallel_loop3A_207 = arith.constant 1 : i32
      scf.for %parallel_loop3A_363 = %parallel_loop3A to %parallel_loop3A_206 step %parallel_loop3A_207  : i32 {
        %parallel_loop3A_364 = arith.constant 16 : i32
        %parallel_loop3A_365 = arith.muli %parallel_loop3A_363, %parallel_loop3A_364 : i32
        %parallel_loop3A_366 = arith.index_cast %add3A_174 : i32 to index
        %parallel_loop3A_367 = arith.index_cast %parallel_loop3A_365 : i32 to index
        %parallel_loop3A_368 = tpu.vector_load %arg9[%parallel_loop3A_366, %parallel_loop3A_367] {strides = array<i32>} : memref<159x128xi32, #tpu.memory_space<vmem>>, vector<16xi32>,
        %parallel_loop3A_369 = vector.broadcast %mul3A_33 : i32 to vector<16xi32>
        %parallel_loop3A_370 = arith.subi %parallel_loop3A_368, %parallel_loop3A_369 : vector<16xi32>
        %parallel_loop3A_371 = arith.constant 0 : i32
        %parallel_loop3A_372 = arith.index_cast %parallel_loop3A_371 : i32 to index
        %parallel_loop3A_373 = arith.index_cast %parallel_loop3A_365 : i32 to index
        %parallel_loop3A_374 = tpu.vector_load %arg13[%parallel_loop3A_372, %parallel_loop3A_373] {strides = array<i32>} : memref<3x128xi32, #tpu.memory_space<vmem>>, vector<16xi32>,
        %parallel_loop3A_375 = tpu.vector_load_idx %arg11[%parallel_loop3A_370] : memref<10016xf32, #tpu.memory_space<vmem>>[vector<16xi32>], vector<16xf32>,
        %parallel_loop3A_376 = tpu.vector_load_idx %arg12[%parallel_loop3A_374] : memref<64xf32, #tpu.memory_space<vmem>>[vector<16xi32>], vector<16xf32>,
        %parallel_loop3A_377 = arith.addf %parallel_loop3A_375, %parallel_loop3A_376 : vector<16xf32>
        %parallel_loop3A_378 = arith.constant 0.000000e+00 : f32
        %parallel_loop3A_379 = vector.broadcast %parallel_loop3A_378 : f32 to vector<16xf32>
        %parallel_loop3A_380 = arith.subf %parallel_loop3A_379, %parallel_loop3A_377 : vector<16xf32>
        %parallel_loop3A_381 = math.exp %parallel_loop3A_380 : vector<16xf32>
        %parallel_loop3A_382 = arith.constant 1.000000e+00 : f32
        %parallel_loop3A_383 = vector.broadcast %parallel_loop3A_382 : f32 to vector<16xf32>
        %parallel_loop3A_384 = arith.addf %parallel_loop3A_383, %parallel_loop3A_381 : vector<16xf32>
        %parallel_loop3A_385 = arith.constant 1.000000e+00 : f32
        %parallel_loop3A_386 = vector.broadcast %parallel_loop3A_385 : f32 to vector<16xf32>
        %parallel_loop3A_387 = arith.divf %parallel_loop3A_386, %parallel_loop3A_384 : vector<16xf32>
        %parallel_loop3A_388 = arith.constant 16 : i32
        %parallel_loop3A_389 = arith.muli %parallel_loop3A_363, %parallel_loop3A_388 : i32
        %parallel_loop3A_390 = vector.extract_strided_slice %parallel_loop3A_387 {offsets = [0], sizes = [1], strides = [1]} : vector<16xf32> to vector<1xf32>
        %parallel_loop3A_391 = vector.extract %parallel_loop3A_390[0] : f32 from vector<1xf32>
        %parallel_loop3A_392 = vector.broadcast %parallel_loop3A_391 : f32 to vector<16xf32>
        %parallel_loop3A_393 = arith.constant 0 : i32
        %parallel_loop3A_394 = arith.addi %parallel_loop3A_389, %parallel_loop3A_393 : i32
        %parallel_loop3A_395 = arith.index_cast %parallel_loop3A_394 : i32 to index
        %parallel_loop3A_396 = arith.constant 0 : index
        %parallel_loop3A_397 = tpu.vector_load %arg14[%parallel_loop3A_395, %parallel_loop3A_396] {strides = array<i32>} : memref<128x64xf32, #tpu.memory_space<vmem>>, vector<16xf32>,
        %parallel_loop3A_398 = arith.mulf %parallel_loop3A_397, %parallel_loop3A_392 : vector<16xf32>
        %parallel_loop3A_399 = arith.constant 0 : i32
        %parallel_loop3A_400 = arith.addi %parallel_loop3A_389, %parallel_loop3A_399 : i32
        %parallel_loop3A_401 = arith.index_cast %parallel_loop3A_400 : i32 to index
        %parallel_loop3A_402 = arith.constant 0 : index
        %parallel_loop3A_403 = tpu.vector_load %arg14[%parallel_loop3A_401, %parallel_loop3A_402] {strides = array<i32>} : memref<128x64xf32, #tpu.memory_space<vmem>>, vector<16xf32>,
        tpu.vector_store %arg14[%parallel_loop3A_401, %parallel_loop3A_402], %parallel_loop3A_398 {strides = array<i32>} : memref<128x64xf32, #tpu.memory_space<vmem>>, vector<16xf32>,
        %parallel_loop3A_404 = arith.constant 0 : i32
        %parallel_loop3A_405 = arith.addi %parallel_loop3A_389, %parallel_loop3A_404 : i32
        %parallel_loop3A_406 = arith.index_cast %parallel_loop3A_405 : i32 to index
        %parallel_loop3A_407 = arith.constant 16 : index
        %parallel_loop3A_408 = tpu.vector_load %arg14[%parallel_loop3A_406, %parallel_loop3A_407] {strides = array<i32>} : memref<128x64xf32, #tpu.memory_space<vmem>>, vector<16xf32>,
        %parallel_loop3A_409 = arith.mulf %parallel_loop3A_408, %parallel_loop3A_392 : vector<16xf32>
        %parallel_loop3A_410 = arith.constant 0 : i32
        %parallel_loop3A_411 = arith.addi %parallel_loop3A_389, %parallel_loop3A_410 : i32
        %parallel_loop3A_412 = arith.index_cast %parallel_loop3A_411 : i32 to index
        %parallel_loop3A_413 = arith.constant 16 : index
        %parallel_loop3A_414 = tpu.vector_load %arg14[%parallel_loop3A_412, %parallel_loop3A_413] {strides = array<i32>} : memref<128x64xf32, #tpu.memory_space<vmem>>, vector<16xf32>,
        tpu.vector_store %arg14[%parallel_loop3A_412, %parallel_loop3A_413], %parallel_loop3A_409 {strides = array<i32>} : memref<128x64xf32, #tpu.memory_space<vmem>>, vector<16xf32>,
        %parallel_loop3A_415 = arith.constant 0 : i32
        %parallel_loop3A_416 = arith.addi %parallel_loop3A_389, %parallel_loop3A_415 : i32
        %parallel_loop3A_417 = arith.index_cast %parallel_loop3A_416 : i32 to index
        %parallel_loop3A_418 = arith.constant 32 : index
        %parallel_loop3A_419 = tpu.vector_load %arg14[%parallel_loop3A_417, %parallel_loop3A_418] {strides = array<i32>} : memref<128x64xf32, #tpu.memory_space<vmem>>, vector<16xf32>,
        %parallel_loop3A_420 = arith.mulf %parallel_loop3A_419, %parallel_loop3A_392 : vector<16xf32>
        %parallel_loop3A_421 = arith.constant 0 : i32
        %parallel_loop3A_422 = arith.addi %parallel_loop3A_389, %parallel_loop3A_421 : i32
        %parallel_loop3A_423 = arith.index_cast %parallel_loop3A_422 : i32 to index
        %parallel_loop3A_424 = arith.constant 32 : index
        %parallel_loop3A_425 = tpu.vector_load %arg14[%parallel_loop3A_423, %parallel_loop3A_424] {strides = array<i32>} : memref<128x64xf32, #tpu.memory_space<vmem>>, vector<16xf32>,
        tpu.vector_store %arg14[%parallel_loop3A_423, %parallel_loop3A_424], %parallel_loop3A_420 {strides = array<i32>} : memref<128x64xf32, #tpu.memory_space<vmem>>, vector<16xf32>,
        %parallel_loop3A_426 = arith.constant 0 : i32
        %parallel_loop3A_427 = arith.addi %parallel_loop3A_389, %parallel_loop3A_426 : i32
        %parallel_loop3A_428 = arith.index_cast %parallel_loop3A_427 : i32 to index
        %parallel_loop3A_429 = arith.constant 48 : index
        %parallel_loop3A_430 = tpu.vector_load %arg14[%parallel_loop3A_428, %parallel_loop3A_429] {strides = array<i32>} : memref<128x64xf32, #tpu.memory_space<vmem>>, vector<16xf32>,
        %parallel_loop3A_431 = arith.mulf %parallel_loop3A_430, %parallel_loop3A_392 : vector<16xf32>
        %parallel_loop3A_432 = arith.constant 0 : i32
        %parallel_loop3A_433 = arith.addi %parallel_loop3A_389, %parallel_loop3A_432 : i32
        %parallel_loop3A_434 = arith.index_cast %parallel_loop3A_433 : i32 to index
        %parallel_loop3A_435 = arith.constant 48 : index
        %parallel_loop3A_436 = tpu.vector_load %arg14[%parallel_loop3A_434, %parallel_loop3A_435] {strides = array<i32>} : memref<128x64xf32, #tpu.memory_space<vmem>>, vector<16xf32>,
        tpu.vector_store %arg14[%parallel_loop3A_434, %parallel_loop3A_435], %parallel_loop3A_431 {strides = array<i32>} : memref<128x64xf32, #tpu.memory_space<vmem>>, vector<16xf32>,
        %parallel_loop3A_437 = vector.extract_strided_slice %parallel_loop3A_387 {offsets = [1], sizes = [1], strides = [1]} : vector<16xf32> to vector<1xf32>
        %parallel_loop3A_438 = vector.extract %parallel_loop3A_437[0] : f32 from vector<1xf32>
        %parallel_loop3A_439 = vector.broadcast %parallel_loop3A_438 : f32 to vector<16xf32>
        %parallel_loop3A_440 = arith.constant 1 : i32
        %parallel_loop3A_441 = arith.addi %parallel_loop3A_389, %parallel_loop3A_440 : i32
        %parallel_loop3A_442 = arith.index_cast %parallel_loop3A_441 : i32 to index
        %parallel_loop3A_443 = arith.constant 0 : index
        %parallel_loop3A_444 = tpu.vector_load %arg14[%parallel_loop3A_442, %parallel_loop3A_443] {strides = array<i32>} : memref<128x64xf32, #tpu.memory_space<vmem>>, vector<16xf32>,
        %parallel_loop3A_445 = arith.mulf %parallel_loop3A_444, %parallel_loop3A_439 : vector<16xf32>
        %parallel_loop3A_446 = arith.constant 1 : i32
        %parallel_loop3A_447 = arith.addi %parallel_loop3A_389, %parallel_loop3A_446 : i32
        %parallel_loop3A_448 = arith.index_cast %parallel_loop3A_447 : i32 to index
        %parallel_loop3A_449 = arith.constant 0 : index
        %parallel_loop3A_450 = tpu.vector_load %arg14[%parallel_loop3A_448, %parallel_loop3A_449] {strides = array<i32>} : memref<128x64xf32, #tpu.memory_space<vmem>>, vector<16xf32>,
        tpu.vector_store %arg14[%parallel_loop3A_448, %parallel_loop3A_449], %parallel_loop3A_445 {strides = array<i32>} : memref<128x64xf32, #tpu.memory_space<vmem>>, vector<16xf32>,
        %parallel_loop3A_451 = arith.constant 1 : i32
        %parallel_loop3A_452 = arith.addi %parallel_loop3A_389, %parallel_loop3A_451 : i32
        %parallel_loop3A_453 = arith.index_cast %parallel_loop3A_452 : i32 to index
        %parallel_loop3A_454 = arith.constant 16 : index
        %parallel_loop3A_455 = tpu.vector_load %arg14[%parallel_loop3A_453, %parallel_loop3A_454] {strides = array<i32>} : memref<128x64xf32, #tpu.memory_space<vmem>>, vector<16xf32>,
        %parallel_loop3A_456 = arith.mulf %parallel_loop3A_455, %parallel_loop3A_439 : vector<16xf32>
        %parallel_loop3A_457 = arith.constant 1 : i32
        %parallel_loop3A_458 = arith.addi %parallel_loop3A_389, %parallel_loop3A_457 : i32
        %parallel_loop3A_459 = arith.index_cast %parallel_loop3A_458 : i32 to index
        %parallel_loop3A_460 = arith.constant 16 : index
        %parallel_loop3A_461 = tpu.vector_load %arg14[%parallel_loop3A_459, %parallel_loop3A_460] {strides = array<i32>} : memref<128x64xf32, #tpu.memory_space<vmem>>, vector<16xf32>,
        tpu.vector_store %arg14[%parallel_loop3A_459, %parallel_loop3A_460], %parallel_loop3A_456 {strides = array<i32>} : memref<128x64xf32, #tpu.memory_space<vmem>>, vector<16xf32>,
        %parallel_loop3A_462 = arith.constant 1 : i32
        %parallel_loop3A_463 = arith.addi %parallel_loop3A_389, %parallel_loop3A_462 : i32
        %parallel_loop3A_464 = arith.index_cast %parallel_loop3A_463 : i32 to index
        %parallel_loop3A_465 = arith.constant 32 : index
        %parallel_loop3A_466 = tpu.vector_load %arg14[%parallel_loop3A_464, %parallel_loop3A_465] {strides = array<i32>} : memref<128x64xf32, #tpu.memory_space<vmem>>, vector<16xf32>,
        %parallel_loop3A_467 = arith.mulf %parallel_loop3A_466, %parallel_loop3A_439 : vector<16xf32>
        %parallel_loop3A_468 = arith.constant 1 : i32
        %parallel_loop3A_469 = arith.addi %parallel_loop3A_389, %parallel_loop3A_468 : i32
        %parallel_loop3A_470 = arith.index_cast %parallel_loop3A_469 : i32 to index
        %parallel_loop3A_471 = arith.constant 32 : index
        %parallel_loop3A_472 = tpu.vector_load %arg14[%parallel_loop3A_470, %parallel_loop3A_471] {strides = array<i32>} : memref<128x64xf32, #tpu.memory_space<vmem>>, vector<16xf32>,
        tpu.vector_store %arg14[%parallel_loop3A_470, %parallel_loop3A_471], %parallel_loop3A_467 {strides = array<i32>} : memref<128x64xf32, #tpu.memory_space<vmem>>, vector<16xf32>,
        %parallel_loop3A_473 = arith.constant 1 : i32
        %parallel_loop3A_474 = arith.addi %parallel_loop3A_389, %parallel_loop3A_473 : i32
        %parallel_loop3A_475 = arith.index_cast %parallel_loop3A_474 : i32 to index
        %parallel_loop3A_476 = arith.constant 48 : index
        %parallel_loop3A_477 = tpu.vector_load %arg14[%parallel_loop3A_475, %parallel_loop3A_476] {strides = array<i32>} : memref<128x64xf32, #tpu.memory_space<vmem>>, vector<16xf32>,
        %parallel_loop3A_478 = arith.mulf %parallel_loop3A_477, %parallel_loop3A_439 : vector<16xf32>
        %parallel_loop3A_479 = arith.constant 1 : i32
        %parallel_loop3A_480 = arith.addi %parallel_loop3A_389, %parallel_loop3A_479 : i32
        %parallel_loop3A_481 = arith.index_cast %parallel_loop3A_480 : i32 to index
        %parallel_loop3A_482 = arith.constant 48 : index
        %parallel_loop3A_483 = tpu.vector_load %arg14[%parallel_loop3A_481, %parallel_loop3A_482] {strides = array<i32>} : memref<128x64xf32, #tpu.memory_space<vmem>>, vector<16xf32>,
        tpu.vector_store %arg14[%parallel_loop3A_481, %parallel_loop3A_482], %parallel_loop3A_478 {strides = array<i32>} : memref<128x64xf32, #tpu.memory_space<vmem>>, vector<16xf32>,
        %parallel_loop3A_484 = vector.extract_strided_slice %parallel_loop3A_387 {offsets = [2], sizes = [1], strides = [1]} : vector<16xf32> to vector<1xf32>
        %parallel_loop3A_485 = vector.extract %parallel_loop3A_484[0] : f32 from vector<1xf32>
        %parallel_loop3A_486 = vector.broadcast %parallel_loop3A_485 : f32 to vector<16xf32>
        %parallel_loop3A_487 = arith.constant 2 : i32
        %parallel_loop3A_488 = arith.addi %parallel_loop3A_389, %parallel_loop3A_487 : i32
        %parallel_loop3A_489 = arith.index_cast %parallel_loop3A_488 : i32 to index
        %parallel_loop3A_490 = arith.constant 0 : index
        %parallel_loop3A_491 = tpu.vector_load %arg14[%parallel_loop3A_489, %parallel_loop3A_490] {strides = array<i32>} : memref<128x64xf32, #tpu.memory_space<vmem>>, vector<16xf32>,
        %parallel_loop3A_492 = arith.mulf %parallel_loop3A_491, %parallel_loop3A_486 : vector<16xf32>
        %parallel_loop3A_493 = arith.constant 2 : i32
        %parallel_loop3A_494 = arith.addi %parallel_loop3A_389, %parallel_loop3A_493 : i32
        %parallel_loop3A_495 = arith.index_cast %parallel_loop3A_494 : i32 to index
        %parallel_loop3A_496 = arith.constant 0 : index
        %parallel_loop3A_497 = tpu.vector_load %arg14[%parallel_loop3A_495, %parallel_loop3A_496] {strides = array<i32>} : memref<128x64xf32, #tpu.memory_space<vmem>>, vector<16xf32>,
        tpu.vector_store %arg14[%parallel_loop3A_495, %parallel_loop3A_496], %parallel_loop3A_492 {strides = array<i32>} : memref<128x64xf32, #tpu.memory_space<vmem>>, vector<16xf32>,
        %parallel_loop3A_498 = arith.constant 2 : i32
        %parallel_loop3A_499 = arith.addi %parallel_loop3A_389, %parallel_loop3A_498 : i32
        %parallel_loop3A_500 = arith.index_cast %parallel_loop3A_499 : i32 to index
        %parallel_loop3A_501 = arith.constant 16 : index
        %parallel_loop3A_502 = tpu.vector_load %arg14[%parallel_loop3A_500, %parallel_loop3A_501] {strides = array<i32>} : memref<128x64xf32, #tpu.memory_space<vmem>>, vector<16xf32>,
        %parallel_loop3A_503 = arith.mulf %parallel_loop3A_502, %parallel_loop3A_486 : vector<16xf32>
        %parallel_loop3A_504 = arith.constant 2 : i32
        %parallel_loop3A_505 = arith.addi %parallel_loop3A_389, %parallel_loop3A_504 : i32
        %parallel_loop3A_506 = arith.index_cast %parallel_loop3A_505 : i32 to index
        %parallel_loop3A_507 = arith.constant 16 : index
        %parallel_loop3A_508 = tpu.vector_load %arg14[%parallel_loop3A_506, %parallel_loop3A_507] {strides = array<i32>} : memref<128x64xf32, #tpu.memory_space<vmem>>, vector<16xf32>,
        tpu.vector_store %arg14[%parallel_loop3A_506, %parallel_loop3A_507], %parallel_loop3A_503 {strides = array<i32>} : memref<128x64xf32, #tpu.memory_space<vmem>>, vector<16xf32>,
        %parallel_loop3A_509 = arith.constant 2 : i32
        %parallel_loop3A_510 = arith.addi %parallel_loop3A_389, %parallel_loop3A_509 : i32
        %parallel_loop3A_511 = arith.index_cast %parallel_loop3A_510 : i32 to index
        %parallel_loop3A_512 = arith.constant 32 : index
        %parallel_loop3A_513 = tpu.vector_load %arg14[%parallel_loop3A_511, %parallel_loop3A_512] {strides = array<i32>} : memref<128x64xf32, #tpu.memory_space<vmem>>, vector<16xf32>,
        %parallel_loop3A_514 = arith.mulf %parallel_loop3A_513, %parallel_loop3A_486 : vector<16xf32>
        %parallel_loop3A_515 = arith.constant 2 : i32
        %parallel_loop3A_516 = arith.addi %parallel_loop3A_389, %parallel_loop3A_515 : i32
        %parallel_loop3A_517 = arith.index_cast %parallel_loop3A_516 : i32 to index
        %parallel_loop3A_518 = arith.constant 32 : index
        %parallel_loop3A_519 = tpu.vector_load %arg14[%parallel_loop3A_517, %parallel_loop3A_518] {strides = array<i32>} : memref<128x64xf32, #tpu.memory_space<vmem>>, vector<16xf32>,
        tpu.vector_store %arg14[%parallel_loop3A_517, %parallel_loop3A_518], %parallel_loop3A_514 {strides = array<i32>} : memref<128x64xf32, #tpu.memory_space<vmem>>, vector<16xf32>,
        %parallel_loop3A_520 = arith.constant 2 : i32
        %parallel_loop3A_521 = arith.addi %parallel_loop3A_389, %parallel_loop3A_520 : i32
        %parallel_loop3A_522 = arith.index_cast %parallel_loop3A_521 : i32 to index
        %parallel_loop3A_523 = arith.constant 48 : index
        %parallel_loop3A_524 = tpu.vector_load %arg14[%parallel_loop3A_522, %parallel_loop3A_523] {strides = array<i32>} : memref<128x64xf32, #tpu.memory_space<vmem>>, vector<16xf32>,
        %parallel_loop3A_525 = arith.mulf %parallel_loop3A_524, %parallel_loop3A_486 : vector<16xf32>
        %parallel_loop3A_526 = arith.constant 2 : i32
        %parallel_loop3A_527 = arith.addi %parallel_loop3A_389, %parallel_loop3A_526 : i32
        %parallel_loop3A_528 = arith.index_cast %parallel_loop3A_527 : i32 to index
        %parallel_loop3A_529 = arith.constant 48 : index
        %parallel_loop3A_530 = tpu.vector_load %arg14[%parallel_loop3A_528, %parallel_loop3A_529] {strides = array<i32>} : memref<128x64xf32, #tpu.memory_space<vmem>>, vector<16xf32>,
        tpu.vector_store %arg14[%parallel_loop3A_528, %parallel_loop3A_529], %parallel_loop3A_525 {strides = array<i32>} : memref<128x64xf32, #tpu.memory_space<vmem>>, vector<16xf32>,
        %parallel_loop3A_531 = vector.extract_strided_slice %parallel_loop3A_387 {offsets = [3], sizes = [1], strides = [1]} : vector<16xf32> to vector<1xf32>
        %parallel_loop3A_532 = vector.extract %parallel_loop3A_531[0] : f32 from vector<1xf32>
        %parallel_loop3A_533 = vector.broadcast %parallel_loop3A_532 : f32 to vector<16xf32>
        %parallel_loop3A_534 = arith.constant 3 : i32
        %parallel_loop3A_535 = arith.addi %parallel_loop3A_389, %parallel_loop3A_534 : i32
        %parallel_loop3A_536 = arith.index_cast %parallel_loop3A_535 : i32 to index
        %parallel_loop3A_537 = arith.constant 0 : index
        %parallel_loop3A_538 = tpu.vector_load %arg14[%parallel_loop3A_536, %parallel_loop3A_537] {strides = array<i32>} : memref<128x64xf32, #tpu.memory_space<vmem>>, vector<16xf32>,
        %parallel_loop3A_539 = arith.mulf %parallel_loop3A_538, %parallel_loop3A_533 : vector<16xf32>
        %parallel_loop3A_540 = arith.constant 3 : i32
        %parallel_loop3A_541 = arith.addi %parallel_loop3A_389, %parallel_loop3A_540 : i32
        %parallel_loop3A_542 = arith.index_cast %parallel_loop3A_541 : i32 to index
        %parallel_loop3A_543 = arith.constant 0 : index
        %parallel_loop3A_544 = tpu.vector_load %arg14[%parallel_loop3A_542, %parallel_loop3A_543] {strides = array<i32>} : memref<128x64xf32, #tpu.memory_space<vmem>>, vector<16xf32>,
        tpu.vector_store %arg14[%parallel_loop3A_542, %parallel_loop3A_543], %parallel_loop3A_539 {strides = array<i32>} : memref<128x64xf32, #tpu.memory_space<vmem>>, vector<16xf32>,
        %parallel_loop3A_545 = arith.constant 3 : i32
        %parallel_loop3A_546 = arith.addi %parallel_loop3A_389, %parallel_loop3A_545 : i32
        %parallel_loop3A_547 = arith.index_cast %parallel_loop3A_546 : i32 to index
        %parallel_loop3A_548 = arith.constant 16 : index
        %parallel_loop3A_549 = tpu.vector_load %arg14[%parallel_loop3A_547, %parallel_loop3A_548] {strides = array<i32>} : memref<128x64xf32, #tpu.memory_space<vmem>>, vector<16xf32>,
        %parallel_loop3A_550 = arith.mulf %parallel_loop3A_549, %parallel_loop3A_533 : vector<16xf32>
        %parallel_loop3A_551 = arith.constant 3 : i32
        %parallel_loop3A_552 = arith.addi %parallel_loop3A_389, %parallel_loop3A_551 : i32
        %parallel_loop3A_553 = arith.index_cast %parallel_loop3A_552 : i32 to index
        %parallel_loop3A_554 = arith.constant 16 : index
        %parallel_loop3A_555 = tpu.vector_load %arg14[%parallel_loop3A_553, %parallel_loop3A_554] {strides = array<i32>} : memref<128x64xf32, #tpu.memory_space<vmem>>, vector<16xf32>,
        tpu.vector_store %arg14[%parallel_loop3A_553, %parallel_loop3A_554], %parallel_loop3A_550 {strides = array<i32>} : memref<128x64xf32, #tpu.memory_space<vmem>>, vector<16xf32>,
        %parallel_loop3A_556 = arith.constant 3 : i32
        %parallel_loop3A_557 = arith.addi %parallel_loop3A_389, %parallel_loop3A_556 : i32
        %parallel_loop3A_558 = arith.index_cast %parallel_loop3A_557 : i32 to index
        %parallel_loop3A_559 = arith.constant 32 : index
        %parallel_loop3A_560 = tpu.vector_load %arg14[%parallel_loop3A_558, %parallel_loop3A_559] {strides = array<i32>} : memref<128x64xf32, #tpu.memory_space<vmem>>, vector<16xf32>,
        %parallel_loop3A_561 = arith.mulf %parallel_loop3A_560, %parallel_loop3A_533 : vector<16xf32>
        %parallel_loop3A_562 = arith.constant 3 : i32
        %parallel_loop3A_563 = arith.addi %parallel_loop3A_389, %parallel_loop3A_562 : i32
        %parallel_loop3A_564 = arith.index_cast %parallel_loop3A_563 : i32 to index
        %parallel_loop3A_565 = arith.constant 32 : index
        %parallel_loop3A_566 = tpu.vector_load %arg14[%parallel_loop3A_564, %parallel_loop3A_565] {strides = array<i32>} : memref<128x64xf32, #tpu.memory_space<vmem>>, vector<16xf32>,
        tpu.vector_store %arg14[%parallel_loop3A_564, %parallel_loop3A_565], %parallel_loop3A_561 {strides = array<i32>} : memref<128x64xf32, #tpu.memory_space<vmem>>, vector<16xf32>,
        %parallel_loop3A_567 = arith.constant 3 : i32
        %parallel_loop3A_568 = arith.addi %parallel_loop3A_389, %parallel_loop3A_567 : i32
        %parallel_loop3A_569 = arith.index_cast %parallel_loop3A_568 : i32 to index
        %parallel_loop3A_570 = arith.constant 48 : index
        %parallel_loop3A_571 = tpu.vector_load %arg14[%parallel_loop3A_569, %parallel_loop3A_570] {strides = array<i32>} : memref<128x64xf32, #tpu.memory_space<vmem>>, vector<16xf32>,
        %parallel_loop3A_572 = arith.mulf %parallel_loop3A_571, %parallel_loop3A_533 : vector<16xf32>
        %parallel_loop3A_573 = arith.constant 3 : i32
        %parallel_loop3A_574 = arith.addi %parallel_loop3A_389, %parallel_loop3A_573 : i32
        %parallel_loop3A_575 = arith.index_cast %parallel_loop3A_574 : i32 to index
        %parallel_loop3A_576 = arith.constant 48 : index
        %parallel_loop3A_577 = tpu.vector_load %arg14[%parallel_loop3A_575, %parallel_loop3A_576] {strides = array<i32>} : memref<128x64xf32, #tpu.memory_space<vmem>>, vector<16xf32>,
        tpu.vector_store %arg14[%parallel_loop3A_575, %parallel_loop3A_576], %parallel_loop3A_572 {strides = array<i32>} : memref<128x64xf32, #tpu.memory_space<vmem>>, vector<16xf32>,
        %parallel_loop3A_578 = vector.extract_strided_slice %parallel_loop3A_387 {offsets = [4], sizes = [1], strides = [1]} : vector<16xf32> to vector<1xf32>
        %parallel_loop3A_579 = vector.extract %parallel_loop3A_578[0] : f32 from vector<1xf32>
        %parallel_loop3A_580 = vector.broadcast %parallel_loop3A_579 : f32 to vector<16xf32>
        %parallel_loop3A_581 = arith.constant 4 : i32
        %parallel_loop3A_582 = arith.addi %parallel_loop3A_389, %parallel_loop3A_581 : i32
        %parallel_loop3A_583 = arith.index_cast %parallel_loop3A_582 : i32 to index
        %parallel_loop3A_584 = arith.constant 0 : index
        %parallel_loop3A_585 = tpu.vector_load %arg14[%parallel_loop3A_583, %parallel_loop3A_584] {strides = array<i32>} : memref<128x64xf32, #tpu.memory_space<vmem>>, vector<16xf32>,
        %parallel_loop3A_586 = arith.mulf %parallel_loop3A_585, %parallel_loop3A_580 : vector<16xf32>
        %parallel_loop3A_587 = arith.constant 4 : i32
        %parallel_loop3A_588 = arith.addi %parallel_loop3A_389, %parallel_loop3A_587 : i32
        %parallel_loop3A_589 = arith.index_cast %parallel_loop3A_588 : i32 to index
        %parallel_loop3A_590 = arith.constant 0 : index
        %parallel_loop3A_591 = tpu.vector_load %arg14[%parallel_loop3A_589, %parallel_loop3A_590] {strides = array<i32>} : memref<128x64xf32, #tpu.memory_space<vmem>>, vector<16xf32>,
        tpu.vector_store %arg14[%parallel_loop3A_589, %parallel_loop3A_590], %parallel_loop3A_586 {strides = array<i32>} : memref<128x64xf32, #tpu.memory_space<vmem>>, vector<16xf32>,
        %parallel_loop3A_592 = arith.constant 4 : i32
        %parallel_loop3A_593 = arith.addi %parallel_loop3A_389, %parallel_loop3A_592 : i32
        %parallel_loop3A_594 = arith.index_cast %parallel_loop3A_593 : i32 to index
        %parallel_loop3A_595 = arith.constant 16 : index
        %parallel_loop3A_596 = tpu.vector_load %arg14[%parallel_loop3A_594, %parallel_loop3A_595] {strides = array<i32>} : memref<128x64xf32, #tpu.memory_space<vmem>>, vector<16xf32>,
        %parallel_loop3A_597 = arith.mulf %parallel_loop3A_596, %parallel_loop3A_580 : vector<16xf32>
        %parallel_loop3A_598 = arith.constant 4 : i32
        %parallel_loop3A_599 = arith.addi %parallel_loop3A_389, %parallel_loop3A_598 : i32
        %parallel_loop3A_600 = arith.index_cast %parallel_loop3A_599 : i32 to index
        %parallel_loop3A_601 = arith.constant 16 : index
        %parallel_loop3A_602 = tpu.vector_load %arg14[%parallel_loop3A_600, %parallel_loop3A_601] {strides = array<i32>} : memref<128x64xf32, #tpu.memory_space<vmem>>, vector<16xf32>,
        tpu.vector_store %arg14[%parallel_loop3A_600, %parallel_loop3A_601], %parallel_loop3A_597 {strides = array<i32>} : memref<128x64xf32, #tpu.memory_space<vmem>>, vector<16xf32>,
        %parallel_loop3A_603 = arith.constant 4 : i32
        %parallel_loop3A_604 = arith.addi %parallel_loop3A_389, %parallel_loop3A_603 : i32
        %parallel_loop3A_605 = arith.index_cast %parallel_loop3A_604 : i32 to index
        %parallel_loop3A_606 = arith.constant 32 : index
        %parallel_loop3A_607 = tpu.vector_load %arg14[%parallel_loop3A_605, %parallel_loop3A_606] {strides = array<i32>} : memref<128x64xf32, #tpu.memory_space<vmem>>, vector<16xf32>,
        %parallel_loop3A_608 = arith.mulf %parallel_loop3A_607, %parallel_loop3A_580 : vector<16xf32>
        %parallel_loop3A_609 = arith.constant 4 : i32
        %parallel_loop3A_610 = arith.addi %parallel_loop3A_389, %parallel_loop3A_609 : i32
        %parallel_loop3A_611 = arith.index_cast %parallel_loop3A_610 : i32 to index
        %parallel_loop3A_612 = arith.constant 32 : index
        %parallel_loop3A_613 = tpu.vector_load %arg14[%parallel_loop3A_611, %parallel_loop3A_612] {strides = array<i32>} : memref<128x64xf32, #tpu.memory_space<vmem>>, vector<16xf32>,
        tpu.vector_store %arg14[%parallel_loop3A_611, %parallel_loop3A_612], %parallel_loop3A_608 {strides = array<i32>} : memref<128x64xf32, #tpu.memory_space<vmem>>, vector<16xf32>,
        %parallel_loop3A_614 = arith.constant 4 : i32
        %parallel_loop3A_615 = arith.addi %parallel_loop3A_389, %parallel_loop3A_614 : i32
        %parallel_loop3A_616 = arith.index_cast %parallel_loop3A_615 : i32 to index
        %parallel_loop3A_617 = arith.constant 48 : index
        %parallel_loop3A_618 = tpu.vector_load %arg14[%parallel_loop3A_616, %parallel_loop3A_617] {strides = array<i32>} : memref<128x64xf32, #tpu.memory_space<vmem>>, vector<16xf32>,
        %parallel_loop3A_619 = arith.mulf %parallel_loop3A_618, %parallel_loop3A_580 : vector<16xf32>
        %parallel_loop3A_620 = arith.constant 4 : i32
        %parallel_loop3A_621 = arith.addi %parallel_loop3A_389, %parallel_loop3A_620 : i32
        %parallel_loop3A_622 = arith.index_cast %parallel_loop3A_621 : i32 to index
        %parallel_loop3A_623 = arith.constant 48 : index
        %parallel_loop3A_624 = tpu.vector_load %arg14[%parallel_loop3A_622, %parallel_loop3A_623] {strides = array<i32>} : memref<128x64xf32, #tpu.memory_space<vmem>>, vector<16xf32>,
        tpu.vector_store %arg14[%parallel_loop3A_622, %parallel_loop3A_623], %parallel_loop3A_619 {strides = array<i32>} : memref<128x64xf32, #tpu.memory_space<vmem>>, vector<16xf32>,
        %parallel_loop3A_625 = vector.extract_strided_slice %parallel_loop3A_387 {offsets = [5], sizes = [1], strides = [1]} : vector<16xf32> to vector<1xf32>
        %parallel_loop3A_626 = vector.extract %parallel_loop3A_625[0] : f32 from vector<1xf32>
        %parallel_loop3A_627 = vector.broadcast %parallel_loop3A_626 : f32 to vector<16xf32>
        %parallel_loop3A_628 = arith.constant 5 : i32
        %parallel_loop3A_629 = arith.addi %parallel_loop3A_389, %parallel_loop3A_628 : i32
        %parallel_loop3A_630 = arith.index_cast %parallel_loop3A_629 : i32 to index
        %parallel_loop3A_631 = arith.constant 0 : index
        %parallel_loop3A_632 = tpu.vector_load %arg14[%parallel_loop3A_630, %parallel_loop3A_631] {strides = array<i32>} : memref<128x64xf32, #tpu.memory_space<vmem>>, vector<16xf32>,
        %parallel_loop3A_633 = arith.mulf %parallel_loop3A_632, %parallel_loop3A_627 : vector<16xf32>
        %parallel_loop3A_634 = arith.constant 5 : i32
        %parallel_loop3A_635 = arith.addi %parallel_loop3A_389, %parallel_loop3A_634 : i32
        %parallel_loop3A_636 = arith.index_cast %parallel_loop3A_635 : i32 to index
        %parallel_loop3A_637 = arith.constant 0 : index
        %parallel_loop3A_638 = tpu.vector_load %arg14[%parallel_loop3A_636, %parallel_loop3A_637] {strides = array<i32>} : memref<128x64xf32, #tpu.memory_space<vmem>>, vector<16xf32>,
        tpu.vector_store %arg14[%parallel_loop3A_636, %parallel_loop3A_637], %parallel_loop3A_633 {strides = array<i32>} : memref<128x64xf32, #tpu.memory_space<vmem>>, vector<16xf32>,
        %parallel_loop3A_639 = arith.constant 5 : i32
        %parallel_loop3A_640 = arith.addi %parallel_loop3A_389, %parallel_loop3A_639 : i32
        %parallel_loop3A_641 = arith.index_cast %parallel_loop3A_640 : i32 to index
        %parallel_loop3A_642 = arith.constant 16 : index
        %parallel_loop3A_643 = tpu.vector_load %arg14[%parallel_loop3A_641, %parallel_loop3A_642] {strides = array<i32>} : memref<128x64xf32, #tpu.memory_space<vmem>>, vector<16xf32>,
        %parallel_loop3A_644 = arith.mulf %parallel_loop3A_643, %parallel_loop3A_627 : vector<16xf32>
        %parallel_loop3A_645 = arith.constant 5 : i32
        %parallel_loop3A_646 = arith.addi %parallel_loop3A_389, %parallel_loop3A_645 : i32
        %parallel_loop3A_647 = arith.index_cast %parallel_loop3A_646 : i32 to index
        %parallel_loop3A_648 = arith.constant 16 : index
        %parallel_loop3A_649 = tpu.vector_load %arg14[%parallel_loop3A_647, %parallel_loop3A_648] {strides = array<i32>} : memref<128x64xf32, #tpu.memory_space<vmem>>, vector<16xf32>,
        tpu.vector_store %arg14[%parallel_loop3A_647, %parallel_loop3A_648], %parallel_loop3A_644 {strides = array<i32>} : memref<128x64xf32, #tpu.memory_space<vmem>>, vector<16xf32>,
        %parallel_loop3A_650 = arith.constant 5 : i32
        %parallel_loop3A_651 = arith.addi %parallel_loop3A_389, %parallel_loop3A_650 : i32
        %parallel_loop3A_652 = arith.index_cast %parallel_loop3A_651 : i32 to index
        %parallel_loop3A_653 = arith.constant 32 : index
        %parallel_loop3A_654 = tpu.vector_load %arg14[%parallel_loop3A_652, %parallel_loop3A_653] {strides = array<i32>} : memref<128x64xf32, #tpu.memory_space<vmem>>, vector<16xf32>,
        %parallel_loop3A_655 = arith.mulf %parallel_loop3A_654, %parallel_loop3A_627 : vector<16xf32>
        %parallel_loop3A_656 = arith.constant 5 : i32
        %parallel_loop3A_657 = arith.addi %parallel_loop3A_389, %parallel_loop3A_656 : i32
        %parallel_loop3A_658 = arith.index_cast %parallel_loop3A_657 : i32 to index
        %parallel_loop3A_659 = arith.constant 32 : index
        %parallel_loop3A_660 = tpu.vector_load %arg14[%parallel_loop3A_658, %parallel_loop3A_659] {strides = array<i32>} : memref<128x64xf32, #tpu.memory_space<vmem>>, vector<16xf32>,
        tpu.vector_store %arg14[%parallel_loop3A_658, %parallel_loop3A_659], %parallel_loop3A_655 {strides = array<i32>} : memref<128x64xf32, #tpu.memory_space<vmem>>, vector<16xf32>,
        %parallel_loop3A_661 = arith.constant 5 : i32
        %parallel_loop3A_662 = arith.addi %parallel_loop3A_389, %parallel_loop3A_661 : i32
        %parallel_loop3A_663 = arith.index_cast %parallel_loop3A_662 : i32 to index
        %parallel_loop3A_664 = arith.constant 48 : index
        %parallel_loop3A_665 = tpu.vector_load %arg14[%parallel_loop3A_663, %parallel_loop3A_664] {strides = array<i32>} : memref<128x64xf32, #tpu.memory_space<vmem>>, vector<16xf32>,
        %parallel_loop3A_666 = arith.mulf %parallel_loop3A_665, %parallel_loop3A_627 : vector<16xf32>
        %parallel_loop3A_667 = arith.constant 5 : i32
        %parallel_loop3A_668 = arith.addi %parallel_loop3A_389, %parallel_loop3A_667 : i32
        %parallel_loop3A_669 = arith.index_cast %parallel_loop3A_668 : i32 to index
        %parallel_loop3A_670 = arith.constant 48 : index
        %parallel_loop3A_671 = tpu.vector_load %arg14[%parallel_loop3A_669, %parallel_loop3A_670] {strides = array<i32>} : memref<128x64xf32, #tpu.memory_space<vmem>>, vector<16xf32>,
        tpu.vector_store %arg14[%parallel_loop3A_669, %parallel_loop3A_670], %parallel_loop3A_666 {strides = array<i32>} : memref<128x64xf32, #tpu.memory_space<vmem>>, vector<16xf32>,
        %parallel_loop3A_672 = vector.extract_strided_slice %parallel_loop3A_387 {offsets = [6], sizes = [1], strides = [1]} : vector<16xf32> to vector<1xf32>
        %parallel_loop3A_673 = vector.extract %parallel_loop3A_672[0] : f32 from vector<1xf32>
        %parallel_loop3A_674 = vector.broadcast %parallel_loop3A_673 : f32 to vector<16xf32>
        %parallel_loop3A_675 = arith.constant 6 : i32
        %parallel_loop3A_676 = arith.addi %parallel_loop3A_389, %parallel_loop3A_675 : i32
        %parallel_loop3A_677 = arith.index_cast %parallel_loop3A_676 : i32 to index
        %parallel_loop3A_678 = arith.constant 0 : index
        %parallel_loop3A_679 = tpu.vector_load %arg14[%parallel_loop3A_677, %parallel_loop3A_678] {strides = array<i32>} : memref<128x64xf32, #tpu.memory_space<vmem>>, vector<16xf32>,
        %parallel_loop3A_680 = arith.mulf %parallel_loop3A_679, %parallel_loop3A_674 : vector<16xf32>
        %parallel_loop3A_681 = arith.constant 6 : i32
        %parallel_loop3A_682 = arith.addi %parallel_loop3A_389, %parallel_loop3A_681 : i32
        %parallel_loop3A_683 = arith.index_cast %parallel_loop3A_682 : i32 to index
        %parallel_loop3A_684 = arith.constant 0 : index
        %parallel_loop3A_685 = tpu.vector_load %arg14[%parallel_loop3A_683, %parallel_loop3A_684] {strides = array<i32>} : memref<128x64xf32, #tpu.memory_space<vmem>>, vector<16xf32>,
        tpu.vector_store %arg14[%parallel_loop3A_683, %parallel_loop3A_684], %parallel_loop3A_680 {strides = array<i32>} : memref<128x64xf32, #tpu.memory_space<vmem>>, vector<16xf32>,
        %parallel_loop3A_686 = arith.constant 6 : i32
        %parallel_loop3A_687 = arith.addi %parallel_loop3A_389, %parallel_loop3A_686 : i32
        %parallel_loop3A_688 = arith.index_cast %parallel_loop3A_687 : i32 to index
        %parallel_loop3A_689 = arith.constant 16 : index
        %parallel_loop3A_690 = tpu.vector_load %arg14[%parallel_loop3A_688, %parallel_loop3A_689] {strides = array<i32>} : memref<128x64xf32, #tpu.memory_space<vmem>>, vector<16xf32>,
        %parallel_loop3A_691 = arith.mulf %parallel_loop3A_690, %parallel_loop3A_674 : vector<16xf32>
        %parallel_loop3A_692 = arith.constant 6 : i32
        %parallel_loop3A_693 = arith.addi %parallel_loop3A_389, %parallel_loop3A_692 : i32
        %parallel_loop3A_694 = arith.index_cast %parallel_loop3A_693 : i32 to index
        %parallel_loop3A_695 = arith.constant 16 : index
        %parallel_loop3A_696 = tpu.vector_load %arg14[%parallel_loop3A_694, %parallel_loop3A_695] {strides = array<i32>} : memref<128x64xf32, #tpu.memory_space<vmem>>, vector<16xf32>,
        tpu.vector_store %arg14[%parallel_loop3A_694, %parallel_loop3A_695], %parallel_loop3A_691 {strides = array<i32>} : memref<128x64xf32, #tpu.memory_space<vmem>>, vector<16xf32>,
        %parallel_loop3A_697 = arith.constant 6 : i32
        %parallel_loop3A_698 = arith.addi %parallel_loop3A_389, %parallel_loop3A_697 : i32
        %parallel_loop3A_699 = arith.index_cast %parallel_loop3A_698 : i32 to index
        %parallel_loop3A_700 = arith.constant 32 : index
        %parallel_loop3A_701 = tpu.vector_load %arg14[%parallel_loop3A_699, %parallel_loop3A_700] {strides = array<i32>} : memref<128x64xf32, #tpu.memory_space<vmem>>, vector<16xf32>,
        %parallel_loop3A_702 = arith.mulf %parallel_loop3A_701, %parallel_loop3A_674 : vector<16xf32>
        %parallel_loop3A_703 = arith.constant 6 : i32
        %parallel_loop3A_704 = arith.addi %parallel_loop3A_389, %parallel_loop3A_703 : i32
        %parallel_loop3A_705 = arith.index_cast %parallel_loop3A_704 : i32 to index
        %parallel_loop3A_706 = arith.constant 32 : index
        %parallel_loop3A_707 = tpu.vector_load %arg14[%parallel_loop3A_705, %parallel_loop3A_706] {strides = array<i32>} : memref<128x64xf32, #tpu.memory_space<vmem>>, vector<16xf32>,
        tpu.vector_store %arg14[%parallel_loop3A_705, %parallel_loop3A_706], %parallel_loop3A_702 {strides = array<i32>} : memref<128x64xf32, #tpu.memory_space<vmem>>, vector<16xf32>,
        %parallel_loop3A_708 = arith.constant 6 : i32
        %parallel_loop3A_709 = arith.addi %parallel_loop3A_389, %parallel_loop3A_708 : i32
        %parallel_loop3A_710 = arith.index_cast %parallel_loop3A_709 : i32 to index
        %parallel_loop3A_711 = arith.constant 48 : index
        %parallel_loop3A_712 = tpu.vector_load %arg14[%parallel_loop3A_710, %parallel_loop3A_711] {strides = array<i32>} : memref<128x64xf32, #tpu.memory_space<vmem>>, vector<16xf32>,
        %parallel_loop3A_713 = arith.mulf %parallel_loop3A_712, %parallel_loop3A_674 : vector<16xf32>
        %parallel_loop3A_714 = arith.constant 6 : i32
        %parallel_loop3A_715 = arith.addi %parallel_loop3A_389, %parallel_loop3A_714 : i32
        %parallel_loop3A_716 = arith.index_cast %parallel_loop3A_715 : i32 to index
        %parallel_loop3A_717 = arith.constant 48 : index
        %parallel_loop3A_718 = tpu.vector_load %arg14[%parallel_loop3A_716, %parallel_loop3A_717] {strides = array<i32>} : memref<128x64xf32, #tpu.memory_space<vmem>>, vector<16xf32>,
        tpu.vector_store %arg14[%parallel_loop3A_716, %parallel_loop3A_717], %parallel_loop3A_713 {strides = array<i32>} : memref<128x64xf32, #tpu.memory_space<vmem>>, vector<16xf32>,
        %parallel_loop3A_719 = vector.extract_strided_slice %parallel_loop3A_387 {offsets = [7], sizes = [1], strides = [1]} : vector<16xf32> to vector<1xf32>
        %parallel_loop3A_720 = vector.extract %parallel_loop3A_719[0] : f32 from vector<1xf32>
        %parallel_loop3A_721 = vector.broadcast %parallel_loop3A_720 : f32 to vector<16xf32>
        %parallel_loop3A_722 = arith.constant 7 : i32
        %parallel_loop3A_723 = arith.addi %parallel_loop3A_389, %parallel_loop3A_722 : i32
        %parallel_loop3A_724 = arith.index_cast %parallel_loop3A_723 : i32 to index
        %parallel_loop3A_725 = arith.constant 0 : index
        %parallel_loop3A_726 = tpu.vector_load %arg14[%parallel_loop3A_724, %parallel_loop3A_725] {strides = array<i32>} : memref<128x64xf32, #tpu.memory_space<vmem>>, vector<16xf32>,
        %parallel_loop3A_727 = arith.mulf %parallel_loop3A_726, %parallel_loop3A_721 : vector<16xf32>
        %parallel_loop3A_728 = arith.constant 7 : i32
        %parallel_loop3A_729 = arith.addi %parallel_loop3A_389, %parallel_loop3A_728 : i32
        %parallel_loop3A_730 = arith.index_cast %parallel_loop3A_729 : i32 to index
        %parallel_loop3A_731 = arith.constant 0 : index
        %parallel_loop3A_732 = tpu.vector_load %arg14[%parallel_loop3A_730, %parallel_loop3A_731] {strides = array<i32>} : memref<128x64xf32, #tpu.memory_space<vmem>>, vector<16xf32>,
        tpu.vector_store %arg14[%parallel_loop3A_730, %parallel_loop3A_731], %parallel_loop3A_727 {strides = array<i32>} : memref<128x64xf32, #tpu.memory_space<vmem>>, vector<16xf32>,
        %parallel_loop3A_733 = arith.constant 7 : i32
        %parallel_loop3A_734 = arith.addi %parallel_loop3A_389, %parallel_loop3A_733 : i32
        %parallel_loop3A_735 = arith.index_cast %parallel_loop3A_734 : i32 to index
        %parallel_loop3A_736 = arith.constant 16 : index
        %parallel_loop3A_737 = tpu.vector_load %arg14[%parallel_loop3A_735, %parallel_loop3A_736] {strides = array<i32>} : memref<128x64xf32, #tpu.memory_space<vmem>>, vector<16xf32>,
        %parallel_loop3A_738 = arith.mulf %parallel_loop3A_737, %parallel_loop3A_721 : vector<16xf32>
        %parallel_loop3A_739 = arith.constant 7 : i32
        %parallel_loop3A_740 = arith.addi %parallel_loop3A_389, %parallel_loop3A_739 : i32
        %parallel_loop3A_741 = arith.index_cast %parallel_loop3A_740 : i32 to index
        %parallel_loop3A_742 = arith.constant 16 : index
        %parallel_loop3A_743 = tpu.vector_load %arg14[%parallel_loop3A_741, %parallel_loop3A_742] {strides = array<i32>} : memref<128x64xf32, #tpu.memory_space<vmem>>, vector<16xf32>,
        tpu.vector_store %arg14[%parallel_loop3A_741, %parallel_loop3A_742], %parallel_loop3A_738 {strides = array<i32>} : memref<128x64xf32, #tpu.memory_space<vmem>>, vector<16xf32>,
        %parallel_loop3A_744 = arith.constant 7 : i32
        %parallel_loop3A_745 = arith.addi %parallel_loop3A_389, %parallel_loop3A_744 : i32
        %parallel_loop3A_746 = arith.index_cast %parallel_loop3A_745 : i32 to index
        %parallel_loop3A_747 = arith.constant 32 : index
        %parallel_loop3A_748 = tpu.vector_load %arg14[%parallel_loop3A_746, %parallel_loop3A_747] {strides = array<i32>} : memref<128x64xf32, #tpu.memory_space<vmem>>, vector<16xf32>,
        %parallel_loop3A_749 = arith.mulf %parallel_loop3A_748, %parallel_loop3A_721 : vector<16xf32>
        %parallel_loop3A_750 = arith.constant 7 : i32
        %parallel_loop3A_751 = arith.addi %parallel_loop3A_389, %parallel_loop3A_750 : i32
        %parallel_loop3A_752 = arith.index_cast %parallel_loop3A_751 : i32 to index
        %parallel_loop3A_753 = arith.constant 32 : index
        %parallel_loop3A_754 = tpu.vector_load %arg14[%parallel_loop3A_752, %parallel_loop3A_753] {strides = array<i32>} : memref<128x64xf32, #tpu.memory_space<vmem>>, vector<16xf32>,
        tpu.vector_store %arg14[%parallel_loop3A_752, %parallel_loop3A_753], %parallel_loop3A_749 {strides = array<i32>} : memref<128x64xf32, #tpu.memory_space<vmem>>, vector<16xf32>,
        %parallel_loop3A_755 = arith.constant 7 : i32
        %parallel_loop3A_756 = arith.addi %parallel_loop3A_389, %parallel_loop3A_755 : i32
        %parallel_loop3A_757 = arith.index_cast %parallel_loop3A_756 : i32 to index
        %parallel_loop3A_758 = arith.constant 48 : index
        %parallel_loop3A_759 = tpu.vector_load %arg14[%parallel_loop3A_757, %parallel_loop3A_758] {strides = array<i32>} : memref<128x64xf32, #tpu.memory_space<vmem>>, vector<16xf32>,
        %parallel_loop3A_760 = arith.mulf %parallel_loop3A_759, %parallel_loop3A_721 : vector<16xf32>
        %parallel_loop3A_761 = arith.constant 7 : i32
        %parallel_loop3A_762 = arith.addi %parallel_loop3A_389, %parallel_loop3A_761 : i32
        %parallel_loop3A_763 = arith.index_cast %parallel_loop3A_762 : i32 to index
        %parallel_loop3A_764 = arith.constant 48 : index
        %parallel_loop3A_765 = tpu.vector_load %arg14[%parallel_loop3A_763, %parallel_loop3A_764] {strides = array<i32>} : memref<128x64xf32, #tpu.memory_space<vmem>>, vector<16xf32>,
        tpu.vector_store %arg14[%parallel_loop3A_763, %parallel_loop3A_764], %parallel_loop3A_760 {strides = array<i32>} : memref<128x64xf32, #tpu.memory_space<vmem>>, vector<16xf32>,
        %parallel_loop3A_766 = vector.extract_strided_slice %parallel_loop3A_387 {offsets = [8], sizes = [1], strides = [1]} : vector<16xf32> to vector<1xf32>
        %parallel_loop3A_767 = vector.extract %parallel_loop3A_766[0] : f32 from vector<1xf32>
        %parallel_loop3A_768 = vector.broadcast %parallel_loop3A_767 : f32 to vector<16xf32>
        %parallel_loop3A_769 = arith.constant 8 : i32
        %parallel_loop3A_770 = arith.addi %parallel_loop3A_389, %parallel_loop3A_769 : i32
        %parallel_loop3A_771 = arith.index_cast %parallel_loop3A_770 : i32 to index
        %parallel_loop3A_772 = arith.constant 0 : index
        %parallel_loop3A_773 = tpu.vector_load %arg14[%parallel_loop3A_771, %parallel_loop3A_772] {strides = array<i32>} : memref<128x64xf32, #tpu.memory_space<vmem>>, vector<16xf32>,
        %parallel_loop3A_774 = arith.mulf %parallel_loop3A_773, %parallel_loop3A_768 : vector<16xf32>
        %parallel_loop3A_775 = arith.constant 8 : i32
        %parallel_loop3A_776 = arith.addi %parallel_loop3A_389, %parallel_loop3A_775 : i32
        %parallel_loop3A_777 = arith.index_cast %parallel_loop3A_776 : i32 to index
        %parallel_loop3A_778 = arith.constant 0 : index
        %parallel_loop3A_779 = tpu.vector_load %arg14[%parallel_loop3A_777, %parallel_loop3A_778] {strides = array<i32>} : memref<128x64xf32, #tpu.memory_space<vmem>>, vector<16xf32>,
        tpu.vector_store %arg14[%parallel_loop3A_777, %parallel_loop3A_778], %parallel_loop3A_774 {strides = array<i32>} : memref<128x64xf32, #tpu.memory_space<vmem>>, vector<16xf32>,
        %parallel_loop3A_780 = arith.constant 8 : i32
        %parallel_loop3A_781 = arith.addi %parallel_loop3A_389, %parallel_loop3A_780 : i32
        %parallel_loop3A_782 = arith.index_cast %parallel_loop3A_781 : i32 to index
        %parallel_loop3A_783 = arith.constant 16 : index
        %parallel_loop3A_784 = tpu.vector_load %arg14[%parallel_loop3A_782, %parallel_loop3A_783] {strides = array<i32>} : memref<128x64xf32, #tpu.memory_space<vmem>>, vector<16xf32>,
        %parallel_loop3A_785 = arith.mulf %parallel_loop3A_784, %parallel_loop3A_768 : vector<16xf32>
        %parallel_loop3A_786 = arith.constant 8 : i32
        %parallel_loop3A_787 = arith.addi %parallel_loop3A_389, %parallel_loop3A_786 : i32
        %parallel_loop3A_788 = arith.index_cast %parallel_loop3A_787 : i32 to index
        %parallel_loop3A_789 = arith.constant 16 : index
        %parallel_loop3A_790 = tpu.vector_load %arg14[%parallel_loop3A_788, %parallel_loop3A_789] {strides = array<i32>} : memref<128x64xf32, #tpu.memory_space<vmem>>, vector<16xf32>,
        tpu.vector_store %arg14[%parallel_loop3A_788, %parallel_loop3A_789], %parallel_loop3A_785 {strides = array<i32>} : memref<128x64xf32, #tpu.memory_space<vmem>>, vector<16xf32>,
        %parallel_loop3A_791 = arith.constant 8 : i32
        %parallel_loop3A_792 = arith.addi %parallel_loop3A_389, %parallel_loop3A_791 : i32
        %parallel_loop3A_793 = arith.index_cast %parallel_loop3A_792 : i32 to index
        %parallel_loop3A_794 = arith.constant 32 : index
        %parallel_loop3A_795 = tpu.vector_load %arg14[%parallel_loop3A_793, %parallel_loop3A_794] {strides = array<i32>} : memref<128x64xf32, #tpu.memory_space<vmem>>, vector<16xf32>,
        %parallel_loop3A_796 = arith.mulf %parallel_loop3A_795, %parallel_loop3A_768 : vector<16xf32>
        %parallel_loop3A_797 = arith.constant 8 : i32
        %parallel_loop3A_798 = arith.addi %parallel_loop3A_389, %parallel_loop3A_797 : i32
        %parallel_loop3A_799 = arith.index_cast %parallel_loop3A_798 : i32 to index
        %parallel_loop3A_800 = arith.constant 32 : index
        %parallel_loop3A_801 = tpu.vector_load %arg14[%parallel_loop3A_799, %parallel_loop3A_800] {strides = array<i32>} : memref<128x64xf32, #tpu.memory_space<vmem>>, vector<16xf32>,
        tpu.vector_store %arg14[%parallel_loop3A_799, %parallel_loop3A_800], %parallel_loop3A_796 {strides = array<i32>} : memref<128x64xf32, #tpu.memory_space<vmem>>, vector<16xf32>,
        %parallel_loop3A_802 = arith.constant 8 : i32
        %parallel_loop3A_803 = arith.addi %parallel_loop3A_389, %parallel_loop3A_802 : i32
        %parallel_loop3A_804 = arith.index_cast %parallel_loop3A_803 : i32 to index
        %parallel_loop3A_805 = arith.constant 48 : index
        %parallel_loop3A_806 = tpu.vector_load %arg14[%parallel_loop3A_804, %parallel_loop3A_805] {strides = array<i32>} : memref<128x64xf32, #tpu.memory_space<vmem>>, vector<16xf32>,
        %parallel_loop3A_807 = arith.mulf %parallel_loop3A_806, %parallel_loop3A_768 : vector<16xf32>
        %parallel_loop3A_808 = arith.constant 8 : i32
        %parallel_loop3A_809 = arith.addi %parallel_loop3A_389, %parallel_loop3A_808 : i32
        %parallel_loop3A_810 = arith.index_cast %parallel_loop3A_809 : i32 to index
        %parallel_loop3A_811 = arith.constant 48 : index
        %parallel_loop3A_812 = tpu.vector_load %arg14[%parallel_loop3A_810, %parallel_loop3A_811] {strides = array<i32>} : memref<128x64xf32, #tpu.memory_space<vmem>>, vector<16xf32>,
        tpu.vector_store %arg14[%parallel_loop3A_810, %parallel_loop3A_811], %parallel_loop3A_807 {strides = array<i32>} : memref<128x64xf32, #tpu.memory_space<vmem>>, vector<16xf32>,
        %parallel_loop3A_813 = vector.extract_strided_slice %parallel_loop3A_387 {offsets = [9], sizes = [1], strides = [1]} : vector<16xf32> to vector<1xf32>
        %parallel_loop3A_814 = vector.extract %parallel_loop3A_813[0] : f32 from vector<1xf32>
        %parallel_loop3A_815 = vector.broadcast %parallel_loop3A_814 : f32 to vector<16xf32>
        %parallel_loop3A_816 = arith.constant 9 : i32
        %parallel_loop3A_817 = arith.addi %parallel_loop3A_389, %parallel_loop3A_816 : i32
        %parallel_loop3A_818 = arith.index_cast %parallel_loop3A_817 : i32 to index
        %parallel_loop3A_819 = arith.constant 0 : index
        %parallel_loop3A_820 = tpu.vector_load %arg14[%parallel_loop3A_818, %parallel_loop3A_819] {strides = array<i32>} : memref<128x64xf32, #tpu.memory_space<vmem>>, vector<16xf32>,
        %parallel_loop3A_821 = arith.mulf %parallel_loop3A_820, %parallel_loop3A_815 : vector<16xf32>
        %parallel_loop3A_822 = arith.constant 9 : i32
        %parallel_loop3A_823 = arith.addi %parallel_loop3A_389, %parallel_loop3A_822 : i32
        %parallel_loop3A_824 = arith.index_cast %parallel_loop3A_823 : i32 to index
        %parallel_loop3A_825 = arith.constant 0 : index
        %parallel_loop3A_826 = tpu.vector_load %arg14[%parallel_loop3A_824, %parallel_loop3A_825] {strides = array<i32>} : memref<128x64xf32, #tpu.memory_space<vmem>>, vector<16xf32>,
        tpu.vector_store %arg14[%parallel_loop3A_824, %parallel_loop3A_825], %parallel_loop3A_821 {strides = array<i32>} : memref<128x64xf32, #tpu.memory_space<vmem>>, vector<16xf32>,
        %parallel_loop3A_827 = arith.constant 9 : i32
        %parallel_loop3A_828 = arith.addi %parallel_loop3A_389, %parallel_loop3A_827 : i32
        %parallel_loop3A_829 = arith.index_cast %parallel_loop3A_828 : i32 to index
        %parallel_loop3A_830 = arith.constant 16 : index
        %parallel_loop3A_831 = tpu.vector_load %arg14[%parallel_loop3A_829, %parallel_loop3A_830] {strides = array<i32>} : memref<128x64xf32, #tpu.memory_space<vmem>>, vector<16xf32>,
        %parallel_loop3A_832 = arith.mulf %parallel_loop3A_831, %parallel_loop3A_815 : vector<16xf32>
        %parallel_loop3A_833 = arith.constant 9 : i32
        %parallel_loop3A_834 = arith.addi %parallel_loop3A_389, %parallel_loop3A_833 : i32
        %parallel_loop3A_835 = arith.index_cast %parallel_loop3A_834 : i32 to index
        %parallel_loop3A_836 = arith.constant 16 : index
        %parallel_loop3A_837 = tpu.vector_load %arg14[%parallel_loop3A_835, %parallel_loop3A_836] {strides = array<i32>} : memref<128x64xf32, #tpu.memory_space<vmem>>, vector<16xf32>,
        tpu.vector_store %arg14[%parallel_loop3A_835, %parallel_loop3A_836], %parallel_loop3A_832 {strides = array<i32>} : memref<128x64xf32, #tpu.memory_space<vmem>>, vector<16xf32>,
        %parallel_loop3A_838 = arith.constant 9 : i32
        %parallel_loop3A_839 = arith.addi %parallel_loop3A_389, %parallel_loop3A_838 : i32
        %parallel_loop3A_840 = arith.index_cast %parallel_loop3A_839 : i32 to index
        %parallel_loop3A_841 = arith.constant 32 : index
        %parallel_loop3A_842 = tpu.vector_load %arg14[%parallel_loop3A_840, %parallel_loop3A_841] {strides = array<i32>} : memref<128x64xf32, #tpu.memory_space<vmem>>, vector<16xf32>,
        %parallel_loop3A_843 = arith.mulf %parallel_loop3A_842, %parallel_loop3A_815 : vector<16xf32>
        %parallel_loop3A_844 = arith.constant 9 : i32
        %parallel_loop3A_845 = arith.addi %parallel_loop3A_389, %parallel_loop3A_844 : i32
        %parallel_loop3A_846 = arith.index_cast %parallel_loop3A_845 : i32 to index
        %parallel_loop3A_847 = arith.constant 32 : index
        %parallel_loop3A_848 = tpu.vector_load %arg14[%parallel_loop3A_846, %parallel_loop3A_847] {strides = array<i32>} : memref<128x64xf32, #tpu.memory_space<vmem>>, vector<16xf32>,
        tpu.vector_store %arg14[%parallel_loop3A_846, %parallel_loop3A_847], %parallel_loop3A_843 {strides = array<i32>} : memref<128x64xf32, #tpu.memory_space<vmem>>, vector<16xf32>,
        %parallel_loop3A_849 = arith.constant 9 : i32
        %parallel_loop3A_850 = arith.addi %parallel_loop3A_389, %parallel_loop3A_849 : i32
        %parallel_loop3A_851 = arith.index_cast %parallel_loop3A_850 : i32 to index
        %parallel_loop3A_852 = arith.constant 48 : index
        %parallel_loop3A_853 = tpu.vector_load %arg14[%parallel_loop3A_851, %parallel_loop3A_852] {strides = array<i32>} : memref<128x64xf32, #tpu.memory_space<vmem>>, vector<16xf32>,
        %parallel_loop3A_854 = arith.mulf %parallel_loop3A_853, %parallel_loop3A_815 : vector<16xf32>
        %parallel_loop3A_855 = arith.constant 9 : i32
        %parallel_loop3A_856 = arith.addi %parallel_loop3A_389, %parallel_loop3A_855 : i32
        %parallel_loop3A_857 = arith.index_cast %parallel_loop3A_856 : i32 to index
        %parallel_loop3A_858 = arith.constant 48 : index
        %parallel_loop3A_859 = tpu.vector_load %arg14[%parallel_loop3A_857, %parallel_loop3A_858] {strides = array<i32>} : memref<128x64xf32, #tpu.memory_space<vmem>>, vector<16xf32>,
        tpu.vector_store %arg14[%parallel_loop3A_857, %parallel_loop3A_858], %parallel_loop3A_854 {strides = array<i32>} : memref<128x64xf32, #tpu.memory_space<vmem>>, vector<16xf32>,
        %parallel_loop3A_860 = vector.extract_strided_slice %parallel_loop3A_387 {offsets = [10], sizes = [1], strides = [1]} : vector<16xf32> to vector<1xf32>
        %parallel_loop3A_861 = vector.extract %parallel_loop3A_860[0] : f32 from vector<1xf32>
        %parallel_loop3A_862 = vector.broadcast %parallel_loop3A_861 : f32 to vector<16xf32>
        %parallel_loop3A_863 = arith.constant 10 : i32
        %parallel_loop3A_864 = arith.addi %parallel_loop3A_389, %parallel_loop3A_863 : i32
        %parallel_loop3A_865 = arith.index_cast %parallel_loop3A_864 : i32 to index
        %parallel_loop3A_866 = arith.constant 0 : index
        %parallel_loop3A_867 = tpu.vector_load %arg14[%parallel_loop3A_865, %parallel_loop3A_866] {strides = array<i32>} : memref<128x64xf32, #tpu.memory_space<vmem>>, vector<16xf32>,
        %parallel_loop3A_868 = arith.mulf %parallel_loop3A_867, %parallel_loop3A_862 : vector<16xf32>
        %parallel_loop3A_869 = arith.constant 10 : i32
        %parallel_loop3A_870 = arith.addi %parallel_loop3A_389, %parallel_loop3A_869 : i32
        %parallel_loop3A_871 = arith.index_cast %parallel_loop3A_870 : i32 to index
        %parallel_loop3A_872 = arith.constant 0 : index
        %parallel_loop3A_873 = tpu.vector_load %arg14[%parallel_loop3A_871, %parallel_loop3A_872] {strides = array<i32>} : memref<128x64xf32, #tpu.memory_space<vmem>>, vector<16xf32>,
        tpu.vector_store %arg14[%parallel_loop3A_871, %parallel_loop3A_872], %parallel_loop3A_868 {strides = array<i32>} : memref<128x64xf32, #tpu.memory_space<vmem>>, vector<16xf32>,
        %parallel_loop3A_874 = arith.constant 10 : i32
        %parallel_loop3A_875 = arith.addi %parallel_loop3A_389, %parallel_loop3A_874 : i32
        %parallel_loop3A_876 = arith.index_cast %parallel_loop3A_875 : i32 to index
        %parallel_loop3A_877 = arith.constant 16 : index
        %parallel_loop3A_878 = tpu.vector_load %arg14[%parallel_loop3A_876, %parallel_loop3A_877] {strides = array<i32>} : memref<128x64xf32, #tpu.memory_space<vmem>>, vector<16xf32>,
        %parallel_loop3A_879 = arith.mulf %parallel_loop3A_878, %parallel_loop3A_862 : vector<16xf32>
        %parallel_loop3A_880 = arith.constant 10 : i32
        %parallel_loop3A_881 = arith.addi %parallel_loop3A_389, %parallel_loop3A_880 : i32
        %parallel_loop3A_882 = arith.index_cast %parallel_loop3A_881 : i32 to index
        %parallel_loop3A_883 = arith.constant 16 : index
        %parallel_loop3A_884 = tpu.vector_load %arg14[%parallel_loop3A_882, %parallel_loop3A_883] {strides = array<i32>} : memref<128x64xf32, #tpu.memory_space<vmem>>, vector<16xf32>,
        tpu.vector_store %arg14[%parallel_loop3A_882, %parallel_loop3A_883], %parallel_loop3A_879 {strides = array<i32>} : memref<128x64xf32, #tpu.memory_space<vmem>>, vector<16xf32>,
        %parallel_loop3A_885 = arith.constant 10 : i32
        %parallel_loop3A_886 = arith.addi %parallel_loop3A_389, %parallel_loop3A_885 : i32
        %parallel_loop3A_887 = arith.index_cast %parallel_loop3A_886 : i32 to index
        %parallel_loop3A_888 = arith.constant 32 : index
        %parallel_loop3A_889 = tpu.vector_load %arg14[%parallel_loop3A_887, %parallel_loop3A_888] {strides = array<i32>} : memref<128x64xf32, #tpu.memory_space<vmem>>, vector<16xf32>,
        %parallel_loop3A_890 = arith.mulf %parallel_loop3A_889, %parallel_loop3A_862 : vector<16xf32>
        %parallel_loop3A_891 = arith.constant 10 : i32
        %parallel_loop3A_892 = arith.addi %parallel_loop3A_389, %parallel_loop3A_891 : i32
        %parallel_loop3A_893 = arith.index_cast %parallel_loop3A_892 : i32 to index
        %parallel_loop3A_894 = arith.constant 32 : index
        %parallel_loop3A_895 = tpu.vector_load %arg14[%parallel_loop3A_893, %parallel_loop3A_894] {strides = array<i32>} : memref<128x64xf32, #tpu.memory_space<vmem>>, vector<16xf32>,
        tpu.vector_store %arg14[%parallel_loop3A_893, %parallel_loop3A_894], %parallel_loop3A_890 {strides = array<i32>} : memref<128x64xf32, #tpu.memory_space<vmem>>, vector<16xf32>,
        %parallel_loop3A_896 = arith.constant 10 : i32
        %parallel_loop3A_897 = arith.addi %parallel_loop3A_389, %parallel_loop3A_896 : i32
        %parallel_loop3A_898 = arith.index_cast %parallel_loop3A_897 : i32 to index
        %parallel_loop3A_899 = arith.constant 48 : index
        %parallel_loop3A_900 = tpu.vector_load %arg14[%parallel_loop3A_898, %parallel_loop3A_899] {strides = array<i32>} : memref<128x64xf32, #tpu.memory_space<vmem>>, vector<16xf32>,
        %parallel_loop3A_901 = arith.mulf %parallel_loop3A_900, %parallel_loop3A_862 : vector<16xf32>
        %parallel_loop3A_902 = arith.constant 10 : i32
        %parallel_loop3A_903 = arith.addi %parallel_loop3A_389, %parallel_loop3A_902 : i32
        %parallel_loop3A_904 = arith.index_cast %parallel_loop3A_903 : i32 to index
        %parallel_loop3A_905 = arith.constant 48 : index
        %parallel_loop3A_906 = tpu.vector_load %arg14[%parallel_loop3A_904, %parallel_loop3A_905] {strides = array<i32>} : memref<128x64xf32, #tpu.memory_space<vmem>>, vector<16xf32>,
        tpu.vector_store %arg14[%parallel_loop3A_904, %parallel_loop3A_905], %parallel_loop3A_901 {strides = array<i32>} : memref<128x64xf32, #tpu.memory_space<vmem>>, vector<16xf32>,
        %parallel_loop3A_907 = vector.extract_strided_slice %parallel_loop3A_387 {offsets = [11], sizes = [1], strides = [1]} : vector<16xf32> to vector<1xf32>
        %parallel_loop3A_908 = vector.extract %parallel_loop3A_907[0] : f32 from vector<1xf32>
        %parallel_loop3A_909 = vector.broadcast %parallel_loop3A_908 : f32 to vector<16xf32>
        %parallel_loop3A_910 = arith.constant 11 : i32
        %parallel_loop3A_911 = arith.addi %parallel_loop3A_389, %parallel_loop3A_910 : i32
        %parallel_loop3A_912 = arith.index_cast %parallel_loop3A_911 : i32 to index
        %parallel_loop3A_913 = arith.constant 0 : index
        %parallel_loop3A_914 = tpu.vector_load %arg14[%parallel_loop3A_912, %parallel_loop3A_913] {strides = array<i32>} : memref<128x64xf32, #tpu.memory_space<vmem>>, vector<16xf32>,
        %parallel_loop3A_915 = arith.mulf %parallel_loop3A_914, %parallel_loop3A_909 : vector<16xf32>
        %parallel_loop3A_916 = arith.constant 11 : i32
        %parallel_loop3A_917 = arith.addi %parallel_loop3A_389, %parallel_loop3A_916 : i32
        %parallel_loop3A_918 = arith.index_cast %parallel_loop3A_917 : i32 to index
        %parallel_loop3A_919 = arith.constant 0 : index
        %parallel_loop3A_920 = tpu.vector_load %arg14[%parallel_loop3A_918, %parallel_loop3A_919] {strides = array<i32>} : memref<128x64xf32, #tpu.memory_space<vmem>>, vector<16xf32>,
        tpu.vector_store %arg14[%parallel_loop3A_918, %parallel_loop3A_919], %parallel_loop3A_915 {strides = array<i32>} : memref<128x64xf32, #tpu.memory_space<vmem>>, vector<16xf32>,
        %parallel_loop3A_921 = arith.constant 11 : i32
        %parallel_loop3A_922 = arith.addi %parallel_loop3A_389, %parallel_loop3A_921 : i32
        %parallel_loop3A_923 = arith.index_cast %parallel_loop3A_922 : i32 to index
        %parallel_loop3A_924 = arith.constant 16 : index
        %parallel_loop3A_925 = tpu.vector_load %arg14[%parallel_loop3A_923, %parallel_loop3A_924] {strides = array<i32>} : memref<128x64xf32, #tpu.memory_space<vmem>>, vector<16xf32>,
        %parallel_loop3A_926 = arith.mulf %parallel_loop3A_925, %parallel_loop3A_909 : vector<16xf32>
        %parallel_loop3A_927 = arith.constant 11 : i32
        %parallel_loop3A_928 = arith.addi %parallel_loop3A_389, %parallel_loop3A_927 : i32
        %parallel_loop3A_929 = arith.index_cast %parallel_loop3A_928 : i32 to index
        %parallel_loop3A_930 = arith.constant 16 : index
        %parallel_loop3A_931 = tpu.vector_load %arg14[%parallel_loop3A_929, %parallel_loop3A_930] {strides = array<i32>} : memref<128x64xf32, #tpu.memory_space<vmem>>, vector<16xf32>,
        tpu.vector_store %arg14[%parallel_loop3A_929, %parallel_loop3A_930], %parallel_loop3A_926 {strides = array<i32>} : memref<128x64xf32, #tpu.memory_space<vmem>>, vector<16xf32>,
        %parallel_loop3A_932 = arith.constant 11 : i32
        %parallel_loop3A_933 = arith.addi %parallel_loop3A_389, %parallel_loop3A_932 : i32
        %parallel_loop3A_934 = arith.index_cast %parallel_loop3A_933 : i32 to index
        %parallel_loop3A_935 = arith.constant 32 : index
        %parallel_loop3A_936 = tpu.vector_load %arg14[%parallel_loop3A_934, %parallel_loop3A_935] {strides = array<i32>} : memref<128x64xf32, #tpu.memory_space<vmem>>, vector<16xf32>,
        %parallel_loop3A_937 = arith.mulf %parallel_loop3A_936, %parallel_loop3A_909 : vector<16xf32>
        %parallel_loop3A_938 = arith.constant 11 : i32
        %parallel_loop3A_939 = arith.addi %parallel_loop3A_389, %parallel_loop3A_938 : i32
        %parallel_loop3A_940 = arith.index_cast %parallel_loop3A_939 : i32 to index
        %parallel_loop3A_941 = arith.constant 32 : index
        %parallel_loop3A_942 = tpu.vector_load %arg14[%parallel_loop3A_940, %parallel_loop3A_941] {strides = array<i32>} : memref<128x64xf32, #tpu.memory_space<vmem>>, vector<16xf32>,
        tpu.vector_store %arg14[%parallel_loop3A_940, %parallel_loop3A_941], %parallel_loop3A_937 {strides = array<i32>} : memref<128x64xf32, #tpu.memory_space<vmem>>, vector<16xf32>,
        %parallel_loop3A_943 = arith.constant 11 : i32
        %parallel_loop3A_944 = arith.addi %parallel_loop3A_389, %parallel_loop3A_943 : i32
        %parallel_loop3A_945 = arith.index_cast %parallel_loop3A_944 : i32 to index
        %parallel_loop3A_946 = arith.constant 48 : index
        %parallel_loop3A_947 = tpu.vector_load %arg14[%parallel_loop3A_945, %parallel_loop3A_946] {strides = array<i32>} : memref<128x64xf32, #tpu.memory_space<vmem>>, vector<16xf32>,
        %parallel_loop3A_948 = arith.mulf %parallel_loop3A_947, %parallel_loop3A_909 : vector<16xf32>
        %parallel_loop3A_949 = arith.constant 11 : i32
        %parallel_loop3A_950 = arith.addi %parallel_loop3A_389, %parallel_loop3A_949 : i32
        %parallel_loop3A_951 = arith.index_cast %parallel_loop3A_950 : i32 to index
        %parallel_loop3A_952 = arith.constant 48 : index
        %parallel_loop3A_953 = tpu.vector_load %arg14[%parallel_loop3A_951, %parallel_loop3A_952] {strides = array<i32>} : memref<128x64xf32, #tpu.memory_space<vmem>>, vector<16xf32>,
        tpu.vector_store %arg14[%parallel_loop3A_951, %parallel_loop3A_952], %parallel_loop3A_948 {strides = array<i32>} : memref<128x64xf32, #tpu.memory_space<vmem>>, vector<16xf32>,
        %parallel_loop3A_954 = vector.extract_strided_slice %parallel_loop3A_387 {offsets = [12], sizes = [1], strides = [1]} : vector<16xf32> to vector<1xf32>
        %parallel_loop3A_955 = vector.extract %parallel_loop3A_954[0] : f32 from vector<1xf32>
        %parallel_loop3A_956 = vector.broadcast %parallel_loop3A_955 : f32 to vector<16xf32>
        %parallel_loop3A_957 = arith.constant 12 : i32
        %parallel_loop3A_958 = arith.addi %parallel_loop3A_389, %parallel_loop3A_957 : i32
        %parallel_loop3A_959 = arith.index_cast %parallel_loop3A_958 : i32 to index
        %parallel_loop3A_960 = arith.constant 0 : index
        %parallel_loop3A_961 = tpu.vector_load %arg14[%parallel_loop3A_959, %parallel_loop3A_960] {strides = array<i32>} : memref<128x64xf32, #tpu.memory_space<vmem>>, vector<16xf32>,
        %parallel_loop3A_962 = arith.mulf %parallel_loop3A_961, %parallel_loop3A_956 : vector<16xf32>
        %parallel_loop3A_963 = arith.constant 12 : i32
        %parallel_loop3A_964 = arith.addi %parallel_loop3A_389, %parallel_loop3A_963 : i32
        %parallel_loop3A_965 = arith.index_cast %parallel_loop3A_964 : i32 to index
        %parallel_loop3A_966 = arith.constant 0 : index
        %parallel_loop3A_967 = tpu.vector_load %arg14[%parallel_loop3A_965, %parallel_loop3A_966] {strides = array<i32>} : memref<128x64xf32, #tpu.memory_space<vmem>>, vector<16xf32>,
        tpu.vector_store %arg14[%parallel_loop3A_965, %parallel_loop3A_966], %parallel_loop3A_962 {strides = array<i32>} : memref<128x64xf32, #tpu.memory_space<vmem>>, vector<16xf32>,
        %parallel_loop3A_968 = arith.constant 12 : i32
        %parallel_loop3A_969 = arith.addi %parallel_loop3A_389, %parallel_loop3A_968 : i32
        %parallel_loop3A_970 = arith.index_cast %parallel_loop3A_969 : i32 to index
        %parallel_loop3A_971 = arith.constant 16 : index
        %parallel_loop3A_972 = tpu.vector_load %arg14[%parallel_loop3A_970, %parallel_loop3A_971] {strides = array<i32>} : memref<128x64xf32, #tpu.memory_space<vmem>>, vector<16xf32>,
        %parallel_loop3A_973 = arith.mulf %parallel_loop3A_972, %parallel_loop3A_956 : vector<16xf32>
        %parallel_loop3A_974 = arith.constant 12 : i32
        %parallel_loop3A_975 = arith.addi %parallel_loop3A_389, %parallel_loop3A_974 : i32
        %parallel_loop3A_976 = arith.index_cast %parallel_loop3A_975 : i32 to index
        %parallel_loop3A_977 = arith.constant 16 : index
        %parallel_loop3A_978 = tpu.vector_load %arg14[%parallel_loop3A_976, %parallel_loop3A_977] {strides = array<i32>} : memref<128x64xf32, #tpu.memory_space<vmem>>, vector<16xf32>,
        tpu.vector_store %arg14[%parallel_loop3A_976, %parallel_loop3A_977], %parallel_loop3A_973 {strides = array<i32>} : memref<128x64xf32, #tpu.memory_space<vmem>>, vector<16xf32>,
        %parallel_loop3A_979 = arith.constant 12 : i32
        %parallel_loop3A_980 = arith.addi %parallel_loop3A_389, %parallel_loop3A_979 : i32
        %parallel_loop3A_981 = arith.index_cast %parallel_loop3A_980 : i32 to index
        %parallel_loop3A_982 = arith.constant 32 : index
        %parallel_loop3A_983 = tpu.vector_load %arg14[%parallel_loop3A_981, %parallel_loop3A_982] {strides = array<i32>} : memref<128x64xf32, #tpu.memory_space<vmem>>, vector<16xf32>,
        %parallel_loop3A_984 = arith.mulf %parallel_loop3A_983, %parallel_loop3A_956 : vector<16xf32>
        %parallel_loop3A_985 = arith.constant 12 : i32
        %parallel_loop3A_986 = arith.addi %parallel_loop3A_389, %parallel_loop3A_985 : i32
        %parallel_loop3A_987 = arith.index_cast %parallel_loop3A_986 : i32 to index
        %parallel_loop3A_988 = arith.constant 32 : index
        %parallel_loop3A_989 = tpu.vector_load %arg14[%parallel_loop3A_987, %parallel_loop3A_988] {strides = array<i32>} : memref<128x64xf32, #tpu.memory_space<vmem>>, vector<16xf32>,
        tpu.vector_store %arg14[%parallel_loop3A_987, %parallel_loop3A_988], %parallel_loop3A_984 {strides = array<i32>} : memref<128x64xf32, #tpu.memory_space<vmem>>, vector<16xf32>,
        %parallel_loop3A_990 = arith.constant 12 : i32
        %parallel_loop3A_991 = arith.addi %parallel_loop3A_389, %parallel_loop3A_990 : i32
        %parallel_loop3A_992 = arith.index_cast %parallel_loop3A_991 : i32 to index
        %parallel_loop3A_993 = arith.constant 48 : index
        %parallel_loop3A_994 = tpu.vector_load %arg14[%parallel_loop3A_992, %parallel_loop3A_993] {strides = array<i32>} : memref<128x64xf32, #tpu.memory_space<vmem>>, vector<16xf32>,
        %parallel_loop3A_995 = arith.mulf %parallel_loop3A_994, %parallel_loop3A_956 : vector<16xf32>
        %parallel_loop3A_996 = arith.constant 12 : i32
        %parallel_loop3A_997 = arith.addi %parallel_loop3A_389, %parallel_loop3A_996 : i32
        %parallel_loop3A_998 = arith.index_cast %parallel_loop3A_997 : i32 to index
        %parallel_loop3A_999 = arith.constant 48 : index
        %parallel_loop3A_1000 = tpu.vector_load %arg14[%parallel_loop3A_998, %parallel_loop3A_999] {strides = array<i32>} : memref<128x64xf32, #tpu.memory_space<vmem>>, vector<16xf32>,
        tpu.vector_store %arg14[%parallel_loop3A_998, %parallel_loop3A_999], %parallel_loop3A_995 {strides = array<i32>} : memref<128x64xf32, #tpu.memory_space<vmem>>, vector<16xf32>,
        %parallel_loop3A_1001 = vector.extract_strided_slice %parallel_loop3A_387 {offsets = [13], sizes = [1], strides = [1]} : vector<16xf32> to vector<1xf32>
        %parallel_loop3A_1002 = vector.extract %parallel_loop3A_1001[0] : f32 from vector<1xf32>
        %parallel_loop3A_1003 = vector.broadcast %parallel_loop3A_1002 : f32 to vector<16xf32>
        %parallel_loop3A_1004 = arith.constant 13 : i32
        %parallel_loop3A_1005 = arith.addi %parallel_loop3A_389, %parallel_loop3A_1004 : i32
        %parallel_loop3A_1006 = arith.index_cast %parallel_loop3A_1005 : i32 to index
        %parallel_loop3A_1007 = arith.constant 0 : index
        %parallel_loop3A_1008 = tpu.vector_load %arg14[%parallel_loop3A_1006, %parallel_loop3A_1007] {strides = array<i32>} : memref<128x64xf32, #tpu.memory_space<vmem>>, vector<16xf32>,
        %parallel_loop3A_1009 = arith.mulf %parallel_loop3A_1008, %parallel_loop3A_1003 : vector<16xf32>
        %parallel_loop3A_1010 = arith.constant 13 : i32
        %parallel_loop3A_1011 = arith.addi %parallel_loop3A_389, %parallel_loop3A_1010 : i32
        %parallel_loop3A_1012 = arith.index_cast %parallel_loop3A_1011 : i32 to index
        %parallel_loop3A_1013 = arith.constant 0 : index
        %parallel_loop3A_1014 = tpu.vector_load %arg14[%parallel_loop3A_1012, %parallel_loop3A_1013] {strides = array<i32>} : memref<128x64xf32, #tpu.memory_space<vmem>>, vector<16xf32>,
        tpu.vector_store %arg14[%parallel_loop3A_1012, %parallel_loop3A_1013], %parallel_loop3A_1009 {strides = array<i32>} : memref<128x64xf32, #tpu.memory_space<vmem>>, vector<16xf32>,
        %parallel_loop3A_1015 = arith.constant 13 : i32
        %parallel_loop3A_1016 = arith.addi %parallel_loop3A_389, %parallel_loop3A_1015 : i32
        %parallel_loop3A_1017 = arith.index_cast %parallel_loop3A_1016 : i32 to index
        %parallel_loop3A_1018 = arith.constant 16 : index
        %parallel_loop3A_1019 = tpu.vector_load %arg14[%parallel_loop3A_1017, %parallel_loop3A_1018] {strides = array<i32>} : memref<128x64xf32, #tpu.memory_space<vmem>>, vector<16xf32>,
        %parallel_loop3A_1020 = arith.mulf %parallel_loop3A_1019, %parallel_loop3A_1003 : vector<16xf32>
        %parallel_loop3A_1021 = arith.constant 13 : i32
        %parallel_loop3A_1022 = arith.addi %parallel_loop3A_389, %parallel_loop3A_1021 : i32
        %parallel_loop3A_1023 = arith.index_cast %parallel_loop3A_1022 : i32 to index
        %parallel_loop3A_1024 = arith.constant 16 : index
        %parallel_loop3A_1025 = tpu.vector_load %arg14[%parallel_loop3A_1023, %parallel_loop3A_1024] {strides = array<i32>} : memref<128x64xf32, #tpu.memory_space<vmem>>, vector<16xf32>,
        tpu.vector_store %arg14[%parallel_loop3A_1023, %parallel_loop3A_1024], %parallel_loop3A_1020 {strides = array<i32>} : memref<128x64xf32, #tpu.memory_space<vmem>>, vector<16xf32>,
        %parallel_loop3A_1026 = arith.constant 13 : i32
        %parallel_loop3A_1027 = arith.addi %parallel_loop3A_389, %parallel_loop3A_1026 : i32
        %parallel_loop3A_1028 = arith.index_cast %parallel_loop3A_1027 : i32 to index
        %parallel_loop3A_1029 = arith.constant 32 : index
        %parallel_loop3A_1030 = tpu.vector_load %arg14[%parallel_loop3A_1028, %parallel_loop3A_1029] {strides = array<i32>} : memref<128x64xf32, #tpu.memory_space<vmem>>, vector<16xf32>,
        %parallel_loop3A_1031 = arith.mulf %parallel_loop3A_1030, %parallel_loop3A_1003 : vector<16xf32>
        %parallel_loop3A_1032 = arith.constant 13 : i32
        %parallel_loop3A_1033 = arith.addi %parallel_loop3A_389, %parallel_loop3A_1032 : i32
        %parallel_loop3A_1034 = arith.index_cast %parallel_loop3A_1033 : i32 to index
        %parallel_loop3A_1035 = arith.constant 32 : index
        %parallel_loop3A_1036 = tpu.vector_load %arg14[%parallel_loop3A_1034, %parallel_loop3A_1035] {strides = array<i32>} : memref<128x64xf32, #tpu.memory_space<vmem>>, vector<16xf32>,
        tpu.vector_store %arg14[%parallel_loop3A_1034, %parallel_loop3A_1035], %parallel_loop3A_1031 {strides = array<i32>} : memref<128x64xf32, #tpu.memory_space<vmem>>, vector<16xf32>,
        %parallel_loop3A_1037 = arith.constant 13 : i32
        %parallel_loop3A_1038 = arith.addi %parallel_loop3A_389, %parallel_loop3A_1037 : i32
        %parallel_loop3A_1039 = arith.index_cast %parallel_loop3A_1038 : i32 to index
        %parallel_loop3A_1040 = arith.constant 48 : index
        %parallel_loop3A_1041 = tpu.vector_load %arg14[%parallel_loop3A_1039, %parallel_loop3A_1040] {strides = array<i32>} : memref<128x64xf32, #tpu.memory_space<vmem>>, vector<16xf32>,
        %parallel_loop3A_1042 = arith.mulf %parallel_loop3A_1041, %parallel_loop3A_1003 : vector<16xf32>
        %parallel_loop3A_1043 = arith.constant 13 : i32
        %parallel_loop3A_1044 = arith.addi %parallel_loop3A_389, %parallel_loop3A_1043 : i32
        %parallel_loop3A_1045 = arith.index_cast %parallel_loop3A_1044 : i32 to index
        %parallel_loop3A_1046 = arith.constant 48 : index
        %parallel_loop3A_1047 = tpu.vector_load %arg14[%parallel_loop3A_1045, %parallel_loop3A_1046] {strides = array<i32>} : memref<128x64xf32, #tpu.memory_space<vmem>>, vector<16xf32>,
        tpu.vector_store %arg14[%parallel_loop3A_1045, %parallel_loop3A_1046], %parallel_loop3A_1042 {strides = array<i32>} : memref<128x64xf32, #tpu.memory_space<vmem>>, vector<16xf32>,
        %parallel_loop3A_1048 = vector.extract_strided_slice %parallel_loop3A_387 {offsets = [14], sizes = [1], strides = [1]} : vector<16xf32> to vector<1xf32>
        %parallel_loop3A_1049 = vector.extract %parallel_loop3A_1048[0] : f32 from vector<1xf32>
        %parallel_loop3A_1050 = vector.broadcast %parallel_loop3A_1049 : f32 to vector<16xf32>
        %parallel_loop3A_1051 = arith.constant 14 : i32
        %parallel_loop3A_1052 = arith.addi %parallel_loop3A_389, %parallel_loop3A_1051 : i32
        %parallel_loop3A_1053 = arith.index_cast %parallel_loop3A_1052 : i32 to index
        %parallel_loop3A_1054 = arith.constant 0 : index
        %parallel_loop3A_1055 = tpu.vector_load %arg14[%parallel_loop3A_1053, %parallel_loop3A_1054] {strides = array<i32>} : memref<128x64xf32, #tpu.memory_space<vmem>>, vector<16xf32>,
        %parallel_loop3A_1056 = arith.mulf %parallel_loop3A_1055, %parallel_loop3A_1050 : vector<16xf32>
        %parallel_loop3A_1057 = arith.constant 14 : i32
        %parallel_loop3A_1058 = arith.addi %parallel_loop3A_389, %parallel_loop3A_1057 : i32
        %parallel_loop3A_1059 = arith.index_cast %parallel_loop3A_1058 : i32 to index
        %parallel_loop3A_1060 = arith.constant 0 : index
        %parallel_loop3A_1061 = tpu.vector_load %arg14[%parallel_loop3A_1059, %parallel_loop3A_1060] {strides = array<i32>} : memref<128x64xf32, #tpu.memory_space<vmem>>, vector<16xf32>,
        tpu.vector_store %arg14[%parallel_loop3A_1059, %parallel_loop3A_1060], %parallel_loop3A_1056 {strides = array<i32>} : memref<128x64xf32, #tpu.memory_space<vmem>>, vector<16xf32>,
        %parallel_loop3A_1062 = arith.constant 14 : i32
        %parallel_loop3A_1063 = arith.addi %parallel_loop3A_389, %parallel_loop3A_1062 : i32
        %parallel_loop3A_1064 = arith.index_cast %parallel_loop3A_1063 : i32 to index
        %parallel_loop3A_1065 = arith.constant 16 : index
        %parallel_loop3A_1066 = tpu.vector_load %arg14[%parallel_loop3A_1064, %parallel_loop3A_1065] {strides = array<i32>} : memref<128x64xf32, #tpu.memory_space<vmem>>, vector<16xf32>,
        %parallel_loop3A_1067 = arith.mulf %parallel_loop3A_1066, %parallel_loop3A_1050 : vector<16xf32>
        %parallel_loop3A_1068 = arith.constant 14 : i32
        %parallel_loop3A_1069 = arith.addi %parallel_loop3A_389, %parallel_loop3A_1068 : i32
        %parallel_loop3A_1070 = arith.index_cast %parallel_loop3A_1069 : i32 to index
        %parallel_loop3A_1071 = arith.constant 16 : index
        %parallel_loop3A_1072 = tpu.vector_load %arg14[%parallel_loop3A_1070, %parallel_loop3A_1071] {strides = array<i32>} : memref<128x64xf32, #tpu.memory_space<vmem>>, vector<16xf32>,
        tpu.vector_store %arg14[%parallel_loop3A_1070, %parallel_loop3A_1071], %parallel_loop3A_1067 {strides = array<i32>} : memref<128x64xf32, #tpu.memory_space<vmem>>, vector<16xf32>,
        %parallel_loop3A_1073 = arith.constant 14 : i32
        %parallel_loop3A_1074 = arith.addi %parallel_loop3A_389, %parallel_loop3A_1073 : i32
        %parallel_loop3A_1075 = arith.index_cast %parallel_loop3A_1074 : i32 to index
        %parallel_loop3A_1076 = arith.constant 32 : index
        %parallel_loop3A_1077 = tpu.vector_load %arg14[%parallel_loop3A_1075, %parallel_loop3A_1076] {strides = array<i32>} : memref<128x64xf32, #tpu.memory_space<vmem>>, vector<16xf32>,
        %parallel_loop3A_1078 = arith.mulf %parallel_loop3A_1077, %parallel_loop3A_1050 : vector<16xf32>
        %parallel_loop3A_1079 = arith.constant 14 : i32
        %parallel_loop3A_1080 = arith.addi %parallel_loop3A_389, %parallel_loop3A_1079 : i32
        %parallel_loop3A_1081 = arith.index_cast %parallel_loop3A_1080 : i32 to index
        %parallel_loop3A_1082 = arith.constant 32 : index
        %parallel_loop3A_1083 = tpu.vector_load %arg14[%parallel_loop3A_1081, %parallel_loop3A_1082] {strides = array<i32>} : memref<128x64xf32, #tpu.memory_space<vmem>>, vector<16xf32>,
        tpu.vector_store %arg14[%parallel_loop3A_1081, %parallel_loop3A_1082], %parallel_loop3A_1078 {strides = array<i32>} : memref<128x64xf32, #tpu.memory_space<vmem>>, vector<16xf32>,
        %parallel_loop3A_1084 = arith.constant 14 : i32
        %parallel_loop3A_1085 = arith.addi %parallel_loop3A_389, %parallel_loop3A_1084 : i32
        %parallel_loop3A_1086 = arith.index_cast %parallel_loop3A_1085 : i32 to index
        %parallel_loop3A_1087 = arith.constant 48 : index
        %parallel_loop3A_1088 = tpu.vector_load %arg14[%parallel_loop3A_1086, %parallel_loop3A_1087] {strides = array<i32>} : memref<128x64xf32, #tpu.memory_space<vmem>>, vector<16xf32>,
        %parallel_loop3A_1089 = arith.mulf %parallel_loop3A_1088, %parallel_loop3A_1050 : vector<16xf32>
        %parallel_loop3A_1090 = arith.constant 14 : i32
        %parallel_loop3A_1091 = arith.addi %parallel_loop3A_389, %parallel_loop3A_1090 : i32
        %parallel_loop3A_1092 = arith.index_cast %parallel_loop3A_1091 : i32 to index
        %parallel_loop3A_1093 = arith.constant 48 : index
        %parallel_loop3A_1094 = tpu.vector_load %arg14[%parallel_loop3A_1092, %parallel_loop3A_1093] {strides = array<i32>} : memref<128x64xf32, #tpu.memory_space<vmem>>, vector<16xf32>,
        tpu.vector_store %arg14[%parallel_loop3A_1092, %parallel_loop3A_1093], %parallel_loop3A_1089 {strides = array<i32>} : memref<128x64xf32, #tpu.memory_space<vmem>>, vector<16xf32>,
        %parallel_loop3A_1095 = vector.extract_strided_slice %parallel_loop3A_387 {offsets = [15], sizes = [1], strides = [1]} : vector<16xf32> to vector<1xf32>
        %parallel_loop3A_1096 = vector.extract %parallel_loop3A_1095[0] : f32 from vector<1xf32>
        %parallel_loop3A_1097 = vector.broadcast %parallel_loop3A_1096 : f32 to vector<16xf32>
        %parallel_loop3A_1098 = arith.constant 15 : i32
        %parallel_loop3A_1099 = arith.addi %parallel_loop3A_389, %parallel_loop3A_1098 : i32
        %parallel_loop3A_1100 = arith.index_cast %parallel_loop3A_1099 : i32 to index
        %parallel_loop3A_1101 = arith.constant 0 : index
        %parallel_loop3A_1102 = tpu.vector_load %arg14[%parallel_loop3A_1100, %parallel_loop3A_1101] {strides = array<i32>} : memref<128x64xf32, #tpu.memory_space<vmem>>, vector<16xf32>,
        %parallel_loop3A_1103 = arith.mulf %parallel_loop3A_1102, %parallel_loop3A_1097 : vector<16xf32>
        %parallel_loop3A_1104 = arith.constant 15 : i32
        %parallel_loop3A_1105 = arith.addi %parallel_loop3A_389, %parallel_loop3A_1104 : i32
        %parallel_loop3A_1106 = arith.index_cast %parallel_loop3A_1105 : i32 to index
        %parallel_loop3A_1107 = arith.constant 0 : index
        %parallel_loop3A_1108 = tpu.vector_load %arg14[%parallel_loop3A_1106, %parallel_loop3A_1107] {strides = array<i32>} : memref<128x64xf32, #tpu.memory_space<vmem>>, vector<16xf32>,
        tpu.vector_store %arg14[%parallel_loop3A_1106, %parallel_loop3A_1107], %parallel_loop3A_1103 {strides = array<i32>} : memref<128x64xf32, #tpu.memory_space<vmem>>, vector<16xf32>,
        %parallel_loop3A_1109 = arith.constant 15 : i32
        %parallel_loop3A_1110 = arith.addi %parallel_loop3A_389, %parallel_loop3A_1109 : i32
        %parallel_loop3A_1111 = arith.index_cast %parallel_loop3A_1110 : i32 to index
        %parallel_loop3A_1112 = arith.constant 16 : index
        %parallel_loop3A_1113 = tpu.vector_load %arg14[%parallel_loop3A_1111, %parallel_loop3A_1112] {strides = array<i32>} : memref<128x64xf32, #tpu.memory_space<vmem>>, vector<16xf32>,
        %parallel_loop3A_1114 = arith.mulf %parallel_loop3A_1113, %parallel_loop3A_1097 : vector<16xf32>
        %parallel_loop3A_1115 = arith.constant 15 : i32
        %parallel_loop3A_1116 = arith.addi %parallel_loop3A_389, %parallel_loop3A_1115 : i32
        %parallel_loop3A_1117 = arith.index_cast %parallel_loop3A_1116 : i32 to index
        %parallel_loop3A_1118 = arith.constant 16 : index
        %parallel_loop3A_1119 = tpu.vector_load %arg14[%parallel_loop3A_1117, %parallel_loop3A_1118] {strides = array<i32>} : memref<128x64xf32, #tpu.memory_space<vmem>>, vector<16xf32>,
        tpu.vector_store %arg14[%parallel_loop3A_1117, %parallel_loop3A_1118], %parallel_loop3A_1114 {strides = array<i32>} : memref<128x64xf32, #tpu.memory_space<vmem>>, vector<16xf32>,
        %parallel_loop3A_1120 = arith.constant 15 : i32
        %parallel_loop3A_1121 = arith.addi %parallel_loop3A_389, %parallel_loop3A_1120 : i32
        %parallel_loop3A_1122 = arith.index_cast %parallel_loop3A_1121 : i32 to index
        %parallel_loop3A_1123 = arith.constant 32 : index
        %parallel_loop3A_1124 = tpu.vector_load %arg14[%parallel_loop3A_1122, %parallel_loop3A_1123] {strides = array<i32>} : memref<128x64xf32, #tpu.memory_space<vmem>>, vector<16xf32>,
        %parallel_loop3A_1125 = arith.mulf %parallel_loop3A_1124, %parallel_loop3A_1097 : vector<16xf32>
        %parallel_loop3A_1126 = arith.constant 15 : i32
        %parallel_loop3A_1127 = arith.addi %parallel_loop3A_389, %parallel_loop3A_1126 : i32
        %parallel_loop3A_1128 = arith.index_cast %parallel_loop3A_1127 : i32 to index
        %parallel_loop3A_1129 = arith.constant 32 : index
        %parallel_loop3A_1130 = tpu.vector_load %arg14[%parallel_loop3A_1128, %parallel_loop3A_1129] {strides = array<i32>} : memref<128x64xf32, #tpu.memory_space<vmem>>, vector<16xf32>,
        tpu.vector_store %arg14[%parallel_loop3A_1128, %parallel_loop3A_1129], %parallel_loop3A_1125 {strides = array<i32>} : memref<128x64xf32, #tpu.memory_space<vmem>>, vector<16xf32>,
        %parallel_loop3A_1131 = arith.constant 15 : i32
        %parallel_loop3A_1132 = arith.addi %parallel_loop3A_389, %parallel_loop3A_1131 : i32
        %parallel_loop3A_1133 = arith.index_cast %parallel_loop3A_1132 : i32 to index
        %parallel_loop3A_1134 = arith.constant 48 : index
        %parallel_loop3A_1135 = tpu.vector_load %arg14[%parallel_loop3A_1133, %parallel_loop3A_1134] {strides = array<i32>} : memref<128x64xf32, #tpu.memory_space<vmem>>, vector<16xf32>,
        %parallel_loop3A_1136 = arith.mulf %parallel_loop3A_1135, %parallel_loop3A_1097 : vector<16xf32>
        %parallel_loop3A_1137 = arith.constant 15 : i32
        %parallel_loop3A_1138 = arith.addi %parallel_loop3A_389, %parallel_loop3A_1137 : i32
        %parallel_loop3A_1139 = arith.index_cast %parallel_loop3A_1138 : i32 to index
        %parallel_loop3A_1140 = arith.constant 48 : index
        %parallel_loop3A_1141 = tpu.vector_load %arg14[%parallel_loop3A_1139, %parallel_loop3A_1140] {strides = array<i32>} : memref<128x64xf32, #tpu.memory_space<vmem>>, vector<16xf32>,
        tpu.vector_store %arg14[%parallel_loop3A_1139, %parallel_loop3A_1140], %parallel_loop3A_1136 {strides = array<i32>} : memref<128x64xf32, #tpu.memory_space<vmem>>, vector<16xf32>,
      } {sc.loop_unroll_factor = 4 : i64, sc.parallel_access}
      %ge3A = arith.constant 1 : i32
      %ge3A_208 = arith.cmpi sge, %add3A_172, %ge3A : i32
      %convert_element_type3A = arith.extui %ge3A_208 : i1 to i32
      %cond3A = arith.constant 0 : i32
      %cond3A_209 = arith.cmpi ne, %convert_element_type3A, %cond3A : i32
      scf.if %cond3A_209 {
        %sub3A_363 = arith.constant 1 : i32
        %sub3A_364 = arith.subi %add3A_174, %sub3A_363 : i32
        %dma_wait3A_365 = arith.constant 0 : i32
        %dma_wait3A_366 = tpu.memref_slice %arg10[%sub3A_364, %dma_wait3A_365] : memref<159x128xi32, #tpu.memory_space<vmem>> -> memref<1x128xi32, #tpu.memory_space<vmem>>
        %dma_wait3A_367 = tpu.memref_squeeze %dma_wait3A_366 : memref<1x128xi32, #tpu.memory_space<vmem>> -> memref<128xi32, #tpu.memory_space<vmem>>
        %dma_wait3A_368 = arith.constant 0 : i32
        %dma_wait3A_369 = arith.constant 0 : i32
        %dma_wait3A_370 = tpu.memref_slice %arg17[%dma_wait3A_368, %dma_wait3A_369] : memref<10240x64xf32, #tpu.memory_space<vmem_shared>> -> memref<10240x64xf32, #tpu.memory_space<vmem_shared>>
        tpu.wait_indirect_dma semaphore(%arg23 : memref<!tpu.dma_semaphore, #tpu.memory_space<semaphore_mem>>) src(%arg16 : memref<128x64xf32, #tpu.memory_space<vmem>>) dst(%dma_wait3A_370 : memref<10240x64xf32, #tpu.memory_space<vmem_shared>>)
      } else {
      }
      %add3A_210 = arith.constant 2 : i32
      %add3A_211 = arith.addi %add3A_174, %add3A_210 : i32
      %dma_start3A_212 = arith.constant 0 : i32
      %dma_start3A_213 = arith.constant 0 : i32
      %dma_start3A_214 = tpu.memref_slice %arg16[%dma_start3A_212, %dma_start3A_213] : memref<128x64xf32, #tpu.memory_space<vmem>> -> memref<64x64xf32, #tpu.memory_space<vmem>>
      %dma_start3A_215 = arith.constant 0 : i32
      %dma_start3A_216 = tpu.memref_slice %arg9[%add3A_211, %dma_start3A_215] : memref<159x128xi32, #tpu.memory_space<vmem>> -> memref<1x64xi32, #tpu.memory_space<vmem>>
      %dma_start3A_217 = tpu.memref_squeeze %dma_start3A_216 : memref<1x64xi32, #tpu.memory_space<vmem>> -> memref<64xi32, #tpu.memory_space<vmem>>
      %dma_start3A_218 = arith.constant 0 : i32
      %dma_start3A_219 = arith.constant 0 : i32
      %dma_start3A_220 = tpu.memref_slice %arg2[%dma_start3A_218, %dma_start3A_219] : memref<20032x64xf32, #tpu.memory_space<hbm>> -> memref<20032x64xf32, #tpu.memory_space<hbm>>
      tpu.enqueue_indirect_dma source(%dma_start3A_220 : memref<20032x64xf32, #tpu.memory_space<hbm>>) target(%dma_start3A_214 : memref<64x64xf32, #tpu.memory_space<vmem>>) offsets(%dma_start3A_217 : memref<64xi32, #tpu.memory_space<vmem>>) semaphore(%arg20 : memref<!tpu.dma_semaphore, #tpu.memory_space<semaphore_mem>>)
      %dma_start3A_221 = arith.constant 64 : i32
      %dma_start3A_222 = arith.constant 0 : i32
      %dma_start3A_223 = tpu.memref_slice %arg16[%dma_start3A_221, %dma_start3A_222] : memref<128x64xf32, #tpu.memory_space<vmem>> -> memref<64x64xf32, #tpu.memory_space<vmem>>
      %dma_start3A_224 = arith.constant 64 : i32
      %dma_start3A_225 = tpu.memref_slice %arg9[%add3A_211, %dma_start3A_224] : memref<159x128xi32, #tpu.memory_space<vmem>> -> memref<1x64xi32, #tpu.memory_space<vmem>>
      %dma_start3A_226 = tpu.memref_squeeze %dma_start3A_225 : memref<1x64xi32, #tpu.memory_space<vmem>> -> memref<64xi32, #tpu.memory_space<vmem>>
      %dma_start3A_227 = arith.constant 0 : i32
      %dma_start3A_228 = arith.constant 0 : i32
      %dma_start3A_229 = tpu.memref_slice %arg2[%dma_start3A_227, %dma_start3A_228] : memref<20032x64xf32, #tpu.memory_space<hbm>> -> memref<20032x64xf32, #tpu.memory_space<hbm>>
      tpu.enqueue_indirect_dma source(%dma_start3A_229 : memref<20032x64xf32, #tpu.memory_space<hbm>>) target(%dma_start3A_223 : memref<64x64xf32, #tpu.memory_space<vmem>>) offsets(%dma_start3A_226 : memref<64xi32, #tpu.memory_space<vmem>>) semaphore(%arg29 : memref<!tpu.dma_semaphore, #tpu.memory_space<semaphore_mem>>)
      %add3A_230 = arith.constant 2 : i32
      %add3A_231 = arith.addi %add3A_174, %add3A_230 : i32
      %dma_start3A_232 = arith.constant 2 : i32
      %dma_start3A_233 = arith.constant 0 : i32
      %dma_start3A_234 = tpu.memref_slice %arg13[%dma_start3A_232, %dma_start3A_233] : memref<3x128xi32, #tpu.memory_space<vmem>> -> memref<1x128xi32, #tpu.memory_space<vmem>>
      %dma_start3A_235 = tpu.memref_squeeze %dma_start3A_234 : memref<1x128xi32, #tpu.memory_space<vmem>> -> memref<128xi32, #tpu.memory_space<vmem>>
      %dma_start3A_236 = arith.constant 0 : i32
      %dma_start3A_237 = tpu.memref_slice %arg7[%arg1, %add3A_231, %dma_start3A_236] : memref<16x159x128xi32, #tpu.memory_space<hbm>> -> memref<1x1x128xi32, #tpu.memory_space<hbm>>
      %dma_start3A_238 = tpu.memref_squeeze %dma_start3A_237 : memref<1x1x128xi32, #tpu.memory_space<hbm>> -> memref<128xi32, #tpu.memory_space<hbm>>
      %dma_start3A_239 = arith.constant 0 : i32
      %dma_start3A_240 = tpu.memref_slice %arg13[%dma_start3A_232, %dma_start3A_239] : memref<3x128xi32, #tpu.memory_space<vmem>> -> memref<1x128xi32, #tpu.memory_space<vmem>>
      %dma_start3A_241 = tpu.memref_squeeze %dma_start3A_240 : memref<1x128xi32, #tpu.memory_space<vmem>> -> memref<128xi32, #tpu.memory_space<vmem>>
      %dma_start3A_242 = arith.constant 0 : i32
      %dma_start3A_243 = tpu.memref_slice %arg7[%arg1, %add3A_231, %dma_start3A_242] : memref<16x159x128xi32, #tpu.memory_space<hbm>> -> memref<1x1x128xi32, #tpu.memory_space<hbm>>
      %dma_start3A_244 = tpu.memref_squeeze %dma_start3A_243 : memref<1x1x128xi32, #tpu.memory_space<hbm>> -> memref<128xi32, #tpu.memory_space<hbm>>
      tpu.enqueue_dma source(%dma_start3A_244 : memref<128xi32, #tpu.memory_space<hbm>>) target(%dma_start3A_241 : memref<128xi32, #tpu.memory_space<vmem>>) target_semaphore(%arg26 : memref<!tpu.dma_semaphore, #tpu.memory_space<semaphore_mem>>)
      %dma_start3A_245 = arith.constant 0 : i32
      %dma_start3A_246 = tpu.memref_slice %arg10[%add3A_174, %dma_start3A_245] : memref<159x128xi32, #tpu.memory_space<vmem>> -> memref<1x128xi32, #tpu.memory_space<vmem>>
      %dma_start3A_247 = tpu.memref_squeeze %dma_start3A_246 : memref<1x128xi32, #tpu.memory_space<vmem>> -> memref<128xi32, #tpu.memory_space<vmem>>
      %dma_start3A_248 = arith.constant 0 : i32
      %dma_start3A_249 = arith.constant 0 : i32
      %dma_start3A_250 = tpu.memref_slice %arg17[%dma_start3A_248, %dma_start3A_249] : memref<10240x64xf32, #tpu.memory_space<vmem_shared>> -> memref<10240x64xf32, #tpu.memory_space<vmem_shared>>
      tpu.enqueue_indirect_dma source(%arg14 : memref<128x64xf32, #tpu.memory_space<vmem>>) target(%dma_start3A_250 : memref<10240x64xf32, #tpu.memory_space<vmem_shared>>) offsets(%dma_start3A_247 : memref<128xi32, #tpu.memory_space<vmem>>) semaphore(%arg21 : memref<!tpu.dma_semaphore, #tpu.memory_space<semaphore_mem>>) {add = true}
      %add3A_251 = arith.constant 1 : i32
      %add3A_252 = arith.addi %add3A_172, %add3A_251 : i32
      %dma_wait3A_253 = arith.constant 0 : i32
      %dma_wait3A_254 = arith.constant 0 : i32
      %dma_wait3A_255 = tpu.memref_slice %arg15[%dma_wait3A_253, %dma_wait3A_254] : memref<128x64xf32, #tpu.memory_space<vmem>> -> memref<64x64xf32, #tpu.memory_space<vmem>>
      %dma_wait3A_256 = arith.constant 0 : i32
      %dma_wait3A_257 = tpu.memref_slice %arg9[%add3A_252, %dma_wait3A_256] : memref<159x128xi32, #tpu.memory_space<vmem>> -> memref<1x64xi32, #tpu.memory_space<vmem>>
      %dma_wait3A_258 = tpu.memref_squeeze %dma_wait3A_257 : memref<1x64xi32, #tpu.memory_space<vmem>> -> memref<64xi32, #tpu.memory_space<vmem>>
      %dma_wait3A_259 = arith.constant 0 : i32
      %dma_wait3A_260 = arith.constant 0 : i32
      %dma_wait3A_261 = tpu.memref_slice %arg2[%dma_wait3A_259, %dma_wait3A_260] : memref<20032x64xf32, #tpu.memory_space<hbm>> -> memref<20032x64xf32, #tpu.memory_space<hbm>>
      tpu.wait_indirect_dma semaphore(%arg19 : memref<!tpu.dma_semaphore, #tpu.memory_space<semaphore_mem>>) src(%dma_wait3A_261 : memref<20032x64xf32, #tpu.memory_space<hbm>>) dst(%dma_wait3A_255 : memref<64x64xf32, #tpu.memory_space<vmem>>)
      %dma_wait3A_262 = arith.constant 64 : i32
      %dma_wait3A_263 = arith.constant 0 : i32
      %dma_wait3A_264 = tpu.memref_slice %arg15[%dma_wait3A_262, %dma_wait3A_263] : memref<128x64xf32, #tpu.memory_space<vmem>> -> memref<64x64xf32, #tpu.memory_space<vmem>>
      %dma_wait3A_265 = arith.constant 64 : i32
      %dma_wait3A_266 = tpu.memref_slice %arg9[%add3A_252, %dma_wait3A_265] : memref<159x128xi32, #tpu.memory_space<vmem>> -> memref<1x64xi32, #tpu.memory_space<vmem>>
      %dma_wait3A_267 = tpu.memref_squeeze %dma_wait3A_266 : memref<1x64xi32, #tpu.memory_space<vmem>> -> memref<64xi32, #tpu.memory_space<vmem>>
      %dma_wait3A_268 = arith.constant 0 : i32
      %dma_wait3A_269 = arith.constant 0 : i32
      %dma_wait3A_270 = tpu.memref_slice %arg2[%dma_wait3A_268, %dma_wait3A_269] : memref<20032x64xf32, #tpu.memory_space<hbm>> -> memref<20032x64xf32, #tpu.memory_space<hbm>>
      tpu.wait_indirect_dma semaphore(%arg28 : memref<!tpu.dma_semaphore, #tpu.memory_space<semaphore_mem>>) src(%dma_wait3A_270 : memref<20032x64xf32, #tpu.memory_space<hbm>>) dst(%dma_wait3A_264 : memref<64x64xf32, #tpu.memory_space<vmem>>)
      %dma_wait3A_271 = arith.constant 1 : i32
      %dma_wait3A_272 = arith.constant 0 : i32
      %dma_wait3A_273 = tpu.memref_slice %arg13[%dma_wait3A_271, %dma_wait3A_272] : memref<3x128xi32, #tpu.memory_space<vmem>> -> memref<1x128xi32, #tpu.memory_space<vmem>>
      %dma_wait3A_274 = tpu.memref_squeeze %dma_wait3A_273 : memref<1x128xi32, #tpu.memory_space<vmem>> -> memref<128xi32, #tpu.memory_space<vmem>>
      %dma_wait3A_275 = arith.constant 0 : i32
      %dma_wait3A_276 = tpu.memref_slice %arg7[%arg1, %add3A_252, %dma_wait3A_275] : memref<16x159x128xi32, #tpu.memory_space<hbm>> -> memref<1x1x128xi32, #tpu.memory_space<hbm>>
      %dma_wait3A_277 = tpu.memref_squeeze %dma_wait3A_276 : memref<1x1x128xi32, #tpu.memory_space<hbm>> -> memref<128xi32, #tpu.memory_space<hbm>>
      %dma_wait3A_278 = arith.constant 0 : i32
      %dma_wait3A_279 = tpu.memref_slice %arg13[%dma_wait3A_271, %dma_wait3A_278] : memref<3x128xi32, #tpu.memory_space<vmem>> -> memref<1x128xi32, #tpu.memory_space<vmem>>
      %dma_wait3A_280 = tpu.memref_squeeze %dma_wait3A_279 : memref<1x128xi32, #tpu.memory_space<vmem>> -> memref<128xi32, #tpu.memory_space<vmem>>
      %dma_wait3A_281 = arith.constant 0 : i32
      %dma_wait3A_282 = tpu.memref_slice %arg7[%arg1, %add3A_252, %dma_wait3A_281] : memref<16x159x128xi32, #tpu.memory_space<hbm>> -> memref<1x1x128xi32, #tpu.memory_space<hbm>>
      %dma_wait3A_283 = tpu.memref_squeeze %dma_wait3A_282 : memref<1x1x128xi32, #tpu.memory_space<hbm>> -> memref<128xi32, #tpu.memory_space<hbm>>
      tpu.wait_dma2 semaphore(%arg25 : memref<!tpu.dma_semaphore, #tpu.memory_space<semaphore_mem>>) src(%dma_wait3A_283 : memref<128xi32, #tpu.memory_space<hbm>>) dst(%dma_wait3A_280 : memref<128xi32, #tpu.memory_space<vmem>>)
      %parallel_loop3A_284 = arith.constant 0 : i32
      %parallel_loop3A_285 = arith.constant 8 : i32
      %parallel_loop3A_286 = arith.constant 1 : i32
      scf.for %parallel_loop3A_363 = %parallel_loop3A_284 to %parallel_loop3A_285 step %parallel_loop3A_286  : i32 {
        %parallel_loop3A_364 = arith.constant 16 : i32
        %parallel_loop3A_365 = arith.muli %parallel_loop3A_363, %parallel_loop3A_364 : i32
        %parallel_loop3A_366 = arith.index_cast %add3A_252 : i32 to index
        %parallel_loop3A_367 = arith.index_cast %parallel_loop3A_365 : i32 to index
        %parallel_loop3A_368 = tpu.vector_load %arg9[%parallel_loop3A_366, %parallel_loop3A_367] {strides = array<i32>} : memref<159x128xi32, #tpu.memory_space<vmem>>, vector<16xi32>,
        %parallel_loop3A_369 = vector.broadcast %mul3A_33 : i32 to vector<16xi32>
        %parallel_loop3A_370 = arith.subi %parallel_loop3A_368, %parallel_loop3A_369 : vector<16xi32>
        %parallel_loop3A_371 = arith.constant 1 : i32
        %parallel_loop3A_372 = arith.index_cast %parallel_loop3A_371 : i32 to index
        %parallel_loop3A_373 = arith.index_cast %parallel_loop3A_365 : i32 to index
        %parallel_loop3A_374 = tpu.vector_load %arg13[%parallel_loop3A_372, %parallel_loop3A_373] {strides = array<i32>} : memref<3x128xi32, #tpu.memory_space<vmem>>, vector<16xi32>,
        %parallel_loop3A_375 = tpu.vector_load_idx %arg11[%parallel_loop3A_370] : memref<10016xf32, #tpu.memory_space<vmem>>[vector<16xi32>], vector<16xf32>,
        %parallel_loop3A_376 = tpu.vector_load_idx %arg12[%parallel_loop3A_374] : memref<64xf32, #tpu.memory_space<vmem>>[vector<16xi32>], vector<16xf32>,
        %parallel_loop3A_377 = arith.addf %parallel_loop3A_375, %parallel_loop3A_376 : vector<16xf32>
        %parallel_loop3A_378 = arith.constant 0.000000e+00 : f32
        %parallel_loop3A_379 = vector.broadcast %parallel_loop3A_378 : f32 to vector<16xf32>
        %parallel_loop3A_380 = arith.subf %parallel_loop3A_379, %parallel_loop3A_377 : vector<16xf32>
        %parallel_loop3A_381 = math.exp %parallel_loop3A_380 : vector<16xf32>
        %parallel_loop3A_382 = arith.constant 1.000000e+00 : f32
        %parallel_loop3A_383 = vector.broadcast %parallel_loop3A_382 : f32 to vector<16xf32>
        %parallel_loop3A_384 = arith.addf %parallel_loop3A_383, %parallel_loop3A_381 : vector<16xf32>
        %parallel_loop3A_385 = arith.constant 1.000000e+00 : f32
        %parallel_loop3A_386 = vector.broadcast %parallel_loop3A_385 : f32 to vector<16xf32>
        %parallel_loop3A_387 = arith.divf %parallel_loop3A_386, %parallel_loop3A_384 : vector<16xf32>
        %parallel_loop3A_388 = arith.constant 16 : i32
        %parallel_loop3A_389 = arith.muli %parallel_loop3A_363, %parallel_loop3A_388 : i32
        %parallel_loop3A_390 = vector.extract_strided_slice %parallel_loop3A_387 {offsets = [0], sizes = [1], strides = [1]} : vector<16xf32> to vector<1xf32>
        %parallel_loop3A_391 = vector.extract %parallel_loop3A_390[0] : f32 from vector<1xf32>
        %parallel_loop3A_392 = vector.broadcast %parallel_loop3A_391 : f32 to vector<16xf32>
        %parallel_loop3A_393 = arith.constant 0 : i32
        %parallel_loop3A_394 = arith.addi %parallel_loop3A_389, %parallel_loop3A_393 : i32
        %parallel_loop3A_395 = arith.index_cast %parallel_loop3A_394 : i32 to index
        %parallel_loop3A_396 = arith.constant 0 : index
        %parallel_loop3A_397 = tpu.vector_load %arg15[%parallel_loop3A_395, %parallel_loop3A_396] {strides = array<i32>} : memref<128x64xf32, #tpu.memory_space<vmem>>, vector<16xf32>,
        %parallel_loop3A_398 = arith.mulf %parallel_loop3A_397, %parallel_loop3A_392 : vector<16xf32>
        %parallel_loop3A_399 = arith.constant 0 : i32
        %parallel_loop3A_400 = arith.addi %parallel_loop3A_389, %parallel_loop3A_399 : i32
        %parallel_loop3A_401 = arith.index_cast %parallel_loop3A_400 : i32 to index
        %parallel_loop3A_402 = arith.constant 0 : index
        %parallel_loop3A_403 = tpu.vector_load %arg15[%parallel_loop3A_401, %parallel_loop3A_402] {strides = array<i32>} : memref<128x64xf32, #tpu.memory_space<vmem>>, vector<16xf32>,
        tpu.vector_store %arg15[%parallel_loop3A_401, %parallel_loop3A_402], %parallel_loop3A_398 {strides = array<i32>} : memref<128x64xf32, #tpu.memory_space<vmem>>, vector<16xf32>,
        %parallel_loop3A_404 = arith.constant 0 : i32
        %parallel_loop3A_405 = arith.addi %parallel_loop3A_389, %parallel_loop3A_404 : i32
        %parallel_loop3A_406 = arith.index_cast %parallel_loop3A_405 : i32 to index
        %parallel_loop3A_407 = arith.constant 16 : index
        %parallel_loop3A_408 = tpu.vector_load %arg15[%parallel_loop3A_406, %parallel_loop3A_407] {strides = array<i32>} : memref<128x64xf32, #tpu.memory_space<vmem>>, vector<16xf32>,
        %parallel_loop3A_409 = arith.mulf %parallel_loop3A_408, %parallel_loop3A_392 : vector<16xf32>
        %parallel_loop3A_410 = arith.constant 0 : i32
        %parallel_loop3A_411 = arith.addi %parallel_loop3A_389, %parallel_loop3A_410 : i32
        %parallel_loop3A_412 = arith.index_cast %parallel_loop3A_411 : i32 to index
        %parallel_loop3A_413 = arith.constant 16 : index
        %parallel_loop3A_414 = tpu.vector_load %arg15[%parallel_loop3A_412, %parallel_loop3A_413] {strides = array<i32>} : memref<128x64xf32, #tpu.memory_space<vmem>>, vector<16xf32>,
        tpu.vector_store %arg15[%parallel_loop3A_412, %parallel_loop3A_413], %parallel_loop3A_409 {strides = array<i32>} : memref<128x64xf32, #tpu.memory_space<vmem>>, vector<16xf32>,
        %parallel_loop3A_415 = arith.constant 0 : i32
        %parallel_loop3A_416 = arith.addi %parallel_loop3A_389, %parallel_loop3A_415 : i32
        %parallel_loop3A_417 = arith.index_cast %parallel_loop3A_416 : i32 to index
        %parallel_loop3A_418 = arith.constant 32 : index
        %parallel_loop3A_419 = tpu.vector_load %arg15[%parallel_loop3A_417, %parallel_loop3A_418] {strides = array<i32>} : memref<128x64xf32, #tpu.memory_space<vmem>>, vector<16xf32>,
        %parallel_loop3A_420 = arith.mulf %parallel_loop3A_419, %parallel_loop3A_392 : vector<16xf32>
        %parallel_loop3A_421 = arith.constant 0 : i32
        %parallel_loop3A_422 = arith.addi %parallel_loop3A_389, %parallel_loop3A_421 : i32
        %parallel_loop3A_423 = arith.index_cast %parallel_loop3A_422 : i32 to index
        %parallel_loop3A_424 = arith.constant 32 : index
        %parallel_loop3A_425 = tpu.vector_load %arg15[%parallel_loop3A_423, %parallel_loop3A_424] {strides = array<i32>} : memref<128x64xf32, #tpu.memory_space<vmem>>, vector<16xf32>,
        tpu.vector_store %arg15[%parallel_loop3A_423, %parallel_loop3A_424], %parallel_loop3A_420 {strides = array<i32>} : memref<128x64xf32, #tpu.memory_space<vmem>>, vector<16xf32>,
        %parallel_loop3A_426 = arith.constant 0 : i32
        %parallel_loop3A_427 = arith.addi %parallel_loop3A_389, %parallel_loop3A_426 : i32
        %parallel_loop3A_428 = arith.index_cast %parallel_loop3A_427 : i32 to index
        %parallel_loop3A_429 = arith.constant 48 : index
        %parallel_loop3A_430 = tpu.vector_load %arg15[%parallel_loop3A_428, %parallel_loop3A_429] {strides = array<i32>} : memref<128x64xf32, #tpu.memory_space<vmem>>, vector<16xf32>,
        %parallel_loop3A_431 = arith.mulf %parallel_loop3A_430, %parallel_loop3A_392 : vector<16xf32>
        %parallel_loop3A_432 = arith.constant 0 : i32
        %parallel_loop3A_433 = arith.addi %parallel_loop3A_389, %parallel_loop3A_432 : i32
        %parallel_loop3A_434 = arith.index_cast %parallel_loop3A_433 : i32 to index
        %parallel_loop3A_435 = arith.constant 48 : index
        %parallel_loop3A_436 = tpu.vector_load %arg15[%parallel_loop3A_434, %parallel_loop3A_435] {strides = array<i32>} : memref<128x64xf32, #tpu.memory_space<vmem>>, vector<16xf32>,
        tpu.vector_store %arg15[%parallel_loop3A_434, %parallel_loop3A_435], %parallel_loop3A_431 {strides = array<i32>} : memref<128x64xf32, #tpu.memory_space<vmem>>, vector<16xf32>,
        %parallel_loop3A_437 = vector.extract_strided_slice %parallel_loop3A_387 {offsets = [1], sizes = [1], strides = [1]} : vector<16xf32> to vector<1xf32>
        %parallel_loop3A_438 = vector.extract %parallel_loop3A_437[0] : f32 from vector<1xf32>
        %parallel_loop3A_439 = vector.broadcast %parallel_loop3A_438 : f32 to vector<16xf32>
        %parallel_loop3A_440 = arith.constant 1 : i32
        %parallel_loop3A_441 = arith.addi %parallel_loop3A_389, %parallel_loop3A_440 : i32
        %parallel_loop3A_442 = arith.index_cast %parallel_loop3A_441 : i32 to index
        %parallel_loop3A_443 = arith.constant 0 : index
        %parallel_loop3A_444 = tpu.vector_load %arg15[%parallel_loop3A_442, %parallel_loop3A_443] {strides = array<i32>} : memref<128x64xf32, #tpu.memory_space<vmem>>, vector<16xf32>,
        %parallel_loop3A_445 = arith.mulf %parallel_loop3A_444, %parallel_loop3A_439 : vector<16xf32>
        %parallel_loop3A_446 = arith.constant 1 : i32
        %parallel_loop3A_447 = arith.addi %parallel_loop3A_389, %parallel_loop3A_446 : i32
        %parallel_loop3A_448 = arith.index_cast %parallel_loop3A_447 : i32 to index
        %parallel_loop3A_449 = arith.constant 0 : index
        %parallel_loop3A_450 = tpu.vector_load %arg15[%parallel_loop3A_448, %parallel_loop3A_449] {strides = array<i32>} : memref<128x64xf32, #tpu.memory_space<vmem>>, vector<16xf32>,
        tpu.vector_store %arg15[%parallel_loop3A_448, %parallel_loop3A_449], %parallel_loop3A_445 {strides = array<i32>} : memref<128x64xf32, #tpu.memory_space<vmem>>, vector<16xf32>,
        %parallel_loop3A_451 = arith.constant 1 : i32
        %parallel_loop3A_452 = arith.addi %parallel_loop3A_389, %parallel_loop3A_451 : i32
        %parallel_loop3A_453 = arith.index_cast %parallel_loop3A_452 : i32 to index
        %parallel_loop3A_454 = arith.constant 16 : index
        %parallel_loop3A_455 = tpu.vector_load %arg15[%parallel_loop3A_453, %parallel_loop3A_454] {strides = array<i32>} : memref<128x64xf32, #tpu.memory_space<vmem>>, vector<16xf32>,
        %parallel_loop3A_456 = arith.mulf %parallel_loop3A_455, %parallel_loop3A_439 : vector<16xf32>
        %parallel_loop3A_457 = arith.constant 1 : i32
        %parallel_loop3A_458 = arith.addi %parallel_loop3A_389, %parallel_loop3A_457 : i32
        %parallel_loop3A_459 = arith.index_cast %parallel_loop3A_458 : i32 to index
        %parallel_loop3A_460 = arith.constant 16 : index
        %parallel_loop3A_461 = tpu.vector_load %arg15[%parallel_loop3A_459, %parallel_loop3A_460] {strides = array<i32>} : memref<128x64xf32, #tpu.memory_space<vmem>>, vector<16xf32>,
        tpu.vector_store %arg15[%parallel_loop3A_459, %parallel_loop3A_460], %parallel_loop3A_456 {strides = array<i32>} : memref<128x64xf32, #tpu.memory_space<vmem>>, vector<16xf32>,
        %parallel_loop3A_462 = arith.constant 1 : i32
        %parallel_loop3A_463 = arith.addi %parallel_loop3A_389, %parallel_loop3A_462 : i32
        %parallel_loop3A_464 = arith.index_cast %parallel_loop3A_463 : i32 to index
        %parallel_loop3A_465 = arith.constant 32 : index
        %parallel_loop3A_466 = tpu.vector_load %arg15[%parallel_loop3A_464, %parallel_loop3A_465] {strides = array<i32>} : memref<128x64xf32, #tpu.memory_space<vmem>>, vector<16xf32>,
        %parallel_loop3A_467 = arith.mulf %parallel_loop3A_466, %parallel_loop3A_439 : vector<16xf32>
        %parallel_loop3A_468 = arith.constant 1 : i32
        %parallel_loop3A_469 = arith.addi %parallel_loop3A_389, %parallel_loop3A_468 : i32
        %parallel_loop3A_470 = arith.index_cast %parallel_loop3A_469 : i32 to index
        %parallel_loop3A_471 = arith.constant 32 : index
        %parallel_loop3A_472 = tpu.vector_load %arg15[%parallel_loop3A_470, %parallel_loop3A_471] {strides = array<i32>} : memref<128x64xf32, #tpu.memory_space<vmem>>, vector<16xf32>,
        tpu.vector_store %arg15[%parallel_loop3A_470, %parallel_loop3A_471], %parallel_loop3A_467 {strides = array<i32>} : memref<128x64xf32, #tpu.memory_space<vmem>>, vector<16xf32>,
        %parallel_loop3A_473 = arith.constant 1 : i32
        %parallel_loop3A_474 = arith.addi %parallel_loop3A_389, %parallel_loop3A_473 : i32
        %parallel_loop3A_475 = arith.index_cast %parallel_loop3A_474 : i32 to index
        %parallel_loop3A_476 = arith.constant 48 : index
        %parallel_loop3A_477 = tpu.vector_load %arg15[%parallel_loop3A_475, %parallel_loop3A_476] {strides = array<i32>} : memref<128x64xf32, #tpu.memory_space<vmem>>, vector<16xf32>,
        %parallel_loop3A_478 = arith.mulf %parallel_loop3A_477, %parallel_loop3A_439 : vector<16xf32>
        %parallel_loop3A_479 = arith.constant 1 : i32
        %parallel_loop3A_480 = arith.addi %parallel_loop3A_389, %parallel_loop3A_479 : i32
        %parallel_loop3A_481 = arith.index_cast %parallel_loop3A_480 : i32 to index
        %parallel_loop3A_482 = arith.constant 48 : index
        %parallel_loop3A_483 = tpu.vector_load %arg15[%parallel_loop3A_481, %parallel_loop3A_482] {strides = array<i32>} : memref<128x64xf32, #tpu.memory_space<vmem>>, vector<16xf32>,
        tpu.vector_store %arg15[%parallel_loop3A_481, %parallel_loop3A_482], %parallel_loop3A_478 {strides = array<i32>} : memref<128x64xf32, #tpu.memory_space<vmem>>, vector<16xf32>,
        %parallel_loop3A_484 = vector.extract_strided_slice %parallel_loop3A_387 {offsets = [2], sizes = [1], strides = [1]} : vector<16xf32> to vector<1xf32>
        %parallel_loop3A_485 = vector.extract %parallel_loop3A_484[0] : f32 from vector<1xf32>
        %parallel_loop3A_486 = vector.broadcast %parallel_loop3A_485 : f32 to vector<16xf32>
        %parallel_loop3A_487 = arith.constant 2 : i32
        %parallel_loop3A_488 = arith.addi %parallel_loop3A_389, %parallel_loop3A_487 : i32
        %parallel_loop3A_489 = arith.index_cast %parallel_loop3A_488 : i32 to index
        %parallel_loop3A_490 = arith.constant 0 : index
        %parallel_loop3A_491 = tpu.vector_load %arg15[%parallel_loop3A_489, %parallel_loop3A_490] {strides = array<i32>} : memref<128x64xf32, #tpu.memory_space<vmem>>, vector<16xf32>,
        %parallel_loop3A_492 = arith.mulf %parallel_loop3A_491, %parallel_loop3A_486 : vector<16xf32>
        %parallel_loop3A_493 = arith.constant 2 : i32
        %parallel_loop3A_494 = arith.addi %parallel_loop3A_389, %parallel_loop3A_493 : i32
        %parallel_loop3A_495 = arith.index_cast %parallel_loop3A_494 : i32 to index
        %parallel_loop3A_496 = arith.constant 0 : index
        %parallel_loop3A_497 = tpu.vector_load %arg15[%parallel_loop3A_495, %parallel_loop3A_496] {strides = array<i32>} : memref<128x64xf32, #tpu.memory_space<vmem>>, vector<16xf32>,
        tpu.vector_store %arg15[%parallel_loop3A_495, %parallel_loop3A_496], %parallel_loop3A_492 {strides = array<i32>} : memref<128x64xf32, #tpu.memory_space<vmem>>, vector<16xf32>,
        %parallel_loop3A_498 = arith.constant 2 : i32
        %parallel_loop3A_499 = arith.addi %parallel_loop3A_389, %parallel_loop3A_498 : i32
        %parallel_loop3A_500 = arith.index_cast %parallel_loop3A_499 : i32 to index
        %parallel_loop3A_501 = arith.constant 16 : index
        %parallel_loop3A_502 = tpu.vector_load %arg15[%parallel_loop3A_500, %parallel_loop3A_501] {strides = array<i32>} : memref<128x64xf32, #tpu.memory_space<vmem>>, vector<16xf32>,
        %parallel_loop3A_503 = arith.mulf %parallel_loop3A_502, %parallel_loop3A_486 : vector<16xf32>
        %parallel_loop3A_504 = arith.constant 2 : i32
        %parallel_loop3A_505 = arith.addi %parallel_loop3A_389, %parallel_loop3A_504 : i32
        %parallel_loop3A_506 = arith.index_cast %parallel_loop3A_505 : i32 to index
        %parallel_loop3A_507 = arith.constant 16 : index
        %parallel_loop3A_508 = tpu.vector_load %arg15[%parallel_loop3A_506, %parallel_loop3A_507] {strides = array<i32>} : memref<128x64xf32, #tpu.memory_space<vmem>>, vector<16xf32>,
        tpu.vector_store %arg15[%parallel_loop3A_506, %parallel_loop3A_507], %parallel_loop3A_503 {strides = array<i32>} : memref<128x64xf32, #tpu.memory_space<vmem>>, vector<16xf32>,
        %parallel_loop3A_509 = arith.constant 2 : i32
        %parallel_loop3A_510 = arith.addi %parallel_loop3A_389, %parallel_loop3A_509 : i32
        %parallel_loop3A_511 = arith.index_cast %parallel_loop3A_510 : i32 to index
        %parallel_loop3A_512 = arith.constant 32 : index
        %parallel_loop3A_513 = tpu.vector_load %arg15[%parallel_loop3A_511, %parallel_loop3A_512] {strides = array<i32>} : memref<128x64xf32, #tpu.memory_space<vmem>>, vector<16xf32>,
        %parallel_loop3A_514 = arith.mulf %parallel_loop3A_513, %parallel_loop3A_486 : vector<16xf32>
        %parallel_loop3A_515 = arith.constant 2 : i32
        %parallel_loop3A_516 = arith.addi %parallel_loop3A_389, %parallel_loop3A_515 : i32
        %parallel_loop3A_517 = arith.index_cast %parallel_loop3A_516 : i32 to index
        %parallel_loop3A_518 = arith.constant 32 : index
        %parallel_loop3A_519 = tpu.vector_load %arg15[%parallel_loop3A_517, %parallel_loop3A_518] {strides = array<i32>} : memref<128x64xf32, #tpu.memory_space<vmem>>, vector<16xf32>,
        tpu.vector_store %arg15[%parallel_loop3A_517, %parallel_loop3A_518], %parallel_loop3A_514 {strides = array<i32>} : memref<128x64xf32, #tpu.memory_space<vmem>>, vector<16xf32>,
        %parallel_loop3A_520 = arith.constant 2 : i32
        %parallel_loop3A_521 = arith.addi %parallel_loop3A_389, %parallel_loop3A_520 : i32
        %parallel_loop3A_522 = arith.index_cast %parallel_loop3A_521 : i32 to index
        %parallel_loop3A_523 = arith.constant 48 : index
        %parallel_loop3A_524 = tpu.vector_load %arg15[%parallel_loop3A_522, %parallel_loop3A_523] {strides = array<i32>} : memref<128x64xf32, #tpu.memory_space<vmem>>, vector<16xf32>,
        %parallel_loop3A_525 = arith.mulf %parallel_loop3A_524, %parallel_loop3A_486 : vector<16xf32>
        %parallel_loop3A_526 = arith.constant 2 : i32
        %parallel_loop3A_527 = arith.addi %parallel_loop3A_389, %parallel_loop3A_526 : i32
        %parallel_loop3A_528 = arith.index_cast %parallel_loop3A_527 : i32 to index
        %parallel_loop3A_529 = arith.constant 48 : index
        %parallel_loop3A_530 = tpu.vector_load %arg15[%parallel_loop3A_528, %parallel_loop3A_529] {strides = array<i32>} : memref<128x64xf32, #tpu.memory_space<vmem>>, vector<16xf32>,
        tpu.vector_store %arg15[%parallel_loop3A_528, %parallel_loop3A_529], %parallel_loop3A_525 {strides = array<i32>} : memref<128x64xf32, #tpu.memory_space<vmem>>, vector<16xf32>,
        %parallel_loop3A_531 = vector.extract_strided_slice %parallel_loop3A_387 {offsets = [3], sizes = [1], strides = [1]} : vector<16xf32> to vector<1xf32>
        %parallel_loop3A_532 = vector.extract %parallel_loop3A_531[0] : f32 from vector<1xf32>
        %parallel_loop3A_533 = vector.broadcast %parallel_loop3A_532 : f32 to vector<16xf32>
        %parallel_loop3A_534 = arith.constant 3 : i32
        %parallel_loop3A_535 = arith.addi %parallel_loop3A_389, %parallel_loop3A_534 : i32
        %parallel_loop3A_536 = arith.index_cast %parallel_loop3A_535 : i32 to index
        %parallel_loop3A_537 = arith.constant 0 : index
        %parallel_loop3A_538 = tpu.vector_load %arg15[%parallel_loop3A_536, %parallel_loop3A_537] {strides = array<i32>} : memref<128x64xf32, #tpu.memory_space<vmem>>, vector<16xf32>,
        %parallel_loop3A_539 = arith.mulf %parallel_loop3A_538, %parallel_loop3A_533 : vector<16xf32>
        %parallel_loop3A_540 = arith.constant 3 : i32
        %parallel_loop3A_541 = arith.addi %parallel_loop3A_389, %parallel_loop3A_540 : i32
        %parallel_loop3A_542 = arith.index_cast %parallel_loop3A_541 : i32 to index
        %parallel_loop3A_543 = arith.constant 0 : index
        %parallel_loop3A_544 = tpu.vector_load %arg15[%parallel_loop3A_542, %parallel_loop3A_543] {strides = array<i32>} : memref<128x64xf32, #tpu.memory_space<vmem>>, vector<16xf32>,
        tpu.vector_store %arg15[%parallel_loop3A_542, %parallel_loop3A_543], %parallel_loop3A_539 {strides = array<i32>} : memref<128x64xf32, #tpu.memory_space<vmem>>, vector<16xf32>,
        %parallel_loop3A_545 = arith.constant 3 : i32
        %parallel_loop3A_546 = arith.addi %parallel_loop3A_389, %parallel_loop3A_545 : i32
        %parallel_loop3A_547 = arith.index_cast %parallel_loop3A_546 : i32 to index
        %parallel_loop3A_548 = arith.constant 16 : index
        %parallel_loop3A_549 = tpu.vector_load %arg15[%parallel_loop3A_547, %parallel_loop3A_548] {strides = array<i32>} : memref<128x64xf32, #tpu.memory_space<vmem>>, vector<16xf32>,
        %parallel_loop3A_550 = arith.mulf %parallel_loop3A_549, %parallel_loop3A_533 : vector<16xf32>
        %parallel_loop3A_551 = arith.constant 3 : i32
        %parallel_loop3A_552 = arith.addi %parallel_loop3A_389, %parallel_loop3A_551 : i32
        %parallel_loop3A_553 = arith.index_cast %parallel_loop3A_552 : i32 to index
        %parallel_loop3A_554 = arith.constant 16 : index
        %parallel_loop3A_555 = tpu.vector_load %arg15[%parallel_loop3A_553, %parallel_loop3A_554] {strides = array<i32>} : memref<128x64xf32, #tpu.memory_space<vmem>>, vector<16xf32>,
        tpu.vector_store %arg15[%parallel_loop3A_553, %parallel_loop3A_554], %parallel_loop3A_550 {strides = array<i32>} : memref<128x64xf32, #tpu.memory_space<vmem>>, vector<16xf32>,
        %parallel_loop3A_556 = arith.constant 3 : i32
        %parallel_loop3A_557 = arith.addi %parallel_loop3A_389, %parallel_loop3A_556 : i32
        %parallel_loop3A_558 = arith.index_cast %parallel_loop3A_557 : i32 to index
        %parallel_loop3A_559 = arith.constant 32 : index
        %parallel_loop3A_560 = tpu.vector_load %arg15[%parallel_loop3A_558, %parallel_loop3A_559] {strides = array<i32>} : memref<128x64xf32, #tpu.memory_space<vmem>>, vector<16xf32>,
        %parallel_loop3A_561 = arith.mulf %parallel_loop3A_560, %parallel_loop3A_533 : vector<16xf32>
        %parallel_loop3A_562 = arith.constant 3 : i32
        %parallel_loop3A_563 = arith.addi %parallel_loop3A_389, %parallel_loop3A_562 : i32
        %parallel_loop3A_564 = arith.index_cast %parallel_loop3A_563 : i32 to index
        %parallel_loop3A_565 = arith.constant 32 : index
        %parallel_loop3A_566 = tpu.vector_load %arg15[%parallel_loop3A_564, %parallel_loop3A_565] {strides = array<i32>} : memref<128x64xf32, #tpu.memory_space<vmem>>, vector<16xf32>,
        tpu.vector_store %arg15[%parallel_loop3A_564, %parallel_loop3A_565], %parallel_loop3A_561 {strides = array<i32>} : memref<128x64xf32, #tpu.memory_space<vmem>>, vector<16xf32>,
        %parallel_loop3A_567 = arith.constant 3 : i32
        %parallel_loop3A_568 = arith.addi %parallel_loop3A_389, %parallel_loop3A_567 : i32
        %parallel_loop3A_569 = arith.index_cast %parallel_loop3A_568 : i32 to index
        %parallel_loop3A_570 = arith.constant 48 : index
        %parallel_loop3A_571 = tpu.vector_load %arg15[%parallel_loop3A_569, %parallel_loop3A_570] {strides = array<i32>} : memref<128x64xf32, #tpu.memory_space<vmem>>, vector<16xf32>,
        %parallel_loop3A_572 = arith.mulf %parallel_loop3A_571, %parallel_loop3A_533 : vector<16xf32>
        %parallel_loop3A_573 = arith.constant 3 : i32
        %parallel_loop3A_574 = arith.addi %parallel_loop3A_389, %parallel_loop3A_573 : i32
        %parallel_loop3A_575 = arith.index_cast %parallel_loop3A_574 : i32 to index
        %parallel_loop3A_576 = arith.constant 48 : index
        %parallel_loop3A_577 = tpu.vector_load %arg15[%parallel_loop3A_575, %parallel_loop3A_576] {strides = array<i32>} : memref<128x64xf32, #tpu.memory_space<vmem>>, vector<16xf32>,
        tpu.vector_store %arg15[%parallel_loop3A_575, %parallel_loop3A_576], %parallel_loop3A_572 {strides = array<i32>} : memref<128x64xf32, #tpu.memory_space<vmem>>, vector<16xf32>,
        %parallel_loop3A_578 = vector.extract_strided_slice %parallel_loop3A_387 {offsets = [4], sizes = [1], strides = [1]} : vector<16xf32> to vector<1xf32>
        %parallel_loop3A_579 = vector.extract %parallel_loop3A_578[0] : f32 from vector<1xf32>
        %parallel_loop3A_580 = vector.broadcast %parallel_loop3A_579 : f32 to vector<16xf32>
        %parallel_loop3A_581 = arith.constant 4 : i32
        %parallel_loop3A_582 = arith.addi %parallel_loop3A_389, %parallel_loop3A_581 : i32
        %parallel_loop3A_583 = arith.index_cast %parallel_loop3A_582 : i32 to index
        %parallel_loop3A_584 = arith.constant 0 : index
        %parallel_loop3A_585 = tpu.vector_load %arg15[%parallel_loop3A_583, %parallel_loop3A_584] {strides = array<i32>} : memref<128x64xf32, #tpu.memory_space<vmem>>, vector<16xf32>,
        %parallel_loop3A_586 = arith.mulf %parallel_loop3A_585, %parallel_loop3A_580 : vector<16xf32>
        %parallel_loop3A_587 = arith.constant 4 : i32
        %parallel_loop3A_588 = arith.addi %parallel_loop3A_389, %parallel_loop3A_587 : i32
        %parallel_loop3A_589 = arith.index_cast %parallel_loop3A_588 : i32 to index
        %parallel_loop3A_590 = arith.constant 0 : index
        %parallel_loop3A_591 = tpu.vector_load %arg15[%parallel_loop3A_589, %parallel_loop3A_590] {strides = array<i32>} : memref<128x64xf32, #tpu.memory_space<vmem>>, vector<16xf32>,
        tpu.vector_store %arg15[%parallel_loop3A_589, %parallel_loop3A_590], %parallel_loop3A_586 {strides = array<i32>} : memref<128x64xf32, #tpu.memory_space<vmem>>, vector<16xf32>,
        %parallel_loop3A_592 = arith.constant 4 : i32
        %parallel_loop3A_593 = arith.addi %parallel_loop3A_389, %parallel_loop3A_592 : i32
        %parallel_loop3A_594 = arith.index_cast %parallel_loop3A_593 : i32 to index
        %parallel_loop3A_595 = arith.constant 16 : index
        %parallel_loop3A_596 = tpu.vector_load %arg15[%parallel_loop3A_594, %parallel_loop3A_595] {strides = array<i32>} : memref<128x64xf32, #tpu.memory_space<vmem>>, vector<16xf32>,
        %parallel_loop3A_597 = arith.mulf %parallel_loop3A_596, %parallel_loop3A_580 : vector<16xf32>
        %parallel_loop3A_598 = arith.constant 4 : i32
        %parallel_loop3A_599 = arith.addi %parallel_loop3A_389, %parallel_loop3A_598 : i32
        %parallel_loop3A_600 = arith.index_cast %parallel_loop3A_599 : i32 to index
        %parallel_loop3A_601 = arith.constant 16 : index
        %parallel_loop3A_602 = tpu.vector_load %arg15[%parallel_loop3A_600, %parallel_loop3A_601] {strides = array<i32>} : memref<128x64xf32, #tpu.memory_space<vmem>>, vector<16xf32>,
        tpu.vector_store %arg15[%parallel_loop3A_600, %parallel_loop3A_601], %parallel_loop3A_597 {strides = array<i32>} : memref<128x64xf32, #tpu.memory_space<vmem>>, vector<16xf32>,
        %parallel_loop3A_603 = arith.constant 4 : i32
        %parallel_loop3A_604 = arith.addi %parallel_loop3A_389, %parallel_loop3A_603 : i32
        %parallel_loop3A_605 = arith.index_cast %parallel_loop3A_604 : i32 to index
        %parallel_loop3A_606 = arith.constant 32 : index
        %parallel_loop3A_607 = tpu.vector_load %arg15[%parallel_loop3A_605, %parallel_loop3A_606] {strides = array<i32>} : memref<128x64xf32, #tpu.memory_space<vmem>>, vector<16xf32>,
        %parallel_loop3A_608 = arith.mulf %parallel_loop3A_607, %parallel_loop3A_580 : vector<16xf32>
        %parallel_loop3A_609 = arith.constant 4 : i32
        %parallel_loop3A_610 = arith.addi %parallel_loop3A_389, %parallel_loop3A_609 : i32
        %parallel_loop3A_611 = arith.index_cast %parallel_loop3A_610 : i32 to index
        %parallel_loop3A_612 = arith.constant 32 : index
        %parallel_loop3A_613 = tpu.vector_load %arg15[%parallel_loop3A_611, %parallel_loop3A_612] {strides = array<i32>} : memref<128x64xf32, #tpu.memory_space<vmem>>, vector<16xf32>,
        tpu.vector_store %arg15[%parallel_loop3A_611, %parallel_loop3A_612], %parallel_loop3A_608 {strides = array<i32>} : memref<128x64xf32, #tpu.memory_space<vmem>>, vector<16xf32>,
        %parallel_loop3A_614 = arith.constant 4 : i32
        %parallel_loop3A_615 = arith.addi %parallel_loop3A_389, %parallel_loop3A_614 : i32
        %parallel_loop3A_616 = arith.index_cast %parallel_loop3A_615 : i32 to index
        %parallel_loop3A_617 = arith.constant 48 : index
        %parallel_loop3A_618 = tpu.vector_load %arg15[%parallel_loop3A_616, %parallel_loop3A_617] {strides = array<i32>} : memref<128x64xf32, #tpu.memory_space<vmem>>, vector<16xf32>,
        %parallel_loop3A_619 = arith.mulf %parallel_loop3A_618, %parallel_loop3A_580 : vector<16xf32>
        %parallel_loop3A_620 = arith.constant 4 : i32
        %parallel_loop3A_621 = arith.addi %parallel_loop3A_389, %parallel_loop3A_620 : i32
        %parallel_loop3A_622 = arith.index_cast %parallel_loop3A_621 : i32 to index
        %parallel_loop3A_623 = arith.constant 48 : index
        %parallel_loop3A_624 = tpu.vector_load %arg15[%parallel_loop3A_622, %parallel_loop3A_623] {strides = array<i32>} : memref<128x64xf32, #tpu.memory_space<vmem>>, vector<16xf32>,
        tpu.vector_store %arg15[%parallel_loop3A_622, %parallel_loop3A_623], %parallel_loop3A_619 {strides = array<i32>} : memref<128x64xf32, #tpu.memory_space<vmem>>, vector<16xf32>,
        %parallel_loop3A_625 = vector.extract_strided_slice %parallel_loop3A_387 {offsets = [5], sizes = [1], strides = [1]} : vector<16xf32> to vector<1xf32>
        %parallel_loop3A_626 = vector.extract %parallel_loop3A_625[0] : f32 from vector<1xf32>
        %parallel_loop3A_627 = vector.broadcast %parallel_loop3A_626 : f32 to vector<16xf32>
        %parallel_loop3A_628 = arith.constant 5 : i32
        %parallel_loop3A_629 = arith.addi %parallel_loop3A_389, %parallel_loop3A_628 : i32
        %parallel_loop3A_630 = arith.index_cast %parallel_loop3A_629 : i32 to index
        %parallel_loop3A_631 = arith.constant 0 : index
        %parallel_loop3A_632 = tpu.vector_load %arg15[%parallel_loop3A_630, %parallel_loop3A_631] {strides = array<i32>} : memref<128x64xf32, #tpu.memory_space<vmem>>, vector<16xf32>,
        %parallel_loop3A_633 = arith.mulf %parallel_loop3A_632, %parallel_loop3A_627 : vector<16xf32>
        %parallel_loop3A_634 = arith.constant 5 : i32
        %parallel_loop3A_635 = arith.addi %parallel_loop3A_389, %parallel_loop3A_634 : i32
        %parallel_loop3A_636 = arith.index_cast %parallel_loop3A_635 : i32 to index
        %parallel_loop3A_637 = arith.constant 0 : index
        %parallel_loop3A_638 = tpu.vector_load %arg15[%parallel_loop3A_636, %parallel_loop3A_637] {strides = array<i32>} : memref<128x64xf32, #tpu.memory_space<vmem>>, vector<16xf32>,
        tpu.vector_store %arg15[%parallel_loop3A_636, %parallel_loop3A_637], %parallel_loop3A_633 {strides = array<i32>} : memref<128x64xf32, #tpu.memory_space<vmem>>, vector<16xf32>,
        %parallel_loop3A_639 = arith.constant 5 : i32
        %parallel_loop3A_640 = arith.addi %parallel_loop3A_389, %parallel_loop3A_639 : i32
        %parallel_loop3A_641 = arith.index_cast %parallel_loop3A_640 : i32 to index
        %parallel_loop3A_642 = arith.constant 16 : index
        %parallel_loop3A_643 = tpu.vector_load %arg15[%parallel_loop3A_641, %parallel_loop3A_642] {strides = array<i32>} : memref<128x64xf32, #tpu.memory_space<vmem>>, vector<16xf32>,
        %parallel_loop3A_644 = arith.mulf %parallel_loop3A_643, %parallel_loop3A_627 : vector<16xf32>
        %parallel_loop3A_645 = arith.constant 5 : i32
        %parallel_loop3A_646 = arith.addi %parallel_loop3A_389, %parallel_loop3A_645 : i32
        %parallel_loop3A_647 = arith.index_cast %parallel_loop3A_646 : i32 to index
        %parallel_loop3A_648 = arith.constant 16 : index
        %parallel_loop3A_649 = tpu.vector_load %arg15[%parallel_loop3A_647, %parallel_loop3A_648] {strides = array<i32>} : memref<128x64xf32, #tpu.memory_space<vmem>>, vector<16xf32>,
        tpu.vector_store %arg15[%parallel_loop3A_647, %parallel_loop3A_648], %parallel_loop3A_644 {strides = array<i32>} : memref<128x64xf32, #tpu.memory_space<vmem>>, vector<16xf32>,
        %parallel_loop3A_650 = arith.constant 5 : i32
        %parallel_loop3A_651 = arith.addi %parallel_loop3A_389, %parallel_loop3A_650 : i32
        %parallel_loop3A_652 = arith.index_cast %parallel_loop3A_651 : i32 to index
        %parallel_loop3A_653 = arith.constant 32 : index
        %parallel_loop3A_654 = tpu.vector_load %arg15[%parallel_loop3A_652, %parallel_loop3A_653] {strides = array<i32>} : memref<128x64xf32, #tpu.memory_space<vmem>>, vector<16xf32>,
        %parallel_loop3A_655 = arith.mulf %parallel_loop3A_654, %parallel_loop3A_627 : vector<16xf32>
        %parallel_loop3A_656 = arith.constant 5 : i32
        %parallel_loop3A_657 = arith.addi %parallel_loop3A_389, %parallel_loop3A_656 : i32
        %parallel_loop3A_658 = arith.index_cast %parallel_loop3A_657 : i32 to index
        %parallel_loop3A_659 = arith.constant 32 : index
        %parallel_loop3A_660 = tpu.vector_load %arg15[%parallel_loop3A_658, %parallel_loop3A_659] {strides = array<i32>} : memref<128x64xf32, #tpu.memory_space<vmem>>, vector<16xf32>,
        tpu.vector_store %arg15[%parallel_loop3A_658, %parallel_loop3A_659], %parallel_loop3A_655 {strides = array<i32>} : memref<128x64xf32, #tpu.memory_space<vmem>>, vector<16xf32>,
        %parallel_loop3A_661 = arith.constant 5 : i32
        %parallel_loop3A_662 = arith.addi %parallel_loop3A_389, %parallel_loop3A_661 : i32
        %parallel_loop3A_663 = arith.index_cast %parallel_loop3A_662 : i32 to index
        %parallel_loop3A_664 = arith.constant 48 : index
        %parallel_loop3A_665 = tpu.vector_load %arg15[%parallel_loop3A_663, %parallel_loop3A_664] {strides = array<i32>} : memref<128x64xf32, #tpu.memory_space<vmem>>, vector<16xf32>,
        %parallel_loop3A_666 = arith.mulf %parallel_loop3A_665, %parallel_loop3A_627 : vector<16xf32>
        %parallel_loop3A_667 = arith.constant 5 : i32
        %parallel_loop3A_668 = arith.addi %parallel_loop3A_389, %parallel_loop3A_667 : i32
        %parallel_loop3A_669 = arith.index_cast %parallel_loop3A_668 : i32 to index
        %parallel_loop3A_670 = arith.constant 48 : index
        %parallel_loop3A_671 = tpu.vector_load %arg15[%parallel_loop3A_669, %parallel_loop3A_670] {strides = array<i32>} : memref<128x64xf32, #tpu.memory_space<vmem>>, vector<16xf32>,
        tpu.vector_store %arg15[%parallel_loop3A_669, %parallel_loop3A_670], %parallel_loop3A_666 {strides = array<i32>} : memref<128x64xf32, #tpu.memory_space<vmem>>, vector<16xf32>,
        %parallel_loop3A_672 = vector.extract_strided_slice %parallel_loop3A_387 {offsets = [6], sizes = [1], strides = [1]} : vector<16xf32> to vector<1xf32>
        %parallel_loop3A_673 = vector.extract %parallel_loop3A_672[0] : f32 from vector<1xf32>
        %parallel_loop3A_674 = vector.broadcast %parallel_loop3A_673 : f32 to vector<16xf32>
        %parallel_loop3A_675 = arith.constant 6 : i32
        %parallel_loop3A_676 = arith.addi %parallel_loop3A_389, %parallel_loop3A_675 : i32
        %parallel_loop3A_677 = arith.index_cast %parallel_loop3A_676 : i32 to index
        %parallel_loop3A_678 = arith.constant 0 : index
        %parallel_loop3A_679 = tpu.vector_load %arg15[%parallel_loop3A_677, %parallel_loop3A_678] {strides = array<i32>} : memref<128x64xf32, #tpu.memory_space<vmem>>, vector<16xf32>,
        %parallel_loop3A_680 = arith.mulf %parallel_loop3A_679, %parallel_loop3A_674 : vector<16xf32>
        %parallel_loop3A_681 = arith.constant 6 : i32
        %parallel_loop3A_682 = arith.addi %parallel_loop3A_389, %parallel_loop3A_681 : i32
        %parallel_loop3A_683 = arith.index_cast %parallel_loop3A_682 : i32 to index
        %parallel_loop3A_684 = arith.constant 0 : index
        %parallel_loop3A_685 = tpu.vector_load %arg15[%parallel_loop3A_683, %parallel_loop3A_684] {strides = array<i32>} : memref<128x64xf32, #tpu.memory_space<vmem>>, vector<16xf32>,
        tpu.vector_store %arg15[%parallel_loop3A_683, %parallel_loop3A_684], %parallel_loop3A_680 {strides = array<i32>} : memref<128x64xf32, #tpu.memory_space<vmem>>, vector<16xf32>,
        %parallel_loop3A_686 = arith.constant 6 : i32
        %parallel_loop3A_687 = arith.addi %parallel_loop3A_389, %parallel_loop3A_686 : i32
        %parallel_loop3A_688 = arith.index_cast %parallel_loop3A_687 : i32 to index
        %parallel_loop3A_689 = arith.constant 16 : index
        %parallel_loop3A_690 = tpu.vector_load %arg15[%parallel_loop3A_688, %parallel_loop3A_689] {strides = array<i32>} : memref<128x64xf32, #tpu.memory_space<vmem>>, vector<16xf32>,
        %parallel_loop3A_691 = arith.mulf %parallel_loop3A_690, %parallel_loop3A_674 : vector<16xf32>
        %parallel_loop3A_692 = arith.constant 6 : i32
        %parallel_loop3A_693 = arith.addi %parallel_loop3A_389, %parallel_loop3A_692 : i32
        %parallel_loop3A_694 = arith.index_cast %parallel_loop3A_693 : i32 to index
        %parallel_loop3A_695 = arith.constant 16 : index
        %parallel_loop3A_696 = tpu.vector_load %arg15[%parallel_loop3A_694, %parallel_loop3A_695] {strides = array<i32>} : memref<128x64xf32, #tpu.memory_space<vmem>>, vector<16xf32>,
        tpu.vector_store %arg15[%parallel_loop3A_694, %parallel_loop3A_695], %parallel_loop3A_691 {strides = array<i32>} : memref<128x64xf32, #tpu.memory_space<vmem>>, vector<16xf32>,
        %parallel_loop3A_697 = arith.constant 6 : i32
        %parallel_loop3A_698 = arith.addi %parallel_loop3A_389, %parallel_loop3A_697 : i32
        %parallel_loop3A_699 = arith.index_cast %parallel_loop3A_698 : i32 to index
        %parallel_loop3A_700 = arith.constant 32 : index
        %parallel_loop3A_701 = tpu.vector_load %arg15[%parallel_loop3A_699, %parallel_loop3A_700] {strides = array<i32>} : memref<128x64xf32, #tpu.memory_space<vmem>>, vector<16xf32>,
        %parallel_loop3A_702 = arith.mulf %parallel_loop3A_701, %parallel_loop3A_674 : vector<16xf32>
        %parallel_loop3A_703 = arith.constant 6 : i32
        %parallel_loop3A_704 = arith.addi %parallel_loop3A_389, %parallel_loop3A_703 : i32
        %parallel_loop3A_705 = arith.index_cast %parallel_loop3A_704 : i32 to index
        %parallel_loop3A_706 = arith.constant 32 : index
        %parallel_loop3A_707 = tpu.vector_load %arg15[%parallel_loop3A_705, %parallel_loop3A_706] {strides = array<i32>} : memref<128x64xf32, #tpu.memory_space<vmem>>, vector<16xf32>,
        tpu.vector_store %arg15[%parallel_loop3A_705, %parallel_loop3A_706], %parallel_loop3A_702 {strides = array<i32>} : memref<128x64xf32, #tpu.memory_space<vmem>>, vector<16xf32>,
        %parallel_loop3A_708 = arith.constant 6 : i32
        %parallel_loop3A_709 = arith.addi %parallel_loop3A_389, %parallel_loop3A_708 : i32
        %parallel_loop3A_710 = arith.index_cast %parallel_loop3A_709 : i32 to index
        %parallel_loop3A_711 = arith.constant 48 : index
        %parallel_loop3A_712 = tpu.vector_load %arg15[%parallel_loop3A_710, %parallel_loop3A_711] {strides = array<i32>} : memref<128x64xf32, #tpu.memory_space<vmem>>, vector<16xf32>,
        %parallel_loop3A_713 = arith.mulf %parallel_loop3A_712, %parallel_loop3A_674 : vector<16xf32>
        %parallel_loop3A_714 = arith.constant 6 : i32
        %parallel_loop3A_715 = arith.addi %parallel_loop3A_389, %parallel_loop3A_714 : i32
        %parallel_loop3A_716 = arith.index_cast %parallel_loop3A_715 : i32 to index
        %parallel_loop3A_717 = arith.constant 48 : index
        %parallel_loop3A_718 = tpu.vector_load %arg15[%parallel_loop3A_716, %parallel_loop3A_717] {strides = array<i32>} : memref<128x64xf32, #tpu.memory_space<vmem>>, vector<16xf32>,
        tpu.vector_store %arg15[%parallel_loop3A_716, %parallel_loop3A_717], %parallel_loop3A_713 {strides = array<i32>} : memref<128x64xf32, #tpu.memory_space<vmem>>, vector<16xf32>,
        %parallel_loop3A_719 = vector.extract_strided_slice %parallel_loop3A_387 {offsets = [7], sizes = [1], strides = [1]} : vector<16xf32> to vector<1xf32>
        %parallel_loop3A_720 = vector.extract %parallel_loop3A_719[0] : f32 from vector<1xf32>
        %parallel_loop3A_721 = vector.broadcast %parallel_loop3A_720 : f32 to vector<16xf32>
        %parallel_loop3A_722 = arith.constant 7 : i32
        %parallel_loop3A_723 = arith.addi %parallel_loop3A_389, %parallel_loop3A_722 : i32
        %parallel_loop3A_724 = arith.index_cast %parallel_loop3A_723 : i32 to index
        %parallel_loop3A_725 = arith.constant 0 : index
        %parallel_loop3A_726 = tpu.vector_load %arg15[%parallel_loop3A_724, %parallel_loop3A_725] {strides = array<i32>} : memref<128x64xf32, #tpu.memory_space<vmem>>, vector<16xf32>,
        %parallel_loop3A_727 = arith.mulf %parallel_loop3A_726, %parallel_loop3A_721 : vector<16xf32>
        %parallel_loop3A_728 = arith.constant 7 : i32
        %parallel_loop3A_729 = arith.addi %parallel_loop3A_389, %parallel_loop3A_728 : i32
        %parallel_loop3A_730 = arith.index_cast %parallel_loop3A_729 : i32 to index
        %parallel_loop3A_731 = arith.constant 0 : index
        %parallel_loop3A_732 = tpu.vector_load %arg15[%parallel_loop3A_730, %parallel_loop3A_731] {strides = array<i32>} : memref<128x64xf32, #tpu.memory_space<vmem>>, vector<16xf32>,
        tpu.vector_store %arg15[%parallel_loop3A_730, %parallel_loop3A_731], %parallel_loop3A_727 {strides = array<i32>} : memref<128x64xf32, #tpu.memory_space<vmem>>, vector<16xf32>,
        %parallel_loop3A_733 = arith.constant 7 : i32
        %parallel_loop3A_734 = arith.addi %parallel_loop3A_389, %parallel_loop3A_733 : i32
        %parallel_loop3A_735 = arith.index_cast %parallel_loop3A_734 : i32 to index
        %parallel_loop3A_736 = arith.constant 16 : index
        %parallel_loop3A_737 = tpu.vector_load %arg15[%parallel_loop3A_735, %parallel_loop3A_736] {strides = array<i32>} : memref<128x64xf32, #tpu.memory_space<vmem>>, vector<16xf32>,
        %parallel_loop3A_738 = arith.mulf %parallel_loop3A_737, %parallel_loop3A_721 : vector<16xf32>
        %parallel_loop3A_739 = arith.constant 7 : i32
        %parallel_loop3A_740 = arith.addi %parallel_loop3A_389, %parallel_loop3A_739 : i32
        %parallel_loop3A_741 = arith.index_cast %parallel_loop3A_740 : i32 to index
        %parallel_loop3A_742 = arith.constant 16 : index
        %parallel_loop3A_743 = tpu.vector_load %arg15[%parallel_loop3A_741, %parallel_loop3A_742] {strides = array<i32>} : memref<128x64xf32, #tpu.memory_space<vmem>>, vector<16xf32>,
        tpu.vector_store %arg15[%parallel_loop3A_741, %parallel_loop3A_742], %parallel_loop3A_738 {strides = array<i32>} : memref<128x64xf32, #tpu.memory_space<vmem>>, vector<16xf32>,
        %parallel_loop3A_744 = arith.constant 7 : i32
        %parallel_loop3A_745 = arith.addi %parallel_loop3A_389, %parallel_loop3A_744 : i32
        %parallel_loop3A_746 = arith.index_cast %parallel_loop3A_745 : i32 to index
        %parallel_loop3A_747 = arith.constant 32 : index
        %parallel_loop3A_748 = tpu.vector_load %arg15[%parallel_loop3A_746, %parallel_loop3A_747] {strides = array<i32>} : memref<128x64xf32, #tpu.memory_space<vmem>>, vector<16xf32>,
        %parallel_loop3A_749 = arith.mulf %parallel_loop3A_748, %parallel_loop3A_721 : vector<16xf32>
        %parallel_loop3A_750 = arith.constant 7 : i32
        %parallel_loop3A_751 = arith.addi %parallel_loop3A_389, %parallel_loop3A_750 : i32
        %parallel_loop3A_752 = arith.index_cast %parallel_loop3A_751 : i32 to index
        %parallel_loop3A_753 = arith.constant 32 : index
        %parallel_loop3A_754 = tpu.vector_load %arg15[%parallel_loop3A_752, %parallel_loop3A_753] {strides = array<i32>} : memref<128x64xf32, #tpu.memory_space<vmem>>, vector<16xf32>,
        tpu.vector_store %arg15[%parallel_loop3A_752, %parallel_loop3A_753], %parallel_loop3A_749 {strides = array<i32>} : memref<128x64xf32, #tpu.memory_space<vmem>>, vector<16xf32>,
        %parallel_loop3A_755 = arith.constant 7 : i32
        %parallel_loop3A_756 = arith.addi %parallel_loop3A_389, %parallel_loop3A_755 : i32
        %parallel_loop3A_757 = arith.index_cast %parallel_loop3A_756 : i32 to index
        %parallel_loop3A_758 = arith.constant 48 : index
        %parallel_loop3A_759 = tpu.vector_load %arg15[%parallel_loop3A_757, %parallel_loop3A_758] {strides = array<i32>} : memref<128x64xf32, #tpu.memory_space<vmem>>, vector<16xf32>,
        %parallel_loop3A_760 = arith.mulf %parallel_loop3A_759, %parallel_loop3A_721 : vector<16xf32>
        %parallel_loop3A_761 = arith.constant 7 : i32
        %parallel_loop3A_762 = arith.addi %parallel_loop3A_389, %parallel_loop3A_761 : i32
        %parallel_loop3A_763 = arith.index_cast %parallel_loop3A_762 : i32 to index
        %parallel_loop3A_764 = arith.constant 48 : index
        %parallel_loop3A_765 = tpu.vector_load %arg15[%parallel_loop3A_763, %parallel_loop3A_764] {strides = array<i32>} : memref<128x64xf32, #tpu.memory_space<vmem>>, vector<16xf32>,
        tpu.vector_store %arg15[%parallel_loop3A_763, %parallel_loop3A_764], %parallel_loop3A_760 {strides = array<i32>} : memref<128x64xf32, #tpu.memory_space<vmem>>, vector<16xf32>,
        %parallel_loop3A_766 = vector.extract_strided_slice %parallel_loop3A_387 {offsets = [8], sizes = [1], strides = [1]} : vector<16xf32> to vector<1xf32>
        %parallel_loop3A_767 = vector.extract %parallel_loop3A_766[0] : f32 from vector<1xf32>
        %parallel_loop3A_768 = vector.broadcast %parallel_loop3A_767 : f32 to vector<16xf32>
        %parallel_loop3A_769 = arith.constant 8 : i32
        %parallel_loop3A_770 = arith.addi %parallel_loop3A_389, %parallel_loop3A_769 : i32
        %parallel_loop3A_771 = arith.index_cast %parallel_loop3A_770 : i32 to index
        %parallel_loop3A_772 = arith.constant 0 : index
        %parallel_loop3A_773 = tpu.vector_load %arg15[%parallel_loop3A_771, %parallel_loop3A_772] {strides = array<i32>} : memref<128x64xf32, #tpu.memory_space<vmem>>, vector<16xf32>,
        %parallel_loop3A_774 = arith.mulf %parallel_loop3A_773, %parallel_loop3A_768 : vector<16xf32>
        %parallel_loop3A_775 = arith.constant 8 : i32
        %parallel_loop3A_776 = arith.addi %parallel_loop3A_389, %parallel_loop3A_775 : i32
        %parallel_loop3A_777 = arith.index_cast %parallel_loop3A_776 : i32 to index
        %parallel_loop3A_778 = arith.constant 0 : index
        %parallel_loop3A_779 = tpu.vector_load %arg15[%parallel_loop3A_777, %parallel_loop3A_778] {strides = array<i32>} : memref<128x64xf32, #tpu.memory_space<vmem>>, vector<16xf32>,
        tpu.vector_store %arg15[%parallel_loop3A_777, %parallel_loop3A_778], %parallel_loop3A_774 {strides = array<i32>} : memref<128x64xf32, #tpu.memory_space<vmem>>, vector<16xf32>,
        %parallel_loop3A_780 = arith.constant 8 : i32
        %parallel_loop3A_781 = arith.addi %parallel_loop3A_389, %parallel_loop3A_780 : i32
        %parallel_loop3A_782 = arith.index_cast %parallel_loop3A_781 : i32 to index
        %parallel_loop3A_783 = arith.constant 16 : index
        %parallel_loop3A_784 = tpu.vector_load %arg15[%parallel_loop3A_782, %parallel_loop3A_783] {strides = array<i32>} : memref<128x64xf32, #tpu.memory_space<vmem>>, vector<16xf32>,
        %parallel_loop3A_785 = arith.mulf %parallel_loop3A_784, %parallel_loop3A_768 : vector<16xf32>
        %parallel_loop3A_786 = arith.constant 8 : i32
        %parallel_loop3A_787 = arith.addi %parallel_loop3A_389, %parallel_loop3A_786 : i32
        %parallel_loop3A_788 = arith.index_cast %parallel_loop3A_787 : i32 to index
        %parallel_loop3A_789 = arith.constant 16 : index
        %parallel_loop3A_790 = tpu.vector_load %arg15[%parallel_loop3A_788, %parallel_loop3A_789] {strides = array<i32>} : memref<128x64xf32, #tpu.memory_space<vmem>>, vector<16xf32>,
        tpu.vector_store %arg15[%parallel_loop3A_788, %parallel_loop3A_789], %parallel_loop3A_785 {strides = array<i32>} : memref<128x64xf32, #tpu.memory_space<vmem>>, vector<16xf32>,
        %parallel_loop3A_791 = arith.constant 8 : i32
        %parallel_loop3A_792 = arith.addi %parallel_loop3A_389, %parallel_loop3A_791 : i32
        %parallel_loop3A_793 = arith.index_cast %parallel_loop3A_792 : i32 to index
        %parallel_loop3A_794 = arith.constant 32 : index
        %parallel_loop3A_795 = tpu.vector_load %arg15[%parallel_loop3A_793, %parallel_loop3A_794] {strides = array<i32>} : memref<128x64xf32, #tpu.memory_space<vmem>>, vector<16xf32>,
        %parallel_loop3A_796 = arith.mulf %parallel_loop3A_795, %parallel_loop3A_768 : vector<16xf32>
        %parallel_loop3A_797 = arith.constant 8 : i32
        %parallel_loop3A_798 = arith.addi %parallel_loop3A_389, %parallel_loop3A_797 : i32
        %parallel_loop3A_799 = arith.index_cast %parallel_loop3A_798 : i32 to index
        %parallel_loop3A_800 = arith.constant 32 : index
        %parallel_loop3A_801 = tpu.vector_load %arg15[%parallel_loop3A_799, %parallel_loop3A_800] {strides = array<i32>} : memref<128x64xf32, #tpu.memory_space<vmem>>, vector<16xf32>,
        tpu.vector_store %arg15[%parallel_loop3A_799, %parallel_loop3A_800], %parallel_loop3A_796 {strides = array<i32>} : memref<128x64xf32, #tpu.memory_space<vmem>>, vector<16xf32>,
        %parallel_loop3A_802 = arith.constant 8 : i32
        %parallel_loop3A_803 = arith.addi %parallel_loop3A_389, %parallel_loop3A_802 : i32
        %parallel_loop3A_804 = arith.index_cast %parallel_loop3A_803 : i32 to index
        %parallel_loop3A_805 = arith.constant 48 : index
        %parallel_loop3A_806 = tpu.vector_load %arg15[%parallel_loop3A_804, %parallel_loop3A_805] {strides = array<i32>} : memref<128x64xf32, #tpu.memory_space<vmem>>, vector<16xf32>,
        %parallel_loop3A_807 = arith.mulf %parallel_loop3A_806, %parallel_loop3A_768 : vector<16xf32>
        %parallel_loop3A_808 = arith.constant 8 : i32
        %parallel_loop3A_809 = arith.addi %parallel_loop3A_389, %parallel_loop3A_808 : i32
        %parallel_loop3A_810 = arith.index_cast %parallel_loop3A_809 : i32 to index
        %parallel_loop3A_811 = arith.constant 48 : index
        %parallel_loop3A_812 = tpu.vector_load %arg15[%parallel_loop3A_810, %parallel_loop3A_811] {strides = array<i32>} : memref<128x64xf32, #tpu.memory_space<vmem>>, vector<16xf32>,
        tpu.vector_store %arg15[%parallel_loop3A_810, %parallel_loop3A_811], %parallel_loop3A_807 {strides = array<i32>} : memref<128x64xf32, #tpu.memory_space<vmem>>, vector<16xf32>,
        %parallel_loop3A_813 = vector.extract_strided_slice %parallel_loop3A_387 {offsets = [9], sizes = [1], strides = [1]} : vector<16xf32> to vector<1xf32>
        %parallel_loop3A_814 = vector.extract %parallel_loop3A_813[0] : f32 from vector<1xf32>
        %parallel_loop3A_815 = vector.broadcast %parallel_loop3A_814 : f32 to vector<16xf32>
        %parallel_loop3A_816 = arith.constant 9 : i32
        %parallel_loop3A_817 = arith.addi %parallel_loop3A_389, %parallel_loop3A_816 : i32
        %parallel_loop3A_818 = arith.index_cast %parallel_loop3A_817 : i32 to index
        %parallel_loop3A_819 = arith.constant 0 : index
        %parallel_loop3A_820 = tpu.vector_load %arg15[%parallel_loop3A_818, %parallel_loop3A_819] {strides = array<i32>} : memref<128x64xf32, #tpu.memory_space<vmem>>, vector<16xf32>,
        %parallel_loop3A_821 = arith.mulf %parallel_loop3A_820, %parallel_loop3A_815 : vector<16xf32>
        %parallel_loop3A_822 = arith.constant 9 : i32
        %parallel_loop3A_823 = arith.addi %parallel_loop3A_389, %parallel_loop3A_822 : i32
        %parallel_loop3A_824 = arith.index_cast %parallel_loop3A_823 : i32 to index
        %parallel_loop3A_825 = arith.constant 0 : index
        %parallel_loop3A_826 = tpu.vector_load %arg15[%parallel_loop3A_824, %parallel_loop3A_825] {strides = array<i32>} : memref<128x64xf32, #tpu.memory_space<vmem>>, vector<16xf32>,
        tpu.vector_store %arg15[%parallel_loop3A_824, %parallel_loop3A_825], %parallel_loop3A_821 {strides = array<i32>} : memref<128x64xf32, #tpu.memory_space<vmem>>, vector<16xf32>,
        %parallel_loop3A_827 = arith.constant 9 : i32
        %parallel_loop3A_828 = arith.addi %parallel_loop3A_389, %parallel_loop3A_827 : i32
        %parallel_loop3A_829 = arith.index_cast %parallel_loop3A_828 : i32 to index
        %parallel_loop3A_830 = arith.constant 16 : index
        %parallel_loop3A_831 = tpu.vector_load %arg15[%parallel_loop3A_829, %parallel_loop3A_830] {strides = array<i32>} : memref<128x64xf32, #tpu.memory_space<vmem>>, vector<16xf32>,
        %parallel_loop3A_832 = arith.mulf %parallel_loop3A_831, %parallel_loop3A_815 : vector<16xf32>
        %parallel_loop3A_833 = arith.constant 9 : i32
        %parallel_loop3A_834 = arith.addi %parallel_loop3A_389, %parallel_loop3A_833 : i32
        %parallel_loop3A_835 = arith.index_cast %parallel_loop3A_834 : i32 to index
        %parallel_loop3A_836 = arith.constant 16 : index
        %parallel_loop3A_837 = tpu.vector_load %arg15[%parallel_loop3A_835, %parallel_loop3A_836] {strides = array<i32>} : memref<128x64xf32, #tpu.memory_space<vmem>>, vector<16xf32>,
        tpu.vector_store %arg15[%parallel_loop3A_835, %parallel_loop3A_836], %parallel_loop3A_832 {strides = array<i32>} : memref<128x64xf32, #tpu.memory_space<vmem>>, vector<16xf32>,
        %parallel_loop3A_838 = arith.constant 9 : i32
        %parallel_loop3A_839 = arith.addi %parallel_loop3A_389, %parallel_loop3A_838 : i32
        %parallel_loop3A_840 = arith.index_cast %parallel_loop3A_839 : i32 to index
        %parallel_loop3A_841 = arith.constant 32 : index
        %parallel_loop3A_842 = tpu.vector_load %arg15[%parallel_loop3A_840, %parallel_loop3A_841] {strides = array<i32>} : memref<128x64xf32, #tpu.memory_space<vmem>>, vector<16xf32>,
        %parallel_loop3A_843 = arith.mulf %parallel_loop3A_842, %parallel_loop3A_815 : vector<16xf32>
        %parallel_loop3A_844 = arith.constant 9 : i32
        %parallel_loop3A_845 = arith.addi %parallel_loop3A_389, %parallel_loop3A_844 : i32
        %parallel_loop3A_846 = arith.index_cast %parallel_loop3A_845 : i32 to index
        %parallel_loop3A_847 = arith.constant 32 : index
        %parallel_loop3A_848 = tpu.vector_load %arg15[%parallel_loop3A_846, %parallel_loop3A_847] {strides = array<i32>} : memref<128x64xf32, #tpu.memory_space<vmem>>, vector<16xf32>,
        tpu.vector_store %arg15[%parallel_loop3A_846, %parallel_loop3A_847], %parallel_loop3A_843 {strides = array<i32>} : memref<128x64xf32, #tpu.memory_space<vmem>>, vector<16xf32>,
        %parallel_loop3A_849 = arith.constant 9 : i32
        %parallel_loop3A_850 = arith.addi %parallel_loop3A_389, %parallel_loop3A_849 : i32
        %parallel_loop3A_851 = arith.index_cast %parallel_loop3A_850 : i32 to index
        %parallel_loop3A_852 = arith.constant 48 : index
        %parallel_loop3A_853 = tpu.vector_load %arg15[%parallel_loop3A_851, %parallel_loop3A_852] {strides = array<i32>} : memref<128x64xf32, #tpu.memory_space<vmem>>, vector<16xf32>,
        %parallel_loop3A_854 = arith.mulf %parallel_loop3A_853, %parallel_loop3A_815 : vector<16xf32>
        %parallel_loop3A_855 = arith.constant 9 : i32
        %parallel_loop3A_856 = arith.addi %parallel_loop3A_389, %parallel_loop3A_855 : i32
        %parallel_loop3A_857 = arith.index_cast %parallel_loop3A_856 : i32 to index
        %parallel_loop3A_858 = arith.constant 48 : index
        %parallel_loop3A_859 = tpu.vector_load %arg15[%parallel_loop3A_857, %parallel_loop3A_858] {strides = array<i32>} : memref<128x64xf32, #tpu.memory_space<vmem>>, vector<16xf32>,
        tpu.vector_store %arg15[%parallel_loop3A_857, %parallel_loop3A_858], %parallel_loop3A_854 {strides = array<i32>} : memref<128x64xf32, #tpu.memory_space<vmem>>, vector<16xf32>,
        %parallel_loop3A_860 = vector.extract_strided_slice %parallel_loop3A_387 {offsets = [10], sizes = [1], strides = [1]} : vector<16xf32> to vector<1xf32>
        %parallel_loop3A_861 = vector.extract %parallel_loop3A_860[0] : f32 from vector<1xf32>
        %parallel_loop3A_862 = vector.broadcast %parallel_loop3A_861 : f32 to vector<16xf32>
        %parallel_loop3A_863 = arith.constant 10 : i32
        %parallel_loop3A_864 = arith.addi %parallel_loop3A_389, %parallel_loop3A_863 : i32
        %parallel_loop3A_865 = arith.index_cast %parallel_loop3A_864 : i32 to index
        %parallel_loop3A_866 = arith.constant 0 : index
        %parallel_loop3A_867 = tpu.vector_load %arg15[%parallel_loop3A_865, %parallel_loop3A_866] {strides = array<i32>} : memref<128x64xf32, #tpu.memory_space<vmem>>, vector<16xf32>,
        %parallel_loop3A_868 = arith.mulf %parallel_loop3A_867, %parallel_loop3A_862 : vector<16xf32>
        %parallel_loop3A_869 = arith.constant 10 : i32
        %parallel_loop3A_870 = arith.addi %parallel_loop3A_389, %parallel_loop3A_869 : i32
        %parallel_loop3A_871 = arith.index_cast %parallel_loop3A_870 : i32 to index
        %parallel_loop3A_872 = arith.constant 0 : index
        %parallel_loop3A_873 = tpu.vector_load %arg15[%parallel_loop3A_871, %parallel_loop3A_872] {strides = array<i32>} : memref<128x64xf32, #tpu.memory_space<vmem>>, vector<16xf32>,
        tpu.vector_store %arg15[%parallel_loop3A_871, %parallel_loop3A_872], %parallel_loop3A_868 {strides = array<i32>} : memref<128x64xf32, #tpu.memory_space<vmem>>, vector<16xf32>,
        %parallel_loop3A_874 = arith.constant 10 : i32
        %parallel_loop3A_875 = arith.addi %parallel_loop3A_389, %parallel_loop3A_874 : i32
        %parallel_loop3A_876 = arith.index_cast %parallel_loop3A_875 : i32 to index
        %parallel_loop3A_877 = arith.constant 16 : index
        %parallel_loop3A_878 = tpu.vector_load %arg15[%parallel_loop3A_876, %parallel_loop3A_877] {strides = array<i32>} : memref<128x64xf32, #tpu.memory_space<vmem>>, vector<16xf32>,
        %parallel_loop3A_879 = arith.mulf %parallel_loop3A_878, %parallel_loop3A_862 : vector<16xf32>
        %parallel_loop3A_880 = arith.constant 10 : i32
        %parallel_loop3A_881 = arith.addi %parallel_loop3A_389, %parallel_loop3A_880 : i32
        %parallel_loop3A_882 = arith.index_cast %parallel_loop3A_881 : i32 to index
        %parallel_loop3A_883 = arith.constant 16 : index
        %parallel_loop3A_884 = tpu.vector_load %arg15[%parallel_loop3A_882, %parallel_loop3A_883] {strides = array<i32>} : memref<128x64xf32, #tpu.memory_space<vmem>>, vector<16xf32>,
        tpu.vector_store %arg15[%parallel_loop3A_882, %parallel_loop3A_883], %parallel_loop3A_879 {strides = array<i32>} : memref<128x64xf32, #tpu.memory_space<vmem>>, vector<16xf32>,
        %parallel_loop3A_885 = arith.constant 10 : i32
        %parallel_loop3A_886 = arith.addi %parallel_loop3A_389, %parallel_loop3A_885 : i32
        %parallel_loop3A_887 = arith.index_cast %parallel_loop3A_886 : i32 to index
        %parallel_loop3A_888 = arith.constant 32 : index
        %parallel_loop3A_889 = tpu.vector_load %arg15[%parallel_loop3A_887, %parallel_loop3A_888] {strides = array<i32>} : memref<128x64xf32, #tpu.memory_space<vmem>>, vector<16xf32>,
        %parallel_loop3A_890 = arith.mulf %parallel_loop3A_889, %parallel_loop3A_862 : vector<16xf32>
        %parallel_loop3A_891 = arith.constant 10 : i32
        %parallel_loop3A_892 = arith.addi %parallel_loop3A_389, %parallel_loop3A_891 : i32
        %parallel_loop3A_893 = arith.index_cast %parallel_loop3A_892 : i32 to index
        %parallel_loop3A_894 = arith.constant 32 : index
        %parallel_loop3A_895 = tpu.vector_load %arg15[%parallel_loop3A_893, %parallel_loop3A_894] {strides = array<i32>} : memref<128x64xf32, #tpu.memory_space<vmem>>, vector<16xf32>,
        tpu.vector_store %arg15[%parallel_loop3A_893, %parallel_loop3A_894], %parallel_loop3A_890 {strides = array<i32>} : memref<128x64xf32, #tpu.memory_space<vmem>>, vector<16xf32>,
        %parallel_loop3A_896 = arith.constant 10 : i32
        %parallel_loop3A_897 = arith.addi %parallel_loop3A_389, %parallel_loop3A_896 : i32
        %parallel_loop3A_898 = arith.index_cast %parallel_loop3A_897 : i32 to index
        %parallel_loop3A_899 = arith.constant 48 : index
        %parallel_loop3A_900 = tpu.vector_load %arg15[%parallel_loop3A_898, %parallel_loop3A_899] {strides = array<i32>} : memref<128x64xf32, #tpu.memory_space<vmem>>, vector<16xf32>,
        %parallel_loop3A_901 = arith.mulf %parallel_loop3A_900, %parallel_loop3A_862 : vector<16xf32>
        %parallel_loop3A_902 = arith.constant 10 : i32
        %parallel_loop3A_903 = arith.addi %parallel_loop3A_389, %parallel_loop3A_902 : i32
        %parallel_loop3A_904 = arith.index_cast %parallel_loop3A_903 : i32 to index
        %parallel_loop3A_905 = arith.constant 48 : index
        %parallel_loop3A_906 = tpu.vector_load %arg15[%parallel_loop3A_904, %parallel_loop3A_905] {strides = array<i32>} : memref<128x64xf32, #tpu.memory_space<vmem>>, vector<16xf32>,
        tpu.vector_store %arg15[%parallel_loop3A_904, %parallel_loop3A_905], %parallel_loop3A_901 {strides = array<i32>} : memref<128x64xf32, #tpu.memory_space<vmem>>, vector<16xf32>,
        %parallel_loop3A_907 = vector.extract_strided_slice %parallel_loop3A_387 {offsets = [11], sizes = [1], strides = [1]} : vector<16xf32> to vector<1xf32>
        %parallel_loop3A_908 = vector.extract %parallel_loop3A_907[0] : f32 from vector<1xf32>
        %parallel_loop3A_909 = vector.broadcast %parallel_loop3A_908 : f32 to vector<16xf32>
        %parallel_loop3A_910 = arith.constant 11 : i32
        %parallel_loop3A_911 = arith.addi %parallel_loop3A_389, %parallel_loop3A_910 : i32
        %parallel_loop3A_912 = arith.index_cast %parallel_loop3A_911 : i32 to index
        %parallel_loop3A_913 = arith.constant 0 : index
        %parallel_loop3A_914 = tpu.vector_load %arg15[%parallel_loop3A_912, %parallel_loop3A_913] {strides = array<i32>} : memref<128x64xf32, #tpu.memory_space<vmem>>, vector<16xf32>,
        %parallel_loop3A_915 = arith.mulf %parallel_loop3A_914, %parallel_loop3A_909 : vector<16xf32>
        %parallel_loop3A_916 = arith.constant 11 : i32
        %parallel_loop3A_917 = arith.addi %parallel_loop3A_389, %parallel_loop3A_916 : i32
        %parallel_loop3A_918 = arith.index_cast %parallel_loop3A_917 : i32 to index
        %parallel_loop3A_919 = arith.constant 0 : index
        %parallel_loop3A_920 = tpu.vector_load %arg15[%parallel_loop3A_918, %parallel_loop3A_919] {strides = array<i32>} : memref<128x64xf32, #tpu.memory_space<vmem>>, vector<16xf32>,
        tpu.vector_store %arg15[%parallel_loop3A_918, %parallel_loop3A_919], %parallel_loop3A_915 {strides = array<i32>} : memref<128x64xf32, #tpu.memory_space<vmem>>, vector<16xf32>,
        %parallel_loop3A_921 = arith.constant 11 : i32
        %parallel_loop3A_922 = arith.addi %parallel_loop3A_389, %parallel_loop3A_921 : i32
        %parallel_loop3A_923 = arith.index_cast %parallel_loop3A_922 : i32 to index
        %parallel_loop3A_924 = arith.constant 16 : index
        %parallel_loop3A_925 = tpu.vector_load %arg15[%parallel_loop3A_923, %parallel_loop3A_924] {strides = array<i32>} : memref<128x64xf32, #tpu.memory_space<vmem>>, vector<16xf32>,
        %parallel_loop3A_926 = arith.mulf %parallel_loop3A_925, %parallel_loop3A_909 : vector<16xf32>
        %parallel_loop3A_927 = arith.constant 11 : i32
        %parallel_loop3A_928 = arith.addi %parallel_loop3A_389, %parallel_loop3A_927 : i32
        %parallel_loop3A_929 = arith.index_cast %parallel_loop3A_928 : i32 to index
        %parallel_loop3A_930 = arith.constant 16 : index
        %parallel_loop3A_931 = tpu.vector_load %arg15[%parallel_loop3A_929, %parallel_loop3A_930] {strides = array<i32>} : memref<128x64xf32, #tpu.memory_space<vmem>>, vector<16xf32>,
        tpu.vector_store %arg15[%parallel_loop3A_929, %parallel_loop3A_930], %parallel_loop3A_926 {strides = array<i32>} : memref<128x64xf32, #tpu.memory_space<vmem>>, vector<16xf32>,
        %parallel_loop3A_932 = arith.constant 11 : i32
        %parallel_loop3A_933 = arith.addi %parallel_loop3A_389, %parallel_loop3A_932 : i32
        %parallel_loop3A_934 = arith.index_cast %parallel_loop3A_933 : i32 to index
        %parallel_loop3A_935 = arith.constant 32 : index
        %parallel_loop3A_936 = tpu.vector_load %arg15[%parallel_loop3A_934, %parallel_loop3A_935] {strides = array<i32>} : memref<128x64xf32, #tpu.memory_space<vmem>>, vector<16xf32>,
        %parallel_loop3A_937 = arith.mulf %parallel_loop3A_936, %parallel_loop3A_909 : vector<16xf32>
        %parallel_loop3A_938 = arith.constant 11 : i32
        %parallel_loop3A_939 = arith.addi %parallel_loop3A_389, %parallel_loop3A_938 : i32
        %parallel_loop3A_940 = arith.index_cast %parallel_loop3A_939 : i32 to index
        %parallel_loop3A_941 = arith.constant 32 : index
        %parallel_loop3A_942 = tpu.vector_load %arg15[%parallel_loop3A_940, %parallel_loop3A_941] {strides = array<i32>} : memref<128x64xf32, #tpu.memory_space<vmem>>, vector<16xf32>,
        tpu.vector_store %arg15[%parallel_loop3A_940, %parallel_loop3A_941], %parallel_loop3A_937 {strides = array<i32>} : memref<128x64xf32, #tpu.memory_space<vmem>>, vector<16xf32>,
        %parallel_loop3A_943 = arith.constant 11 : i32
        %parallel_loop3A_944 = arith.addi %parallel_loop3A_389, %parallel_loop3A_943 : i32
        %parallel_loop3A_945 = arith.index_cast %parallel_loop3A_944 : i32 to index
        %parallel_loop3A_946 = arith.constant 48 : index
        %parallel_loop3A_947 = tpu.vector_load %arg15[%parallel_loop3A_945, %parallel_loop3A_946] {strides = array<i32>} : memref<128x64xf32, #tpu.memory_space<vmem>>, vector<16xf32>,
        %parallel_loop3A_948 = arith.mulf %parallel_loop3A_947, %parallel_loop3A_909 : vector<16xf32>
        %parallel_loop3A_949 = arith.constant 11 : i32
        %parallel_loop3A_950 = arith.addi %parallel_loop3A_389, %parallel_loop3A_949 : i32
        %parallel_loop3A_951 = arith.index_cast %parallel_loop3A_950 : i32 to index
        %parallel_loop3A_952 = arith.constant 48 : index
        %parallel_loop3A_953 = tpu.vector_load %arg15[%parallel_loop3A_951, %parallel_loop3A_952] {strides = array<i32>} : memref<128x64xf32, #tpu.memory_space<vmem>>, vector<16xf32>,
        tpu.vector_store %arg15[%parallel_loop3A_951, %parallel_loop3A_952], %parallel_loop3A_948 {strides = array<i32>} : memref<128x64xf32, #tpu.memory_space<vmem>>, vector<16xf32>,
        %parallel_loop3A_954 = vector.extract_strided_slice %parallel_loop3A_387 {offsets = [12], sizes = [1], strides = [1]} : vector<16xf32> to vector<1xf32>
        %parallel_loop3A_955 = vector.extract %parallel_loop3A_954[0] : f32 from vector<1xf32>
        %parallel_loop3A_956 = vector.broadcast %parallel_loop3A_955 : f32 to vector<16xf32>
        %parallel_loop3A_957 = arith.constant 12 : i32
        %parallel_loop3A_958 = arith.addi %parallel_loop3A_389, %parallel_loop3A_957 : i32
        %parallel_loop3A_959 = arith.index_cast %parallel_loop3A_958 : i32 to index
        %parallel_loop3A_960 = arith.constant 0 : index
        %parallel_loop3A_961 = tpu.vector_load %arg15[%parallel_loop3A_959, %parallel_loop3A_960] {strides = array<i32>} : memref<128x64xf32, #tpu.memory_space<vmem>>, vector<16xf32>,
        %parallel_loop3A_962 = arith.mulf %parallel_loop3A_961, %parallel_loop3A_956 : vector<16xf32>
        %parallel_loop3A_963 = arith.constant 12 : i32
        %parallel_loop3A_964 = arith.addi %parallel_loop3A_389, %parallel_loop3A_963 : i32
        %parallel_loop3A_965 = arith.index_cast %parallel_loop3A_964 : i32 to index
        %parallel_loop3A_966 = arith.constant 0 : index
        %parallel_loop3A_967 = tpu.vector_load %arg15[%parallel_loop3A_965, %parallel_loop3A_966] {strides = array<i32>} : memref<128x64xf32, #tpu.memory_space<vmem>>, vector<16xf32>,
        tpu.vector_store %arg15[%parallel_loop3A_965, %parallel_loop3A_966], %parallel_loop3A_962 {strides = array<i32>} : memref<128x64xf32, #tpu.memory_space<vmem>>, vector<16xf32>,
        %parallel_loop3A_968 = arith.constant 12 : i32
        %parallel_loop3A_969 = arith.addi %parallel_loop3A_389, %parallel_loop3A_968 : i32
        %parallel_loop3A_970 = arith.index_cast %parallel_loop3A_969 : i32 to index
        %parallel_loop3A_971 = arith.constant 16 : index
        %parallel_loop3A_972 = tpu.vector_load %arg15[%parallel_loop3A_970, %parallel_loop3A_971] {strides = array<i32>} : memref<128x64xf32, #tpu.memory_space<vmem>>, vector<16xf32>,
        %parallel_loop3A_973 = arith.mulf %parallel_loop3A_972, %parallel_loop3A_956 : vector<16xf32>
        %parallel_loop3A_974 = arith.constant 12 : i32
        %parallel_loop3A_975 = arith.addi %parallel_loop3A_389, %parallel_loop3A_974 : i32
        %parallel_loop3A_976 = arith.index_cast %parallel_loop3A_975 : i32 to index
        %parallel_loop3A_977 = arith.constant 16 : index
        %parallel_loop3A_978 = tpu.vector_load %arg15[%parallel_loop3A_976, %parallel_loop3A_977] {strides = array<i32>} : memref<128x64xf32, #tpu.memory_space<vmem>>, vector<16xf32>,
        tpu.vector_store %arg15[%parallel_loop3A_976, %parallel_loop3A_977], %parallel_loop3A_973 {strides = array<i32>} : memref<128x64xf32, #tpu.memory_space<vmem>>, vector<16xf32>,
        %parallel_loop3A_979 = arith.constant 12 : i32
        %parallel_loop3A_980 = arith.addi %parallel_loop3A_389, %parallel_loop3A_979 : i32
        %parallel_loop3A_981 = arith.index_cast %parallel_loop3A_980 : i32 to index
        %parallel_loop3A_982 = arith.constant 32 : index
        %parallel_loop3A_983 = tpu.vector_load %arg15[%parallel_loop3A_981, %parallel_loop3A_982] {strides = array<i32>} : memref<128x64xf32, #tpu.memory_space<vmem>>, vector<16xf32>,
        %parallel_loop3A_984 = arith.mulf %parallel_loop3A_983, %parallel_loop3A_956 : vector<16xf32>
        %parallel_loop3A_985 = arith.constant 12 : i32
        %parallel_loop3A_986 = arith.addi %parallel_loop3A_389, %parallel_loop3A_985 : i32
        %parallel_loop3A_987 = arith.index_cast %parallel_loop3A_986 : i32 to index
        %parallel_loop3A_988 = arith.constant 32 : index
        %parallel_loop3A_989 = tpu.vector_load %arg15[%parallel_loop3A_987, %parallel_loop3A_988] {strides = array<i32>} : memref<128x64xf32, #tpu.memory_space<vmem>>, vector<16xf32>,
        tpu.vector_store %arg15[%parallel_loop3A_987, %parallel_loop3A_988], %parallel_loop3A_984 {strides = array<i32>} : memref<128x64xf32, #tpu.memory_space<vmem>>, vector<16xf32>,
        %parallel_loop3A_990 = arith.constant 12 : i32
        %parallel_loop3A_991 = arith.addi %parallel_loop3A_389, %parallel_loop3A_990 : i32
        %parallel_loop3A_992 = arith.index_cast %parallel_loop3A_991 : i32 to index
        %parallel_loop3A_993 = arith.constant 48 : index
        %parallel_loop3A_994 = tpu.vector_load %arg15[%parallel_loop3A_992, %parallel_loop3A_993] {strides = array<i32>} : memref<128x64xf32, #tpu.memory_space<vmem>>, vector<16xf32>,
        %parallel_loop3A_995 = arith.mulf %parallel_loop3A_994, %parallel_loop3A_956 : vector<16xf32>
        %parallel_loop3A_996 = arith.constant 12 : i32
        %parallel_loop3A_997 = arith.addi %parallel_loop3A_389, %parallel_loop3A_996 : i32
        %parallel_loop3A_998 = arith.index_cast %parallel_loop3A_997 : i32 to index
        %parallel_loop3A_999 = arith.constant 48 : index
        %parallel_loop3A_1000 = tpu.vector_load %arg15[%parallel_loop3A_998, %parallel_loop3A_999] {strides = array<i32>} : memref<128x64xf32, #tpu.memory_space<vmem>>, vector<16xf32>,
        tpu.vector_store %arg15[%parallel_loop3A_998, %parallel_loop3A_999], %parallel_loop3A_995 {strides = array<i32>} : memref<128x64xf32, #tpu.memory_space<vmem>>, vector<16xf32>,
        %parallel_loop3A_1001 = vector.extract_strided_slice %parallel_loop3A_387 {offsets = [13], sizes = [1], strides = [1]} : vector<16xf32> to vector<1xf32>
        %parallel_loop3A_1002 = vector.extract %parallel_loop3A_1001[0] : f32 from vector<1xf32>
        %parallel_loop3A_1003 = vector.broadcast %parallel_loop3A_1002 : f32 to vector<16xf32>
        %parallel_loop3A_1004 = arith.constant 13 : i32
        %parallel_loop3A_1005 = arith.addi %parallel_loop3A_389, %parallel_loop3A_1004 : i32
        %parallel_loop3A_1006 = arith.index_cast %parallel_loop3A_1005 : i32 to index
        %parallel_loop3A_1007 = arith.constant 0 : index
        %parallel_loop3A_1008 = tpu.vector_load %arg15[%parallel_loop3A_1006, %parallel_loop3A_1007] {strides = array<i32>} : memref<128x64xf32, #tpu.memory_space<vmem>>, vector<16xf32>,
        %parallel_loop3A_1009 = arith.mulf %parallel_loop3A_1008, %parallel_loop3A_1003 : vector<16xf32>
        %parallel_loop3A_1010 = arith.constant 13 : i32
        %parallel_loop3A_1011 = arith.addi %parallel_loop3A_389, %parallel_loop3A_1010 : i32
        %parallel_loop3A_1012 = arith.index_cast %parallel_loop3A_1011 : i32 to index
        %parallel_loop3A_1013 = arith.constant 0 : index
        %parallel_loop3A_1014 = tpu.vector_load %arg15[%parallel_loop3A_1012, %parallel_loop3A_1013] {strides = array<i32>} : memref<128x64xf32, #tpu.memory_space<vmem>>, vector<16xf32>,
        tpu.vector_store %arg15[%parallel_loop3A_1012, %parallel_loop3A_1013], %parallel_loop3A_1009 {strides = array<i32>} : memref<128x64xf32, #tpu.memory_space<vmem>>, vector<16xf32>,
        %parallel_loop3A_1015 = arith.constant 13 : i32
        %parallel_loop3A_1016 = arith.addi %parallel_loop3A_389, %parallel_loop3A_1015 : i32
        %parallel_loop3A_1017 = arith.index_cast %parallel_loop3A_1016 : i32 to index
        %parallel_loop3A_1018 = arith.constant 16 : index
        %parallel_loop3A_1019 = tpu.vector_load %arg15[%parallel_loop3A_1017, %parallel_loop3A_1018] {strides = array<i32>} : memref<128x64xf32, #tpu.memory_space<vmem>>, vector<16xf32>,
        %parallel_loop3A_1020 = arith.mulf %parallel_loop3A_1019, %parallel_loop3A_1003 : vector<16xf32>
        %parallel_loop3A_1021 = arith.constant 13 : i32
        %parallel_loop3A_1022 = arith.addi %parallel_loop3A_389, %parallel_loop3A_1021 : i32
        %parallel_loop3A_1023 = arith.index_cast %parallel_loop3A_1022 : i32 to index
        %parallel_loop3A_1024 = arith.constant 16 : index
        %parallel_loop3A_1025 = tpu.vector_load %arg15[%parallel_loop3A_1023, %parallel_loop3A_1024] {strides = array<i32>} : memref<128x64xf32, #tpu.memory_space<vmem>>, vector<16xf32>,
        tpu.vector_store %arg15[%parallel_loop3A_1023, %parallel_loop3A_1024], %parallel_loop3A_1020 {strides = array<i32>} : memref<128x64xf32, #tpu.memory_space<vmem>>, vector<16xf32>,
        %parallel_loop3A_1026 = arith.constant 13 : i32
        %parallel_loop3A_1027 = arith.addi %parallel_loop3A_389, %parallel_loop3A_1026 : i32
        %parallel_loop3A_1028 = arith.index_cast %parallel_loop3A_1027 : i32 to index
        %parallel_loop3A_1029 = arith.constant 32 : index
        %parallel_loop3A_1030 = tpu.vector_load %arg15[%parallel_loop3A_1028, %parallel_loop3A_1029] {strides = array<i32>} : memref<128x64xf32, #tpu.memory_space<vmem>>, vector<16xf32>,
        %parallel_loop3A_1031 = arith.mulf %parallel_loop3A_1030, %parallel_loop3A_1003 : vector<16xf32>
        %parallel_loop3A_1032 = arith.constant 13 : i32
        %parallel_loop3A_1033 = arith.addi %parallel_loop3A_389, %parallel_loop3A_1032 : i32
        %parallel_loop3A_1034 = arith.index_cast %parallel_loop3A_1033 : i32 to index
        %parallel_loop3A_1035 = arith.constant 32 : index
        %parallel_loop3A_1036 = tpu.vector_load %arg15[%parallel_loop3A_1034, %parallel_loop3A_1035] {strides = array<i32>} : memref<128x64xf32, #tpu.memory_space<vmem>>, vector<16xf32>,
        tpu.vector_store %arg15[%parallel_loop3A_1034, %parallel_loop3A_1035], %parallel_loop3A_1031 {strides = array<i32>} : memref<128x64xf32, #tpu.memory_space<vmem>>, vector<16xf32>,
        %parallel_loop3A_1037 = arith.constant 13 : i32
        %parallel_loop3A_1038 = arith.addi %parallel_loop3A_389, %parallel_loop3A_1037 : i32
        %parallel_loop3A_1039 = arith.index_cast %parallel_loop3A_1038 : i32 to index
        %parallel_loop3A_1040 = arith.constant 48 : index
        %parallel_loop3A_1041 = tpu.vector_load %arg15[%parallel_loop3A_1039, %parallel_loop3A_1040] {strides = array<i32>} : memref<128x64xf32, #tpu.memory_space<vmem>>, vector<16xf32>,
        %parallel_loop3A_1042 = arith.mulf %parallel_loop3A_1041, %parallel_loop3A_1003 : vector<16xf32>
        %parallel_loop3A_1043 = arith.constant 13 : i32
        %parallel_loop3A_1044 = arith.addi %parallel_loop3A_389, %parallel_loop3A_1043 : i32
        %parallel_loop3A_1045 = arith.index_cast %parallel_loop3A_1044 : i32 to index
        %parallel_loop3A_1046 = arith.constant 48 : index
        %parallel_loop3A_1047 = tpu.vector_load %arg15[%parallel_loop3A_1045, %parallel_loop3A_1046] {strides = array<i32>} : memref<128x64xf32, #tpu.memory_space<vmem>>, vector<16xf32>,
        tpu.vector_store %arg15[%parallel_loop3A_1045, %parallel_loop3A_1046], %parallel_loop3A_1042 {strides = array<i32>} : memref<128x64xf32, #tpu.memory_space<vmem>>, vector<16xf32>,
        %parallel_loop3A_1048 = vector.extract_strided_slice %parallel_loop3A_387 {offsets = [14], sizes = [1], strides = [1]} : vector<16xf32> to vector<1xf32>
        %parallel_loop3A_1049 = vector.extract %parallel_loop3A_1048[0] : f32 from vector<1xf32>
        %parallel_loop3A_1050 = vector.broadcast %parallel_loop3A_1049 : f32 to vector<16xf32>
        %parallel_loop3A_1051 = arith.constant 14 : i32
        %parallel_loop3A_1052 = arith.addi %parallel_loop3A_389, %parallel_loop3A_1051 : i32
        %parallel_loop3A_1053 = arith.index_cast %parallel_loop3A_1052 : i32 to index
        %parallel_loop3A_1054 = arith.constant 0 : index
        %parallel_loop3A_1055 = tpu.vector_load %arg15[%parallel_loop3A_1053, %parallel_loop3A_1054] {strides = array<i32>} : memref<128x64xf32, #tpu.memory_space<vmem>>, vector<16xf32>,
        %parallel_loop3A_1056 = arith.mulf %parallel_loop3A_1055, %parallel_loop3A_1050 : vector<16xf32>
        %parallel_loop3A_1057 = arith.constant 14 : i32
        %parallel_loop3A_1058 = arith.addi %parallel_loop3A_389, %parallel_loop3A_1057 : i32
        %parallel_loop3A_1059 = arith.index_cast %parallel_loop3A_1058 : i32 to index
        %parallel_loop3A_1060 = arith.constant 0 : index
        %parallel_loop3A_1061 = tpu.vector_load %arg15[%parallel_loop3A_1059, %parallel_loop3A_1060] {strides = array<i32>} : memref<128x64xf32, #tpu.memory_space<vmem>>, vector<16xf32>,
        tpu.vector_store %arg15[%parallel_loop3A_1059, %parallel_loop3A_1060], %parallel_loop3A_1056 {strides = array<i32>} : memref<128x64xf32, #tpu.memory_space<vmem>>, vector<16xf32>,
        %parallel_loop3A_1062 = arith.constant 14 : i32
        %parallel_loop3A_1063 = arith.addi %parallel_loop3A_389, %parallel_loop3A_1062 : i32
        %parallel_loop3A_1064 = arith.index_cast %parallel_loop3A_1063 : i32 to index
        %parallel_loop3A_1065 = arith.constant 16 : index
        %parallel_loop3A_1066 = tpu.vector_load %arg15[%parallel_loop3A_1064, %parallel_loop3A_1065] {strides = array<i32>} : memref<128x64xf32, #tpu.memory_space<vmem>>, vector<16xf32>,
        %parallel_loop3A_1067 = arith.mulf %parallel_loop3A_1066, %parallel_loop3A_1050 : vector<16xf32>
        %parallel_loop3A_1068 = arith.constant 14 : i32
        %parallel_loop3A_1069 = arith.addi %parallel_loop3A_389, %parallel_loop3A_1068 : i32
        %parallel_loop3A_1070 = arith.index_cast %parallel_loop3A_1069 : i32 to index
        %parallel_loop3A_1071 = arith.constant 16 : index
        %parallel_loop3A_1072 = tpu.vector_load %arg15[%parallel_loop3A_1070, %parallel_loop3A_1071] {strides = array<i32>} : memref<128x64xf32, #tpu.memory_space<vmem>>, vector<16xf32>,
        tpu.vector_store %arg15[%parallel_loop3A_1070, %parallel_loop3A_1071], %parallel_loop3A_1067 {strides = array<i32>} : memref<128x64xf32, #tpu.memory_space<vmem>>, vector<16xf32>,
        %parallel_loop3A_1073 = arith.constant 14 : i32
        %parallel_loop3A_1074 = arith.addi %parallel_loop3A_389, %parallel_loop3A_1073 : i32
        %parallel_loop3A_1075 = arith.index_cast %parallel_loop3A_1074 : i32 to index
        %parallel_loop3A_1076 = arith.constant 32 : index
        %parallel_loop3A_1077 = tpu.vector_load %arg15[%parallel_loop3A_1075, %parallel_loop3A_1076] {strides = array<i32>} : memref<128x64xf32, #tpu.memory_space<vmem>>, vector<16xf32>,
        %parallel_loop3A_1078 = arith.mulf %parallel_loop3A_1077, %parallel_loop3A_1050 : vector<16xf32>
        %parallel_loop3A_1079 = arith.constant 14 : i32
        %parallel_loop3A_1080 = arith.addi %parallel_loop3A_389, %parallel_loop3A_1079 : i32
        %parallel_loop3A_1081 = arith.index_cast %parallel_loop3A_1080 : i32 to index
        %parallel_loop3A_1082 = arith.constant 32 : index
        %parallel_loop3A_1083 = tpu.vector_load %arg15[%parallel_loop3A_1081, %parallel_loop3A_1082] {strides = array<i32>} : memref<128x64xf32, #tpu.memory_space<vmem>>, vector<16xf32>,
        tpu.vector_store %arg15[%parallel_loop3A_1081, %parallel_loop3A_1082], %parallel_loop3A_1078 {strides = array<i32>} : memref<128x64xf32, #tpu.memory_space<vmem>>, vector<16xf32>,
        %parallel_loop3A_1084 = arith.constant 14 : i32
        %parallel_loop3A_1085 = arith.addi %parallel_loop3A_389, %parallel_loop3A_1084 : i32
        %parallel_loop3A_1086 = arith.index_cast %parallel_loop3A_1085 : i32 to index
        %parallel_loop3A_1087 = arith.constant 48 : index
        %parallel_loop3A_1088 = tpu.vector_load %arg15[%parallel_loop3A_1086, %parallel_loop3A_1087] {strides = array<i32>} : memref<128x64xf32, #tpu.memory_space<vmem>>, vector<16xf32>,
        %parallel_loop3A_1089 = arith.mulf %parallel_loop3A_1088, %parallel_loop3A_1050 : vector<16xf32>
        %parallel_loop3A_1090 = arith.constant 14 : i32
        %parallel_loop3A_1091 = arith.addi %parallel_loop3A_389, %parallel_loop3A_1090 : i32
        %parallel_loop3A_1092 = arith.index_cast %parallel_loop3A_1091 : i32 to index
        %parallel_loop3A_1093 = arith.constant 48 : index
        %parallel_loop3A_1094 = tpu.vector_load %arg15[%parallel_loop3A_1092, %parallel_loop3A_1093] {strides = array<i32>} : memref<128x64xf32, #tpu.memory_space<vmem>>, vector<16xf32>,
        tpu.vector_store %arg15[%parallel_loop3A_1092, %parallel_loop3A_1093], %parallel_loop3A_1089 {strides = array<i32>} : memref<128x64xf32, #tpu.memory_space<vmem>>, vector<16xf32>,
        %parallel_loop3A_1095 = vector.extract_strided_slice %parallel_loop3A_387 {offsets = [15], sizes = [1], strides = [1]} : vector<16xf32> to vector<1xf32>
        %parallel_loop3A_1096 = vector.extract %parallel_loop3A_1095[0] : f32 from vector<1xf32>
        %parallel_loop3A_1097 = vector.broadcast %parallel_loop3A_1096 : f32 to vector<16xf32>
        %parallel_loop3A_1098 = arith.constant 15 : i32
        %parallel_loop3A_1099 = arith.addi %parallel_loop3A_389, %parallel_loop3A_1098 : i32
        %parallel_loop3A_1100 = arith.index_cast %parallel_loop3A_1099 : i32 to index
        %parallel_loop3A_1101 = arith.constant 0 : index
        %parallel_loop3A_1102 = tpu.vector_load %arg15[%parallel_loop3A_1100, %parallel_loop3A_1101] {strides = array<i32>} : memref<128x64xf32, #tpu.memory_space<vmem>>, vector<16xf32>,
        %parallel_loop3A_1103 = arith.mulf %parallel_loop3A_1102, %parallel_loop3A_1097 : vector<16xf32>
        %parallel_loop3A_1104 = arith.constant 15 : i32
        %parallel_loop3A_1105 = arith.addi %parallel_loop3A_389, %parallel_loop3A_1104 : i32
        %parallel_loop3A_1106 = arith.index_cast %parallel_loop3A_1105 : i32 to index
        %parallel_loop3A_1107 = arith.constant 0 : index
        %parallel_loop3A_1108 = tpu.vector_load %arg15[%parallel_loop3A_1106, %parallel_loop3A_1107] {strides = array<i32>} : memref<128x64xf32, #tpu.memory_space<vmem>>, vector<16xf32>,
        tpu.vector_store %arg15[%parallel_loop3A_1106, %parallel_loop3A_1107], %parallel_loop3A_1103 {strides = array<i32>} : memref<128x64xf32, #tpu.memory_space<vmem>>, vector<16xf32>,
        %parallel_loop3A_1109 = arith.constant 15 : i32
        %parallel_loop3A_1110 = arith.addi %parallel_loop3A_389, %parallel_loop3A_1109 : i32
        %parallel_loop3A_1111 = arith.index_cast %parallel_loop3A_1110 : i32 to index
        %parallel_loop3A_1112 = arith.constant 16 : index
        %parallel_loop3A_1113 = tpu.vector_load %arg15[%parallel_loop3A_1111, %parallel_loop3A_1112] {strides = array<i32>} : memref<128x64xf32, #tpu.memory_space<vmem>>, vector<16xf32>,
        %parallel_loop3A_1114 = arith.mulf %parallel_loop3A_1113, %parallel_loop3A_1097 : vector<16xf32>
        %parallel_loop3A_1115 = arith.constant 15 : i32
        %parallel_loop3A_1116 = arith.addi %parallel_loop3A_389, %parallel_loop3A_1115 : i32
        %parallel_loop3A_1117 = arith.index_cast %parallel_loop3A_1116 : i32 to index
        %parallel_loop3A_1118 = arith.constant 16 : index
        %parallel_loop3A_1119 = tpu.vector_load %arg15[%parallel_loop3A_1117, %parallel_loop3A_1118] {strides = array<i32>} : memref<128x64xf32, #tpu.memory_space<vmem>>, vector<16xf32>,
        tpu.vector_store %arg15[%parallel_loop3A_1117, %parallel_loop3A_1118], %parallel_loop3A_1114 {strides = array<i32>} : memref<128x64xf32, #tpu.memory_space<vmem>>, vector<16xf32>,
        %parallel_loop3A_1120 = arith.constant 15 : i32
        %parallel_loop3A_1121 = arith.addi %parallel_loop3A_389, %parallel_loop3A_1120 : i32
        %parallel_loop3A_1122 = arith.index_cast %parallel_loop3A_1121 : i32 to index
        %parallel_loop3A_1123 = arith.constant 32 : index
        %parallel_loop3A_1124 = tpu.vector_load %arg15[%parallel_loop3A_1122, %parallel_loop3A_1123] {strides = array<i32>} : memref<128x64xf32, #tpu.memory_space<vmem>>, vector<16xf32>,
        %parallel_loop3A_1125 = arith.mulf %parallel_loop3A_1124, %parallel_loop3A_1097 : vector<16xf32>
        %parallel_loop3A_1126 = arith.constant 15 : i32
        %parallel_loop3A_1127 = arith.addi %parallel_loop3A_389, %parallel_loop3A_1126 : i32
        %parallel_loop3A_1128 = arith.index_cast %parallel_loop3A_1127 : i32 to index
        %parallel_loop3A_1129 = arith.constant 32 : index
        %parallel_loop3A_1130 = tpu.vector_load %arg15[%parallel_loop3A_1128, %parallel_loop3A_1129] {strides = array<i32>} : memref<128x64xf32, #tpu.memory_space<vmem>>, vector<16xf32>,
        tpu.vector_store %arg15[%parallel_loop3A_1128, %parallel_loop3A_1129], %parallel_loop3A_1125 {strides = array<i32>} : memref<128x64xf32, #tpu.memory_space<vmem>>, vector<16xf32>,
        %parallel_loop3A_1131 = arith.constant 15 : i32
        %parallel_loop3A_1132 = arith.addi %parallel_loop3A_389, %parallel_loop3A_1131 : i32
        %parallel_loop3A_1133 = arith.index_cast %parallel_loop3A_1132 : i32 to index
        %parallel_loop3A_1134 = arith.constant 48 : index
        %parallel_loop3A_1135 = tpu.vector_load %arg15[%parallel_loop3A_1133, %parallel_loop3A_1134] {strides = array<i32>} : memref<128x64xf32, #tpu.memory_space<vmem>>, vector<16xf32>,
        %parallel_loop3A_1136 = arith.mulf %parallel_loop3A_1135, %parallel_loop3A_1097 : vector<16xf32>
        %parallel_loop3A_1137 = arith.constant 15 : i32
        %parallel_loop3A_1138 = arith.addi %parallel_loop3A_389, %parallel_loop3A_1137 : i32
        %parallel_loop3A_1139 = arith.index_cast %parallel_loop3A_1138 : i32 to index
        %parallel_loop3A_1140 = arith.constant 48 : index
        %parallel_loop3A_1141 = tpu.vector_load %arg15[%parallel_loop3A_1139, %parallel_loop3A_1140] {strides = array<i32>} : memref<128x64xf32, #tpu.memory_space<vmem>>, vector<16xf32>,
        tpu.vector_store %arg15[%parallel_loop3A_1139, %parallel_loop3A_1140], %parallel_loop3A_1136 {strides = array<i32>} : memref<128x64xf32, #tpu.memory_space<vmem>>, vector<16xf32>,
      } {sc.loop_unroll_factor = 4 : i64, sc.parallel_access}
      %sub3A = arith.constant 1 : i32
      %sub3A_287 = arith.subi %add3A_252, %sub3A : i32
      %dma_wait3A_288 = arith.constant 0 : i32
      %dma_wait3A_289 = tpu.memref_slice %arg10[%sub3A_287, %dma_wait3A_288] : memref<159x128xi32, #tpu.memory_space<vmem>> -> memref<1x128xi32, #tpu.memory_space<vmem>>
      %dma_wait3A_290 = tpu.memref_squeeze %dma_wait3A_289 : memref<1x128xi32, #tpu.memory_space<vmem>> -> memref<128xi32, #tpu.memory_space<vmem>>
      %dma_wait3A_291 = arith.constant 0 : i32
      %dma_wait3A_292 = arith.constant 0 : i32
      %dma_wait3A_293 = tpu.memref_slice %arg17[%dma_wait3A_291, %dma_wait3A_292] : memref<10240x64xf32, #tpu.memory_space<vmem_shared>> -> memref<10240x64xf32, #tpu.memory_space<vmem_shared>>
      tpu.wait_indirect_dma semaphore(%arg21 : memref<!tpu.dma_semaphore, #tpu.memory_space<semaphore_mem>>) src(%arg14 : memref<128x64xf32, #tpu.memory_space<vmem>>) dst(%dma_wait3A_293 : memref<10240x64xf32, #tpu.memory_space<vmem_shared>>)
      %add3A_294 = arith.constant 2 : i32
      %add3A_295 = arith.addi %add3A_252, %add3A_294 : i32
      %lt3A = arith.constant 159 : i32
      %lt3A_296 = arith.cmpi slt, %add3A_295, %lt3A : i32
      %convert_element_type3A_297 = arith.extui %lt3A_296 : i1 to i32
      %cond3A_298 = arith.constant 0 : i32
      %cond3A_299 = arith.cmpi ne, %convert_element_type3A_297, %cond3A_298 : i32
      scf.if %cond3A_299 {
        %add3A_363 = arith.constant 2 : i32
        %add3A_364 = arith.addi %add3A_252, %add3A_363 : i32
        %dma_start3A_365 = arith.constant 0 : i32
        %dma_start3A_366 = arith.constant 0 : i32
        %dma_start3A_367 = tpu.memref_slice %arg14[%dma_start3A_365, %dma_start3A_366] : memref<128x64xf32, #tpu.memory_space<vmem>> -> memref<64x64xf32, #tpu.memory_space<vmem>>
        %dma_start3A_368 = arith.constant 0 : i32
        %dma_start3A_369 = tpu.memref_slice %arg9[%add3A_364, %dma_start3A_368] : memref<159x128xi32, #tpu.memory_space<vmem>> -> memref<1x64xi32, #tpu.memory_space<vmem>>
        %dma_start3A_370 = tpu.memref_squeeze %dma_start3A_369 : memref<1x64xi32, #tpu.memory_space<vmem>> -> memref<64xi32, #tpu.memory_space<vmem>>
        %dma_start3A_371 = arith.constant 0 : i32
        %dma_start3A_372 = arith.constant 0 : i32
        %dma_start3A_373 = tpu.memref_slice %arg2[%dma_start3A_371, %dma_start3A_372] : memref<20032x64xf32, #tpu.memory_space<hbm>> -> memref<20032x64xf32, #tpu.memory_space<hbm>>
        tpu.enqueue_indirect_dma source(%dma_start3A_373 : memref<20032x64xf32, #tpu.memory_space<hbm>>) target(%dma_start3A_367 : memref<64x64xf32, #tpu.memory_space<vmem>>) offsets(%dma_start3A_370 : memref<64xi32, #tpu.memory_space<vmem>>) semaphore(%arg18 : memref<!tpu.dma_semaphore, #tpu.memory_space<semaphore_mem>>)
        %dma_start3A_374 = arith.constant 64 : i32
        %dma_start3A_375 = arith.constant 0 : i32
        %dma_start3A_376 = tpu.memref_slice %arg14[%dma_start3A_374, %dma_start3A_375] : memref<128x64xf32, #tpu.memory_space<vmem>> -> memref<64x64xf32, #tpu.memory_space<vmem>>
        %dma_start3A_377 = arith.constant 64 : i32
        %dma_start3A_378 = tpu.memref_slice %arg9[%add3A_364, %dma_start3A_377] : memref<159x128xi32, #tpu.memory_space<vmem>> -> memref<1x64xi32, #tpu.memory_space<vmem>>
        %dma_start3A_379 = tpu.memref_squeeze %dma_start3A_378 : memref<1x64xi32, #tpu.memory_space<vmem>> -> memref<64xi32, #tpu.memory_space<vmem>>
        %dma_start3A_380 = arith.constant 0 : i32
        %dma_start3A_381 = arith.constant 0 : i32
        %dma_start3A_382 = tpu.memref_slice %arg2[%dma_start3A_380, %dma_start3A_381] : memref<20032x64xf32, #tpu.memory_space<hbm>> -> memref<20032x64xf32, #tpu.memory_space<hbm>>
        tpu.enqueue_indirect_dma source(%dma_start3A_382 : memref<20032x64xf32, #tpu.memory_space<hbm>>) target(%dma_start3A_376 : memref<64x64xf32, #tpu.memory_space<vmem>>) offsets(%dma_start3A_379 : memref<64xi32, #tpu.memory_space<vmem>>) semaphore(%arg27 : memref<!tpu.dma_semaphore, #tpu.memory_space<semaphore_mem>>)
        %add3A_383 = arith.constant 2 : i32
        %add3A_384 = arith.addi %add3A_252, %add3A_383 : i32
        %dma_start3A_385 = arith.constant 0 : i32
        %dma_start3A_386 = arith.constant 0 : i32
        %dma_start3A_387 = tpu.memref_slice %arg13[%dma_start3A_385, %dma_start3A_386] : memref<3x128xi32, #tpu.memory_space<vmem>> -> memref<1x128xi32, #tpu.memory_space<vmem>>
        %dma_start3A_388 = tpu.memref_squeeze %dma_start3A_387 : memref<1x128xi32, #tpu.memory_space<vmem>> -> memref<128xi32, #tpu.memory_space<vmem>>
        %dma_start3A_389 = arith.constant 0 : i32
        %dma_start3A_390 = tpu.memref_slice %arg7[%arg1, %add3A_384, %dma_start3A_389] : memref<16x159x128xi32, #tpu.memory_space<hbm>> -> memref<1x1x128xi32, #tpu.memory_space<hbm>>
        %dma_start3A_391 = tpu.memref_squeeze %dma_start3A_390 : memref<1x1x128xi32, #tpu.memory_space<hbm>> -> memref<128xi32, #tpu.memory_space<hbm>>
        %dma_start3A_392 = arith.constant 0 : i32
        %dma_start3A_393 = tpu.memref_slice %arg13[%dma_start3A_385, %dma_start3A_392] : memref<3x128xi32, #tpu.memory_space<vmem>> -> memref<1x128xi32, #tpu.memory_space<vmem>>
        %dma_start3A_394 = tpu.memref_squeeze %dma_start3A_393 : memref<1x128xi32, #tpu.memory_space<vmem>> -> memref<128xi32, #tpu.memory_space<vmem>>
        %dma_start3A_395 = arith.constant 0 : i32
        %dma_start3A_396 = tpu.memref_slice %arg7[%arg1, %add3A_384, %dma_start3A_395] : memref<16x159x128xi32, #tpu.memory_space<hbm>> -> memref<1x1x128xi32, #tpu.memory_space<hbm>>
        %dma_start3A_397 = tpu.memref_squeeze %dma_start3A_396 : memref<1x1x128xi32, #tpu.memory_space<hbm>> -> memref<128xi32, #tpu.memory_space<hbm>>
        tpu.enqueue_dma source(%dma_start3A_397 : memref<128xi32, #tpu.memory_space<hbm>>) target(%dma_start3A_394 : memref<128xi32, #tpu.memory_space<vmem>>) target_semaphore(%arg24 : memref<!tpu.dma_semaphore, #tpu.memory_space<semaphore_mem>>)
      } else {
      }
      %dma_start3A_300 = arith.constant 0 : i32
      %dma_start3A_301 = tpu.memref_slice %arg10[%add3A_252, %dma_start3A_300] : memref<159x128xi32, #tpu.memory_space<vmem>> -> memref<1x128xi32, #tpu.memory_space<vmem>>
      %dma_start3A_302 = tpu.memref_squeeze %dma_start3A_301 : memref<1x128xi32, #tpu.memory_space<vmem>> -> memref<128xi32, #tpu.memory_space<vmem>>
      %dma_start3A_303 = arith.constant 0 : i32
      %dma_start3A_304 = arith.constant 0 : i32
      %dma_start3A_305 = tpu.memref_slice %arg17[%dma_start3A_303, %dma_start3A_304] : memref<10240x64xf32, #tpu.memory_space<vmem_shared>> -> memref<10240x64xf32, #tpu.memory_space<vmem_shared>>
      tpu.enqueue_indirect_dma source(%arg15 : memref<128x64xf32, #tpu.memory_space<vmem>>) target(%dma_start3A_305 : memref<10240x64xf32, #tpu.memory_space<vmem_shared>>) offsets(%dma_start3A_302 : memref<128xi32, #tpu.memory_space<vmem>>) semaphore(%arg22 : memref<!tpu.dma_semaphore, #tpu.memory_space<semaphore_mem>>) {add = true}
      %add3A_306 = arith.constant 2 : i32
      %add3A_307 = arith.addi %add3A_172, %add3A_306 : i32
      %dma_wait3A_308 = arith.constant 0 : i32
      %dma_wait3A_309 = arith.constant 0 : i32
      %dma_wait3A_310 = tpu.memref_slice %arg16[%dma_wait3A_308, %dma_wait3A_309] : memref<128x64xf32, #tpu.memory_space<vmem>> -> memref<64x64xf32, #tpu.memory_space<vmem>>
      %dma_wait3A_311 = arith.constant 0 : i32
      %dma_wait3A_312 = tpu.memref_slice %arg9[%add3A_307, %dma_wait3A_311] : memref<159x128xi32, #tpu.memory_space<vmem>> -> memref<1x64xi32, #tpu.memory_space<vmem>>
      %dma_wait3A_313 = tpu.memref_squeeze %dma_wait3A_312 : memref<1x64xi32, #tpu.memory_space<vmem>> -> memref<64xi32, #tpu.memory_space<vmem>>
      %dma_wait3A_314 = arith.constant 0 : i32
      %dma_wait3A_315 = arith.constant 0 : i32
      %dma_wait3A_316 = tpu.memref_slice %arg2[%dma_wait3A_314, %dma_wait3A_315] : memref<20032x64xf32, #tpu.memory_space<hbm>> -> memref<20032x64xf32, #tpu.memory_space<hbm>>
      tpu.wait_indirect_dma semaphore(%arg20 : memref<!tpu.dma_semaphore, #tpu.memory_space<semaphore_mem>>) src(%dma_wait3A_316 : memref<20032x64xf32, #tpu.memory_space<hbm>>) dst(%dma_wait3A_310 : memref<64x64xf32, #tpu.memory_space<vmem>>)
      %dma_wait3A_317 = arith.constant 64 : i32
      %dma_wait3A_318 = arith.constant 0 : i32
      %dma_wait3A_319 = tpu.memref_slice %arg16[%dma_wait3A_317, %dma_wait3A_318] : memref<128x64xf32, #tpu.memory_space<vmem>> -> memref<64x64xf32, #tpu.memory_space<vmem>>
      %dma_wait3A_320 = arith.constant 64 : i32
      %dma_wait3A_321 = tpu.memref_slice %arg9[%add3A_307, %dma_wait3A_320] : memref<159x128xi32, #tpu.memory_space<vmem>> -> memref<1x64xi32, #tpu.memory_space<vmem>>
      %dma_wait3A_322 = tpu.memref_squeeze %dma_wait3A_321 : memref<1x64xi32, #tpu.memory_space<vmem>> -> memref<64xi32, #tpu.memory_space<vmem>>
      %dma_wait3A_323 = arith.constant 0 : i32
      %dma_wait3A_324 = arith.constant 0 : i32
      %dma_wait3A_325 = tpu.memref_slice %arg2[%dma_wait3A_323, %dma_wait3A_324] : memref<20032x64xf32, #tpu.memory_space<hbm>> -> memref<20032x64xf32, #tpu.memory_space<hbm>>
      tpu.wait_indirect_dma semaphore(%arg29 : memref<!tpu.dma_semaphore, #tpu.memory_space<semaphore_mem>>) src(%dma_wait3A_325 : memref<20032x64xf32, #tpu.memory_space<hbm>>) dst(%dma_wait3A_319 : memref<64x64xf32, #tpu.memory_space<vmem>>)
      %dma_wait3A_326 = arith.constant 2 : i32
      %dma_wait3A_327 = arith.constant 0 : i32
      %dma_wait3A_328 = tpu.memref_slice %arg13[%dma_wait3A_326, %dma_wait3A_327] : memref<3x128xi32, #tpu.memory_space<vmem>> -> memref<1x128xi32, #tpu.memory_space<vmem>>
      %dma_wait3A_329 = tpu.memref_squeeze %dma_wait3A_328 : memref<1x128xi32, #tpu.memory_space<vmem>> -> memref<128xi32, #tpu.memory_space<vmem>>
      %dma_wait3A_330 = arith.constant 0 : i32
      %dma_wait3A_331 = tpu.memref_slice %arg7[%arg1, %add3A_307, %dma_wait3A_330] : memref<16x159x128xi32, #tpu.memory_space<hbm>> -> memref<1x1x128xi32, #tpu.memory_space<hbm>>
      %dma_wait3A_332 = tpu.memref_squeeze %dma_wait3A_331 : memref<1x1x128xi32, #tpu.memory_space<hbm>> -> memref<128xi32, #tpu.memory_space<hbm>>
      %dma_wait3A_333 = arith.constant 0 : i32
      %dma_wait3A_334 = tpu.memref_slice %arg13[%dma_wait3A_326, %dma_wait3A_333] : memref<3x128xi32, #tpu.memory_space<vmem>> -> memref<1x128xi32, #tpu.memory_space<vmem>>
      %dma_wait3A_335 = tpu.memref_squeeze %dma_wait3A_334 : memref<1x128xi32, #tpu.memory_space<vmem>> -> memref<128xi32, #tpu.memory_space<vmem>>
      %dma_wait3A_336 = arith.constant 0 : i32
      %dma_wait3A_337 = tpu.memref_slice %arg7[%arg1, %add3A_307, %dma_wait3A_336] : memref<16x159x128xi32, #tpu.memory_space<hbm>> -> memref<1x1x128xi32, #tpu.memory_space<hbm>>
      %dma_wait3A_338 = tpu.memref_squeeze %dma_wait3A_337 : memref<1x1x128xi32, #tpu.memory_space<hbm>> -> memref<128xi32, #tpu.memory_space<hbm>>
      tpu.wait_dma2 semaphore(%arg26 : memref<!tpu.dma_semaphore, #tpu.memory_space<semaphore_mem>>) src(%dma_wait3A_338 : memref<128xi32, #tpu.memory_space<hbm>>) dst(%dma_wait3A_335 : memref<128xi32, #tpu.memory_space<vmem>>)
      %parallel_loop3A_339 = arith.constant 0 : i32
      %parallel_loop3A_340 = arith.constant 8 : i32
      %parallel_loop3A_341 = arith.constant 1 : i32
      scf.for %parallel_loop3A_363 = %parallel_loop3A_339 to %parallel_loop3A_340 step %parallel_loop3A_341  : i32 {
        %parallel_loop3A_364 = arith.constant 16 : i32
        %parallel_loop3A_365 = arith.muli %parallel_loop3A_363, %parallel_loop3A_364 : i32
        %parallel_loop3A_366 = arith.index_cast %add3A_307 : i32 to index
        %parallel_loop3A_367 = arith.index_cast %parallel_loop3A_365 : i32 to index
        %parallel_loop3A_368 = tpu.vector_load %arg9[%parallel_loop3A_366, %parallel_loop3A_367] {strides = array<i32>} : memref<159x128xi32, #tpu.memory_space<vmem>>, vector<16xi32>,
        %parallel_loop3A_369 = vector.broadcast %mul3A_33 : i32 to vector<16xi32>
        %parallel_loop3A_370 = arith.subi %parallel_loop3A_368, %parallel_loop3A_369 : vector<16xi32>
        %parallel_loop3A_371 = arith.constant 2 : i32
        %parallel_loop3A_372 = arith.index_cast %parallel_loop3A_371 : i32 to index
        %parallel_loop3A_373 = arith.index_cast %parallel_loop3A_365 : i32 to index
        %parallel_loop3A_374 = tpu.vector_load %arg13[%parallel_loop3A_372, %parallel_loop3A_373] {strides = array<i32>} : memref<3x128xi32, #tpu.memory_space<vmem>>, vector<16xi32>,
        %parallel_loop3A_375 = tpu.vector_load_idx %arg11[%parallel_loop3A_370] : memref<10016xf32, #tpu.memory_space<vmem>>[vector<16xi32>], vector<16xf32>,
        %parallel_loop3A_376 = tpu.vector_load_idx %arg12[%parallel_loop3A_374] : memref<64xf32, #tpu.memory_space<vmem>>[vector<16xi32>], vector<16xf32>,
        %parallel_loop3A_377 = arith.addf %parallel_loop3A_375, %parallel_loop3A_376 : vector<16xf32>
        %parallel_loop3A_378 = arith.constant 0.000000e+00 : f32
        %parallel_loop3A_379 = vector.broadcast %parallel_loop3A_378 : f32 to vector<16xf32>
        %parallel_loop3A_380 = arith.subf %parallel_loop3A_379, %parallel_loop3A_377 : vector<16xf32>
        %parallel_loop3A_381 = math.exp %parallel_loop3A_380 : vector<16xf32>
        %parallel_loop3A_382 = arith.constant 1.000000e+00 : f32
        %parallel_loop3A_383 = vector.broadcast %parallel_loop3A_382 : f32 to vector<16xf32>
        %parallel_loop3A_384 = arith.addf %parallel_loop3A_383, %parallel_loop3A_381 : vector<16xf32>
        %parallel_loop3A_385 = arith.constant 1.000000e+00 : f32
        %parallel_loop3A_386 = vector.broadcast %parallel_loop3A_385 : f32 to vector<16xf32>
        %parallel_loop3A_387 = arith.divf %parallel_loop3A_386, %parallel_loop3A_384 : vector<16xf32>
        %parallel_loop3A_388 = arith.constant 16 : i32
        %parallel_loop3A_389 = arith.muli %parallel_loop3A_363, %parallel_loop3A_388 : i32
        %parallel_loop3A_390 = vector.extract_strided_slice %parallel_loop3A_387 {offsets = [0], sizes = [1], strides = [1]} : vector<16xf32> to vector<1xf32>
        %parallel_loop3A_391 = vector.extract %parallel_loop3A_390[0] : f32 from vector<1xf32>
        %parallel_loop3A_392 = vector.broadcast %parallel_loop3A_391 : f32 to vector<16xf32>
        %parallel_loop3A_393 = arith.constant 0 : i32
        %parallel_loop3A_394 = arith.addi %parallel_loop3A_389, %parallel_loop3A_393 : i32
        %parallel_loop3A_395 = arith.index_cast %parallel_loop3A_394 : i32 to index
        %parallel_loop3A_396 = arith.constant 0 : index
        %parallel_loop3A_397 = tpu.vector_load %arg16[%parallel_loop3A_395, %parallel_loop3A_396] {strides = array<i32>} : memref<128x64xf32, #tpu.memory_space<vmem>>, vector<16xf32>,
        %parallel_loop3A_398 = arith.mulf %parallel_loop3A_397, %parallel_loop3A_392 : vector<16xf32>
        %parallel_loop3A_399 = arith.constant 0 : i32
        %parallel_loop3A_400 = arith.addi %parallel_loop3A_389, %parallel_loop3A_399 : i32
        %parallel_loop3A_401 = arith.index_cast %parallel_loop3A_400 : i32 to index
        %parallel_loop3A_402 = arith.constant 0 : index
        %parallel_loop3A_403 = tpu.vector_load %arg16[%parallel_loop3A_401, %parallel_loop3A_402] {strides = array<i32>} : memref<128x64xf32, #tpu.memory_space<vmem>>, vector<16xf32>,
        tpu.vector_store %arg16[%parallel_loop3A_401, %parallel_loop3A_402], %parallel_loop3A_398 {strides = array<i32>} : memref<128x64xf32, #tpu.memory_space<vmem>>, vector<16xf32>,
        %parallel_loop3A_404 = arith.constant 0 : i32
        %parallel_loop3A_405 = arith.addi %parallel_loop3A_389, %parallel_loop3A_404 : i32
        %parallel_loop3A_406 = arith.index_cast %parallel_loop3A_405 : i32 to index
        %parallel_loop3A_407 = arith.constant 16 : index
        %parallel_loop3A_408 = tpu.vector_load %arg16[%parallel_loop3A_406, %parallel_loop3A_407] {strides = array<i32>} : memref<128x64xf32, #tpu.memory_space<vmem>>, vector<16xf32>,
        %parallel_loop3A_409 = arith.mulf %parallel_loop3A_408, %parallel_loop3A_392 : vector<16xf32>
        %parallel_loop3A_410 = arith.constant 0 : i32
        %parallel_loop3A_411 = arith.addi %parallel_loop3A_389, %parallel_loop3A_410 : i32
        %parallel_loop3A_412 = arith.index_cast %parallel_loop3A_411 : i32 to index
        %parallel_loop3A_413 = arith.constant 16 : index
        %parallel_loop3A_414 = tpu.vector_load %arg16[%parallel_loop3A_412, %parallel_loop3A_413] {strides = array<i32>} : memref<128x64xf32, #tpu.memory_space<vmem>>, vector<16xf32>,
        tpu.vector_store %arg16[%parallel_loop3A_412, %parallel_loop3A_413], %parallel_loop3A_409 {strides = array<i32>} : memref<128x64xf32, #tpu.memory_space<vmem>>, vector<16xf32>,
        %parallel_loop3A_415 = arith.constant 0 : i32
        %parallel_loop3A_416 = arith.addi %parallel_loop3A_389, %parallel_loop3A_415 : i32
        %parallel_loop3A_417 = arith.index_cast %parallel_loop3A_416 : i32 to index
        %parallel_loop3A_418 = arith.constant 32 : index
        %parallel_loop3A_419 = tpu.vector_load %arg16[%parallel_loop3A_417, %parallel_loop3A_418] {strides = array<i32>} : memref<128x64xf32, #tpu.memory_space<vmem>>, vector<16xf32>,
        %parallel_loop3A_420 = arith.mulf %parallel_loop3A_419, %parallel_loop3A_392 : vector<16xf32>
        %parallel_loop3A_421 = arith.constant 0 : i32
        %parallel_loop3A_422 = arith.addi %parallel_loop3A_389, %parallel_loop3A_421 : i32
        %parallel_loop3A_423 = arith.index_cast %parallel_loop3A_422 : i32 to index
        %parallel_loop3A_424 = arith.constant 32 : index
        %parallel_loop3A_425 = tpu.vector_load %arg16[%parallel_loop3A_423, %parallel_loop3A_424] {strides = array<i32>} : memref<128x64xf32, #tpu.memory_space<vmem>>, vector<16xf32>,
        tpu.vector_store %arg16[%parallel_loop3A_423, %parallel_loop3A_424], %parallel_loop3A_420 {strides = array<i32>} : memref<128x64xf32, #tpu.memory_space<vmem>>, vector<16xf32>,
        %parallel_loop3A_426 = arith.constant 0 : i32
        %parallel_loop3A_427 = arith.addi %parallel_loop3A_389, %parallel_loop3A_426 : i32
        %parallel_loop3A_428 = arith.index_cast %parallel_loop3A_427 : i32 to index
        %parallel_loop3A_429 = arith.constant 48 : index
        %parallel_loop3A_430 = tpu.vector_load %arg16[%parallel_loop3A_428, %parallel_loop3A_429] {strides = array<i32>} : memref<128x64xf32, #tpu.memory_space<vmem>>, vector<16xf32>,
        %parallel_loop3A_431 = arith.mulf %parallel_loop3A_430, %parallel_loop3A_392 : vector<16xf32>
        %parallel_loop3A_432 = arith.constant 0 : i32
        %parallel_loop3A_433 = arith.addi %parallel_loop3A_389, %parallel_loop3A_432 : i32
        %parallel_loop3A_434 = arith.index_cast %parallel_loop3A_433 : i32 to index
        %parallel_loop3A_435 = arith.constant 48 : index
        %parallel_loop3A_436 = tpu.vector_load %arg16[%parallel_loop3A_434, %parallel_loop3A_435] {strides = array<i32>} : memref<128x64xf32, #tpu.memory_space<vmem>>, vector<16xf32>,
        tpu.vector_store %arg16[%parallel_loop3A_434, %parallel_loop3A_435], %parallel_loop3A_431 {strides = array<i32>} : memref<128x64xf32, #tpu.memory_space<vmem>>, vector<16xf32>,
        %parallel_loop3A_437 = vector.extract_strided_slice %parallel_loop3A_387 {offsets = [1], sizes = [1], strides = [1]} : vector<16xf32> to vector<1xf32>
        %parallel_loop3A_438 = vector.extract %parallel_loop3A_437[0] : f32 from vector<1xf32>
        %parallel_loop3A_439 = vector.broadcast %parallel_loop3A_438 : f32 to vector<16xf32>
        %parallel_loop3A_440 = arith.constant 1 : i32
        %parallel_loop3A_441 = arith.addi %parallel_loop3A_389, %parallel_loop3A_440 : i32
        %parallel_loop3A_442 = arith.index_cast %parallel_loop3A_441 : i32 to index
        %parallel_loop3A_443 = arith.constant 0 : index
        %parallel_loop3A_444 = tpu.vector_load %arg16[%parallel_loop3A_442, %parallel_loop3A_443] {strides = array<i32>} : memref<128x64xf32, #tpu.memory_space<vmem>>, vector<16xf32>,
        %parallel_loop3A_445 = arith.mulf %parallel_loop3A_444, %parallel_loop3A_439 : vector<16xf32>
        %parallel_loop3A_446 = arith.constant 1 : i32
        %parallel_loop3A_447 = arith.addi %parallel_loop3A_389, %parallel_loop3A_446 : i32
        %parallel_loop3A_448 = arith.index_cast %parallel_loop3A_447 : i32 to index
        %parallel_loop3A_449 = arith.constant 0 : index
        %parallel_loop3A_450 = tpu.vector_load %arg16[%parallel_loop3A_448, %parallel_loop3A_449] {strides = array<i32>} : memref<128x64xf32, #tpu.memory_space<vmem>>, vector<16xf32>,
        tpu.vector_store %arg16[%parallel_loop3A_448, %parallel_loop3A_449], %parallel_loop3A_445 {strides = array<i32>} : memref<128x64xf32, #tpu.memory_space<vmem>>, vector<16xf32>,
        %parallel_loop3A_451 = arith.constant 1 : i32
        %parallel_loop3A_452 = arith.addi %parallel_loop3A_389, %parallel_loop3A_451 : i32
        %parallel_loop3A_453 = arith.index_cast %parallel_loop3A_452 : i32 to index
        %parallel_loop3A_454 = arith.constant 16 : index
        %parallel_loop3A_455 = tpu.vector_load %arg16[%parallel_loop3A_453, %parallel_loop3A_454] {strides = array<i32>} : memref<128x64xf32, #tpu.memory_space<vmem>>, vector<16xf32>,
        %parallel_loop3A_456 = arith.mulf %parallel_loop3A_455, %parallel_loop3A_439 : vector<16xf32>
        %parallel_loop3A_457 = arith.constant 1 : i32
        %parallel_loop3A_458 = arith.addi %parallel_loop3A_389, %parallel_loop3A_457 : i32
        %parallel_loop3A_459 = arith.index_cast %parallel_loop3A_458 : i32 to index
        %parallel_loop3A_460 = arith.constant 16 : index
        %parallel_loop3A_461 = tpu.vector_load %arg16[%parallel_loop3A_459, %parallel_loop3A_460] {strides = array<i32>} : memref<128x64xf32, #tpu.memory_space<vmem>>, vector<16xf32>,
        tpu.vector_store %arg16[%parallel_loop3A_459, %parallel_loop3A_460], %parallel_loop3A_456 {strides = array<i32>} : memref<128x64xf32, #tpu.memory_space<vmem>>, vector<16xf32>,
        %parallel_loop3A_462 = arith.constant 1 : i32
        %parallel_loop3A_463 = arith.addi %parallel_loop3A_389, %parallel_loop3A_462 : i32
        %parallel_loop3A_464 = arith.index_cast %parallel_loop3A_463 : i32 to index
        %parallel_loop3A_465 = arith.constant 32 : index
        %parallel_loop3A_466 = tpu.vector_load %arg16[%parallel_loop3A_464, %parallel_loop3A_465] {strides = array<i32>} : memref<128x64xf32, #tpu.memory_space<vmem>>, vector<16xf32>,
        %parallel_loop3A_467 = arith.mulf %parallel_loop3A_466, %parallel_loop3A_439 : vector<16xf32>
        %parallel_loop3A_468 = arith.constant 1 : i32
        %parallel_loop3A_469 = arith.addi %parallel_loop3A_389, %parallel_loop3A_468 : i32
        %parallel_loop3A_470 = arith.index_cast %parallel_loop3A_469 : i32 to index
        %parallel_loop3A_471 = arith.constant 32 : index
        %parallel_loop3A_472 = tpu.vector_load %arg16[%parallel_loop3A_470, %parallel_loop3A_471] {strides = array<i32>} : memref<128x64xf32, #tpu.memory_space<vmem>>, vector<16xf32>,
        tpu.vector_store %arg16[%parallel_loop3A_470, %parallel_loop3A_471], %parallel_loop3A_467 {strides = array<i32>} : memref<128x64xf32, #tpu.memory_space<vmem>>, vector<16xf32>,
        %parallel_loop3A_473 = arith.constant 1 : i32
        %parallel_loop3A_474 = arith.addi %parallel_loop3A_389, %parallel_loop3A_473 : i32
        %parallel_loop3A_475 = arith.index_cast %parallel_loop3A_474 : i32 to index
        %parallel_loop3A_476 = arith.constant 48 : index
        %parallel_loop3A_477 = tpu.vector_load %arg16[%parallel_loop3A_475, %parallel_loop3A_476] {strides = array<i32>} : memref<128x64xf32, #tpu.memory_space<vmem>>, vector<16xf32>,
        %parallel_loop3A_478 = arith.mulf %parallel_loop3A_477, %parallel_loop3A_439 : vector<16xf32>
        %parallel_loop3A_479 = arith.constant 1 : i32
        %parallel_loop3A_480 = arith.addi %parallel_loop3A_389, %parallel_loop3A_479 : i32
        %parallel_loop3A_481 = arith.index_cast %parallel_loop3A_480 : i32 to index
        %parallel_loop3A_482 = arith.constant 48 : index
        %parallel_loop3A_483 = tpu.vector_load %arg16[%parallel_loop3A_481, %parallel_loop3A_482] {strides = array<i32>} : memref<128x64xf32, #tpu.memory_space<vmem>>, vector<16xf32>,
        tpu.vector_store %arg16[%parallel_loop3A_481, %parallel_loop3A_482], %parallel_loop3A_478 {strides = array<i32>} : memref<128x64xf32, #tpu.memory_space<vmem>>, vector<16xf32>,
        %parallel_loop3A_484 = vector.extract_strided_slice %parallel_loop3A_387 {offsets = [2], sizes = [1], strides = [1]} : vector<16xf32> to vector<1xf32>
        %parallel_loop3A_485 = vector.extract %parallel_loop3A_484[0] : f32 from vector<1xf32>
        %parallel_loop3A_486 = vector.broadcast %parallel_loop3A_485 : f32 to vector<16xf32>
        %parallel_loop3A_487 = arith.constant 2 : i32
        %parallel_loop3A_488 = arith.addi %parallel_loop3A_389, %parallel_loop3A_487 : i32
        %parallel_loop3A_489 = arith.index_cast %parallel_loop3A_488 : i32 to index
        %parallel_loop3A_490 = arith.constant 0 : index
        %parallel_loop3A_491 = tpu.vector_load %arg16[%parallel_loop3A_489, %parallel_loop3A_490] {strides = array<i32>} : memref<128x64xf32, #tpu.memory_space<vmem>>, vector<16xf32>,
        %parallel_loop3A_492 = arith.mulf %parallel_loop3A_491, %parallel_loop3A_486 : vector<16xf32>
        %parallel_loop3A_493 = arith.constant 2 : i32
        %parallel_loop3A_494 = arith.addi %parallel_loop3A_389, %parallel_loop3A_493 : i32
        %parallel_loop3A_495 = arith.index_cast %parallel_loop3A_494 : i32 to index
        %parallel_loop3A_496 = arith.constant 0 : index
        %parallel_loop3A_497 = tpu.vector_load %arg16[%parallel_loop3A_495, %parallel_loop3A_496] {strides = array<i32>} : memref<128x64xf32, #tpu.memory_space<vmem>>, vector<16xf32>,
        tpu.vector_store %arg16[%parallel_loop3A_495, %parallel_loop3A_496], %parallel_loop3A_492 {strides = array<i32>} : memref<128x64xf32, #tpu.memory_space<vmem>>, vector<16xf32>,
        %parallel_loop3A_498 = arith.constant 2 : i32
        %parallel_loop3A_499 = arith.addi %parallel_loop3A_389, %parallel_loop3A_498 : i32
        %parallel_loop3A_500 = arith.index_cast %parallel_loop3A_499 : i32 to index
        %parallel_loop3A_501 = arith.constant 16 : index
        %parallel_loop3A_502 = tpu.vector_load %arg16[%parallel_loop3A_500, %parallel_loop3A_501] {strides = array<i32>} : memref<128x64xf32, #tpu.memory_space<vmem>>, vector<16xf32>,
        %parallel_loop3A_503 = arith.mulf %parallel_loop3A_502, %parallel_loop3A_486 : vector<16xf32>
        %parallel_loop3A_504 = arith.constant 2 : i32
        %parallel_loop3A_505 = arith.addi %parallel_loop3A_389, %parallel_loop3A_504 : i32
        %parallel_loop3A_506 = arith.index_cast %parallel_loop3A_505 : i32 to index
        %parallel_loop3A_507 = arith.constant 16 : index
        %parallel_loop3A_508 = tpu.vector_load %arg16[%parallel_loop3A_506, %parallel_loop3A_507] {strides = array<i32>} : memref<128x64xf32, #tpu.memory_space<vmem>>, vector<16xf32>,
        tpu.vector_store %arg16[%parallel_loop3A_506, %parallel_loop3A_507], %parallel_loop3A_503 {strides = array<i32>} : memref<128x64xf32, #tpu.memory_space<vmem>>, vector<16xf32>,
        %parallel_loop3A_509 = arith.constant 2 : i32
        %parallel_loop3A_510 = arith.addi %parallel_loop3A_389, %parallel_loop3A_509 : i32
        %parallel_loop3A_511 = arith.index_cast %parallel_loop3A_510 : i32 to index
        %parallel_loop3A_512 = arith.constant 32 : index
        %parallel_loop3A_513 = tpu.vector_load %arg16[%parallel_loop3A_511, %parallel_loop3A_512] {strides = array<i32>} : memref<128x64xf32, #tpu.memory_space<vmem>>, vector<16xf32>,
        %parallel_loop3A_514 = arith.mulf %parallel_loop3A_513, %parallel_loop3A_486 : vector<16xf32>
        %parallel_loop3A_515 = arith.constant 2 : i32
        %parallel_loop3A_516 = arith.addi %parallel_loop3A_389, %parallel_loop3A_515 : i32
        %parallel_loop3A_517 = arith.index_cast %parallel_loop3A_516 : i32 to index
        %parallel_loop3A_518 = arith.constant 32 : index
        %parallel_loop3A_519 = tpu.vector_load %arg16[%parallel_loop3A_517, %parallel_loop3A_518] {strides = array<i32>} : memref<128x64xf32, #tpu.memory_space<vmem>>, vector<16xf32>,
        tpu.vector_store %arg16[%parallel_loop3A_517, %parallel_loop3A_518], %parallel_loop3A_514 {strides = array<i32>} : memref<128x64xf32, #tpu.memory_space<vmem>>, vector<16xf32>,
        %parallel_loop3A_520 = arith.constant 2 : i32
        %parallel_loop3A_521 = arith.addi %parallel_loop3A_389, %parallel_loop3A_520 : i32
        %parallel_loop3A_522 = arith.index_cast %parallel_loop3A_521 : i32 to index
        %parallel_loop3A_523 = arith.constant 48 : index
        %parallel_loop3A_524 = tpu.vector_load %arg16[%parallel_loop3A_522, %parallel_loop3A_523] {strides = array<i32>} : memref<128x64xf32, #tpu.memory_space<vmem>>, vector<16xf32>,
        %parallel_loop3A_525 = arith.mulf %parallel_loop3A_524, %parallel_loop3A_486 : vector<16xf32>
        %parallel_loop3A_526 = arith.constant 2 : i32
        %parallel_loop3A_527 = arith.addi %parallel_loop3A_389, %parallel_loop3A_526 : i32
        %parallel_loop3A_528 = arith.index_cast %parallel_loop3A_527 : i32 to index
        %parallel_loop3A_529 = arith.constant 48 : index
        %parallel_loop3A_530 = tpu.vector_load %arg16[%parallel_loop3A_528, %parallel_loop3A_529] {strides = array<i32>} : memref<128x64xf32, #tpu.memory_space<vmem>>, vector<16xf32>,
        tpu.vector_store %arg16[%parallel_loop3A_528, %parallel_loop3A_529], %parallel_loop3A_525 {strides = array<i32>} : memref<128x64xf32, #tpu.memory_space<vmem>>, vector<16xf32>,
        %parallel_loop3A_531 = vector.extract_strided_slice %parallel_loop3A_387 {offsets = [3], sizes = [1], strides = [1]} : vector<16xf32> to vector<1xf32>
        %parallel_loop3A_532 = vector.extract %parallel_loop3A_531[0] : f32 from vector<1xf32>
        %parallel_loop3A_533 = vector.broadcast %parallel_loop3A_532 : f32 to vector<16xf32>
        %parallel_loop3A_534 = arith.constant 3 : i32
        %parallel_loop3A_535 = arith.addi %parallel_loop3A_389, %parallel_loop3A_534 : i32
        %parallel_loop3A_536 = arith.index_cast %parallel_loop3A_535 : i32 to index
        %parallel_loop3A_537 = arith.constant 0 : index
        %parallel_loop3A_538 = tpu.vector_load %arg16[%parallel_loop3A_536, %parallel_loop3A_537] {strides = array<i32>} : memref<128x64xf32, #tpu.memory_space<vmem>>, vector<16xf32>,
        %parallel_loop3A_539 = arith.mulf %parallel_loop3A_538, %parallel_loop3A_533 : vector<16xf32>
        %parallel_loop3A_540 = arith.constant 3 : i32
        %parallel_loop3A_541 = arith.addi %parallel_loop3A_389, %parallel_loop3A_540 : i32
        %parallel_loop3A_542 = arith.index_cast %parallel_loop3A_541 : i32 to index
        %parallel_loop3A_543 = arith.constant 0 : index
        %parallel_loop3A_544 = tpu.vector_load %arg16[%parallel_loop3A_542, %parallel_loop3A_543] {strides = array<i32>} : memref<128x64xf32, #tpu.memory_space<vmem>>, vector<16xf32>,
        tpu.vector_store %arg16[%parallel_loop3A_542, %parallel_loop3A_543], %parallel_loop3A_539 {strides = array<i32>} : memref<128x64xf32, #tpu.memory_space<vmem>>, vector<16xf32>,
        %parallel_loop3A_545 = arith.constant 3 : i32
        %parallel_loop3A_546 = arith.addi %parallel_loop3A_389, %parallel_loop3A_545 : i32
        %parallel_loop3A_547 = arith.index_cast %parallel_loop3A_546 : i32 to index
        %parallel_loop3A_548 = arith.constant 16 : index
        %parallel_loop3A_549 = tpu.vector_load %arg16[%parallel_loop3A_547, %parallel_loop3A_548] {strides = array<i32>} : memref<128x64xf32, #tpu.memory_space<vmem>>, vector<16xf32>,
        %parallel_loop3A_550 = arith.mulf %parallel_loop3A_549, %parallel_loop3A_533 : vector<16xf32>
        %parallel_loop3A_551 = arith.constant 3 : i32
        %parallel_loop3A_552 = arith.addi %parallel_loop3A_389, %parallel_loop3A_551 : i32
        %parallel_loop3A_553 = arith.index_cast %parallel_loop3A_552 : i32 to index
        %parallel_loop3A_554 = arith.constant 16 : index
        %parallel_loop3A_555 = tpu.vector_load %arg16[%parallel_loop3A_553, %parallel_loop3A_554] {strides = array<i32>} : memref<128x64xf32, #tpu.memory_space<vmem>>, vector<16xf32>,
        tpu.vector_store %arg16[%parallel_loop3A_553, %parallel_loop3A_554], %parallel_loop3A_550 {strides = array<i32>} : memref<128x64xf32, #tpu.memory_space<vmem>>, vector<16xf32>,
        %parallel_loop3A_556 = arith.constant 3 : i32
        %parallel_loop3A_557 = arith.addi %parallel_loop3A_389, %parallel_loop3A_556 : i32
        %parallel_loop3A_558 = arith.index_cast %parallel_loop3A_557 : i32 to index
        %parallel_loop3A_559 = arith.constant 32 : index
        %parallel_loop3A_560 = tpu.vector_load %arg16[%parallel_loop3A_558, %parallel_loop3A_559] {strides = array<i32>} : memref<128x64xf32, #tpu.memory_space<vmem>>, vector<16xf32>,
        %parallel_loop3A_561 = arith.mulf %parallel_loop3A_560, %parallel_loop3A_533 : vector<16xf32>
        %parallel_loop3A_562 = arith.constant 3 : i32
        %parallel_loop3A_563 = arith.addi %parallel_loop3A_389, %parallel_loop3A_562 : i32
        %parallel_loop3A_564 = arith.index_cast %parallel_loop3A_563 : i32 to index
        %parallel_loop3A_565 = arith.constant 32 : index
        %parallel_loop3A_566 = tpu.vector_load %arg16[%parallel_loop3A_564, %parallel_loop3A_565] {strides = array<i32>} : memref<128x64xf32, #tpu.memory_space<vmem>>, vector<16xf32>,
        tpu.vector_store %arg16[%parallel_loop3A_564, %parallel_loop3A_565], %parallel_loop3A_561 {strides = array<i32>} : memref<128x64xf32, #tpu.memory_space<vmem>>, vector<16xf32>,
        %parallel_loop3A_567 = arith.constant 3 : i32
        %parallel_loop3A_568 = arith.addi %parallel_loop3A_389, %parallel_loop3A_567 : i32
        %parallel_loop3A_569 = arith.index_cast %parallel_loop3A_568 : i32 to index
        %parallel_loop3A_570 = arith.constant 48 : index
        %parallel_loop3A_571 = tpu.vector_load %arg16[%parallel_loop3A_569, %parallel_loop3A_570] {strides = array<i32>} : memref<128x64xf32, #tpu.memory_space<vmem>>, vector<16xf32>,
        %parallel_loop3A_572 = arith.mulf %parallel_loop3A_571, %parallel_loop3A_533 : vector<16xf32>
        %parallel_loop3A_573 = arith.constant 3 : i32
        %parallel_loop3A_574 = arith.addi %parallel_loop3A_389, %parallel_loop3A_573 : i32
        %parallel_loop3A_575 = arith.index_cast %parallel_loop3A_574 : i32 to index
        %parallel_loop3A_576 = arith.constant 48 : index
        %parallel_loop3A_577 = tpu.vector_load %arg16[%parallel_loop3A_575, %parallel_loop3A_576] {strides = array<i32>} : memref<128x64xf32, #tpu.memory_space<vmem>>, vector<16xf32>,
        tpu.vector_store %arg16[%parallel_loop3A_575, %parallel_loop3A_576], %parallel_loop3A_572 {strides = array<i32>} : memref<128x64xf32, #tpu.memory_space<vmem>>, vector<16xf32>,
        %parallel_loop3A_578 = vector.extract_strided_slice %parallel_loop3A_387 {offsets = [4], sizes = [1], strides = [1]} : vector<16xf32> to vector<1xf32>
        %parallel_loop3A_579 = vector.extract %parallel_loop3A_578[0] : f32 from vector<1xf32>
        %parallel_loop3A_580 = vector.broadcast %parallel_loop3A_579 : f32 to vector<16xf32>
        %parallel_loop3A_581 = arith.constant 4 : i32
        %parallel_loop3A_582 = arith.addi %parallel_loop3A_389, %parallel_loop3A_581 : i32
        %parallel_loop3A_583 = arith.index_cast %parallel_loop3A_582 : i32 to index
        %parallel_loop3A_584 = arith.constant 0 : index
        %parallel_loop3A_585 = tpu.vector_load %arg16[%parallel_loop3A_583, %parallel_loop3A_584] {strides = array<i32>} : memref<128x64xf32, #tpu.memory_space<vmem>>, vector<16xf32>,
        %parallel_loop3A_586 = arith.mulf %parallel_loop3A_585, %parallel_loop3A_580 : vector<16xf32>
        %parallel_loop3A_587 = arith.constant 4 : i32
        %parallel_loop3A_588 = arith.addi %parallel_loop3A_389, %parallel_loop3A_587 : i32
        %parallel_loop3A_589 = arith.index_cast %parallel_loop3A_588 : i32 to index
        %parallel_loop3A_590 = arith.constant 0 : index
        %parallel_loop3A_591 = tpu.vector_load %arg16[%parallel_loop3A_589, %parallel_loop3A_590] {strides = array<i32>} : memref<128x64xf32, #tpu.memory_space<vmem>>, vector<16xf32>,
        tpu.vector_store %arg16[%parallel_loop3A_589, %parallel_loop3A_590], %parallel_loop3A_586 {strides = array<i32>} : memref<128x64xf32, #tpu.memory_space<vmem>>, vector<16xf32>,
        %parallel_loop3A_592 = arith.constant 4 : i32
        %parallel_loop3A_593 = arith.addi %parallel_loop3A_389, %parallel_loop3A_592 : i32
        %parallel_loop3A_594 = arith.index_cast %parallel_loop3A_593 : i32 to index
        %parallel_loop3A_595 = arith.constant 16 : index
        %parallel_loop3A_596 = tpu.vector_load %arg16[%parallel_loop3A_594, %parallel_loop3A_595] {strides = array<i32>} : memref<128x64xf32, #tpu.memory_space<vmem>>, vector<16xf32>,
        %parallel_loop3A_597 = arith.mulf %parallel_loop3A_596, %parallel_loop3A_580 : vector<16xf32>
        %parallel_loop3A_598 = arith.constant 4 : i32
        %parallel_loop3A_599 = arith.addi %parallel_loop3A_389, %parallel_loop3A_598 : i32
        %parallel_loop3A_600 = arith.index_cast %parallel_loop3A_599 : i32 to index
        %parallel_loop3A_601 = arith.constant 16 : index
        %parallel_loop3A_602 = tpu.vector_load %arg16[%parallel_loop3A_600, %parallel_loop3A_601] {strides = array<i32>} : memref<128x64xf32, #tpu.memory_space<vmem>>, vector<16xf32>,
        tpu.vector_store %arg16[%parallel_loop3A_600, %parallel_loop3A_601], %parallel_loop3A_597 {strides = array<i32>} : memref<128x64xf32, #tpu.memory_space<vmem>>, vector<16xf32>,
        %parallel_loop3A_603 = arith.constant 4 : i32
        %parallel_loop3A_604 = arith.addi %parallel_loop3A_389, %parallel_loop3A_603 : i32
        %parallel_loop3A_605 = arith.index_cast %parallel_loop3A_604 : i32 to index
        %parallel_loop3A_606 = arith.constant 32 : index
        %parallel_loop3A_607 = tpu.vector_load %arg16[%parallel_loop3A_605, %parallel_loop3A_606] {strides = array<i32>} : memref<128x64xf32, #tpu.memory_space<vmem>>, vector<16xf32>,
        %parallel_loop3A_608 = arith.mulf %parallel_loop3A_607, %parallel_loop3A_580 : vector<16xf32>
        %parallel_loop3A_609 = arith.constant 4 : i32
        %parallel_loop3A_610 = arith.addi %parallel_loop3A_389, %parallel_loop3A_609 : i32
        %parallel_loop3A_611 = arith.index_cast %parallel_loop3A_610 : i32 to index
        %parallel_loop3A_612 = arith.constant 32 : index
        %parallel_loop3A_613 = tpu.vector_load %arg16[%parallel_loop3A_611, %parallel_loop3A_612] {strides = array<i32>} : memref<128x64xf32, #tpu.memory_space<vmem>>, vector<16xf32>,
        tpu.vector_store %arg16[%parallel_loop3A_611, %parallel_loop3A_612], %parallel_loop3A_608 {strides = array<i32>} : memref<128x64xf32, #tpu.memory_space<vmem>>, vector<16xf32>,
        %parallel_loop3A_614 = arith.constant 4 : i32
        %parallel_loop3A_615 = arith.addi %parallel_loop3A_389, %parallel_loop3A_614 : i32
        %parallel_loop3A_616 = arith.index_cast %parallel_loop3A_615 : i32 to index
        %parallel_loop3A_617 = arith.constant 48 : index
        %parallel_loop3A_618 = tpu.vector_load %arg16[%parallel_loop3A_616, %parallel_loop3A_617] {strides = array<i32>} : memref<128x64xf32, #tpu.memory_space<vmem>>, vector<16xf32>,
        %parallel_loop3A_619 = arith.mulf %parallel_loop3A_618, %parallel_loop3A_580 : vector<16xf32>
        %parallel_loop3A_620 = arith.constant 4 : i32
        %parallel_loop3A_621 = arith.addi %parallel_loop3A_389, %parallel_loop3A_620 : i32
        %parallel_loop3A_622 = arith.index_cast %parallel_loop3A_621 : i32 to index
        %parallel_loop3A_623 = arith.constant 48 : index
        %parallel_loop3A_624 = tpu.vector_load %arg16[%parallel_loop3A_622, %parallel_loop3A_623] {strides = array<i32>} : memref<128x64xf32, #tpu.memory_space<vmem>>, vector<16xf32>,
        tpu.vector_store %arg16[%parallel_loop3A_622, %parallel_loop3A_623], %parallel_loop3A_619 {strides = array<i32>} : memref<128x64xf32, #tpu.memory_space<vmem>>, vector<16xf32>,
        %parallel_loop3A_625 = vector.extract_strided_slice %parallel_loop3A_387 {offsets = [5], sizes = [1], strides = [1]} : vector<16xf32> to vector<1xf32>
        %parallel_loop3A_626 = vector.extract %parallel_loop3A_625[0] : f32 from vector<1xf32>
        %parallel_loop3A_627 = vector.broadcast %parallel_loop3A_626 : f32 to vector<16xf32>
        %parallel_loop3A_628 = arith.constant 5 : i32
        %parallel_loop3A_629 = arith.addi %parallel_loop3A_389, %parallel_loop3A_628 : i32
        %parallel_loop3A_630 = arith.index_cast %parallel_loop3A_629 : i32 to index
        %parallel_loop3A_631 = arith.constant 0 : index
        %parallel_loop3A_632 = tpu.vector_load %arg16[%parallel_loop3A_630, %parallel_loop3A_631] {strides = array<i32>} : memref<128x64xf32, #tpu.memory_space<vmem>>, vector<16xf32>,
        %parallel_loop3A_633 = arith.mulf %parallel_loop3A_632, %parallel_loop3A_627 : vector<16xf32>
        %parallel_loop3A_634 = arith.constant 5 : i32
        %parallel_loop3A_635 = arith.addi %parallel_loop3A_389, %parallel_loop3A_634 : i32
        %parallel_loop3A_636 = arith.index_cast %parallel_loop3A_635 : i32 to index
        %parallel_loop3A_637 = arith.constant 0 : index
        %parallel_loop3A_638 = tpu.vector_load %arg16[%parallel_loop3A_636, %parallel_loop3A_637] {strides = array<i32>} : memref<128x64xf32, #tpu.memory_space<vmem>>, vector<16xf32>,
        tpu.vector_store %arg16[%parallel_loop3A_636, %parallel_loop3A_637], %parallel_loop3A_633 {strides = array<i32>} : memref<128x64xf32, #tpu.memory_space<vmem>>, vector<16xf32>,
        %parallel_loop3A_639 = arith.constant 5 : i32
        %parallel_loop3A_640 = arith.addi %parallel_loop3A_389, %parallel_loop3A_639 : i32
        %parallel_loop3A_641 = arith.index_cast %parallel_loop3A_640 : i32 to index
        %parallel_loop3A_642 = arith.constant 16 : index
        %parallel_loop3A_643 = tpu.vector_load %arg16[%parallel_loop3A_641, %parallel_loop3A_642] {strides = array<i32>} : memref<128x64xf32, #tpu.memory_space<vmem>>, vector<16xf32>,
        %parallel_loop3A_644 = arith.mulf %parallel_loop3A_643, %parallel_loop3A_627 : vector<16xf32>
        %parallel_loop3A_645 = arith.constant 5 : i32
        %parallel_loop3A_646 = arith.addi %parallel_loop3A_389, %parallel_loop3A_645 : i32
        %parallel_loop3A_647 = arith.index_cast %parallel_loop3A_646 : i32 to index
        %parallel_loop3A_648 = arith.constant 16 : index
        %parallel_loop3A_649 = tpu.vector_load %arg16[%parallel_loop3A_647, %parallel_loop3A_648] {strides = array<i32>} : memref<128x64xf32, #tpu.memory_space<vmem>>, vector<16xf32>,
        tpu.vector_store %arg16[%parallel_loop3A_647, %parallel_loop3A_648], %parallel_loop3A_644 {strides = array<i32>} : memref<128x64xf32, #tpu.memory_space<vmem>>, vector<16xf32>,
        %parallel_loop3A_650 = arith.constant 5 : i32
        %parallel_loop3A_651 = arith.addi %parallel_loop3A_389, %parallel_loop3A_650 : i32
        %parallel_loop3A_652 = arith.index_cast %parallel_loop3A_651 : i32 to index
        %parallel_loop3A_653 = arith.constant 32 : index
        %parallel_loop3A_654 = tpu.vector_load %arg16[%parallel_loop3A_652, %parallel_loop3A_653] {strides = array<i32>} : memref<128x64xf32, #tpu.memory_space<vmem>>, vector<16xf32>,
        %parallel_loop3A_655 = arith.mulf %parallel_loop3A_654, %parallel_loop3A_627 : vector<16xf32>
        %parallel_loop3A_656 = arith.constant 5 : i32
        %parallel_loop3A_657 = arith.addi %parallel_loop3A_389, %parallel_loop3A_656 : i32
        %parallel_loop3A_658 = arith.index_cast %parallel_loop3A_657 : i32 to index
        %parallel_loop3A_659 = arith.constant 32 : index
        %parallel_loop3A_660 = tpu.vector_load %arg16[%parallel_loop3A_658, %parallel_loop3A_659] {strides = array<i32>} : memref<128x64xf32, #tpu.memory_space<vmem>>, vector<16xf32>,
        tpu.vector_store %arg16[%parallel_loop3A_658, %parallel_loop3A_659], %parallel_loop3A_655 {strides = array<i32>} : memref<128x64xf32, #tpu.memory_space<vmem>>, vector<16xf32>,
        %parallel_loop3A_661 = arith.constant 5 : i32
        %parallel_loop3A_662 = arith.addi %parallel_loop3A_389, %parallel_loop3A_661 : i32
        %parallel_loop3A_663 = arith.index_cast %parallel_loop3A_662 : i32 to index
        %parallel_loop3A_664 = arith.constant 48 : index
        %parallel_loop3A_665 = tpu.vector_load %arg16[%parallel_loop3A_663, %parallel_loop3A_664] {strides = array<i32>} : memref<128x64xf32, #tpu.memory_space<vmem>>, vector<16xf32>,
        %parallel_loop3A_666 = arith.mulf %parallel_loop3A_665, %parallel_loop3A_627 : vector<16xf32>
        %parallel_loop3A_667 = arith.constant 5 : i32
        %parallel_loop3A_668 = arith.addi %parallel_loop3A_389, %parallel_loop3A_667 : i32
        %parallel_loop3A_669 = arith.index_cast %parallel_loop3A_668 : i32 to index
        %parallel_loop3A_670 = arith.constant 48 : index
        %parallel_loop3A_671 = tpu.vector_load %arg16[%parallel_loop3A_669, %parallel_loop3A_670] {strides = array<i32>} : memref<128x64xf32, #tpu.memory_space<vmem>>, vector<16xf32>,
        tpu.vector_store %arg16[%parallel_loop3A_669, %parallel_loop3A_670], %parallel_loop3A_666 {strides = array<i32>} : memref<128x64xf32, #tpu.memory_space<vmem>>, vector<16xf32>,
        %parallel_loop3A_672 = vector.extract_strided_slice %parallel_loop3A_387 {offsets = [6], sizes = [1], strides = [1]} : vector<16xf32> to vector<1xf32>
        %parallel_loop3A_673 = vector.extract %parallel_loop3A_672[0] : f32 from vector<1xf32>
        %parallel_loop3A_674 = vector.broadcast %parallel_loop3A_673 : f32 to vector<16xf32>
        %parallel_loop3A_675 = arith.constant 6 : i32
        %parallel_loop3A_676 = arith.addi %parallel_loop3A_389, %parallel_loop3A_675 : i32
        %parallel_loop3A_677 = arith.index_cast %parallel_loop3A_676 : i32 to index
        %parallel_loop3A_678 = arith.constant 0 : index
        %parallel_loop3A_679 = tpu.vector_load %arg16[%parallel_loop3A_677, %parallel_loop3A_678] {strides = array<i32>} : memref<128x64xf32, #tpu.memory_space<vmem>>, vector<16xf32>,
        %parallel_loop3A_680 = arith.mulf %parallel_loop3A_679, %parallel_loop3A_674 : vector<16xf32>
        %parallel_loop3A_681 = arith.constant 6 : i32
        %parallel_loop3A_682 = arith.addi %parallel_loop3A_389, %parallel_loop3A_681 : i32
        %parallel_loop3A_683 = arith.index_cast %parallel_loop3A_682 : i32 to index
        %parallel_loop3A_684 = arith.constant 0 : index
        %parallel_loop3A_685 = tpu.vector_load %arg16[%parallel_loop3A_683, %parallel_loop3A_684] {strides = array<i32>} : memref<128x64xf32, #tpu.memory_space<vmem>>, vector<16xf32>,
        tpu.vector_store %arg16[%parallel_loop3A_683, %parallel_loop3A_684], %parallel_loop3A_680 {strides = array<i32>} : memref<128x64xf32, #tpu.memory_space<vmem>>, vector<16xf32>,
        %parallel_loop3A_686 = arith.constant 6 : i32
        %parallel_loop3A_687 = arith.addi %parallel_loop3A_389, %parallel_loop3A_686 : i32
        %parallel_loop3A_688 = arith.index_cast %parallel_loop3A_687 : i32 to index
        %parallel_loop3A_689 = arith.constant 16 : index
        %parallel_loop3A_690 = tpu.vector_load %arg16[%parallel_loop3A_688, %parallel_loop3A_689] {strides = array<i32>} : memref<128x64xf32, #tpu.memory_space<vmem>>, vector<16xf32>,
        %parallel_loop3A_691 = arith.mulf %parallel_loop3A_690, %parallel_loop3A_674 : vector<16xf32>
        %parallel_loop3A_692 = arith.constant 6 : i32
        %parallel_loop3A_693 = arith.addi %parallel_loop3A_389, %parallel_loop3A_692 : i32
        %parallel_loop3A_694 = arith.index_cast %parallel_loop3A_693 : i32 to index
        %parallel_loop3A_695 = arith.constant 16 : index
        %parallel_loop3A_696 = tpu.vector_load %arg16[%parallel_loop3A_694, %parallel_loop3A_695] {strides = array<i32>} : memref<128x64xf32, #tpu.memory_space<vmem>>, vector<16xf32>,
        tpu.vector_store %arg16[%parallel_loop3A_694, %parallel_loop3A_695], %parallel_loop3A_691 {strides = array<i32>} : memref<128x64xf32, #tpu.memory_space<vmem>>, vector<16xf32>,
        %parallel_loop3A_697 = arith.constant 6 : i32
        %parallel_loop3A_698 = arith.addi %parallel_loop3A_389, %parallel_loop3A_697 : i32
        %parallel_loop3A_699 = arith.index_cast %parallel_loop3A_698 : i32 to index
        %parallel_loop3A_700 = arith.constant 32 : index
        %parallel_loop3A_701 = tpu.vector_load %arg16[%parallel_loop3A_699, %parallel_loop3A_700] {strides = array<i32>} : memref<128x64xf32, #tpu.memory_space<vmem>>, vector<16xf32>,
        %parallel_loop3A_702 = arith.mulf %parallel_loop3A_701, %parallel_loop3A_674 : vector<16xf32>
        %parallel_loop3A_703 = arith.constant 6 : i32
        %parallel_loop3A_704 = arith.addi %parallel_loop3A_389, %parallel_loop3A_703 : i32
        %parallel_loop3A_705 = arith.index_cast %parallel_loop3A_704 : i32 to index
        %parallel_loop3A_706 = arith.constant 32 : index
        %parallel_loop3A_707 = tpu.vector_load %arg16[%parallel_loop3A_705, %parallel_loop3A_706] {strides = array<i32>} : memref<128x64xf32, #tpu.memory_space<vmem>>, vector<16xf32>,
        tpu.vector_store %arg16[%parallel_loop3A_705, %parallel_loop3A_706], %parallel_loop3A_702 {strides = array<i32>} : memref<128x64xf32, #tpu.memory_space<vmem>>, vector<16xf32>,
        %parallel_loop3A_708 = arith.constant 6 : i32
        %parallel_loop3A_709 = arith.addi %parallel_loop3A_389, %parallel_loop3A_708 : i32
        %parallel_loop3A_710 = arith.index_cast %parallel_loop3A_709 : i32 to index
        %parallel_loop3A_711 = arith.constant 48 : index
        %parallel_loop3A_712 = tpu.vector_load %arg16[%parallel_loop3A_710, %parallel_loop3A_711] {strides = array<i32>} : memref<128x64xf32, #tpu.memory_space<vmem>>, vector<16xf32>,
        %parallel_loop3A_713 = arith.mulf %parallel_loop3A_712, %parallel_loop3A_674 : vector<16xf32>
        %parallel_loop3A_714 = arith.constant 6 : i32
        %parallel_loop3A_715 = arith.addi %parallel_loop3A_389, %parallel_loop3A_714 : i32
        %parallel_loop3A_716 = arith.index_cast %parallel_loop3A_715 : i32 to index
        %parallel_loop3A_717 = arith.constant 48 : index
        %parallel_loop3A_718 = tpu.vector_load %arg16[%parallel_loop3A_716, %parallel_loop3A_717] {strides = array<i32>} : memref<128x64xf32, #tpu.memory_space<vmem>>, vector<16xf32>,
        tpu.vector_store %arg16[%parallel_loop3A_716, %parallel_loop3A_717], %parallel_loop3A_713 {strides = array<i32>} : memref<128x64xf32, #tpu.memory_space<vmem>>, vector<16xf32>,
        %parallel_loop3A_719 = vector.extract_strided_slice %parallel_loop3A_387 {offsets = [7], sizes = [1], strides = [1]} : vector<16xf32> to vector<1xf32>
        %parallel_loop3A_720 = vector.extract %parallel_loop3A_719[0] : f32 from vector<1xf32>
        %parallel_loop3A_721 = vector.broadcast %parallel_loop3A_720 : f32 to vector<16xf32>
        %parallel_loop3A_722 = arith.constant 7 : i32
        %parallel_loop3A_723 = arith.addi %parallel_loop3A_389, %parallel_loop3A_722 : i32
        %parallel_loop3A_724 = arith.index_cast %parallel_loop3A_723 : i32 to index
        %parallel_loop3A_725 = arith.constant 0 : index
        %parallel_loop3A_726 = tpu.vector_load %arg16[%parallel_loop3A_724, %parallel_loop3A_725] {strides = array<i32>} : memref<128x64xf32, #tpu.memory_space<vmem>>, vector<16xf32>,
        %parallel_loop3A_727 = arith.mulf %parallel_loop3A_726, %parallel_loop3A_721 : vector<16xf32>
        %parallel_loop3A_728 = arith.constant 7 : i32
        %parallel_loop3A_729 = arith.addi %parallel_loop3A_389, %parallel_loop3A_728 : i32
        %parallel_loop3A_730 = arith.index_cast %parallel_loop3A_729 : i32 to index
        %parallel_loop3A_731 = arith.constant 0 : index
        %parallel_loop3A_732 = tpu.vector_load %arg16[%parallel_loop3A_730, %parallel_loop3A_731] {strides = array<i32>} : memref<128x64xf32, #tpu.memory_space<vmem>>, vector<16xf32>,
        tpu.vector_store %arg16[%parallel_loop3A_730, %parallel_loop3A_731], %parallel_loop3A_727 {strides = array<i32>} : memref<128x64xf32, #tpu.memory_space<vmem>>, vector<16xf32>,
        %parallel_loop3A_733 = arith.constant 7 : i32
        %parallel_loop3A_734 = arith.addi %parallel_loop3A_389, %parallel_loop3A_733 : i32
        %parallel_loop3A_735 = arith.index_cast %parallel_loop3A_734 : i32 to index
        %parallel_loop3A_736 = arith.constant 16 : index
        %parallel_loop3A_737 = tpu.vector_load %arg16[%parallel_loop3A_735, %parallel_loop3A_736] {strides = array<i32>} : memref<128x64xf32, #tpu.memory_space<vmem>>, vector<16xf32>,
        %parallel_loop3A_738 = arith.mulf %parallel_loop3A_737, %parallel_loop3A_721 : vector<16xf32>
        %parallel_loop3A_739 = arith.constant 7 : i32
        %parallel_loop3A_740 = arith.addi %parallel_loop3A_389, %parallel_loop3A_739 : i32
        %parallel_loop3A_741 = arith.index_cast %parallel_loop3A_740 : i32 to index
        %parallel_loop3A_742 = arith.constant 16 : index
        %parallel_loop3A_743 = tpu.vector_load %arg16[%parallel_loop3A_741, %parallel_loop3A_742] {strides = array<i32>} : memref<128x64xf32, #tpu.memory_space<vmem>>, vector<16xf32>,
        tpu.vector_store %arg16[%parallel_loop3A_741, %parallel_loop3A_742], %parallel_loop3A_738 {strides = array<i32>} : memref<128x64xf32, #tpu.memory_space<vmem>>, vector<16xf32>,
        %parallel_loop3A_744 = arith.constant 7 : i32
        %parallel_loop3A_745 = arith.addi %parallel_loop3A_389, %parallel_loop3A_744 : i32
        %parallel_loop3A_746 = arith.index_cast %parallel_loop3A_745 : i32 to index
        %parallel_loop3A_747 = arith.constant 32 : index
        %parallel_loop3A_748 = tpu.vector_load %arg16[%parallel_loop3A_746, %parallel_loop3A_747] {strides = array<i32>} : memref<128x64xf32, #tpu.memory_space<vmem>>, vector<16xf32>,
        %parallel_loop3A_749 = arith.mulf %parallel_loop3A_748, %parallel_loop3A_721 : vector<16xf32>
        %parallel_loop3A_750 = arith.constant 7 : i32
        %parallel_loop3A_751 = arith.addi %parallel_loop3A_389, %parallel_loop3A_750 : i32
        %parallel_loop3A_752 = arith.index_cast %parallel_loop3A_751 : i32 to index
        %parallel_loop3A_753 = arith.constant 32 : index
        %parallel_loop3A_754 = tpu.vector_load %arg16[%parallel_loop3A_752, %parallel_loop3A_753] {strides = array<i32>} : memref<128x64xf32, #tpu.memory_space<vmem>>, vector<16xf32>,
        tpu.vector_store %arg16[%parallel_loop3A_752, %parallel_loop3A_753], %parallel_loop3A_749 {strides = array<i32>} : memref<128x64xf32, #tpu.memory_space<vmem>>, vector<16xf32>,
        %parallel_loop3A_755 = arith.constant 7 : i32
        %parallel_loop3A_756 = arith.addi %parallel_loop3A_389, %parallel_loop3A_755 : i32
        %parallel_loop3A_757 = arith.index_cast %parallel_loop3A_756 : i32 to index
        %parallel_loop3A_758 = arith.constant 48 : index
        %parallel_loop3A_759 = tpu.vector_load %arg16[%parallel_loop3A_757, %parallel_loop3A_758] {strides = array<i32>} : memref<128x64xf32, #tpu.memory_space<vmem>>, vector<16xf32>,
        %parallel_loop3A_760 = arith.mulf %parallel_loop3A_759, %parallel_loop3A_721 : vector<16xf32>
        %parallel_loop3A_761 = arith.constant 7 : i32
        %parallel_loop3A_762 = arith.addi %parallel_loop3A_389, %parallel_loop3A_761 : i32
        %parallel_loop3A_763 = arith.index_cast %parallel_loop3A_762 : i32 to index
        %parallel_loop3A_764 = arith.constant 48 : index
        %parallel_loop3A_765 = tpu.vector_load %arg16[%parallel_loop3A_763, %parallel_loop3A_764] {strides = array<i32>} : memref<128x64xf32, #tpu.memory_space<vmem>>, vector<16xf32>,
        tpu.vector_store %arg16[%parallel_loop3A_763, %parallel_loop3A_764], %parallel_loop3A_760 {strides = array<i32>} : memref<128x64xf32, #tpu.memory_space<vmem>>, vector<16xf32>,
        %parallel_loop3A_766 = vector.extract_strided_slice %parallel_loop3A_387 {offsets = [8], sizes = [1], strides = [1]} : vector<16xf32> to vector<1xf32>
        %parallel_loop3A_767 = vector.extract %parallel_loop3A_766[0] : f32 from vector<1xf32>
        %parallel_loop3A_768 = vector.broadcast %parallel_loop3A_767 : f32 to vector<16xf32>
        %parallel_loop3A_769 = arith.constant 8 : i32
        %parallel_loop3A_770 = arith.addi %parallel_loop3A_389, %parallel_loop3A_769 : i32
        %parallel_loop3A_771 = arith.index_cast %parallel_loop3A_770 : i32 to index
        %parallel_loop3A_772 = arith.constant 0 : index
        %parallel_loop3A_773 = tpu.vector_load %arg16[%parallel_loop3A_771, %parallel_loop3A_772] {strides = array<i32>} : memref<128x64xf32, #tpu.memory_space<vmem>>, vector<16xf32>,
        %parallel_loop3A_774 = arith.mulf %parallel_loop3A_773, %parallel_loop3A_768 : vector<16xf32>
        %parallel_loop3A_775 = arith.constant 8 : i32
        %parallel_loop3A_776 = arith.addi %parallel_loop3A_389, %parallel_loop3A_775 : i32
        %parallel_loop3A_777 = arith.index_cast %parallel_loop3A_776 : i32 to index
        %parallel_loop3A_778 = arith.constant 0 : index
        %parallel_loop3A_779 = tpu.vector_load %arg16[%parallel_loop3A_777, %parallel_loop3A_778] {strides = array<i32>} : memref<128x64xf32, #tpu.memory_space<vmem>>, vector<16xf32>,
        tpu.vector_store %arg16[%parallel_loop3A_777, %parallel_loop3A_778], %parallel_loop3A_774 {strides = array<i32>} : memref<128x64xf32, #tpu.memory_space<vmem>>, vector<16xf32>,
        %parallel_loop3A_780 = arith.constant 8 : i32
        %parallel_loop3A_781 = arith.addi %parallel_loop3A_389, %parallel_loop3A_780 : i32
        %parallel_loop3A_782 = arith.index_cast %parallel_loop3A_781 : i32 to index
        %parallel_loop3A_783 = arith.constant 16 : index
        %parallel_loop3A_784 = tpu.vector_load %arg16[%parallel_loop3A_782, %parallel_loop3A_783] {strides = array<i32>} : memref<128x64xf32, #tpu.memory_space<vmem>>, vector<16xf32>,
        %parallel_loop3A_785 = arith.mulf %parallel_loop3A_784, %parallel_loop3A_768 : vector<16xf32>
        %parallel_loop3A_786 = arith.constant 8 : i32
        %parallel_loop3A_787 = arith.addi %parallel_loop3A_389, %parallel_loop3A_786 : i32
        %parallel_loop3A_788 = arith.index_cast %parallel_loop3A_787 : i32 to index
        %parallel_loop3A_789 = arith.constant 16 : index
        %parallel_loop3A_790 = tpu.vector_load %arg16[%parallel_loop3A_788, %parallel_loop3A_789] {strides = array<i32>} : memref<128x64xf32, #tpu.memory_space<vmem>>, vector<16xf32>,
        tpu.vector_store %arg16[%parallel_loop3A_788, %parallel_loop3A_789], %parallel_loop3A_785 {strides = array<i32>} : memref<128x64xf32, #tpu.memory_space<vmem>>, vector<16xf32>,
        %parallel_loop3A_791 = arith.constant 8 : i32
        %parallel_loop3A_792 = arith.addi %parallel_loop3A_389, %parallel_loop3A_791 : i32
        %parallel_loop3A_793 = arith.index_cast %parallel_loop3A_792 : i32 to index
        %parallel_loop3A_794 = arith.constant 32 : index
        %parallel_loop3A_795 = tpu.vector_load %arg16[%parallel_loop3A_793, %parallel_loop3A_794] {strides = array<i32>} : memref<128x64xf32, #tpu.memory_space<vmem>>, vector<16xf32>,
        %parallel_loop3A_796 = arith.mulf %parallel_loop3A_795, %parallel_loop3A_768 : vector<16xf32>
        %parallel_loop3A_797 = arith.constant 8 : i32
        %parallel_loop3A_798 = arith.addi %parallel_loop3A_389, %parallel_loop3A_797 : i32
        %parallel_loop3A_799 = arith.index_cast %parallel_loop3A_798 : i32 to index
        %parallel_loop3A_800 = arith.constant 32 : index
        %parallel_loop3A_801 = tpu.vector_load %arg16[%parallel_loop3A_799, %parallel_loop3A_800] {strides = array<i32>} : memref<128x64xf32, #tpu.memory_space<vmem>>, vector<16xf32>,
        tpu.vector_store %arg16[%parallel_loop3A_799, %parallel_loop3A_800], %parallel_loop3A_796 {strides = array<i32>} : memref<128x64xf32, #tpu.memory_space<vmem>>, vector<16xf32>,
        %parallel_loop3A_802 = arith.constant 8 : i32
        %parallel_loop3A_803 = arith.addi %parallel_loop3A_389, %parallel_loop3A_802 : i32
        %parallel_loop3A_804 = arith.index_cast %parallel_loop3A_803 : i32 to index
        %parallel_loop3A_805 = arith.constant 48 : index
        %parallel_loop3A_806 = tpu.vector_load %arg16[%parallel_loop3A_804, %parallel_loop3A_805] {strides = array<i32>} : memref<128x64xf32, #tpu.memory_space<vmem>>, vector<16xf32>,
        %parallel_loop3A_807 = arith.mulf %parallel_loop3A_806, %parallel_loop3A_768 : vector<16xf32>
        %parallel_loop3A_808 = arith.constant 8 : i32
        %parallel_loop3A_809 = arith.addi %parallel_loop3A_389, %parallel_loop3A_808 : i32
        %parallel_loop3A_810 = arith.index_cast %parallel_loop3A_809 : i32 to index
        %parallel_loop3A_811 = arith.constant 48 : index
        %parallel_loop3A_812 = tpu.vector_load %arg16[%parallel_loop3A_810, %parallel_loop3A_811] {strides = array<i32>} : memref<128x64xf32, #tpu.memory_space<vmem>>, vector<16xf32>,
        tpu.vector_store %arg16[%parallel_loop3A_810, %parallel_loop3A_811], %parallel_loop3A_807 {strides = array<i32>} : memref<128x64xf32, #tpu.memory_space<vmem>>, vector<16xf32>,
        %parallel_loop3A_813 = vector.extract_strided_slice %parallel_loop3A_387 {offsets = [9], sizes = [1], strides = [1]} : vector<16xf32> to vector<1xf32>
        %parallel_loop3A_814 = vector.extract %parallel_loop3A_813[0] : f32 from vector<1xf32>
        %parallel_loop3A_815 = vector.broadcast %parallel_loop3A_814 : f32 to vector<16xf32>
        %parallel_loop3A_816 = arith.constant 9 : i32
        %parallel_loop3A_817 = arith.addi %parallel_loop3A_389, %parallel_loop3A_816 : i32
        %parallel_loop3A_818 = arith.index_cast %parallel_loop3A_817 : i32 to index
        %parallel_loop3A_819 = arith.constant 0 : index
        %parallel_loop3A_820 = tpu.vector_load %arg16[%parallel_loop3A_818, %parallel_loop3A_819] {strides = array<i32>} : memref<128x64xf32, #tpu.memory_space<vmem>>, vector<16xf32>,
        %parallel_loop3A_821 = arith.mulf %parallel_loop3A_820, %parallel_loop3A_815 : vector<16xf32>
        %parallel_loop3A_822 = arith.constant 9 : i32
        %parallel_loop3A_823 = arith.addi %parallel_loop3A_389, %parallel_loop3A_822 : i32
        %parallel_loop3A_824 = arith.index_cast %parallel_loop3A_823 : i32 to index
        %parallel_loop3A_825 = arith.constant 0 : index
        %parallel_loop3A_826 = tpu.vector_load %arg16[%parallel_loop3A_824, %parallel_loop3A_825] {strides = array<i32>} : memref<128x64xf32, #tpu.memory_space<vmem>>, vector<16xf32>,
        tpu.vector_store %arg16[%parallel_loop3A_824, %parallel_loop3A_825], %parallel_loop3A_821 {strides = array<i32>} : memref<128x64xf32, #tpu.memory_space<vmem>>, vector<16xf32>,
        %parallel_loop3A_827 = arith.constant 9 : i32
        %parallel_loop3A_828 = arith.addi %parallel_loop3A_389, %parallel_loop3A_827 : i32
        %parallel_loop3A_829 = arith.index_cast %parallel_loop3A_828 : i32 to index
        %parallel_loop3A_830 = arith.constant 16 : index
        %parallel_loop3A_831 = tpu.vector_load %arg16[%parallel_loop3A_829, %parallel_loop3A_830] {strides = array<i32>} : memref<128x64xf32, #tpu.memory_space<vmem>>, vector<16xf32>,
        %parallel_loop3A_832 = arith.mulf %parallel_loop3A_831, %parallel_loop3A_815 : vector<16xf32>
        %parallel_loop3A_833 = arith.constant 9 : i32
        %parallel_loop3A_834 = arith.addi %parallel_loop3A_389, %parallel_loop3A_833 : i32
        %parallel_loop3A_835 = arith.index_cast %parallel_loop3A_834 : i32 to index
        %parallel_loop3A_836 = arith.constant 16 : index
        %parallel_loop3A_837 = tpu.vector_load %arg16[%parallel_loop3A_835, %parallel_loop3A_836] {strides = array<i32>} : memref<128x64xf32, #tpu.memory_space<vmem>>, vector<16xf32>,
        tpu.vector_store %arg16[%parallel_loop3A_835, %parallel_loop3A_836], %parallel_loop3A_832 {strides = array<i32>} : memref<128x64xf32, #tpu.memory_space<vmem>>, vector<16xf32>,
        %parallel_loop3A_838 = arith.constant 9 : i32
        %parallel_loop3A_839 = arith.addi %parallel_loop3A_389, %parallel_loop3A_838 : i32
        %parallel_loop3A_840 = arith.index_cast %parallel_loop3A_839 : i32 to index
        %parallel_loop3A_841 = arith.constant 32 : index
        %parallel_loop3A_842 = tpu.vector_load %arg16[%parallel_loop3A_840, %parallel_loop3A_841] {strides = array<i32>} : memref<128x64xf32, #tpu.memory_space<vmem>>, vector<16xf32>,
        %parallel_loop3A_843 = arith.mulf %parallel_loop3A_842, %parallel_loop3A_815 : vector<16xf32>
        %parallel_loop3A_844 = arith.constant 9 : i32
        %parallel_loop3A_845 = arith.addi %parallel_loop3A_389, %parallel_loop3A_844 : i32
        %parallel_loop3A_846 = arith.index_cast %parallel_loop3A_845 : i32 to index
        %parallel_loop3A_847 = arith.constant 32 : index
        %parallel_loop3A_848 = tpu.vector_load %arg16[%parallel_loop3A_846, %parallel_loop3A_847] {strides = array<i32>} : memref<128x64xf32, #tpu.memory_space<vmem>>, vector<16xf32>,
        tpu.vector_store %arg16[%parallel_loop3A_846, %parallel_loop3A_847], %parallel_loop3A_843 {strides = array<i32>} : memref<128x64xf32, #tpu.memory_space<vmem>>, vector<16xf32>,
        %parallel_loop3A_849 = arith.constant 9 : i32
        %parallel_loop3A_850 = arith.addi %parallel_loop3A_389, %parallel_loop3A_849 : i32
        %parallel_loop3A_851 = arith.index_cast %parallel_loop3A_850 : i32 to index
        %parallel_loop3A_852 = arith.constant 48 : index
        %parallel_loop3A_853 = tpu.vector_load %arg16[%parallel_loop3A_851, %parallel_loop3A_852] {strides = array<i32>} : memref<128x64xf32, #tpu.memory_space<vmem>>, vector<16xf32>,
        %parallel_loop3A_854 = arith.mulf %parallel_loop3A_853, %parallel_loop3A_815 : vector<16xf32>
        %parallel_loop3A_855 = arith.constant 9 : i32
        %parallel_loop3A_856 = arith.addi %parallel_loop3A_389, %parallel_loop3A_855 : i32
        %parallel_loop3A_857 = arith.index_cast %parallel_loop3A_856 : i32 to index
        %parallel_loop3A_858 = arith.constant 48 : index
        %parallel_loop3A_859 = tpu.vector_load %arg16[%parallel_loop3A_857, %parallel_loop3A_858] {strides = array<i32>} : memref<128x64xf32, #tpu.memory_space<vmem>>, vector<16xf32>,
        tpu.vector_store %arg16[%parallel_loop3A_857, %parallel_loop3A_858], %parallel_loop3A_854 {strides = array<i32>} : memref<128x64xf32, #tpu.memory_space<vmem>>, vector<16xf32>,
        %parallel_loop3A_860 = vector.extract_strided_slice %parallel_loop3A_387 {offsets = [10], sizes = [1], strides = [1]} : vector<16xf32> to vector<1xf32>
        %parallel_loop3A_861 = vector.extract %parallel_loop3A_860[0] : f32 from vector<1xf32>
        %parallel_loop3A_862 = vector.broadcast %parallel_loop3A_861 : f32 to vector<16xf32>
        %parallel_loop3A_863 = arith.constant 10 : i32
        %parallel_loop3A_864 = arith.addi %parallel_loop3A_389, %parallel_loop3A_863 : i32
        %parallel_loop3A_865 = arith.index_cast %parallel_loop3A_864 : i32 to index
        %parallel_loop3A_866 = arith.constant 0 : index
        %parallel_loop3A_867 = tpu.vector_load %arg16[%parallel_loop3A_865, %parallel_loop3A_866] {strides = array<i32>} : memref<128x64xf32, #tpu.memory_space<vmem>>, vector<16xf32>,
        %parallel_loop3A_868 = arith.mulf %parallel_loop3A_867, %parallel_loop3A_862 : vector<16xf32>
        %parallel_loop3A_869 = arith.constant 10 : i32
        %parallel_loop3A_870 = arith.addi %parallel_loop3A_389, %parallel_loop3A_869 : i32
        %parallel_loop3A_871 = arith.index_cast %parallel_loop3A_870 : i32 to index
        %parallel_loop3A_872 = arith.constant 0 : index
        %parallel_loop3A_873 = tpu.vector_load %arg16[%parallel_loop3A_871, %parallel_loop3A_872] {strides = array<i32>} : memref<128x64xf32, #tpu.memory_space<vmem>>, vector<16xf32>,
        tpu.vector_store %arg16[%parallel_loop3A_871, %parallel_loop3A_872], %parallel_loop3A_868 {strides = array<i32>} : memref<128x64xf32, #tpu.memory_space<vmem>>, vector<16xf32>,
        %parallel_loop3A_874 = arith.constant 10 : i32
        %parallel_loop3A_875 = arith.addi %parallel_loop3A_389, %parallel_loop3A_874 : i32
        %parallel_loop3A_876 = arith.index_cast %parallel_loop3A_875 : i32 to index
        %parallel_loop3A_877 = arith.constant 16 : index
        %parallel_loop3A_878 = tpu.vector_load %arg16[%parallel_loop3A_876, %parallel_loop3A_877] {strides = array<i32>} : memref<128x64xf32, #tpu.memory_space<vmem>>, vector<16xf32>,
        %parallel_loop3A_879 = arith.mulf %parallel_loop3A_878, %parallel_loop3A_862 : vector<16xf32>
        %parallel_loop3A_880 = arith.constant 10 : i32
        %parallel_loop3A_881 = arith.addi %parallel_loop3A_389, %parallel_loop3A_880 : i32
        %parallel_loop3A_882 = arith.index_cast %parallel_loop3A_881 : i32 to index
        %parallel_loop3A_883 = arith.constant 16 : index
        %parallel_loop3A_884 = tpu.vector_load %arg16[%parallel_loop3A_882, %parallel_loop3A_883] {strides = array<i32>} : memref<128x64xf32, #tpu.memory_space<vmem>>, vector<16xf32>,
        tpu.vector_store %arg16[%parallel_loop3A_882, %parallel_loop3A_883], %parallel_loop3A_879 {strides = array<i32>} : memref<128x64xf32, #tpu.memory_space<vmem>>, vector<16xf32>,
        %parallel_loop3A_885 = arith.constant 10 : i32
        %parallel_loop3A_886 = arith.addi %parallel_loop3A_389, %parallel_loop3A_885 : i32
        %parallel_loop3A_887 = arith.index_cast %parallel_loop3A_886 : i32 to index
        %parallel_loop3A_888 = arith.constant 32 : index
        %parallel_loop3A_889 = tpu.vector_load %arg16[%parallel_loop3A_887, %parallel_loop3A_888] {strides = array<i32>} : memref<128x64xf32, #tpu.memory_space<vmem>>, vector<16xf32>,
        %parallel_loop3A_890 = arith.mulf %parallel_loop3A_889, %parallel_loop3A_862 : vector<16xf32>
        %parallel_loop3A_891 = arith.constant 10 : i32
        %parallel_loop3A_892 = arith.addi %parallel_loop3A_389, %parallel_loop3A_891 : i32
        %parallel_loop3A_893 = arith.index_cast %parallel_loop3A_892 : i32 to index
        %parallel_loop3A_894 = arith.constant 32 : index
        %parallel_loop3A_895 = tpu.vector_load %arg16[%parallel_loop3A_893, %parallel_loop3A_894] {strides = array<i32>} : memref<128x64xf32, #tpu.memory_space<vmem>>, vector<16xf32>,
        tpu.vector_store %arg16[%parallel_loop3A_893, %parallel_loop3A_894], %parallel_loop3A_890 {strides = array<i32>} : memref<128x64xf32, #tpu.memory_space<vmem>>, vector<16xf32>,
        %parallel_loop3A_896 = arith.constant 10 : i32
        %parallel_loop3A_897 = arith.addi %parallel_loop3A_389, %parallel_loop3A_896 : i32
        %parallel_loop3A_898 = arith.index_cast %parallel_loop3A_897 : i32 to index
        %parallel_loop3A_899 = arith.constant 48 : index
        %parallel_loop3A_900 = tpu.vector_load %arg16[%parallel_loop3A_898, %parallel_loop3A_899] {strides = array<i32>} : memref<128x64xf32, #tpu.memory_space<vmem>>, vector<16xf32>,
        %parallel_loop3A_901 = arith.mulf %parallel_loop3A_900, %parallel_loop3A_862 : vector<16xf32>
        %parallel_loop3A_902 = arith.constant 10 : i32
        %parallel_loop3A_903 = arith.addi %parallel_loop3A_389, %parallel_loop3A_902 : i32
        %parallel_loop3A_904 = arith.index_cast %parallel_loop3A_903 : i32 to index
        %parallel_loop3A_905 = arith.constant 48 : index
        %parallel_loop3A_906 = tpu.vector_load %arg16[%parallel_loop3A_904, %parallel_loop3A_905] {strides = array<i32>} : memref<128x64xf32, #tpu.memory_space<vmem>>, vector<16xf32>,
        tpu.vector_store %arg16[%parallel_loop3A_904, %parallel_loop3A_905], %parallel_loop3A_901 {strides = array<i32>} : memref<128x64xf32, #tpu.memory_space<vmem>>, vector<16xf32>,
        %parallel_loop3A_907 = vector.extract_strided_slice %parallel_loop3A_387 {offsets = [11], sizes = [1], strides = [1]} : vector<16xf32> to vector<1xf32>
        %parallel_loop3A_908 = vector.extract %parallel_loop3A_907[0] : f32 from vector<1xf32>
        %parallel_loop3A_909 = vector.broadcast %parallel_loop3A_908 : f32 to vector<16xf32>
        %parallel_loop3A_910 = arith.constant 11 : i32
        %parallel_loop3A_911 = arith.addi %parallel_loop3A_389, %parallel_loop3A_910 : i32
        %parallel_loop3A_912 = arith.index_cast %parallel_loop3A_911 : i32 to index
        %parallel_loop3A_913 = arith.constant 0 : index
        %parallel_loop3A_914 = tpu.vector_load %arg16[%parallel_loop3A_912, %parallel_loop3A_913] {strides = array<i32>} : memref<128x64xf32, #tpu.memory_space<vmem>>, vector<16xf32>,
        %parallel_loop3A_915 = arith.mulf %parallel_loop3A_914, %parallel_loop3A_909 : vector<16xf32>
        %parallel_loop3A_916 = arith.constant 11 : i32
        %parallel_loop3A_917 = arith.addi %parallel_loop3A_389, %parallel_loop3A_916 : i32
        %parallel_loop3A_918 = arith.index_cast %parallel_loop3A_917 : i32 to index
        %parallel_loop3A_919 = arith.constant 0 : index
        %parallel_loop3A_920 = tpu.vector_load %arg16[%parallel_loop3A_918, %parallel_loop3A_919] {strides = array<i32>} : memref<128x64xf32, #tpu.memory_space<vmem>>, vector<16xf32>,
        tpu.vector_store %arg16[%parallel_loop3A_918, %parallel_loop3A_919], %parallel_loop3A_915 {strides = array<i32>} : memref<128x64xf32, #tpu.memory_space<vmem>>, vector<16xf32>,
        %parallel_loop3A_921 = arith.constant 11 : i32
        %parallel_loop3A_922 = arith.addi %parallel_loop3A_389, %parallel_loop3A_921 : i32
        %parallel_loop3A_923 = arith.index_cast %parallel_loop3A_922 : i32 to index
        %parallel_loop3A_924 = arith.constant 16 : index
        %parallel_loop3A_925 = tpu.vector_load %arg16[%parallel_loop3A_923, %parallel_loop3A_924] {strides = array<i32>} : memref<128x64xf32, #tpu.memory_space<vmem>>, vector<16xf32>,
        %parallel_loop3A_926 = arith.mulf %parallel_loop3A_925, %parallel_loop3A_909 : vector<16xf32>
        %parallel_loop3A_927 = arith.constant 11 : i32
        %parallel_loop3A_928 = arith.addi %parallel_loop3A_389, %parallel_loop3A_927 : i32
        %parallel_loop3A_929 = arith.index_cast %parallel_loop3A_928 : i32 to index
        %parallel_loop3A_930 = arith.constant 16 : index
        %parallel_loop3A_931 = tpu.vector_load %arg16[%parallel_loop3A_929, %parallel_loop3A_930] {strides = array<i32>} : memref<128x64xf32, #tpu.memory_space<vmem>>, vector<16xf32>,
        tpu.vector_store %arg16[%parallel_loop3A_929, %parallel_loop3A_930], %parallel_loop3A_926 {strides = array<i32>} : memref<128x64xf32, #tpu.memory_space<vmem>>, vector<16xf32>,
        %parallel_loop3A_932 = arith.constant 11 : i32
        %parallel_loop3A_933 = arith.addi %parallel_loop3A_389, %parallel_loop3A_932 : i32
        %parallel_loop3A_934 = arith.index_cast %parallel_loop3A_933 : i32 to index
        %parallel_loop3A_935 = arith.constant 32 : index
        %parallel_loop3A_936 = tpu.vector_load %arg16[%parallel_loop3A_934, %parallel_loop3A_935] {strides = array<i32>} : memref<128x64xf32, #tpu.memory_space<vmem>>, vector<16xf32>,
        %parallel_loop3A_937 = arith.mulf %parallel_loop3A_936, %parallel_loop3A_909 : vector<16xf32>
        %parallel_loop3A_938 = arith.constant 11 : i32
        %parallel_loop3A_939 = arith.addi %parallel_loop3A_389, %parallel_loop3A_938 : i32
        %parallel_loop3A_940 = arith.index_cast %parallel_loop3A_939 : i32 to index
        %parallel_loop3A_941 = arith.constant 32 : index
        %parallel_loop3A_942 = tpu.vector_load %arg16[%parallel_loop3A_940, %parallel_loop3A_941] {strides = array<i32>} : memref<128x64xf32, #tpu.memory_space<vmem>>, vector<16xf32>,
        tpu.vector_store %arg16[%parallel_loop3A_940, %parallel_loop3A_941], %parallel_loop3A_937 {strides = array<i32>} : memref<128x64xf32, #tpu.memory_space<vmem>>, vector<16xf32>,
        %parallel_loop3A_943 = arith.constant 11 : i32
        %parallel_loop3A_944 = arith.addi %parallel_loop3A_389, %parallel_loop3A_943 : i32
        %parallel_loop3A_945 = arith.index_cast %parallel_loop3A_944 : i32 to index
        %parallel_loop3A_946 = arith.constant 48 : index
        %parallel_loop3A_947 = tpu.vector_load %arg16[%parallel_loop3A_945, %parallel_loop3A_946] {strides = array<i32>} : memref<128x64xf32, #tpu.memory_space<vmem>>, vector<16xf32>,
        %parallel_loop3A_948 = arith.mulf %parallel_loop3A_947, %parallel_loop3A_909 : vector<16xf32>
        %parallel_loop3A_949 = arith.constant 11 : i32
        %parallel_loop3A_950 = arith.addi %parallel_loop3A_389, %parallel_loop3A_949 : i32
        %parallel_loop3A_951 = arith.index_cast %parallel_loop3A_950 : i32 to index
        %parallel_loop3A_952 = arith.constant 48 : index
        %parallel_loop3A_953 = tpu.vector_load %arg16[%parallel_loop3A_951, %parallel_loop3A_952] {strides = array<i32>} : memref<128x64xf32, #tpu.memory_space<vmem>>, vector<16xf32>,
        tpu.vector_store %arg16[%parallel_loop3A_951, %parallel_loop3A_952], %parallel_loop3A_948 {strides = array<i32>} : memref<128x64xf32, #tpu.memory_space<vmem>>, vector<16xf32>,
        %parallel_loop3A_954 = vector.extract_strided_slice %parallel_loop3A_387 {offsets = [12], sizes = [1], strides = [1]} : vector<16xf32> to vector<1xf32>
        %parallel_loop3A_955 = vector.extract %parallel_loop3A_954[0] : f32 from vector<1xf32>
        %parallel_loop3A_956 = vector.broadcast %parallel_loop3A_955 : f32 to vector<16xf32>
        %parallel_loop3A_957 = arith.constant 12 : i32
        %parallel_loop3A_958 = arith.addi %parallel_loop3A_389, %parallel_loop3A_957 : i32
        %parallel_loop3A_959 = arith.index_cast %parallel_loop3A_958 : i32 to index
        %parallel_loop3A_960 = arith.constant 0 : index
        %parallel_loop3A_961 = tpu.vector_load %arg16[%parallel_loop3A_959, %parallel_loop3A_960] {strides = array<i32>} : memref<128x64xf32, #tpu.memory_space<vmem>>, vector<16xf32>,
        %parallel_loop3A_962 = arith.mulf %parallel_loop3A_961, %parallel_loop3A_956 : vector<16xf32>
        %parallel_loop3A_963 = arith.constant 12 : i32
        %parallel_loop3A_964 = arith.addi %parallel_loop3A_389, %parallel_loop3A_963 : i32
        %parallel_loop3A_965 = arith.index_cast %parallel_loop3A_964 : i32 to index
        %parallel_loop3A_966 = arith.constant 0 : index
        %parallel_loop3A_967 = tpu.vector_load %arg16[%parallel_loop3A_965, %parallel_loop3A_966] {strides = array<i32>} : memref<128x64xf32, #tpu.memory_space<vmem>>, vector<16xf32>,
        tpu.vector_store %arg16[%parallel_loop3A_965, %parallel_loop3A_966], %parallel_loop3A_962 {strides = array<i32>} : memref<128x64xf32, #tpu.memory_space<vmem>>, vector<16xf32>,
        %parallel_loop3A_968 = arith.constant 12 : i32
        %parallel_loop3A_969 = arith.addi %parallel_loop3A_389, %parallel_loop3A_968 : i32
        %parallel_loop3A_970 = arith.index_cast %parallel_loop3A_969 : i32 to index
        %parallel_loop3A_971 = arith.constant 16 : index
        %parallel_loop3A_972 = tpu.vector_load %arg16[%parallel_loop3A_970, %parallel_loop3A_971] {strides = array<i32>} : memref<128x64xf32, #tpu.memory_space<vmem>>, vector<16xf32>,
        %parallel_loop3A_973 = arith.mulf %parallel_loop3A_972, %parallel_loop3A_956 : vector<16xf32>
        %parallel_loop3A_974 = arith.constant 12 : i32
        %parallel_loop3A_975 = arith.addi %parallel_loop3A_389, %parallel_loop3A_974 : i32
        %parallel_loop3A_976 = arith.index_cast %parallel_loop3A_975 : i32 to index
        %parallel_loop3A_977 = arith.constant 16 : index
        %parallel_loop3A_978 = tpu.vector_load %arg16[%parallel_loop3A_976, %parallel_loop3A_977] {strides = array<i32>} : memref<128x64xf32, #tpu.memory_space<vmem>>, vector<16xf32>,
        tpu.vector_store %arg16[%parallel_loop3A_976, %parallel_loop3A_977], %parallel_loop3A_973 {strides = array<i32>} : memref<128x64xf32, #tpu.memory_space<vmem>>, vector<16xf32>,
        %parallel_loop3A_979 = arith.constant 12 : i32
        %parallel_loop3A_980 = arith.addi %parallel_loop3A_389, %parallel_loop3A_979 : i32
        %parallel_loop3A_981 = arith.index_cast %parallel_loop3A_980 : i32 to index
        %parallel_loop3A_982 = arith.constant 32 : index
        %parallel_loop3A_983 = tpu.vector_load %arg16[%parallel_loop3A_981, %parallel_loop3A_982] {strides = array<i32>} : memref<128x64xf32, #tpu.memory_space<vmem>>, vector<16xf32>,
        %parallel_loop3A_984 = arith.mulf %parallel_loop3A_983, %parallel_loop3A_956 : vector<16xf32>
        %parallel_loop3A_985 = arith.constant 12 : i32
        %parallel_loop3A_986 = arith.addi %parallel_loop3A_389, %parallel_loop3A_985 : i32
        %parallel_loop3A_987 = arith.index_cast %parallel_loop3A_986 : i32 to index
        %parallel_loop3A_988 = arith.constant 32 : index
        %parallel_loop3A_989 = tpu.vector_load %arg16[%parallel_loop3A_987, %parallel_loop3A_988] {strides = array<i32>} : memref<128x64xf32, #tpu.memory_space<vmem>>, vector<16xf32>,
        tpu.vector_store %arg16[%parallel_loop3A_987, %parallel_loop3A_988], %parallel_loop3A_984 {strides = array<i32>} : memref<128x64xf32, #tpu.memory_space<vmem>>, vector<16xf32>,
        %parallel_loop3A_990 = arith.constant 12 : i32
        %parallel_loop3A_991 = arith.addi %parallel_loop3A_389, %parallel_loop3A_990 : i32
        %parallel_loop3A_992 = arith.index_cast %parallel_loop3A_991 : i32 to index
        %parallel_loop3A_993 = arith.constant 48 : index
        %parallel_loop3A_994 = tpu.vector_load %arg16[%parallel_loop3A_992, %parallel_loop3A_993] {strides = array<i32>} : memref<128x64xf32, #tpu.memory_space<vmem>>, vector<16xf32>,
        %parallel_loop3A_995 = arith.mulf %parallel_loop3A_994, %parallel_loop3A_956 : vector<16xf32>
        %parallel_loop3A_996 = arith.constant 12 : i32
        %parallel_loop3A_997 = arith.addi %parallel_loop3A_389, %parallel_loop3A_996 : i32
        %parallel_loop3A_998 = arith.index_cast %parallel_loop3A_997 : i32 to index
        %parallel_loop3A_999 = arith.constant 48 : index
        %parallel_loop3A_1000 = tpu.vector_load %arg16[%parallel_loop3A_998, %parallel_loop3A_999] {strides = array<i32>} : memref<128x64xf32, #tpu.memory_space<vmem>>, vector<16xf32>,
        tpu.vector_store %arg16[%parallel_loop3A_998, %parallel_loop3A_999], %parallel_loop3A_995 {strides = array<i32>} : memref<128x64xf32, #tpu.memory_space<vmem>>, vector<16xf32>,
        %parallel_loop3A_1001 = vector.extract_strided_slice %parallel_loop3A_387 {offsets = [13], sizes = [1], strides = [1]} : vector<16xf32> to vector<1xf32>
        %parallel_loop3A_1002 = vector.extract %parallel_loop3A_1001[0] : f32 from vector<1xf32>
        %parallel_loop3A_1003 = vector.broadcast %parallel_loop3A_1002 : f32 to vector<16xf32>
        %parallel_loop3A_1004 = arith.constant 13 : i32
        %parallel_loop3A_1005 = arith.addi %parallel_loop3A_389, %parallel_loop3A_1004 : i32
        %parallel_loop3A_1006 = arith.index_cast %parallel_loop3A_1005 : i32 to index
        %parallel_loop3A_1007 = arith.constant 0 : index
        %parallel_loop3A_1008 = tpu.vector_load %arg16[%parallel_loop3A_1006, %parallel_loop3A_1007] {strides = array<i32>} : memref<128x64xf32, #tpu.memory_space<vmem>>, vector<16xf32>,
        %parallel_loop3A_1009 = arith.mulf %parallel_loop3A_1008, %parallel_loop3A_1003 : vector<16xf32>
        %parallel_loop3A_1010 = arith.constant 13 : i32
        %parallel_loop3A_1011 = arith.addi %parallel_loop3A_389, %parallel_loop3A_1010 : i32
        %parallel_loop3A_1012 = arith.index_cast %parallel_loop3A_1011 : i32 to index
        %parallel_loop3A_1013 = arith.constant 0 : index
        %parallel_loop3A_1014 = tpu.vector_load %arg16[%parallel_loop3A_1012, %parallel_loop3A_1013] {strides = array<i32>} : memref<128x64xf32, #tpu.memory_space<vmem>>, vector<16xf32>,
        tpu.vector_store %arg16[%parallel_loop3A_1012, %parallel_loop3A_1013], %parallel_loop3A_1009 {strides = array<i32>} : memref<128x64xf32, #tpu.memory_space<vmem>>, vector<16xf32>,
        %parallel_loop3A_1015 = arith.constant 13 : i32
        %parallel_loop3A_1016 = arith.addi %parallel_loop3A_389, %parallel_loop3A_1015 : i32
        %parallel_loop3A_1017 = arith.index_cast %parallel_loop3A_1016 : i32 to index
        %parallel_loop3A_1018 = arith.constant 16 : index
        %parallel_loop3A_1019 = tpu.vector_load %arg16[%parallel_loop3A_1017, %parallel_loop3A_1018] {strides = array<i32>} : memref<128x64xf32, #tpu.memory_space<vmem>>, vector<16xf32>,
        %parallel_loop3A_1020 = arith.mulf %parallel_loop3A_1019, %parallel_loop3A_1003 : vector<16xf32>
        %parallel_loop3A_1021 = arith.constant 13 : i32
        %parallel_loop3A_1022 = arith.addi %parallel_loop3A_389, %parallel_loop3A_1021 : i32
        %parallel_loop3A_1023 = arith.index_cast %parallel_loop3A_1022 : i32 to index
        %parallel_loop3A_1024 = arith.constant 16 : index
        %parallel_loop3A_1025 = tpu.vector_load %arg16[%parallel_loop3A_1023, %parallel_loop3A_1024] {strides = array<i32>} : memref<128x64xf32, #tpu.memory_space<vmem>>, vector<16xf32>,
        tpu.vector_store %arg16[%parallel_loop3A_1023, %parallel_loop3A_1024], %parallel_loop3A_1020 {strides = array<i32>} : memref<128x64xf32, #tpu.memory_space<vmem>>, vector<16xf32>,
        %parallel_loop3A_1026 = arith.constant 13 : i32
        %parallel_loop3A_1027 = arith.addi %parallel_loop3A_389, %parallel_loop3A_1026 : i32
        %parallel_loop3A_1028 = arith.index_cast %parallel_loop3A_1027 : i32 to index
        %parallel_loop3A_1029 = arith.constant 32 : index
        %parallel_loop3A_1030 = tpu.vector_load %arg16[%parallel_loop3A_1028, %parallel_loop3A_1029] {strides = array<i32>} : memref<128x64xf32, #tpu.memory_space<vmem>>, vector<16xf32>,
        %parallel_loop3A_1031 = arith.mulf %parallel_loop3A_1030, %parallel_loop3A_1003 : vector<16xf32>
        %parallel_loop3A_1032 = arith.constant 13 : i32
        %parallel_loop3A_1033 = arith.addi %parallel_loop3A_389, %parallel_loop3A_1032 : i32
        %parallel_loop3A_1034 = arith.index_cast %parallel_loop3A_1033 : i32 to index
        %parallel_loop3A_1035 = arith.constant 32 : index
        %parallel_loop3A_1036 = tpu.vector_load %arg16[%parallel_loop3A_1034, %parallel_loop3A_1035] {strides = array<i32>} : memref<128x64xf32, #tpu.memory_space<vmem>>, vector<16xf32>,
        tpu.vector_store %arg16[%parallel_loop3A_1034, %parallel_loop3A_1035], %parallel_loop3A_1031 {strides = array<i32>} : memref<128x64xf32, #tpu.memory_space<vmem>>, vector<16xf32>,
        %parallel_loop3A_1037 = arith.constant 13 : i32
        %parallel_loop3A_1038 = arith.addi %parallel_loop3A_389, %parallel_loop3A_1037 : i32
        %parallel_loop3A_1039 = arith.index_cast %parallel_loop3A_1038 : i32 to index
        %parallel_loop3A_1040 = arith.constant 48 : index
        %parallel_loop3A_1041 = tpu.vector_load %arg16[%parallel_loop3A_1039, %parallel_loop3A_1040] {strides = array<i32>} : memref<128x64xf32, #tpu.memory_space<vmem>>, vector<16xf32>,
        %parallel_loop3A_1042 = arith.mulf %parallel_loop3A_1041, %parallel_loop3A_1003 : vector<16xf32>
        %parallel_loop3A_1043 = arith.constant 13 : i32
        %parallel_loop3A_1044 = arith.addi %parallel_loop3A_389, %parallel_loop3A_1043 : i32
        %parallel_loop3A_1045 = arith.index_cast %parallel_loop3A_1044 : i32 to index
        %parallel_loop3A_1046 = arith.constant 48 : index
        %parallel_loop3A_1047 = tpu.vector_load %arg16[%parallel_loop3A_1045, %parallel_loop3A_1046] {strides = array<i32>} : memref<128x64xf32, #tpu.memory_space<vmem>>, vector<16xf32>,
        tpu.vector_store %arg16[%parallel_loop3A_1045, %parallel_loop3A_1046], %parallel_loop3A_1042 {strides = array<i32>} : memref<128x64xf32, #tpu.memory_space<vmem>>, vector<16xf32>,
        %parallel_loop3A_1048 = vector.extract_strided_slice %parallel_loop3A_387 {offsets = [14], sizes = [1], strides = [1]} : vector<16xf32> to vector<1xf32>
        %parallel_loop3A_1049 = vector.extract %parallel_loop3A_1048[0] : f32 from vector<1xf32>
        %parallel_loop3A_1050 = vector.broadcast %parallel_loop3A_1049 : f32 to vector<16xf32>
        %parallel_loop3A_1051 = arith.constant 14 : i32
        %parallel_loop3A_1052 = arith.addi %parallel_loop3A_389, %parallel_loop3A_1051 : i32
        %parallel_loop3A_1053 = arith.index_cast %parallel_loop3A_1052 : i32 to index
        %parallel_loop3A_1054 = arith.constant 0 : index
        %parallel_loop3A_1055 = tpu.vector_load %arg16[%parallel_loop3A_1053, %parallel_loop3A_1054] {strides = array<i32>} : memref<128x64xf32, #tpu.memory_space<vmem>>, vector<16xf32>,
        %parallel_loop3A_1056 = arith.mulf %parallel_loop3A_1055, %parallel_loop3A_1050 : vector<16xf32>
        %parallel_loop3A_1057 = arith.constant 14 : i32
        %parallel_loop3A_1058 = arith.addi %parallel_loop3A_389, %parallel_loop3A_1057 : i32
        %parallel_loop3A_1059 = arith.index_cast %parallel_loop3A_1058 : i32 to index
        %parallel_loop3A_1060 = arith.constant 0 : index
        %parallel_loop3A_1061 = tpu.vector_load %arg16[%parallel_loop3A_1059, %parallel_loop3A_1060] {strides = array<i32>} : memref<128x64xf32, #tpu.memory_space<vmem>>, vector<16xf32>,
        tpu.vector_store %arg16[%parallel_loop3A_1059, %parallel_loop3A_1060], %parallel_loop3A_1056 {strides = array<i32>} : memref<128x64xf32, #tpu.memory_space<vmem>>, vector<16xf32>,
        %parallel_loop3A_1062 = arith.constant 14 : i32
        %parallel_loop3A_1063 = arith.addi %parallel_loop3A_389, %parallel_loop3A_1062 : i32
        %parallel_loop3A_1064 = arith.index_cast %parallel_loop3A_1063 : i32 to index
        %parallel_loop3A_1065 = arith.constant 16 : index
        %parallel_loop3A_1066 = tpu.vector_load %arg16[%parallel_loop3A_1064, %parallel_loop3A_1065] {strides = array<i32>} : memref<128x64xf32, #tpu.memory_space<vmem>>, vector<16xf32>,
        %parallel_loop3A_1067 = arith.mulf %parallel_loop3A_1066, %parallel_loop3A_1050 : vector<16xf32>
        %parallel_loop3A_1068 = arith.constant 14 : i32
        %parallel_loop3A_1069 = arith.addi %parallel_loop3A_389, %parallel_loop3A_1068 : i32
        %parallel_loop3A_1070 = arith.index_cast %parallel_loop3A_1069 : i32 to index
        %parallel_loop3A_1071 = arith.constant 16 : index
        %parallel_loop3A_1072 = tpu.vector_load %arg16[%parallel_loop3A_1070, %parallel_loop3A_1071] {strides = array<i32>} : memref<128x64xf32, #tpu.memory_space<vmem>>, vector<16xf32>,
        tpu.vector_store %arg16[%parallel_loop3A_1070, %parallel_loop3A_1071], %parallel_loop3A_1067 {strides = array<i32>} : memref<128x64xf32, #tpu.memory_space<vmem>>, vector<16xf32>,
        %parallel_loop3A_1073 = arith.constant 14 : i32
        %parallel_loop3A_1074 = arith.addi %parallel_loop3A_389, %parallel_loop3A_1073 : i32
        %parallel_loop3A_1075 = arith.index_cast %parallel_loop3A_1074 : i32 to index
        %parallel_loop3A_1076 = arith.constant 32 : index
        %parallel_loop3A_1077 = tpu.vector_load %arg16[%parallel_loop3A_1075, %parallel_loop3A_1076] {strides = array<i32>} : memref<128x64xf32, #tpu.memory_space<vmem>>, vector<16xf32>,
        %parallel_loop3A_1078 = arith.mulf %parallel_loop3A_1077, %parallel_loop3A_1050 : vector<16xf32>
        %parallel_loop3A_1079 = arith.constant 14 : i32
        %parallel_loop3A_1080 = arith.addi %parallel_loop3A_389, %parallel_loop3A_1079 : i32
        %parallel_loop3A_1081 = arith.index_cast %parallel_loop3A_1080 : i32 to index
        %parallel_loop3A_1082 = arith.constant 32 : index
        %parallel_loop3A_1083 = tpu.vector_load %arg16[%parallel_loop3A_1081, %parallel_loop3A_1082] {strides = array<i32>} : memref<128x64xf32, #tpu.memory_space<vmem>>, vector<16xf32>,
        tpu.vector_store %arg16[%parallel_loop3A_1081, %parallel_loop3A_1082], %parallel_loop3A_1078 {strides = array<i32>} : memref<128x64xf32, #tpu.memory_space<vmem>>, vector<16xf32>,
        %parallel_loop3A_1084 = arith.constant 14 : i32
        %parallel_loop3A_1085 = arith.addi %parallel_loop3A_389, %parallel_loop3A_1084 : i32
        %parallel_loop3A_1086 = arith.index_cast %parallel_loop3A_1085 : i32 to index
        %parallel_loop3A_1087 = arith.constant 48 : index
        %parallel_loop3A_1088 = tpu.vector_load %arg16[%parallel_loop3A_1086, %parallel_loop3A_1087] {strides = array<i32>} : memref<128x64xf32, #tpu.memory_space<vmem>>, vector<16xf32>,
        %parallel_loop3A_1089 = arith.mulf %parallel_loop3A_1088, %parallel_loop3A_1050 : vector<16xf32>
        %parallel_loop3A_1090 = arith.constant 14 : i32
        %parallel_loop3A_1091 = arith.addi %parallel_loop3A_389, %parallel_loop3A_1090 : i32
        %parallel_loop3A_1092 = arith.index_cast %parallel_loop3A_1091 : i32 to index
        %parallel_loop3A_1093 = arith.constant 48 : index
        %parallel_loop3A_1094 = tpu.vector_load %arg16[%parallel_loop3A_1092, %parallel_loop3A_1093] {strides = array<i32>} : memref<128x64xf32, #tpu.memory_space<vmem>>, vector<16xf32>,
        tpu.vector_store %arg16[%parallel_loop3A_1092, %parallel_loop3A_1093], %parallel_loop3A_1089 {strides = array<i32>} : memref<128x64xf32, #tpu.memory_space<vmem>>, vector<16xf32>,
        %parallel_loop3A_1095 = vector.extract_strided_slice %parallel_loop3A_387 {offsets = [15], sizes = [1], strides = [1]} : vector<16xf32> to vector<1xf32>
        %parallel_loop3A_1096 = vector.extract %parallel_loop3A_1095[0] : f32 from vector<1xf32>
        %parallel_loop3A_1097 = vector.broadcast %parallel_loop3A_1096 : f32 to vector<16xf32>
        %parallel_loop3A_1098 = arith.constant 15 : i32
        %parallel_loop3A_1099 = arith.addi %parallel_loop3A_389, %parallel_loop3A_1098 : i32
        %parallel_loop3A_1100 = arith.index_cast %parallel_loop3A_1099 : i32 to index
        %parallel_loop3A_1101 = arith.constant 0 : index
        %parallel_loop3A_1102 = tpu.vector_load %arg16[%parallel_loop3A_1100, %parallel_loop3A_1101] {strides = array<i32>} : memref<128x64xf32, #tpu.memory_space<vmem>>, vector<16xf32>,
        %parallel_loop3A_1103 = arith.mulf %parallel_loop3A_1102, %parallel_loop3A_1097 : vector<16xf32>
        %parallel_loop3A_1104 = arith.constant 15 : i32
        %parallel_loop3A_1105 = arith.addi %parallel_loop3A_389, %parallel_loop3A_1104 : i32
        %parallel_loop3A_1106 = arith.index_cast %parallel_loop3A_1105 : i32 to index
        %parallel_loop3A_1107 = arith.constant 0 : index
        %parallel_loop3A_1108 = tpu.vector_load %arg16[%parallel_loop3A_1106, %parallel_loop3A_1107] {strides = array<i32>} : memref<128x64xf32, #tpu.memory_space<vmem>>, vector<16xf32>,
        tpu.vector_store %arg16[%parallel_loop3A_1106, %parallel_loop3A_1107], %parallel_loop3A_1103 {strides = array<i32>} : memref<128x64xf32, #tpu.memory_space<vmem>>, vector<16xf32>,
        %parallel_loop3A_1109 = arith.constant 15 : i32
        %parallel_loop3A_1110 = arith.addi %parallel_loop3A_389, %parallel_loop3A_1109 : i32
        %parallel_loop3A_1111 = arith.index_cast %parallel_loop3A_1110 : i32 to index
        %parallel_loop3A_1112 = arith.constant 16 : index
        %parallel_loop3A_1113 = tpu.vector_load %arg16[%parallel_loop3A_1111, %parallel_loop3A_1112] {strides = array<i32>} : memref<128x64xf32, #tpu.memory_space<vmem>>, vector<16xf32>,
        %parallel_loop3A_1114 = arith.mulf %parallel_loop3A_1113, %parallel_loop3A_1097 : vector<16xf32>
        %parallel_loop3A_1115 = arith.constant 15 : i32
        %parallel_loop3A_1116 = arith.addi %parallel_loop3A_389, %parallel_loop3A_1115 : i32
        %parallel_loop3A_1117 = arith.index_cast %parallel_loop3A_1116 : i32 to index
        %parallel_loop3A_1118 = arith.constant 16 : index
        %parallel_loop3A_1119 = tpu.vector_load %arg16[%parallel_loop3A_1117, %parallel_loop3A_1118] {strides = array<i32>} : memref<128x64xf32, #tpu.memory_space<vmem>>, vector<16xf32>,
        tpu.vector_store %arg16[%parallel_loop3A_1117, %parallel_loop3A_1118], %parallel_loop3A_1114 {strides = array<i32>} : memref<128x64xf32, #tpu.memory_space<vmem>>, vector<16xf32>,
        %parallel_loop3A_1120 = arith.constant 15 : i32
        %parallel_loop3A_1121 = arith.addi %parallel_loop3A_389, %parallel_loop3A_1120 : i32
        %parallel_loop3A_1122 = arith.index_cast %parallel_loop3A_1121 : i32 to index
        %parallel_loop3A_1123 = arith.constant 32 : index
        %parallel_loop3A_1124 = tpu.vector_load %arg16[%parallel_loop3A_1122, %parallel_loop3A_1123] {strides = array<i32>} : memref<128x64xf32, #tpu.memory_space<vmem>>, vector<16xf32>,
        %parallel_loop3A_1125 = arith.mulf %parallel_loop3A_1124, %parallel_loop3A_1097 : vector<16xf32>
        %parallel_loop3A_1126 = arith.constant 15 : i32
        %parallel_loop3A_1127 = arith.addi %parallel_loop3A_389, %parallel_loop3A_1126 : i32
        %parallel_loop3A_1128 = arith.index_cast %parallel_loop3A_1127 : i32 to index
        %parallel_loop3A_1129 = arith.constant 32 : index
        %parallel_loop3A_1130 = tpu.vector_load %arg16[%parallel_loop3A_1128, %parallel_loop3A_1129] {strides = array<i32>} : memref<128x64xf32, #tpu.memory_space<vmem>>, vector<16xf32>,
        tpu.vector_store %arg16[%parallel_loop3A_1128, %parallel_loop3A_1129], %parallel_loop3A_1125 {strides = array<i32>} : memref<128x64xf32, #tpu.memory_space<vmem>>, vector<16xf32>,
        %parallel_loop3A_1131 = arith.constant 15 : i32
        %parallel_loop3A_1132 = arith.addi %parallel_loop3A_389, %parallel_loop3A_1131 : i32
        %parallel_loop3A_1133 = arith.index_cast %parallel_loop3A_1132 : i32 to index
        %parallel_loop3A_1134 = arith.constant 48 : index
        %parallel_loop3A_1135 = tpu.vector_load %arg16[%parallel_loop3A_1133, %parallel_loop3A_1134] {strides = array<i32>} : memref<128x64xf32, #tpu.memory_space<vmem>>, vector<16xf32>,
        %parallel_loop3A_1136 = arith.mulf %parallel_loop3A_1135, %parallel_loop3A_1097 : vector<16xf32>
        %parallel_loop3A_1137 = arith.constant 15 : i32
        %parallel_loop3A_1138 = arith.addi %parallel_loop3A_389, %parallel_loop3A_1137 : i32
        %parallel_loop3A_1139 = arith.index_cast %parallel_loop3A_1138 : i32 to index
        %parallel_loop3A_1140 = arith.constant 48 : index
        %parallel_loop3A_1141 = tpu.vector_load %arg16[%parallel_loop3A_1139, %parallel_loop3A_1140] {strides = array<i32>} : memref<128x64xf32, #tpu.memory_space<vmem>>, vector<16xf32>,
        tpu.vector_store %arg16[%parallel_loop3A_1139, %parallel_loop3A_1140], %parallel_loop3A_1136 {strides = array<i32>} : memref<128x64xf32, #tpu.memory_space<vmem>>, vector<16xf32>,
      } {sc.loop_unroll_factor = 4 : i64, sc.parallel_access}
      %sub3A_342 = arith.constant 1 : i32
      %sub3A_343 = arith.subi %add3A_307, %sub3A_342 : i32
      %dma_wait3A_344 = arith.constant 0 : i32
      %dma_wait3A_345 = tpu.memref_slice %arg10[%sub3A_343, %dma_wait3A_344] : memref<159x128xi32, #tpu.memory_space<vmem>> -> memref<1x128xi32, #tpu.memory_space<vmem>>
      %dma_wait3A_346 = tpu.memref_squeeze %dma_wait3A_345 : memref<1x128xi32, #tpu.memory_space<vmem>> -> memref<128xi32, #tpu.memory_space<vmem>>
      %dma_wait3A_347 = arith.constant 0 : i32
      %dma_wait3A_348 = arith.constant 0 : i32
      %dma_wait3A_349 = tpu.memref_slice %arg17[%dma_wait3A_347, %dma_wait3A_348] : memref<10240x64xf32, #tpu.memory_space<vmem_shared>> -> memref<10240x64xf32, #tpu.memory_space<vmem_shared>>
      tpu.wait_indirect_dma semaphore(%arg22 : memref<!tpu.dma_semaphore, #tpu.memory_space<semaphore_mem>>) src(%arg15 : memref<128x64xf32, #tpu.memory_space<vmem>>) dst(%dma_wait3A_349 : memref<10240x64xf32, #tpu.memory_space<vmem_shared>>)
      %add3A_350 = arith.constant 2 : i32
      %add3A_351 = arith.addi %add3A_307, %add3A_350 : i32
      %lt3A_352 = arith.constant 159 : i32
      %lt3A_353 = arith.cmpi slt, %add3A_351, %lt3A_352 : i32
      %convert_element_type3A_354 = arith.extui %lt3A_353 : i1 to i32
      %cond3A_355 = arith.constant 0 : i32
      %cond3A_356 = arith.cmpi ne, %convert_element_type3A_354, %cond3A_355 : i32
      scf.if %cond3A_356 {
        %add3A_363 = arith.constant 2 : i32
        %add3A_364 = arith.addi %add3A_307, %add3A_363 : i32
        %dma_start3A_365 = arith.constant 0 : i32
        %dma_start3A_366 = arith.constant 0 : i32
        %dma_start3A_367 = tpu.memref_slice %arg15[%dma_start3A_365, %dma_start3A_366] : memref<128x64xf32, #tpu.memory_space<vmem>> -> memref<64x64xf32, #tpu.memory_space<vmem>>
        %dma_start3A_368 = arith.constant 0 : i32
        %dma_start3A_369 = tpu.memref_slice %arg9[%add3A_364, %dma_start3A_368] : memref<159x128xi32, #tpu.memory_space<vmem>> -> memref<1x64xi32, #tpu.memory_space<vmem>>
        %dma_start3A_370 = tpu.memref_squeeze %dma_start3A_369 : memref<1x64xi32, #tpu.memory_space<vmem>> -> memref<64xi32, #tpu.memory_space<vmem>>
        %dma_start3A_371 = arith.constant 0 : i32
        %dma_start3A_372 = arith.constant 0 : i32
        %dma_start3A_373 = tpu.memref_slice %arg2[%dma_start3A_371, %dma_start3A_372] : memref<20032x64xf32, #tpu.memory_space<hbm>> -> memref<20032x64xf32, #tpu.memory_space<hbm>>
        tpu.enqueue_indirect_dma source(%dma_start3A_373 : memref<20032x64xf32, #tpu.memory_space<hbm>>) target(%dma_start3A_367 : memref<64x64xf32, #tpu.memory_space<vmem>>) offsets(%dma_start3A_370 : memref<64xi32, #tpu.memory_space<vmem>>) semaphore(%arg19 : memref<!tpu.dma_semaphore, #tpu.memory_space<semaphore_mem>>)
        %dma_start3A_374 = arith.constant 64 : i32
        %dma_start3A_375 = arith.constant 0 : i32
        %dma_start3A_376 = tpu.memref_slice %arg15[%dma_start3A_374, %dma_start3A_375] : memref<128x64xf32, #tpu.memory_space<vmem>> -> memref<64x64xf32, #tpu.memory_space<vmem>>
        %dma_start3A_377 = arith.constant 64 : i32
        %dma_start3A_378 = tpu.memref_slice %arg9[%add3A_364, %dma_start3A_377] : memref<159x128xi32, #tpu.memory_space<vmem>> -> memref<1x64xi32, #tpu.memory_space<vmem>>
        %dma_start3A_379 = tpu.memref_squeeze %dma_start3A_378 : memref<1x64xi32, #tpu.memory_space<vmem>> -> memref<64xi32, #tpu.memory_space<vmem>>
        %dma_start3A_380 = arith.constant 0 : i32
        %dma_start3A_381 = arith.constant 0 : i32
        %dma_start3A_382 = tpu.memref_slice %arg2[%dma_start3A_380, %dma_start3A_381] : memref<20032x64xf32, #tpu.memory_space<hbm>> -> memref<20032x64xf32, #tpu.memory_space<hbm>>
        tpu.enqueue_indirect_dma source(%dma_start3A_382 : memref<20032x64xf32, #tpu.memory_space<hbm>>) target(%dma_start3A_376 : memref<64x64xf32, #tpu.memory_space<vmem>>) offsets(%dma_start3A_379 : memref<64xi32, #tpu.memory_space<vmem>>) semaphore(%arg28 : memref<!tpu.dma_semaphore, #tpu.memory_space<semaphore_mem>>)
        %add3A_383 = arith.constant 2 : i32
        %add3A_384 = arith.addi %add3A_307, %add3A_383 : i32
        %dma_start3A_385 = arith.constant 1 : i32
        %dma_start3A_386 = arith.constant 0 : i32
        %dma_start3A_387 = tpu.memref_slice %arg13[%dma_start3A_385, %dma_start3A_386] : memref<3x128xi32, #tpu.memory_space<vmem>> -> memref<1x128xi32, #tpu.memory_space<vmem>>
        %dma_start3A_388 = tpu.memref_squeeze %dma_start3A_387 : memref<1x128xi32, #tpu.memory_space<vmem>> -> memref<128xi32, #tpu.memory_space<vmem>>
        %dma_start3A_389 = arith.constant 0 : i32
        %dma_start3A_390 = tpu.memref_slice %arg7[%arg1, %add3A_384, %dma_start3A_389] : memref<16x159x128xi32, #tpu.memory_space<hbm>> -> memref<1x1x128xi32, #tpu.memory_space<hbm>>
        %dma_start3A_391 = tpu.memref_squeeze %dma_start3A_390 : memref<1x1x128xi32, #tpu.memory_space<hbm>> -> memref<128xi32, #tpu.memory_space<hbm>>
        %dma_start3A_392 = arith.constant 0 : i32
        %dma_start3A_393 = tpu.memref_slice %arg13[%dma_start3A_385, %dma_start3A_392] : memref<3x128xi32, #tpu.memory_space<vmem>> -> memref<1x128xi32, #tpu.memory_space<vmem>>
        %dma_start3A_394 = tpu.memref_squeeze %dma_start3A_393 : memref<1x128xi32, #tpu.memory_space<vmem>> -> memref<128xi32, #tpu.memory_space<vmem>>
        %dma_start3A_395 = arith.constant 0 : i32
        %dma_start3A_396 = tpu.memref_slice %arg7[%arg1, %add3A_384, %dma_start3A_395] : memref<16x159x128xi32, #tpu.memory_space<hbm>> -> memref<1x1x128xi32, #tpu.memory_space<hbm>>
        %dma_start3A_397 = tpu.memref_squeeze %dma_start3A_396 : memref<1x1x128xi32, #tpu.memory_space<hbm>> -> memref<128xi32, #tpu.memory_space<hbm>>
        tpu.enqueue_dma source(%dma_start3A_397 : memref<128xi32, #tpu.memory_space<hbm>>) target(%dma_start3A_394 : memref<128xi32, #tpu.memory_space<vmem>>) target_semaphore(%arg25 : memref<!tpu.dma_semaphore, #tpu.memory_space<semaphore_mem>>)
      } else {
      }
      %dma_start3A_357 = arith.constant 0 : i32
      %dma_start3A_358 = tpu.memref_slice %arg10[%add3A_307, %dma_start3A_357] : memref<159x128xi32, #tpu.memory_space<vmem>> -> memref<1x128xi32, #tpu.memory_space<vmem>>
      %dma_start3A_359 = tpu.memref_squeeze %dma_start3A_358 : memref<1x128xi32, #tpu.memory_space<vmem>> -> memref<128xi32, #tpu.memory_space<vmem>>
      %dma_start3A_360 = arith.constant 0 : i32
      %dma_start3A_361 = arith.constant 0 : i32
      %dma_start3A_362 = tpu.memref_slice %arg17[%dma_start3A_360, %dma_start3A_361] : memref<10240x64xf32, #tpu.memory_space<vmem_shared>> -> memref<10240x64xf32, #tpu.memory_space<vmem_shared>>
      tpu.enqueue_indirect_dma source(%arg16 : memref<128x64xf32, #tpu.memory_space<vmem>>) target(%dma_start3A_362 : memref<10240x64xf32, #tpu.memory_space<vmem_shared>>) offsets(%dma_start3A_359 : memref<128xi32, #tpu.memory_space<vmem>>) semaphore(%arg23 : memref<!tpu.dma_semaphore, #tpu.memory_space<semaphore_mem>>) {add = true}
    }
    %scan3A_105 = arith.constant 53 : i32
    %dma_wait3A = arith.constant 158 : i32
    %dma_wait3A_106 = arith.constant 0 : i32
    %dma_wait3A_107 = tpu.memref_slice %arg10[%dma_wait3A, %dma_wait3A_106] : memref<159x128xi32, #tpu.memory_space<vmem>> -> memref<1x128xi32, #tpu.memory_space<vmem>>
    %dma_wait3A_108 = tpu.memref_squeeze %dma_wait3A_107 : memref<1x128xi32, #tpu.memory_space<vmem>> -> memref<128xi32, #tpu.memory_space<vmem>>
    %dma_wait3A_109 = arith.constant 0 : i32
    %dma_wait3A_110 = arith.constant 0 : i32
    %dma_wait3A_111 = tpu.memref_slice %arg17[%dma_wait3A_109, %dma_wait3A_110] : memref<10240x64xf32, #tpu.memory_space<vmem_shared>> -> memref<10240x64xf32, #tpu.memory_space<vmem_shared>>
    tpu.wait_indirect_dma semaphore(%arg23 : memref<!tpu.dma_semaphore, #tpu.memory_space<semaphore_mem>>) src(%arg16 : memref<128x64xf32, #tpu.memory_space<vmem>>) dst(%dma_wait3A_111 : memref<10240x64xf32, #tpu.memory_space<vmem_shared>>)
    %barrier3A_112 = arith.constant 0 : index
    tpu.barrier barrier_id(%barrier3A_112)
    %mul3A_113 = arith.constant 625 : i32
    %mul3A_114 = arith.muli %arg1, %mul3A_113 : i32
    %add3A_115 = arith.constant 0 : i32
    %add3A_116 = arith.addi %mul3A_114, %add3A_115 : i32
    "tpu.region"() ({
      %run_scoped3A = tpu.sem_alloc : memref<!tpu.dma_semaphore, #tpu.memory_space<semaphore_mem>>
      %dma_start3A_168 = arith.constant 0 : i32
      %dma_start3A_169 = arith.constant 0 : i32
      %dma_start3A_170 = tpu.memref_slice %arg14[%dma_start3A_168, %dma_start3A_169] : memref<128x64xf32, #tpu.memory_space<vmem>> -> memref<125x64xf32, #tpu.memory_space<vmem>>
      %dma_start3A_171 = arith.constant 0 : i32
      %dma_start3A_172 = tpu.memref_slice %arg17[%add3A_116, %dma_start3A_171] : memref<10240x64xf32, #tpu.memory_space<vmem_shared>> -> memref<125x64xf32, #tpu.memory_space<vmem_shared>>
      %dma_start3A_173 = arith.constant 0 : i32
      %dma_start3A_174 = arith.constant 0 : i32
      %dma_start3A_175 = tpu.memref_slice %arg14[%dma_start3A_173, %dma_start3A_174] : memref<128x64xf32, #tpu.memory_space<vmem>> -> memref<125x64xf32, #tpu.memory_space<vmem>>
      %dma_start3A_176 = arith.constant 0 : i32
      %dma_start3A_177 = tpu.memref_slice %arg17[%add3A_116, %dma_start3A_176] : memref<10240x64xf32, #tpu.memory_space<vmem_shared>> -> memref<125x64xf32, #tpu.memory_space<vmem_shared>>
      tpu.enqueue_dma source(%dma_start3A_177 : memref<125x64xf32, #tpu.memory_space<vmem_shared>>) target(%dma_start3A_175 : memref<125x64xf32, #tpu.memory_space<vmem>>) target_semaphore(%run_scoped3A : memref<!tpu.dma_semaphore, #tpu.memory_space<semaphore_mem>>)
      %dma_wait3A_178 = arith.constant 0 : i32
      %dma_wait3A_179 = arith.constant 0 : i32
      %dma_wait3A_180 = tpu.memref_slice %arg14[%dma_wait3A_178, %dma_wait3A_179] : memref<128x64xf32, #tpu.memory_space<vmem>> -> memref<125x64xf32, #tpu.memory_space<vmem>>
      %dma_wait3A_181 = arith.constant 0 : i32
      %dma_wait3A_182 = tpu.memref_slice %arg17[%add3A_116, %dma_wait3A_181] : memref<10240x64xf32, #tpu.memory_space<vmem_shared>> -> memref<125x64xf32, #tpu.memory_space<vmem_shared>>
      %dma_wait3A_183 = arith.constant 0 : i32
      %dma_wait3A_184 = arith.constant 0 : i32
      %dma_wait3A_185 = tpu.memref_slice %arg14[%dma_wait3A_183, %dma_wait3A_184] : memref<128x64xf32, #tpu.memory_space<vmem>> -> memref<125x64xf32, #tpu.memory_space<vmem>>
      %dma_wait3A_186 = arith.constant 0 : i32
      %dma_wait3A_187 = tpu.memref_slice %arg17[%add3A_116, %dma_wait3A_186] : memref<10240x64xf32, #tpu.memory_space<vmem_shared>> -> memref<125x64xf32, #tpu.memory_space<vmem_shared>>
      tpu.wait_dma2 semaphore(%run_scoped3A : memref<!tpu.dma_semaphore, #tpu.memory_space<semaphore_mem>>) src(%dma_wait3A_187 : memref<125x64xf32, #tpu.memory_space<vmem_shared>>) dst(%dma_wait3A_185 : memref<125x64xf32, #tpu.memory_space<vmem>>)
      tpu.yield
    }) : () -> ()
    %scan3A_117 = arith.constant 0 : i32
    %scan3A_118 = arith.constant 125 : i32
    %scan3A_119 = arith.addi %scan3A_117, %scan3A_118 : i32
    %scan3A_120 = arith.constant 1 : i32
    scf.for %scan3A_168 = %scan3A_117 to %scan3A_119 step %scan3A_120  : i32 {
      %mul3A_169 = arith.constant 1 : i32
      %mul3A_170 = arith.muli %scan3A_168, %mul3A_169 : i32
      %add3A_171 = arith.constant 0 : i32
      %add3A_172 = arith.addi %add3A_171, %mul3A_170 : i32
      %get3A = arith.index_cast %add3A_172 : i32 to index
      %get3A_173 = arith.constant 0 : index
      %get3A_174 = tpu.vector_load %arg14[%get3A, %get3A_173] {strides = array<i32>} : memref<128x64xf32, #tpu.memory_space<vmem>>, vector<16xf32>,
      %max3A = arith.constant 0.000000e+00 : f32
      %max3A_175 = vector.broadcast %max3A : f32 to vector<16xf32>
      %max3A_176 = arith.maximumf %get3A_174, %max3A_175 : vector<16xf32>
      %swap3A = arith.index_cast %add3A_172 : i32 to index
      %swap3A_177 = arith.constant 0 : index
      %swap3A_178 = tpu.vector_load %arg14[%swap3A, %swap3A_177] {strides = array<i32>} : memref<128x64xf32, #tpu.memory_space<vmem>>, vector<16xf32>,
      tpu.vector_store %arg14[%swap3A, %swap3A_177], %max3A_176 {strides = array<i32>} : memref<128x64xf32, #tpu.memory_space<vmem>>, vector<16xf32>,
      %get3A_179 = arith.index_cast %add3A_172 : i32 to index
      %get3A_180 = arith.constant 16 : index
      %get3A_181 = tpu.vector_load %arg14[%get3A_179, %get3A_180] {strides = array<i32>} : memref<128x64xf32, #tpu.memory_space<vmem>>, vector<16xf32>,
      %max3A_182 = arith.constant 0.000000e+00 : f32
      %max3A_183 = vector.broadcast %max3A_182 : f32 to vector<16xf32>
      %max3A_184 = arith.maximumf %get3A_181, %max3A_183 : vector<16xf32>
      %swap3A_185 = arith.index_cast %add3A_172 : i32 to index
      %swap3A_186 = arith.constant 16 : index
      %swap3A_187 = tpu.vector_load %arg14[%swap3A_185, %swap3A_186] {strides = array<i32>} : memref<128x64xf32, #tpu.memory_space<vmem>>, vector<16xf32>,
      tpu.vector_store %arg14[%swap3A_185, %swap3A_186], %max3A_184 {strides = array<i32>} : memref<128x64xf32, #tpu.memory_space<vmem>>, vector<16xf32>,
      %get3A_188 = arith.index_cast %add3A_172 : i32 to index
      %get3A_189 = arith.constant 32 : index
      %get3A_190 = tpu.vector_load %arg14[%get3A_188, %get3A_189] {strides = array<i32>} : memref<128x64xf32, #tpu.memory_space<vmem>>, vector<16xf32>,
      %max3A_191 = arith.constant 0.000000e+00 : f32
      %max3A_192 = vector.broadcast %max3A_191 : f32 to vector<16xf32>
      %max3A_193 = arith.maximumf %get3A_190, %max3A_192 : vector<16xf32>
      %swap3A_194 = arith.index_cast %add3A_172 : i32 to index
      %swap3A_195 = arith.constant 32 : index
      %swap3A_196 = tpu.vector_load %arg14[%swap3A_194, %swap3A_195] {strides = array<i32>} : memref<128x64xf32, #tpu.memory_space<vmem>>, vector<16xf32>,
      tpu.vector_store %arg14[%swap3A_194, %swap3A_195], %max3A_193 {strides = array<i32>} : memref<128x64xf32, #tpu.memory_space<vmem>>, vector<16xf32>,
      %get3A_197 = arith.index_cast %add3A_172 : i32 to index
      %get3A_198 = arith.constant 48 : index
      %get3A_199 = tpu.vector_load %arg14[%get3A_197, %get3A_198] {strides = array<i32>} : memref<128x64xf32, #tpu.memory_space<vmem>>, vector<16xf32>,
      %max3A_200 = arith.constant 0.000000e+00 : f32
      %max3A_201 = vector.broadcast %max3A_200 : f32 to vector<16xf32>
      %max3A_202 = arith.maximumf %get3A_199, %max3A_201 : vector<16xf32>
      %swap3A_203 = arith.index_cast %add3A_172 : i32 to index
      %swap3A_204 = arith.constant 48 : index
      %swap3A_205 = tpu.vector_load %arg14[%swap3A_203, %swap3A_204] {strides = array<i32>} : memref<128x64xf32, #tpu.memory_space<vmem>>, vector<16xf32>,
      tpu.vector_store %arg14[%swap3A_203, %swap3A_204], %max3A_202 {strides = array<i32>} : memref<128x64xf32, #tpu.memory_space<vmem>>, vector<16xf32>,
    }
    %scan3A_121 = arith.constant 125 : i32
    %mul3A_122 = arith.constant 64 : i32
    %mul3A_123 = arith.muli %arg0, %mul3A_122 : i32
    "tpu.region"() ({
      %run_scoped3A = tpu.sem_alloc : memref<!tpu.dma_semaphore, #tpu.memory_space<semaphore_mem>>
      %dma_start3A_168 = arith.constant 0 : i32
      %dma_start3A_169 = arith.constant 0 : i32
      %dma_start3A_170 = tpu.memref_slice %arg14[%dma_start3A_168, %dma_start3A_169] : memref<128x64xf32, #tpu.memory_space<vmem>> -> memref<125x64xf32, #tpu.memory_space<vmem>>
      %dma_start3A_171 = tpu.memref_slice %arg8[%add3A_116, %mul3A_123] : memref<10000x128xf32, #tpu.memory_space<hbm>> -> memref<125x64xf32, #tpu.memory_space<hbm>>
      %dma_start3A_172 = tpu.memref_slice %arg8[%add3A_116, %mul3A_123] : memref<10000x128xf32, #tpu.memory_space<hbm>> -> memref<125x64xf32, #tpu.memory_space<hbm>>
      %dma_start3A_173 = arith.constant 0 : i32
      %dma_start3A_174 = arith.constant 0 : i32
      %dma_start3A_175 = tpu.memref_slice %arg14[%dma_start3A_173, %dma_start3A_174] : memref<128x64xf32, #tpu.memory_space<vmem>> -> memref<125x64xf32, #tpu.memory_space<vmem>>
      tpu.enqueue_dma source(%dma_start3A_175 : memref<125x64xf32, #tpu.memory_space<vmem>>) target(%dma_start3A_172 : memref<125x64xf32, #tpu.memory_space<hbm>>) target_semaphore(%run_scoped3A : memref<!tpu.dma_semaphore, #tpu.memory_space<semaphore_mem>>)
      %dma_wait3A_176 = arith.constant 0 : i32
      %dma_wait3A_177 = arith.constant 0 : i32
      %dma_wait3A_178 = tpu.memref_slice %arg14[%dma_wait3A_176, %dma_wait3A_177] : memref<128x64xf32, #tpu.memory_space<vmem>> -> memref<125x64xf32, #tpu.memory_space<vmem>>
      %dma_wait3A_179 = tpu.memref_slice %arg8[%add3A_116, %mul3A_123] : memref<10000x128xf32, #tpu.memory_space<hbm>> -> memref<125x64xf32, #tpu.memory_space<hbm>>
      %dma_wait3A_180 = tpu.memref_slice %arg8[%add3A_116, %mul3A_123] : memref<10000x128xf32, #tpu.memory_space<hbm>> -> memref<125x64xf32, #tpu.memory_space<hbm>>
      %dma_wait3A_181 = arith.constant 0 : i32
      %dma_wait3A_182 = arith.constant 0 : i32
      %dma_wait3A_183 = tpu.memref_slice %arg14[%dma_wait3A_181, %dma_wait3A_182] : memref<128x64xf32, #tpu.memory_space<vmem>> -> memref<125x64xf32, #tpu.memory_space<vmem>>
      tpu.wait_dma2 semaphore(%run_scoped3A : memref<!tpu.dma_semaphore, #tpu.memory_space<semaphore_mem>>) src(%dma_wait3A_183 : memref<125x64xf32, #tpu.memory_space<vmem>>) dst(%dma_wait3A_180 : memref<125x64xf32, #tpu.memory_space<hbm>>)
      tpu.yield
    }) : () -> ()
    %mul3A_124 = arith.constant 625 : i32
    %mul3A_125 = arith.muli %arg1, %mul3A_124 : i32
    %add3A_126 = arith.constant 125 : i32
    %add3A_127 = arith.addi %mul3A_125, %add3A_126 : i32
    "tpu.region"() ({
      %run_scoped3A = tpu.sem_alloc : memref<!tpu.dma_semaphore, #tpu.memory_space<semaphore_mem>>
      %dma_start3A_168 = arith.constant 0 : i32
      %dma_start3A_169 = arith.constant 0 : i32
      %dma_start3A_170 = tpu.memref_slice %arg14[%dma_start3A_168, %dma_start3A_169] : memref<128x64xf32, #tpu.memory_space<vmem>> -> memref<125x64xf32, #tpu.memory_space<vmem>>
      %dma_start3A_171 = arith.constant 0 : i32
      %dma_start3A_172 = tpu.memref_slice %arg17[%add3A_127, %dma_start3A_171] : memref<10240x64xf32, #tpu.memory_space<vmem_shared>> -> memref<125x64xf32, #tpu.memory_space<vmem_shared>>
      %dma_start3A_173 = arith.constant 0 : i32
      %dma_start3A_174 = arith.constant 0 : i32
      %dma_start3A_175 = tpu.memref_slice %arg14[%dma_start3A_173, %dma_start3A_174] : memref<128x64xf32, #tpu.memory_space<vmem>> -> memref<125x64xf32, #tpu.memory_space<vmem>>
      %dma_start3A_176 = arith.constant 0 : i32
      %dma_start3A_177 = tpu.memref_slice %arg17[%add3A_127, %dma_start3A_176] : memref<10240x64xf32, #tpu.memory_space<vmem_shared>> -> memref<125x64xf32, #tpu.memory_space<vmem_shared>>
      tpu.enqueue_dma source(%dma_start3A_177 : memref<125x64xf32, #tpu.memory_space<vmem_shared>>) target(%dma_start3A_175 : memref<125x64xf32, #tpu.memory_space<vmem>>) target_semaphore(%run_scoped3A : memref<!tpu.dma_semaphore, #tpu.memory_space<semaphore_mem>>)
      %dma_wait3A_178 = arith.constant 0 : i32
      %dma_wait3A_179 = arith.constant 0 : i32
      %dma_wait3A_180 = tpu.memref_slice %arg14[%dma_wait3A_178, %dma_wait3A_179] : memref<128x64xf32, #tpu.memory_space<vmem>> -> memref<125x64xf32, #tpu.memory_space<vmem>>
      %dma_wait3A_181 = arith.constant 0 : i32
      %dma_wait3A_182 = tpu.memref_slice %arg17[%add3A_127, %dma_wait3A_181] : memref<10240x64xf32, #tpu.memory_space<vmem_shared>> -> memref<125x64xf32, #tpu.memory_space<vmem_shared>>
      %dma_wait3A_183 = arith.constant 0 : i32
      %dma_wait3A_184 = arith.constant 0 : i32
      %dma_wait3A_185 = tpu.memref_slice %arg14[%dma_wait3A_183, %dma_wait3A_184] : memref<128x64xf32, #tpu.memory_space<vmem>> -> memref<125x64xf32, #tpu.memory_space<vmem>>
      %dma_wait3A_186 = arith.constant 0 : i32
      %dma_wait3A_187 = tpu.memref_slice %arg17[%add3A_127, %dma_wait3A_186] : memref<10240x64xf32, #tpu.memory_space<vmem_shared>> -> memref<125x64xf32, #tpu.memory_space<vmem_shared>>
      tpu.wait_dma2 semaphore(%run_scoped3A : memref<!tpu.dma_semaphore, #tpu.memory_space<semaphore_mem>>) src(%dma_wait3A_187 : memref<125x64xf32, #tpu.memory_space<vmem_shared>>) dst(%dma_wait3A_185 : memref<125x64xf32, #tpu.memory_space<vmem>>)
      tpu.yield
    }) : () -> ()
    %scan3A_128 = arith.constant 0 : i32
    %scan3A_129 = arith.constant 125 : i32
    %scan3A_130 = arith.addi %scan3A_128, %scan3A_129 : i32
    %scan3A_131 = arith.constant 1 : i32
    scf.for %scan3A_168 = %scan3A_128 to %scan3A_130 step %scan3A_131  : i32 {
      %mul3A_169 = arith.constant 1 : i32
      %mul3A_170 = arith.muli %scan3A_168, %mul3A_169 : i32
      %add3A_171 = arith.constant 0 : i32
      %add3A_172 = arith.addi %add3A_171, %mul3A_170 : i32
      %get3A = arith.index_cast %add3A_172 : i32 to index
      %get3A_173 = arith.constant 0 : index
      %get3A_174 = tpu.vector_load %arg14[%get3A, %get3A_173] {strides = array<i32>} : memref<128x64xf32, #tpu.memory_space<vmem>>, vector<16xf32>,
      %max3A = arith.constant 0.000000e+00 : f32
      %max3A_175 = vector.broadcast %max3A : f32 to vector<16xf32>
      %max3A_176 = arith.maximumf %get3A_174, %max3A_175 : vector<16xf32>
      %swap3A = arith.index_cast %add3A_172 : i32 to index
      %swap3A_177 = arith.constant 0 : index
      %swap3A_178 = tpu.vector_load %arg14[%swap3A, %swap3A_177] {strides = array<i32>} : memref<128x64xf32, #tpu.memory_space<vmem>>, vector<16xf32>,
      tpu.vector_store %arg14[%swap3A, %swap3A_177], %max3A_176 {strides = array<i32>} : memref<128x64xf32, #tpu.memory_space<vmem>>, vector<16xf32>,
      %get3A_179 = arith.index_cast %add3A_172 : i32 to index
      %get3A_180 = arith.constant 16 : index
      %get3A_181 = tpu.vector_load %arg14[%get3A_179, %get3A_180] {strides = array<i32>} : memref<128x64xf32, #tpu.memory_space<vmem>>, vector<16xf32>,
      %max3A_182 = arith.constant 0.000000e+00 : f32
      %max3A_183 = vector.broadcast %max3A_182 : f32 to vector<16xf32>
      %max3A_184 = arith.maximumf %get3A_181, %max3A_183 : vector<16xf32>
      %swap3A_185 = arith.index_cast %add3A_172 : i32 to index
      %swap3A_186 = arith.constant 16 : index
      %swap3A_187 = tpu.vector_load %arg14[%swap3A_185, %swap3A_186] {strides = array<i32>} : memref<128x64xf32, #tpu.memory_space<vmem>>, vector<16xf32>,
      tpu.vector_store %arg14[%swap3A_185, %swap3A_186], %max3A_184 {strides = array<i32>} : memref<128x64xf32, #tpu.memory_space<vmem>>, vector<16xf32>,
      %get3A_188 = arith.index_cast %add3A_172 : i32 to index
      %get3A_189 = arith.constant 32 : index
      %get3A_190 = tpu.vector_load %arg14[%get3A_188, %get3A_189] {strides = array<i32>} : memref<128x64xf32, #tpu.memory_space<vmem>>, vector<16xf32>,
      %max3A_191 = arith.constant 0.000000e+00 : f32
      %max3A_192 = vector.broadcast %max3A_191 : f32 to vector<16xf32>
      %max3A_193 = arith.maximumf %get3A_190, %max3A_192 : vector<16xf32>
      %swap3A_194 = arith.index_cast %add3A_172 : i32 to index
      %swap3A_195 = arith.constant 32 : index
      %swap3A_196 = tpu.vector_load %arg14[%swap3A_194, %swap3A_195] {strides = array<i32>} : memref<128x64xf32, #tpu.memory_space<vmem>>, vector<16xf32>,
      tpu.vector_store %arg14[%swap3A_194, %swap3A_195], %max3A_193 {strides = array<i32>} : memref<128x64xf32, #tpu.memory_space<vmem>>, vector<16xf32>,
      %get3A_197 = arith.index_cast %add3A_172 : i32 to index
      %get3A_198 = arith.constant 48 : index
      %get3A_199 = tpu.vector_load %arg14[%get3A_197, %get3A_198] {strides = array<i32>} : memref<128x64xf32, #tpu.memory_space<vmem>>, vector<16xf32>,
      %max3A_200 = arith.constant 0.000000e+00 : f32
      %max3A_201 = vector.broadcast %max3A_200 : f32 to vector<16xf32>
      %max3A_202 = arith.maximumf %get3A_199, %max3A_201 : vector<16xf32>
      %swap3A_203 = arith.index_cast %add3A_172 : i32 to index
      %swap3A_204 = arith.constant 48 : index
      %swap3A_205 = tpu.vector_load %arg14[%swap3A_203, %swap3A_204] {strides = array<i32>} : memref<128x64xf32, #tpu.memory_space<vmem>>, vector<16xf32>,
      tpu.vector_store %arg14[%swap3A_203, %swap3A_204], %max3A_202 {strides = array<i32>} : memref<128x64xf32, #tpu.memory_space<vmem>>, vector<16xf32>,
    }
    %scan3A_132 = arith.constant 125 : i32
    %mul3A_133 = arith.constant 64 : i32
    %mul3A_134 = arith.muli %arg0, %mul3A_133 : i32
    "tpu.region"() ({
      %run_scoped3A = tpu.sem_alloc : memref<!tpu.dma_semaphore, #tpu.memory_space<semaphore_mem>>
      %dma_start3A_168 = arith.constant 0 : i32
      %dma_start3A_169 = arith.constant 0 : i32
      %dma_start3A_170 = tpu.memref_slice %arg14[%dma_start3A_168, %dma_start3A_169] : memref<128x64xf32, #tpu.memory_space<vmem>> -> memref<125x64xf32, #tpu.memory_space<vmem>>
      %dma_start3A_171 = tpu.memref_slice %arg8[%add3A_127, %mul3A_134] : memref<10000x128xf32, #tpu.memory_space<hbm>> -> memref<125x64xf32, #tpu.memory_space<hbm>>
      %dma_start3A_172 = tpu.memref_slice %arg8[%add3A_127, %mul3A_134] : memref<10000x128xf32, #tpu.memory_space<hbm>> -> memref<125x64xf32, #tpu.memory_space<hbm>>
      %dma_start3A_173 = arith.constant 0 : i32
      %dma_start3A_174 = arith.constant 0 : i32
      %dma_start3A_175 = tpu.memref_slice %arg14[%dma_start3A_173, %dma_start3A_174] : memref<128x64xf32, #tpu.memory_space<vmem>> -> memref<125x64xf32, #tpu.memory_space<vmem>>
      tpu.enqueue_dma source(%dma_start3A_175 : memref<125x64xf32, #tpu.memory_space<vmem>>) target(%dma_start3A_172 : memref<125x64xf32, #tpu.memory_space<hbm>>) target_semaphore(%run_scoped3A : memref<!tpu.dma_semaphore, #tpu.memory_space<semaphore_mem>>)
      %dma_wait3A_176 = arith.constant 0 : i32
      %dma_wait3A_177 = arith.constant 0 : i32
      %dma_wait3A_178 = tpu.memref_slice %arg14[%dma_wait3A_176, %dma_wait3A_177] : memref<128x64xf32, #tpu.memory_space<vmem>> -> memref<125x64xf32, #tpu.memory_space<vmem>>
      %dma_wait3A_179 = tpu.memref_slice %arg8[%add3A_127, %mul3A_134] : memref<10000x128xf32, #tpu.memory_space<hbm>> -> memref<125x64xf32, #tpu.memory_space<hbm>>
      %dma_wait3A_180 = tpu.memref_slice %arg8[%add3A_127, %mul3A_134] : memref<10000x128xf32, #tpu.memory_space<hbm>> -> memref<125x64xf32, #tpu.memory_space<hbm>>
      %dma_wait3A_181 = arith.constant 0 : i32
      %dma_wait3A_182 = arith.constant 0 : i32
      %dma_wait3A_183 = tpu.memref_slice %arg14[%dma_wait3A_181, %dma_wait3A_182] : memref<128x64xf32, #tpu.memory_space<vmem>> -> memref<125x64xf32, #tpu.memory_space<vmem>>
      tpu.wait_dma2 semaphore(%run_scoped3A : memref<!tpu.dma_semaphore, #tpu.memory_space<semaphore_mem>>) src(%dma_wait3A_183 : memref<125x64xf32, #tpu.memory_space<vmem>>) dst(%dma_wait3A_180 : memref<125x64xf32, #tpu.memory_space<hbm>>)
      tpu.yield
    }) : () -> ()
    %mul3A_135 = arith.constant 625 : i32
    %mul3A_136 = arith.muli %arg1, %mul3A_135 : i32
    %add3A_137 = arith.constant 250 : i32
    %add3A_138 = arith.addi %mul3A_136, %add3A_137 : i32
    "tpu.region"() ({
      %run_scoped3A = tpu.sem_alloc : memref<!tpu.dma_semaphore, #tpu.memory_space<semaphore_mem>>
      %dma_start3A_168 = arith.constant 0 : i32
      %dma_start3A_169 = arith.constant 0 : i32
      %dma_start3A_170 = tpu.memref_slice %arg14[%dma_start3A_168, %dma_start3A_169] : memref<128x64xf32, #tpu.memory_space<vmem>> -> memref<125x64xf32, #tpu.memory_space<vmem>>
      %dma_start3A_171 = arith.constant 0 : i32
      %dma_start3A_172 = tpu.memref_slice %arg17[%add3A_138, %dma_start3A_171] : memref<10240x64xf32, #tpu.memory_space<vmem_shared>> -> memref<125x64xf32, #tpu.memory_space<vmem_shared>>
      %dma_start3A_173 = arith.constant 0 : i32
      %dma_start3A_174 = arith.constant 0 : i32
      %dma_start3A_175 = tpu.memref_slice %arg14[%dma_start3A_173, %dma_start3A_174] : memref<128x64xf32, #tpu.memory_space<vmem>> -> memref<125x64xf32, #tpu.memory_space<vmem>>
      %dma_start3A_176 = arith.constant 0 : i32
      %dma_start3A_177 = tpu.memref_slice %arg17[%add3A_138, %dma_start3A_176] : memref<10240x64xf32, #tpu.memory_space<vmem_shared>> -> memref<125x64xf32, #tpu.memory_space<vmem_shared>>
      tpu.enqueue_dma source(%dma_start3A_177 : memref<125x64xf32, #tpu.memory_space<vmem_shared>>) target(%dma_start3A_175 : memref<125x64xf32, #tpu.memory_space<vmem>>) target_semaphore(%run_scoped3A : memref<!tpu.dma_semaphore, #tpu.memory_space<semaphore_mem>>)
      %dma_wait3A_178 = arith.constant 0 : i32
      %dma_wait3A_179 = arith.constant 0 : i32
      %dma_wait3A_180 = tpu.memref_slice %arg14[%dma_wait3A_178, %dma_wait3A_179] : memref<128x64xf32, #tpu.memory_space<vmem>> -> memref<125x64xf32, #tpu.memory_space<vmem>>
      %dma_wait3A_181 = arith.constant 0 : i32
      %dma_wait3A_182 = tpu.memref_slice %arg17[%add3A_138, %dma_wait3A_181] : memref<10240x64xf32, #tpu.memory_space<vmem_shared>> -> memref<125x64xf32, #tpu.memory_space<vmem_shared>>
      %dma_wait3A_183 = arith.constant 0 : i32
      %dma_wait3A_184 = arith.constant 0 : i32
      %dma_wait3A_185 = tpu.memref_slice %arg14[%dma_wait3A_183, %dma_wait3A_184] : memref<128x64xf32, #tpu.memory_space<vmem>> -> memref<125x64xf32, #tpu.memory_space<vmem>>
      %dma_wait3A_186 = arith.constant 0 : i32
      %dma_wait3A_187 = tpu.memref_slice %arg17[%add3A_138, %dma_wait3A_186] : memref<10240x64xf32, #tpu.memory_space<vmem_shared>> -> memref<125x64xf32, #tpu.memory_space<vmem_shared>>
      tpu.wait_dma2 semaphore(%run_scoped3A : memref<!tpu.dma_semaphore, #tpu.memory_space<semaphore_mem>>) src(%dma_wait3A_187 : memref<125x64xf32, #tpu.memory_space<vmem_shared>>) dst(%dma_wait3A_185 : memref<125x64xf32, #tpu.memory_space<vmem>>)
      tpu.yield
    }) : () -> ()
    %scan3A_139 = arith.constant 0 : i32
    %scan3A_140 = arith.constant 125 : i32
    %scan3A_141 = arith.addi %scan3A_139, %scan3A_140 : i32
    %scan3A_142 = arith.constant 1 : i32
    scf.for %scan3A_168 = %scan3A_139 to %scan3A_141 step %scan3A_142  : i32 {
      %mul3A_169 = arith.constant 1 : i32
      %mul3A_170 = arith.muli %scan3A_168, %mul3A_169 : i32
      %add3A_171 = arith.constant 0 : i32
      %add3A_172 = arith.addi %add3A_171, %mul3A_170 : i32
      %get3A = arith.index_cast %add3A_172 : i32 to index
      %get3A_173 = arith.constant 0 : index
      %get3A_174 = tpu.vector_load %arg14[%get3A, %get3A_173] {strides = array<i32>} : memref<128x64xf32, #tpu.memory_space<vmem>>, vector<16xf32>,
      %max3A = arith.constant 0.000000e+00 : f32
      %max3A_175 = vector.broadcast %max3A : f32 to vector<16xf32>
      %max3A_176 = arith.maximumf %get3A_174, %max3A_175 : vector<16xf32>
      %swap3A = arith.index_cast %add3A_172 : i32 to index
      %swap3A_177 = arith.constant 0 : index
      %swap3A_178 = tpu.vector_load %arg14[%swap3A, %swap3A_177] {strides = array<i32>} : memref<128x64xf32, #tpu.memory_space<vmem>>, vector<16xf32>,
      tpu.vector_store %arg14[%swap3A, %swap3A_177], %max3A_176 {strides = array<i32>} : memref<128x64xf32, #tpu.memory_space<vmem>>, vector<16xf32>,
      %get3A_179 = arith.index_cast %add3A_172 : i32 to index
      %get3A_180 = arith.constant 16 : index
      %get3A_181 = tpu.vector_load %arg14[%get3A_179, %get3A_180] {strides = array<i32>} : memref<128x64xf32, #tpu.memory_space<vmem>>, vector<16xf32>,
      %max3A_182 = arith.constant 0.000000e+00 : f32
      %max3A_183 = vector.broadcast %max3A_182 : f32 to vector<16xf32>
      %max3A_184 = arith.maximumf %get3A_181, %max3A_183 : vector<16xf32>
      %swap3A_185 = arith.index_cast %add3A_172 : i32 to index
      %swap3A_186 = arith.constant 16 : index
      %swap3A_187 = tpu.vector_load %arg14[%swap3A_185, %swap3A_186] {strides = array<i32>} : memref<128x64xf32, #tpu.memory_space<vmem>>, vector<16xf32>,
      tpu.vector_store %arg14[%swap3A_185, %swap3A_186], %max3A_184 {strides = array<i32>} : memref<128x64xf32, #tpu.memory_space<vmem>>, vector<16xf32>,
      %get3A_188 = arith.index_cast %add3A_172 : i32 to index
      %get3A_189 = arith.constant 32 : index
      %get3A_190 = tpu.vector_load %arg14[%get3A_188, %get3A_189] {strides = array<i32>} : memref<128x64xf32, #tpu.memory_space<vmem>>, vector<16xf32>,
      %max3A_191 = arith.constant 0.000000e+00 : f32
      %max3A_192 = vector.broadcast %max3A_191 : f32 to vector<16xf32>
      %max3A_193 = arith.maximumf %get3A_190, %max3A_192 : vector<16xf32>
      %swap3A_194 = arith.index_cast %add3A_172 : i32 to index
      %swap3A_195 = arith.constant 32 : index
      %swap3A_196 = tpu.vector_load %arg14[%swap3A_194, %swap3A_195] {strides = array<i32>} : memref<128x64xf32, #tpu.memory_space<vmem>>, vector<16xf32>,
      tpu.vector_store %arg14[%swap3A_194, %swap3A_195], %max3A_193 {strides = array<i32>} : memref<128x64xf32, #tpu.memory_space<vmem>>, vector<16xf32>,
      %get3A_197 = arith.index_cast %add3A_172 : i32 to index
      %get3A_198 = arith.constant 48 : index
      %get3A_199 = tpu.vector_load %arg14[%get3A_197, %get3A_198] {strides = array<i32>} : memref<128x64xf32, #tpu.memory_space<vmem>>, vector<16xf32>,
      %max3A_200 = arith.constant 0.000000e+00 : f32
      %max3A_201 = vector.broadcast %max3A_200 : f32 to vector<16xf32>
      %max3A_202 = arith.maximumf %get3A_199, %max3A_201 : vector<16xf32>
      %swap3A_203 = arith.index_cast %add3A_172 : i32 to index
      %swap3A_204 = arith.constant 48 : index
      %swap3A_205 = tpu.vector_load %arg14[%swap3A_203, %swap3A_204] {strides = array<i32>} : memref<128x64xf32, #tpu.memory_space<vmem>>, vector<16xf32>,
      tpu.vector_store %arg14[%swap3A_203, %swap3A_204], %max3A_202 {strides = array<i32>} : memref<128x64xf32, #tpu.memory_space<vmem>>, vector<16xf32>,
    }
    %scan3A_143 = arith.constant 125 : i32
    %mul3A_144 = arith.constant 64 : i32
    %mul3A_145 = arith.muli %arg0, %mul3A_144 : i32
    "tpu.region"() ({
      %run_scoped3A = tpu.sem_alloc : memref<!tpu.dma_semaphore, #tpu.memory_space<semaphore_mem>>
      %dma_start3A_168 = arith.constant 0 : i32
      %dma_start3A_169 = arith.constant 0 : i32
      %dma_start3A_170 = tpu.memref_slice %arg14[%dma_start3A_168, %dma_start3A_169] : memref<128x64xf32, #tpu.memory_space<vmem>> -> memref<125x64xf32, #tpu.memory_space<vmem>>
      %dma_start3A_171 = tpu.memref_slice %arg8[%add3A_138, %mul3A_145] : memref<10000x128xf32, #tpu.memory_space<hbm>> -> memref<125x64xf32, #tpu.memory_space<hbm>>
      %dma_start3A_172 = tpu.memref_slice %arg8[%add3A_138, %mul3A_145] : memref<10000x128xf32, #tpu.memory_space<hbm>> -> memref<125x64xf32, #tpu.memory_space<hbm>>
      %dma_start3A_173 = arith.constant 0 : i32
      %dma_start3A_174 = arith.constant 0 : i32
      %dma_start3A_175 = tpu.memref_slice %arg14[%dma_start3A_173, %dma_start3A_174] : memref<128x64xf32, #tpu.memory_space<vmem>> -> memref<125x64xf32, #tpu.memory_space<vmem>>
      tpu.enqueue_dma source(%dma_start3A_175 : memref<125x64xf32, #tpu.memory_space<vmem>>) target(%dma_start3A_172 : memref<125x64xf32, #tpu.memory_space<hbm>>) target_semaphore(%run_scoped3A : memref<!tpu.dma_semaphore, #tpu.memory_space<semaphore_mem>>)
      %dma_wait3A_176 = arith.constant 0 : i32
      %dma_wait3A_177 = arith.constant 0 : i32
      %dma_wait3A_178 = tpu.memref_slice %arg14[%dma_wait3A_176, %dma_wait3A_177] : memref<128x64xf32, #tpu.memory_space<vmem>> -> memref<125x64xf32, #tpu.memory_space<vmem>>
      %dma_wait3A_179 = tpu.memref_slice %arg8[%add3A_138, %mul3A_145] : memref<10000x128xf32, #tpu.memory_space<hbm>> -> memref<125x64xf32, #tpu.memory_space<hbm>>
      %dma_wait3A_180 = tpu.memref_slice %arg8[%add3A_138, %mul3A_145] : memref<10000x128xf32, #tpu.memory_space<hbm>> -> memref<125x64xf32, #tpu.memory_space<hbm>>
      %dma_wait3A_181 = arith.constant 0 : i32
      %dma_wait3A_182 = arith.constant 0 : i32
      %dma_wait3A_183 = tpu.memref_slice %arg14[%dma_wait3A_181, %dma_wait3A_182] : memref<128x64xf32, #tpu.memory_space<vmem>> -> memref<125x64xf32, #tpu.memory_space<vmem>>
      tpu.wait_dma2 semaphore(%run_scoped3A : memref<!tpu.dma_semaphore, #tpu.memory_space<semaphore_mem>>) src(%dma_wait3A_183 : memref<125x64xf32, #tpu.memory_space<vmem>>) dst(%dma_wait3A_180 : memref<125x64xf32, #tpu.memory_space<hbm>>)
      tpu.yield
    }) : () -> ()
    %mul3A_146 = arith.constant 625 : i32
    %mul3A_147 = arith.muli %arg1, %mul3A_146 : i32
    %add3A_148 = arith.constant 375 : i32
    %add3A_149 = arith.addi %mul3A_147, %add3A_148 : i32
    "tpu.region"() ({
      %run_scoped3A = tpu.sem_alloc : memref<!tpu.dma_semaphore, #tpu.memory_space<semaphore_mem>>
      %dma_start3A_168 = arith.constant 0 : i32
      %dma_start3A_169 = arith.constant 0 : i32
      %dma_start3A_170 = tpu.memref_slice %arg14[%dma_start3A_168, %dma_start3A_169] : memref<128x64xf32, #tpu.memory_space<vmem>> -> memref<125x64xf32, #tpu.memory_space<vmem>>
      %dma_start3A_171 = arith.constant 0 : i32
      %dma_start3A_172 = tpu.memref_slice %arg17[%add3A_149, %dma_start3A_171] : memref<10240x64xf32, #tpu.memory_space<vmem_shared>> -> memref<125x64xf32, #tpu.memory_space<vmem_shared>>
      %dma_start3A_173 = arith.constant 0 : i32
      %dma_start3A_174 = arith.constant 0 : i32
      %dma_start3A_175 = tpu.memref_slice %arg14[%dma_start3A_173, %dma_start3A_174] : memref<128x64xf32, #tpu.memory_space<vmem>> -> memref<125x64xf32, #tpu.memory_space<vmem>>
      %dma_start3A_176 = arith.constant 0 : i32
      %dma_start3A_177 = tpu.memref_slice %arg17[%add3A_149, %dma_start3A_176] : memref<10240x64xf32, #tpu.memory_space<vmem_shared>> -> memref<125x64xf32, #tpu.memory_space<vmem_shared>>
      tpu.enqueue_dma source(%dma_start3A_177 : memref<125x64xf32, #tpu.memory_space<vmem_shared>>) target(%dma_start3A_175 : memref<125x64xf32, #tpu.memory_space<vmem>>) target_semaphore(%run_scoped3A : memref<!tpu.dma_semaphore, #tpu.memory_space<semaphore_mem>>)
      %dma_wait3A_178 = arith.constant 0 : i32
      %dma_wait3A_179 = arith.constant 0 : i32
      %dma_wait3A_180 = tpu.memref_slice %arg14[%dma_wait3A_178, %dma_wait3A_179] : memref<128x64xf32, #tpu.memory_space<vmem>> -> memref<125x64xf32, #tpu.memory_space<vmem>>
      %dma_wait3A_181 = arith.constant 0 : i32
      %dma_wait3A_182 = tpu.memref_slice %arg17[%add3A_149, %dma_wait3A_181] : memref<10240x64xf32, #tpu.memory_space<vmem_shared>> -> memref<125x64xf32, #tpu.memory_space<vmem_shared>>
      %dma_wait3A_183 = arith.constant 0 : i32
      %dma_wait3A_184 = arith.constant 0 : i32
      %dma_wait3A_185 = tpu.memref_slice %arg14[%dma_wait3A_183, %dma_wait3A_184] : memref<128x64xf32, #tpu.memory_space<vmem>> -> memref<125x64xf32, #tpu.memory_space<vmem>>
      %dma_wait3A_186 = arith.constant 0 : i32
      %dma_wait3A_187 = tpu.memref_slice %arg17[%add3A_149, %dma_wait3A_186] : memref<10240x64xf32, #tpu.memory_space<vmem_shared>> -> memref<125x64xf32, #tpu.memory_space<vmem_shared>>
      tpu.wait_dma2 semaphore(%run_scoped3A : memref<!tpu.dma_semaphore, #tpu.memory_space<semaphore_mem>>) src(%dma_wait3A_187 : memref<125x64xf32, #tpu.memory_space<vmem_shared>>) dst(%dma_wait3A_185 : memref<125x64xf32, #tpu.memory_space<vmem>>)
      tpu.yield
    }) : () -> ()
    %scan3A_150 = arith.constant 0 : i32
    %scan3A_151 = arith.constant 125 : i32
    %scan3A_152 = arith.addi %scan3A_150, %scan3A_151 : i32
    %scan3A_153 = arith.constant 1 : i32
    scf.for %scan3A_168 = %scan3A_150 to %scan3A_152 step %scan3A_153  : i32 {
      %mul3A_169 = arith.constant 1 : i32
      %mul3A_170 = arith.muli %scan3A_168, %mul3A_169 : i32
      %add3A_171 = arith.constant 0 : i32
      %add3A_172 = arith.addi %add3A_171, %mul3A_170 : i32
      %get3A = arith.index_cast %add3A_172 : i32 to index
      %get3A_173 = arith.constant 0 : index
      %get3A_174 = tpu.vector_load %arg14[%get3A, %get3A_173] {strides = array<i32>} : memref<128x64xf32, #tpu.memory_space<vmem>>, vector<16xf32>,
      %max3A = arith.constant 0.000000e+00 : f32
      %max3A_175 = vector.broadcast %max3A : f32 to vector<16xf32>
      %max3A_176 = arith.maximumf %get3A_174, %max3A_175 : vector<16xf32>
      %swap3A = arith.index_cast %add3A_172 : i32 to index
      %swap3A_177 = arith.constant 0 : index
      %swap3A_178 = tpu.vector_load %arg14[%swap3A, %swap3A_177] {strides = array<i32>} : memref<128x64xf32, #tpu.memory_space<vmem>>, vector<16xf32>,
      tpu.vector_store %arg14[%swap3A, %swap3A_177], %max3A_176 {strides = array<i32>} : memref<128x64xf32, #tpu.memory_space<vmem>>, vector<16xf32>,
      %get3A_179 = arith.index_cast %add3A_172 : i32 to index
      %get3A_180 = arith.constant 16 : index
      %get3A_181 = tpu.vector_load %arg14[%get3A_179, %get3A_180] {strides = array<i32>} : memref<128x64xf32, #tpu.memory_space<vmem>>, vector<16xf32>,
      %max3A_182 = arith.constant 0.000000e+00 : f32
      %max3A_183 = vector.broadcast %max3A_182 : f32 to vector<16xf32>
      %max3A_184 = arith.maximumf %get3A_181, %max3A_183 : vector<16xf32>
      %swap3A_185 = arith.index_cast %add3A_172 : i32 to index
      %swap3A_186 = arith.constant 16 : index
      %swap3A_187 = tpu.vector_load %arg14[%swap3A_185, %swap3A_186] {strides = array<i32>} : memref<128x64xf32, #tpu.memory_space<vmem>>, vector<16xf32>,
      tpu.vector_store %arg14[%swap3A_185, %swap3A_186], %max3A_184 {strides = array<i32>} : memref<128x64xf32, #tpu.memory_space<vmem>>, vector<16xf32>,
      %get3A_188 = arith.index_cast %add3A_172 : i32 to index
      %get3A_189 = arith.constant 32 : index
      %get3A_190 = tpu.vector_load %arg14[%get3A_188, %get3A_189] {strides = array<i32>} : memref<128x64xf32, #tpu.memory_space<vmem>>, vector<16xf32>,
      %max3A_191 = arith.constant 0.000000e+00 : f32
      %max3A_192 = vector.broadcast %max3A_191 : f32 to vector<16xf32>
      %max3A_193 = arith.maximumf %get3A_190, %max3A_192 : vector<16xf32>
      %swap3A_194 = arith.index_cast %add3A_172 : i32 to index
      %swap3A_195 = arith.constant 32 : index
      %swap3A_196 = tpu.vector_load %arg14[%swap3A_194, %swap3A_195] {strides = array<i32>} : memref<128x64xf32, #tpu.memory_space<vmem>>, vector<16xf32>,
      tpu.vector_store %arg14[%swap3A_194, %swap3A_195], %max3A_193 {strides = array<i32>} : memref<128x64xf32, #tpu.memory_space<vmem>>, vector<16xf32>,
      %get3A_197 = arith.index_cast %add3A_172 : i32 to index
      %get3A_198 = arith.constant 48 : index
      %get3A_199 = tpu.vector_load %arg14[%get3A_197, %get3A_198] {strides = array<i32>} : memref<128x64xf32, #tpu.memory_space<vmem>>, vector<16xf32>,
      %max3A_200 = arith.constant 0.000000e+00 : f32
      %max3A_201 = vector.broadcast %max3A_200 : f32 to vector<16xf32>
      %max3A_202 = arith.maximumf %get3A_199, %max3A_201 : vector<16xf32>
      %swap3A_203 = arith.index_cast %add3A_172 : i32 to index
      %swap3A_204 = arith.constant 48 : index
      %swap3A_205 = tpu.vector_load %arg14[%swap3A_203, %swap3A_204] {strides = array<i32>} : memref<128x64xf32, #tpu.memory_space<vmem>>, vector<16xf32>,
      tpu.vector_store %arg14[%swap3A_203, %swap3A_204], %max3A_202 {strides = array<i32>} : memref<128x64xf32, #tpu.memory_space<vmem>>, vector<16xf32>,
    }
    %scan3A_154 = arith.constant 125 : i32
    %mul3A_155 = arith.constant 64 : i32
    %mul3A_156 = arith.muli %arg0, %mul3A_155 : i32
    "tpu.region"() ({
      %run_scoped3A = tpu.sem_alloc : memref<!tpu.dma_semaphore, #tpu.memory_space<semaphore_mem>>
      %dma_start3A_168 = arith.constant 0 : i32
      %dma_start3A_169 = arith.constant 0 : i32
      %dma_start3A_170 = tpu.memref_slice %arg14[%dma_start3A_168, %dma_start3A_169] : memref<128x64xf32, #tpu.memory_space<vmem>> -> memref<125x64xf32, #tpu.memory_space<vmem>>
      %dma_start3A_171 = tpu.memref_slice %arg8[%add3A_149, %mul3A_156] : memref<10000x128xf32, #tpu.memory_space<hbm>> -> memref<125x64xf32, #tpu.memory_space<hbm>>
      %dma_start3A_172 = tpu.memref_slice %arg8[%add3A_149, %mul3A_156] : memref<10000x128xf32, #tpu.memory_space<hbm>> -> memref<125x64xf32, #tpu.memory_space<hbm>>
      %dma_start3A_173 = arith.constant 0 : i32
      %dma_start3A_174 = arith.constant 0 : i32
      %dma_start3A_175 = tpu.memref_slice %arg14[%dma_start3A_173, %dma_start3A_174] : memref<128x64xf32, #tpu.memory_space<vmem>> -> memref<125x64xf32, #tpu.memory_space<vmem>>
      tpu.enqueue_dma source(%dma_start3A_175 : memref<125x64xf32, #tpu.memory_space<vmem>>) target(%dma_start3A_172 : memref<125x64xf32, #tpu.memory_space<hbm>>) target_semaphore(%run_scoped3A : memref<!tpu.dma_semaphore, #tpu.memory_space<semaphore_mem>>)
      %dma_wait3A_176 = arith.constant 0 : i32
      %dma_wait3A_177 = arith.constant 0 : i32
      %dma_wait3A_178 = tpu.memref_slice %arg14[%dma_wait3A_176, %dma_wait3A_177] : memref<128x64xf32, #tpu.memory_space<vmem>> -> memref<125x64xf32, #tpu.memory_space<vmem>>
      %dma_wait3A_179 = tpu.memref_slice %arg8[%add3A_149, %mul3A_156] : memref<10000x128xf32, #tpu.memory_space<hbm>> -> memref<125x64xf32, #tpu.memory_space<hbm>>
      %dma_wait3A_180 = tpu.memref_slice %arg8[%add3A_149, %mul3A_156] : memref<10000x128xf32, #tpu.memory_space<hbm>> -> memref<125x64xf32, #tpu.memory_space<hbm>>
      %dma_wait3A_181 = arith.constant 0 : i32
      %dma_wait3A_182 = arith.constant 0 : i32
      %dma_wait3A_183 = tpu.memref_slice %arg14[%dma_wait3A_181, %dma_wait3A_182] : memref<128x64xf32, #tpu.memory_space<vmem>> -> memref<125x64xf32, #tpu.memory_space<vmem>>
      tpu.wait_dma2 semaphore(%run_scoped3A : memref<!tpu.dma_semaphore, #tpu.memory_space<semaphore_mem>>) src(%dma_wait3A_183 : memref<125x64xf32, #tpu.memory_space<vmem>>) dst(%dma_wait3A_180 : memref<125x64xf32, #tpu.memory_space<hbm>>)
      tpu.yield
    }) : () -> ()
    %mul3A_157 = arith.constant 625 : i32
    %mul3A_158 = arith.muli %arg1, %mul3A_157 : i32
    %add3A_159 = arith.constant 500 : i32
    %add3A_160 = arith.addi %mul3A_158, %add3A_159 : i32
    "tpu.region"() ({
      %run_scoped3A = tpu.sem_alloc : memref<!tpu.dma_semaphore, #tpu.memory_space<semaphore_mem>>
      %dma_start3A_168 = arith.constant 0 : i32
      %dma_start3A_169 = arith.constant 0 : i32
      %dma_start3A_170 = tpu.memref_slice %arg14[%dma_start3A_168, %dma_start3A_169] : memref<128x64xf32, #tpu.memory_space<vmem>> -> memref<125x64xf32, #tpu.memory_space<vmem>>
      %dma_start3A_171 = arith.constant 0 : i32
      %dma_start3A_172 = tpu.memref_slice %arg17[%add3A_160, %dma_start3A_171] : memref<10240x64xf32, #tpu.memory_space<vmem_shared>> -> memref<125x64xf32, #tpu.memory_space<vmem_shared>>
      %dma_start3A_173 = arith.constant 0 : i32
      %dma_start3A_174 = arith.constant 0 : i32
      %dma_start3A_175 = tpu.memref_slice %arg14[%dma_start3A_173, %dma_start3A_174] : memref<128x64xf32, #tpu.memory_space<vmem>> -> memref<125x64xf32, #tpu.memory_space<vmem>>
      %dma_start3A_176 = arith.constant 0 : i32
      %dma_start3A_177 = tpu.memref_slice %arg17[%add3A_160, %dma_start3A_176] : memref<10240x64xf32, #tpu.memory_space<vmem_shared>> -> memref<125x64xf32, #tpu.memory_space<vmem_shared>>
      tpu.enqueue_dma source(%dma_start3A_177 : memref<125x64xf32, #tpu.memory_space<vmem_shared>>) target(%dma_start3A_175 : memref<125x64xf32, #tpu.memory_space<vmem>>) target_semaphore(%run_scoped3A : memref<!tpu.dma_semaphore, #tpu.memory_space<semaphore_mem>>)
      %dma_wait3A_178 = arith.constant 0 : i32
      %dma_wait3A_179 = arith.constant 0 : i32
      %dma_wait3A_180 = tpu.memref_slice %arg14[%dma_wait3A_178, %dma_wait3A_179] : memref<128x64xf32, #tpu.memory_space<vmem>> -> memref<125x64xf32, #tpu.memory_space<vmem>>
      %dma_wait3A_181 = arith.constant 0 : i32
      %dma_wait3A_182 = tpu.memref_slice %arg17[%add3A_160, %dma_wait3A_181] : memref<10240x64xf32, #tpu.memory_space<vmem_shared>> -> memref<125x64xf32, #tpu.memory_space<vmem_shared>>
      %dma_wait3A_183 = arith.constant 0 : i32
      %dma_wait3A_184 = arith.constant 0 : i32
      %dma_wait3A_185 = tpu.memref_slice %arg14[%dma_wait3A_183, %dma_wait3A_184] : memref<128x64xf32, #tpu.memory_space<vmem>> -> memref<125x64xf32, #tpu.memory_space<vmem>>
      %dma_wait3A_186 = arith.constant 0 : i32
      %dma_wait3A_187 = tpu.memref_slice %arg17[%add3A_160, %dma_wait3A_186] : memref<10240x64xf32, #tpu.memory_space<vmem_shared>> -> memref<125x64xf32, #tpu.memory_space<vmem_shared>>
      tpu.wait_dma2 semaphore(%run_scoped3A : memref<!tpu.dma_semaphore, #tpu.memory_space<semaphore_mem>>) src(%dma_wait3A_187 : memref<125x64xf32, #tpu.memory_space<vmem_shared>>) dst(%dma_wait3A_185 : memref<125x64xf32, #tpu.memory_space<vmem>>)
      tpu.yield
    }) : () -> ()
    %scan3A_161 = arith.constant 0 : i32
    %scan3A_162 = arith.constant 125 : i32
    %scan3A_163 = arith.addi %scan3A_161, %scan3A_162 : i32
    %scan3A_164 = arith.constant 1 : i32
    scf.for %scan3A_168 = %scan3A_161 to %scan3A_163 step %scan3A_164  : i32 {
      %mul3A_169 = arith.constant 1 : i32
      %mul3A_170 = arith.muli %scan3A_168, %mul3A_169 : i32
      %add3A_171 = arith.constant 0 : i32
      %add3A_172 = arith.addi %add3A_171, %mul3A_170 : i32
      %get3A = arith.index_cast %add3A_172 : i32 to index
      %get3A_173 = arith.constant 0 : index
      %get3A_174 = tpu.vector_load %arg14[%get3A, %get3A_173] {strides = array<i32>} : memref<128x64xf32, #tpu.memory_space<vmem>>, vector<16xf32>,
      %max3A = arith.constant 0.000000e+00 : f32
      %max3A_175 = vector.broadcast %max3A : f32 to vector<16xf32>
      %max3A_176 = arith.maximumf %get3A_174, %max3A_175 : vector<16xf32>
      %swap3A = arith.index_cast %add3A_172 : i32 to index
      %swap3A_177 = arith.constant 0 : index
      %swap3A_178 = tpu.vector_load %arg14[%swap3A, %swap3A_177] {strides = array<i32>} : memref<128x64xf32, #tpu.memory_space<vmem>>, vector<16xf32>,
      tpu.vector_store %arg14[%swap3A, %swap3A_177], %max3A_176 {strides = array<i32>} : memref<128x64xf32, #tpu.memory_space<vmem>>, vector<16xf32>,
      %get3A_179 = arith.index_cast %add3A_172 : i32 to index
      %get3A_180 = arith.constant 16 : index
      %get3A_181 = tpu.vector_load %arg14[%get3A_179, %get3A_180] {strides = array<i32>} : memref<128x64xf32, #tpu.memory_space<vmem>>, vector<16xf32>,
      %max3A_182 = arith.constant 0.000000e+00 : f32
      %max3A_183 = vector.broadcast %max3A_182 : f32 to vector<16xf32>
      %max3A_184 = arith.maximumf %get3A_181, %max3A_183 : vector<16xf32>
      %swap3A_185 = arith.index_cast %add3A_172 : i32 to index
      %swap3A_186 = arith.constant 16 : index
      %swap3A_187 = tpu.vector_load %arg14[%swap3A_185, %swap3A_186] {strides = array<i32>} : memref<128x64xf32, #tpu.memory_space<vmem>>, vector<16xf32>,
      tpu.vector_store %arg14[%swap3A_185, %swap3A_186], %max3A_184 {strides = array<i32>} : memref<128x64xf32, #tpu.memory_space<vmem>>, vector<16xf32>,
      %get3A_188 = arith.index_cast %add3A_172 : i32 to index
      %get3A_189 = arith.constant 32 : index
      %get3A_190 = tpu.vector_load %arg14[%get3A_188, %get3A_189] {strides = array<i32>} : memref<128x64xf32, #tpu.memory_space<vmem>>, vector<16xf32>,
      %max3A_191 = arith.constant 0.000000e+00 : f32
      %max3A_192 = vector.broadcast %max3A_191 : f32 to vector<16xf32>
      %max3A_193 = arith.maximumf %get3A_190, %max3A_192 : vector<16xf32>
      %swap3A_194 = arith.index_cast %add3A_172 : i32 to index
      %swap3A_195 = arith.constant 32 : index
      %swap3A_196 = tpu.vector_load %arg14[%swap3A_194, %swap3A_195] {strides = array<i32>} : memref<128x64xf32, #tpu.memory_space<vmem>>, vector<16xf32>,
      tpu.vector_store %arg14[%swap3A_194, %swap3A_195], %max3A_193 {strides = array<i32>} : memref<128x64xf32, #tpu.memory_space<vmem>>, vector<16xf32>,
      %get3A_197 = arith.index_cast %add3A_172 : i32 to index
      %get3A_198 = arith.constant 48 : index
      %get3A_199 = tpu.vector_load %arg14[%get3A_197, %get3A_198] {strides = array<i32>} : memref<128x64xf32, #tpu.memory_space<vmem>>, vector<16xf32>,
      %max3A_200 = arith.constant 0.000000e+00 : f32
      %max3A_201 = vector.broadcast %max3A_200 : f32 to vector<16xf32>
      %max3A_202 = arith.maximumf %get3A_199, %max3A_201 : vector<16xf32>
      %swap3A_203 = arith.index_cast %add3A_172 : i32 to index
      %swap3A_204 = arith.constant 48 : index
      %swap3A_205 = tpu.vector_load %arg14[%swap3A_203, %swap3A_204] {strides = array<i32>} : memref<128x64xf32, #tpu.memory_space<vmem>>, vector<16xf32>,
      tpu.vector_store %arg14[%swap3A_203, %swap3A_204], %max3A_202 {strides = array<i32>} : memref<128x64xf32, #tpu.memory_space<vmem>>, vector<16xf32>,
    }
    %scan3A_165 = arith.constant 125 : i32
    %mul3A_166 = arith.constant 64 : i32
    %mul3A_167 = arith.muli %arg0, %mul3A_166 : i32
    "tpu.region"() ({
      %run_scoped3A = tpu.sem_alloc : memref<!tpu.dma_semaphore, #tpu.memory_space<semaphore_mem>>
      %dma_start3A_168 = arith.constant 0 : i32
      %dma_start3A_169 = arith.constant 0 : i32
      %dma_start3A_170 = tpu.memref_slice %arg14[%dma_start3A_168, %dma_start3A_169] : memref<128x64xf32, #tpu.memory_space<vmem>> -> memref<125x64xf32, #tpu.memory_space<vmem>>
      %dma_start3A_171 = tpu.memref_slice %arg8[%add3A_160, %mul3A_167] : memref<10000x128xf32, #tpu.memory_space<hbm>> -> memref<125x64xf32, #tpu.memory_space<hbm>>
      %dma_start3A_172 = tpu.memref_slice %arg8[%add3A_160, %mul3A_167] : memref<10000x128xf32, #tpu.memory_space<hbm>> -> memref<125x64xf32, #tpu.memory_space<hbm>>
      %dma_start3A_173 = arith.constant 0 : i32
      %dma_start3A_174 = arith.constant 0 : i32
      %dma_start3A_175 = tpu.memref_slice %arg14[%dma_start3A_173, %dma_start3A_174] : memref<128x64xf32, #tpu.memory_space<vmem>> -> memref<125x64xf32, #tpu.memory_space<vmem>>
      tpu.enqueue_dma source(%dma_start3A_175 : memref<125x64xf32, #tpu.memory_space<vmem>>) target(%dma_start3A_172 : memref<125x64xf32, #tpu.memory_space<hbm>>) target_semaphore(%run_scoped3A : memref<!tpu.dma_semaphore, #tpu.memory_space<semaphore_mem>>)
      %dma_wait3A_176 = arith.constant 0 : i32
      %dma_wait3A_177 = arith.constant 0 : i32
      %dma_wait3A_178 = tpu.memref_slice %arg14[%dma_wait3A_176, %dma_wait3A_177] : memref<128x64xf32, #tpu.memory_space<vmem>> -> memref<125x64xf32, #tpu.memory_space<vmem>>
      %dma_wait3A_179 = tpu.memref_slice %arg8[%add3A_160, %mul3A_167] : memref<10000x128xf32, #tpu.memory_space<hbm>> -> memref<125x64xf32, #tpu.memory_space<hbm>>
      %dma_wait3A_180 = tpu.memref_slice %arg8[%add3A_160, %mul3A_167] : memref<10000x128xf32, #tpu.memory_space<hbm>> -> memref<125x64xf32, #tpu.memory_space<hbm>>
      %dma_wait3A_181 = arith.constant 0 : i32
      %dma_wait3A_182 = arith.constant 0 : i32
      %dma_wait3A_183 = tpu.memref_slice %arg14[%dma_wait3A_181, %dma_wait3A_182] : memref<128x64xf32, #tpu.memory_space<vmem>> -> memref<125x64xf32, #tpu.memory_space<vmem>>
      tpu.wait_dma2 semaphore(%run_scoped3A : memref<!tpu.dma_semaphore, #tpu.memory_space<semaphore_mem>>) src(%dma_wait3A_183 : memref<125x64xf32, #tpu.memory_space<vmem>>) dst(%dma_wait3A_180 : memref<125x64xf32, #tpu.memory_space<hbm>>)
      tpu.yield
    }) : () -> ()
    return
  }
}

module attributes {stable_mosaic.version = 14 : i64} {
  func.func @_tc_prep(%arg0: memref<10000x128xf32, #tpu.memory_space<vmem>>, %arg1: memref<128x128xf32, #tpu.memory_space<vmem>>, %arg2: memref<1x128xf32, #tpu.memory_space<vmem>>, %arg3: memref<64x128xf32, #tpu.memory_space<vmem>>, %arg4: memref<20032x64xf32, #tpu.memory_space<vmem>>, %arg5: memref<10016x1xf32, #tpu.memory_space<vmem>>, %arg6: memref<64x1xf32, #tpu.memory_space<vmem>>) attributes {dimension_semantics = [], scalar_prefetch = 0 : i64, scratch_operands = 0 : i64, tpu.core_type = #tpu.core_type<tc>} {
    %get3A = arith.constant 0 : index
    %get3A_0 = arith.constant 0 : index
    %get3A_1 = vector.load %arg0[%get3A, %get3A_0] : memref<10000x128xf32, #tpu.memory_space<vmem>>, vector<10000x128xf32>
    %get3A_2 = arith.constant 0 : index
    %get3A_3 = arith.constant 0 : index
    %get3A_4 = vector.load %arg1[%get3A_2, %get3A_3] : memref<128x128xf32, #tpu.memory_space<vmem>>, vector<128x128xf32>
    %dot_general3A = arith.constant dense<0.000000e+00> : vector<10000x128xf32>
    %dot_general3A_5 = tpu.matmul %get3A_1, %get3A_4, %dot_general3A {dimension_numbers = #tpu.dot_dimension_numbers<[1], [1], [0], [0], [0, 0, 1, 0], [], []>, transpose_lhs_hint = false} : vector<10000x128xf32>, vector<128x128xf32>, vector<10000x128xf32> -> vector<10000x128xf32>
    %broadcast_in_dim3A = arith.constant 0.000000e+00 : f32
    %broadcast_in_dim3A_6 = vector.broadcast %broadcast_in_dim3A : f32 to vector<16x64xf32>
    %slice3A = vector.extract_strided_slice %dot_general3A_5 {offsets = [0, 0], sizes = [10000, 64], strides = [1, 1]} : vector<10000x128xf32> to vector<10000x64xf32>
    %swap3A = arith.constant 0 : index
    %swap3A_7 = arith.constant 0 : index
    %swap3A_8 = vector.load %arg4[%swap3A, %swap3A_7] : memref<20032x64xf32, #tpu.memory_space<vmem>>, vector<10000x64xf32>
    tpu.vector_store %arg4[%swap3A, %swap3A_7], %slice3A {strides = array<i32>} : memref<20032x64xf32, #tpu.memory_space<vmem>>, vector<10000x64xf32>,
    %swap3A_9 = arith.constant 10000 : index
    %swap3A_10 = arith.constant 0 : index
    %swap3A_11 = vector.load %arg4[%swap3A_9, %swap3A_10] : memref<20032x64xf32, #tpu.memory_space<vmem>>, vector<16x64xf32>
    tpu.vector_store %arg4[%swap3A_9, %swap3A_10], %broadcast_in_dim3A_6 {strides = array<i32>} : memref<20032x64xf32, #tpu.memory_space<vmem>>, vector<16x64xf32>,
    %slice3A_12 = vector.extract_strided_slice %dot_general3A_5 {offsets = [0, 64], sizes = [10000, 64], strides = [1, 1]} : vector<10000x128xf32> to vector<10000x64xf32>
    %swap3A_13 = arith.constant 10016 : index
    %swap3A_14 = arith.constant 0 : index
    %swap3A_15 = vector.load %arg4[%swap3A_13, %swap3A_14] : memref<20032x64xf32, #tpu.memory_space<vmem>>, vector<10000x64xf32>
    tpu.vector_store %arg4[%swap3A_13, %swap3A_14], %slice3A_12 {strides = array<i32>} : memref<20032x64xf32, #tpu.memory_space<vmem>>, vector<10000x64xf32>,
    %swap3A_16 = arith.constant 20016 : index
    %swap3A_17 = arith.constant 0 : index
    %swap3A_18 = vector.load %arg4[%swap3A_16, %swap3A_17] : memref<20032x64xf32, #tpu.memory_space<vmem>>, vector<16x64xf32>
    tpu.vector_store %arg4[%swap3A_16, %swap3A_17], %broadcast_in_dim3A_6 {strides = array<i32>} : memref<20032x64xf32, #tpu.memory_space<vmem>>, vector<16x64xf32>,
    %get3A_19 = arith.constant 0 : index
    %get3A_20 = arith.constant 0 : index
    %get3A_21 = vector.load %arg2[%get3A_19, %get3A_20] : memref<1x128xf32, #tpu.memory_space<vmem>>, vector<1x128xf32>
    %dot_general3A_22 = arith.constant dense<0.000000e+00> : vector<10000x1xf32>
    %dot_general3A_23 = tpu.matmul %get3A_1, %get3A_21, %dot_general3A_22 {dimension_numbers = #tpu.dot_dimension_numbers<[1], [1], [0], [0], [0, 0, 1, 0], [], []>, transpose_lhs_hint = false} : vector<10000x128xf32>, vector<1x128xf32>, vector<10000x1xf32> -> vector<10000x1xf32>
    %swap3A_24 = arith.constant 0 : index
    %swap3A_25 = arith.constant 0 : index
    %swap3A_26 = vector.load %arg5[%swap3A_24, %swap3A_25] : memref<10016x1xf32, #tpu.memory_space<vmem>>, vector<10000x1xf32>
    tpu.vector_store %arg5[%swap3A_24, %swap3A_25], %dot_general3A_23 {strides = array<i32>} : memref<10016x1xf32, #tpu.memory_space<vmem>>, vector<10000x1xf32>,
    %broadcast_in_dim3A_27 = arith.constant 0.000000e+00 : f32
    %broadcast_in_dim3A_28 = vector.broadcast %broadcast_in_dim3A_27 : f32 to vector<16x1xf32>
    %swap3A_29 = arith.constant 10000 : index
    %swap3A_30 = arith.constant 0 : index
    %swap3A_31 = vector.load %arg5[%swap3A_29, %swap3A_30] : memref<10016x1xf32, #tpu.memory_space<vmem>>, vector<16x1xf32>
    tpu.vector_store %arg5[%swap3A_29, %swap3A_30], %broadcast_in_dim3A_28 {strides = array<i32>} : memref<10016x1xf32, #tpu.memory_space<vmem>>, vector<16x1xf32>,
    %get3A_32 = arith.constant 0 : index
    %get3A_33 = arith.constant 0 : index
    %get3A_34 = vector.load %arg3[%get3A_32, %get3A_33] : memref<64x128xf32, #tpu.memory_space<vmem>>, vector<64x128xf32>
    %dot_general3A_35 = arith.constant dense<0.000000e+00> : vector<64x1xf32>
    %dot_general3A_36 = tpu.matmul %get3A_34, %get3A_21, %dot_general3A_35 {dimension_numbers = #tpu.dot_dimension_numbers<[1], [1], [0], [0], [0, 0, 1, 0], [], []>, transpose_lhs_hint = false} : vector<64x128xf32>, vector<1x128xf32>, vector<64x1xf32> -> vector<64x1xf32>
    %swap3A_37 = arith.constant 0 : index
    %swap3A_38 = arith.constant 0 : index
    %swap3A_39 = vector.load %arg6[%swap3A_37, %swap3A_38] : memref<64x1xf32, #tpu.memory_space<vmem>>, vector<64x1xf32>
    tpu.vector_store %arg6[%swap3A_37, %swap3A_38], %dot_general3A_36 {strides = array<i32>} : memref<64x1xf32, #tpu.memory_space<vmem>>, vector<64x1xf32>,
    return
  }
}

</mosaic_0001>

<sc_bundles>
// kernel: _run.4.cloned.1.call-start
scs
__scs_entry_jumppad:
0x0: {  	(pc) =	sbr.rel $0x88, $3  }
0x1: {  	(tag) =	ssettag $0x0;
	lr =	simm.s32 $0x1  }
0x2: {  	[smem:$0x3F9B] =	sst lr;
	_ =	strace $0xD0000000  }
0x3: {  	_ = 	snop  }
0x4: {  	_ = 	snop  }
0x5: {  	_ = 	snop  }
0x6: {  	_ = 	snop  }
0x7: {  	_ = 	snop  }
__scs_overlays_trampoline_lowered:
0x8: {  	[smem:$0x3FAA] =	sst s0  }
0x9: {  	[smem:$0x3FAB] =	sst s1  }
0xa: {  	[smem:$0x3FAC] =	sst s2  }
0xb: {  	[smem:$0x3FAD] =	sst s3  }
0xc: {  	[smem:$0x3FAE] =	sst s4  }
0xd: {  	[smem:$0x3FAF] =	sst s5  }
0xe: {  	[smem:$0x3FB0] =	sst s6  }
0xf: {  	[smem:$0x3FB1] =	sst s7  }
0x10: {  	[smem:$0x3FB2] =	sst s8  }
0x11: {  	[smem:$0x3FB3] =	sst s9;
	s0 =	simm.s32 @!p0 $0x0  }
0x12: {  	s1 =	sld [smem:$0x3F99];
	s0 =	simm.s32 @p0 $0x1  }
0x13: {  	[smem:$0x3FB4] =	sst s0;
	s0 =	simm.s32 @!p1 $0x0  }
0x14: {  	s2 =	sld [smem:$0x3F98];
	s0 =	simm.s32 @p1 $0x1  }
0x15: {  	[smem:$0x3FB5] =	sst s0;
	s0 =	simm.s32 @!p2 $0x0  }
0x16: {  	s3 =	sld [smem:$0x3FDB];
	s0 =	simm.s32 @p2 $0x1  }
0x17: {  	s4 =	simm.s32 $0x1BF5;
	[smem:$0x3FB7] =	sst s0  }
0x18: {  	s0 =	sld [smem:$0x3F9A];
	_ =	swait.ge [sflag:s4], $0x0  }
0x19: {  	s7 =	sld [smem:$0x3F9B]  }
0x1a: {  	s8 =	sadd.s32 $0xFFFFE003, lr  }
0x1b: {  	s9 =	sadd.s32 $0xFFFFFEF7, lr;
	s5 =	simm.s32 $0xFFFFFFFF;
	p2 =	slt.u32 s8, $0xFFFFF086  }
0x1c: {  	p1 =	slt.u32 s9, $0xF7A;
	s5 =	simm.s32 @!p2 $0x0  }
0x1d: {  	s5 =	simm.s32 @p1 $0x1;
	p0 =	seq.s32 s7, s2  }
0x1e: {  	s7 =	smul.u32 @!p0 $0xF7A, s2;
	p2 =	seq.s32 @!p0 s5, $0x0  }
0x1f: {  	s9 =	smul.u32 $0xF7A, s1;
	s8 =	simm.s32 @!p0 $0x1BF5;
	p2 =	por !p2, p0  }
0x20: {  	[sflag:s8] =	ssyncset.s32 @!p0 $0xFFFFF086;
	s6 =	sadd.s32 @!p0 s3, s7;
	s7 =	simm.s32 @!p0 $0x108  }
0x21: {  	s3 =	sadd.s32 s3, s9;
	s6 =	sadd.s32 @!p0 $0x88, s6;
	s7 =	simm.s32 @p2 $0x1082  }
0x22: {  	[simem:s7], [sflag:s8] =	dma.local @!p0 [hbm:s6], $0xF7A  }
0x23: {  	s9 =	sor.u32 $0xD0000000, s2;
	s6 =	simm.s32 $0x108;
	_ =	swait.ge @!p0 [sflag:s8], $0x0  }
0x24: {  	s3 =	sadd.s32 $0x88, s3;
	s6 =	simm.s32 @!p1 $0x1082;
	[sflag:s4] =	ssyncset.s32 $0xFFFFF086  }
0x25: {  	[simem:s6], [sflag:s4] =	dma.local [hbm:s3], $0xF7A  }
0x26: {  	[smem:$0x3F9B] =	sst s1;
	(tag) =	ssettag s2;
	_ =	strace s9  }
0x27: {  	s1 =	sld [smem:$0x3FAB]  }
0x28: {  	s2 =	sld [smem:$0x3FAC]  }
0x29: {  	s4 =	sld [smem:$0x3FAE]  }
0x2a: {  	p0 =	seq.s32 s5, $0x0;
	s5 =	sld [smem:$0x3FAF]  }
0x2b: {  	s6 =	sld [smem:$0x3FB0]  }
0x2c: {  	s7 =	sld [smem:$0x3FB1]  }
0x2d: {  	s3 =	simm.s32 $0x108;
	s8 =	sld [smem:$0x3FB2]  }
0x2e: {  	s3 =	simm.s32 @!p0 $0x1082;
	s9 =	sld [smem:$0x3FB3]  }
0x2f: {  	lr =	sadd.s32 s0, s3;
	s0 =	sld [smem:$0x3FAA]  }
0x30: {  	s3 =	sld [smem:$0x3FAD]  }
0x31: {  	[smem:$0x3FB6] =	sst s10  }
0x32: {  	s10 =	sld [smem:$0x3FB4];
	_ =	sdelay $0x3  }
0x33: {  	p0 =	seq.s32 s10, $0x1;
	s10 =	sld [smem:$0x3FB6];
	_ =	sdelay $0x3  }
0x34: {  	[smem:$0x3FB6] =	sst s10  }
0x35: {  	s10 =	sld [smem:$0x3FB5];
	_ =	sdelay $0x3  }
0x36: {  	p1 =	seq.s32 s10, $0x1;
	s10 =	sld [smem:$0x3FB6];
	_ =	sdelay $0x3  }
0x37: {  	[smem:$0x3FB6] =	sst s10  }
0x38: {  	s10 =	sld [smem:$0x3FB7]  }
0x39: {  	_ = 	snop;
	(pc) =	sbr.ind lr, $3  }
0x3a: {  	_ = 	snop  }
0x3b: {  	_ = 	snop  }
0x3c: {  	p2 =	seq.s32 s10, $0x1;
	s10 =	sld [smem:$0x3FB6]  }
0x3d: {  	_ =	shalt  }
0x3e: {  	_ =	shalt  }
0x3f: {  	_ =	shalt  }
0x40: {  	_ =	shalt  }
0x41: {  	_ =	shalt  }
0x42: {  	_ =	shalt  }
0x43: {  	_ =	shalt  }
0x44: {  	_ =	shalt  }
0x45: {  	_ =	shalt  }
0x46: {  	_ =	shalt  }
0x47: {  	_ =	shalt  }
0x48: {  	_ =	shalt  }
0x49: {  	_ =	shalt  }
0x4a: {  	_ =	shalt  }
0x4b: {  	_ =	shalt  }
0x4c: {  	_ =	shalt  }
0x4d: {  	_ =	shalt  }
0x4e: {  	_ =	shalt  }
0x4f: {  	_ =	shalt  }
0x50: {  	_ =	shalt  }
0x51: {  	_ =	shalt  }
0x52: {  	_ =	shalt  }
0x53: {  	_ =	shalt  }
0x54: {  	_ =	shalt  }
0x55: {  	_ =	shalt  }
0x56: {  	_ =	shalt  }
0x57: {  	_ =	shalt  }
0x58: {  	_ =	shalt  }
0x59: {  	_ =	shalt  }
0x5a: {  	_ =	shalt  }
0x5b: {  	_ =	shalt  }
0x5c: {  	_ =	shalt  }
0x5d: {  	_ =	shalt  }
0x5e: {  	_ =	shalt  }
0x5f: {  	_ =	shalt  }
0x60: {  	_ =	shalt  }
0x61: {  	_ =	shalt  }
0x62: {  	_ =	shalt  }
0x63: {  	_ =	shalt  }
0x64: {  	_ =	shalt  }
0x65: {  	_ =	shalt  }
0x66: {  	_ =	shalt  }
0x67: {  	_ =	shalt  }
0x68: {  	_ =	shalt  }
0x69: {  	_ =	shalt  }
0x6a: {  	_ =	shalt  }
0x6b: {  	_ =	shalt  }
0x6c: {  	_ =	shalt  }
0x6d: {  	_ =	shalt  }
0x6e: {  	_ =	shalt  }
0x6f: {  	_ =	shalt  }
0x70: {  	_ =	shalt  }
0x71: {  	_ =	shalt  }
0x72: {  	_ =	shalt  }
0x73: {  	_ =	shalt  }
0x74: {  	_ =	shalt  }
0x75: {  	_ =	shalt  }
0x76: {  	_ =	shalt  }
0x77: {  	_ =	shalt  }
0x78: {  	_ =	shalt  }
0x79: {  	_ =	shalt  }
0x7a: {  	_ =	shalt  }
0x7b: {  	_ =	shalt  }
0x7c: {  	_ =	shalt  }
0x7d: {  	_ =	shalt  }
0x7e: {  	_ =	shalt  }
0x7f: {  	_ =	shalt  }
0x80: {  	_ =	shalt  }
0x81: {  	_ =	shalt  }
0x82: {  	_ =	shalt  }
0x83: {  	_ =	shalt  }
0x84: {  	_ =	shalt  }
0x85: {  	_ =	shalt  }
0x86: {  	_ =	shalt  }
0x87: {  	_ =	shalt  }
.Lfunc_end0:
.L_simem_size_0:
called_computation_lowered:
.L_overlay_start_0:
0x88: {  	s2 =	sld [smem:$0x3FD9]  }
0x89: {  	s3 =	sld [smem:$0x3FFE];
	_ =	sdelay $0x1  }
0x8a: {  	s1 =	srdreg.scid  }
0x8b: {  	s0 =	sand.u32 $0x1, s1  }
0x8c: {  	s17 =	sshll.u32 s0, $0xA;
	s2 =	sadd.s32 s3, s2  }
0x8d: {  	s2 =	sadd.s32 s2, s17  }
0x8e: {  	[smem:$0x3FC2] =	sst s2  }
0x8f: {  	_ = 	snop  }
0x90: {  	s2 =	sld [smem:$0x3FD0];
	(tm) =	ssettm $0x1  }
0x91: {  	s18 =	sld [smem:$0x3FFB];
	_ =	sdelay $0x3  }
0x92: {  	_ =	strace s18  }
0x93: {  	s3 =	sld [smem:$0x3FFC];
	_ =	sdelay $0x3  }
0x94: {  	_ =	strace s3  }
0x95: {  	s3 =	sld [smem:$0x3FFD];
	_ =	sdelay $0x3  }
0x96: {  	_ =	strace s3  }
0x97: {  	_ =	strace $0x8FFFFFFF  }
0x98: {  	s19 =	sld [smem:$0x3FDB];
	_ =	sdelay $0x1  }
0x99: {  	s4 =	simm.s32 $_scs_section_size  }
0x9a: {  	s5 =	simm.s32 $_size__tile_overlayer_lowered;
	s6 =	simm.s32 $_tile_overlayer_lowered  }
0x9b: {  	s22 =	simm.s32 $0x1BFF;
	s21 =	sshll.u32 s6, $0x1;
	s3 =	sadd.s32 s4, s19  }
0x9c: {  	s7 =	simm.s32 $0x0;
	s20 =	sshll.u32 s5, $0x1;
	s5 =	sadd.s32 s21, s3  }
0x9d: {  	[timem:s7], [sflag:s22] =	dma.local [hbm:s5], s20  }
0x9e: {  	_ =	swait.ge [sflag:s22], s20  }
0x9f: {  	s4 =	ssub.s32 $0x0, s20;
	[sflag:s22] =	ssyncset.done $0x0  }
0xa0: {  	[sflag:s22] =	ssyncadd.s32 s4;
	_ =	sdelay $0x1  }
0xa1: {  	s23 =	simm.s32 $0x1B8B  }
0xa2: {  	_ =	swait.ge [sflag:s23], $0x1  }
0xa3: {  	[sflag:s23] =	ssyncset.done $0x0  }
0xa4: {  	s25 =	simm.s32 $0x1B8E;
	s24 =	sld [smem:$0x3FFE];
	[sflag:s23] =	ssyncadd.s32 $0xFFFFFFFF  }
0xa5: {  	s26 =	simm.s32 $execute0_lowered;
	[smem:$0x3FD2] =	sst s25  }
0xa6: {  	s5 =	sshll.u32 s26, $0x1;
	_ =	strace $0x80000046;
	[dreg:$0x1] =	wrdreg $0xFFFFFFFF  }
0xa7: {  	s28 =	simm.s32 $_size_execute0_lowered;
	s3 =	sadd.s32 s3, s5;
	[dreg:$0x0] =	wrdreg $0x0  }
0xa8: {  	s5 =	sshll.u32 s28, $0x1;
	[dreg:$0x2] =	wrdreg s3  }
0xa9: {  	[dreg:$0x3] =	wrdreg s5  }
0xaa: {  	[dreg:$0x4] =	wrdreg $0xC0  }
0xab: {  	_ =	task [dreg:s7], $0x5FFFF  }
0xac: {  	[dreg:$0x1] =	wrdreg $0xFFFFFFFF  }
0xad: {  	[dreg:$0x0] =	wrdreg $0x60  }
0xae: {  	[dreg:$0x2] =	wrdreg s24  }
0xaf: {  	[dreg:$0x3] =	wrdreg s2  }
0xb0: {  	[dreg:$0x4] =	wrdreg $0x127E00  }
0xb1: {  	[dreg:$0x5] =	wrdreg $0x9  }
0xb2: {  	_ =	task.clear_ibuf [dreg:s7], $0x6FFFF;
	_ =	strace $0x90000046  }
0xb3: {  	s29 =	simm.s32 $0x9;
	_ =	strace $0x80000048  }
0xb4: {  	_ =	swait.ge [sflag:s29], $0x1  }
0xb5: {  	[sflag:s29] =	ssyncadd.s32 $0xFFFFFFFF  }
0xb6: {  	_ =	strace $0x90000048  }
0xb7: {  	_ =	sfence  }
0xb8: {  	s30 =	sld [smem:$0x0];
	_ =	sdelay $0x2  }
0xb9: {  	s31 =	sshll.u32 s1, $0xD;
	s1 =	sshrl.u32 s1, $0x2  }
0xba: {  	s3 =	sand.u32 $0x4000, s31;
	s1 =	sadd.s32 s1, s30  }
0xbb: {  	s0 =	sor.u32 s3, s0;
	s1 =	sshll.u32 s1, $0x11  }
0xbc: {  	s0 =	sor.u32 s1, s0  }
0xbd: {  	s0 =	sadd.s32 $0x8F2B, s0  }
0xbe: {  	[sflag:s0] =	ssyncadd.remote.s32 $0x1  }
0xbf: {  	_ =	sfence.sel $0xFFFF  }
0xc0: {  	[dreg:$0x0] =	wrdreg $0xFFFFFFFF;
	(pc) =	sbr.abs _section_cstart, $3  }
0xc1: {  	[dreg:$0x1] =	wrdreg $0xFFFFFFFF  }
0xc2: {  	_ =	task.clear_ibuf [dreg:s7], $0x2FFFF;
	_ =	strace $0x9FFFFFFF  }
0xc3: {  	(tm) =	ssettm $0x7FFFFFFF  }
tec
execute0_lowered:
.L_overlay_start_1:
0x0: {  	(tag) =	ssettag $0x1  }
0x1: {  	s1 =	rddreg [dreg:$0x0]  }
0x2: {  	s0 =	srdreg.scid;
	s2 =	rddreg [dreg:$0x1]  }
0x3: {  	s20 =	stileid.u32;
	s4 =	rddreg [dreg:$0x2];
	s6 =	simm.s32 $0x0  }
0x4: {  	s30 =	simm.s32 $0xC7E0;
	s31 =	simm.s32 $0xD;
	s3 =	smul.u32 $0x4F80, s20  }
0x5: {  	s28 =	simm.s32 $0x5;
	s0 =	sand.u32 $0x1, s0;
	s10 =	smul.u32 $0x271, s20  }
0x6: {  	[smem:$0x7FF] =	sst s6;
	s24 =	sadd.s32 $0x27200, s1;
	s12 =	smul.u32 $0x28000, s20  }
0x7: {  	s25 =	sadd.s32 $0x27800, s1;
	s8 =	sadd.s32 $0x45800, s1;
	s26 =	smul.u32 $0x13880, s20  }
0x8: {  	s5 =	smul.u32 $0x4F800, s0;
	_ =	strace $0x80000047;
	[dreg:$0x4] =	wrdreg s24  }
0x9: {  	[dreg:$0x5] =	wrdreg s25;
	s9 =	ssub.s32 $0x2, s0;
	s14 =	sshll.u32 s0, $0x6  }
0xa: {  	s6 =	sshrl.u32 s3, $0x3;
	s11 =	sshrl.u32 s9, $0x1;
	s13 =	sadd.s32 $0x7D, s10  }
0xb: {  	s12 =	sshrl.u32 s12, $0x2;
	s16 =	sadd.s32 $0x177, s10;
	s5 =	sadd.s32 s3, s5  }
0xc: {  	s7 =	sadd.s32 s6, s1;
	s9 =	ssub.s32 s9, s11;
	s15 =	sshll.u32 s13, $0x7  }
0xd: {  	s21 =	sadd.s32 s12, s4;
	s11 =	sor.u32 s14, s26;
	s18 =	sshll.u32 s16, $0x7  }
0xe: {  	s6 =	sadd.s32 s8, s6;
	s5 =	sshrl.u32 s5, $0x3;
	s29 =	sor.u32 s14, s15  }
0xf: {  	s15 =	sadd.s32 $0xFA, s10;
	s10 =	sadd.s32 $0x1F4, s10;
	s18 =	sor.u32 s14, s18  }
0x10: {  	s22 =	sadd.s32 $0x2000, s21;
	s11 =	sshrl.u32 s11, $0x3;
	[dreg:$0x6] =	wrdreg s21  }
0x11: {  	s7 =	sadd.s32 $0x3B800, s7;
	[dreg:$0xf] =	wrdreg s6;
	s5 =	sadd.s32 s5, s1  }
0x12: {  	s17 =	sshll.u32 s15, $0x7;
	s19 =	sshll.u32 s10, $0x7;
	[dreg:$0x7] =	wrdreg s22  }
0x13: {  	s12 =	sshrl.u32 s29, $0x3;
	s11 =	sadd.s32 s2, s11;
	s25 =	sshrl.u32 s18, $0x3  }
0x14: {  	s29 =	smul.u32 $0x27100, s20;
	[dreg:$0xe] =	wrdreg s7;
	s18 =	sshll.u32 s15, $0x6  }
0x15: {  	s20 =	sshll.u32 s10, $0x6;
	s7 =	simm.s32 $0x80;
	s10 =	simm.s32 $0xE7E0  }
0x16: {  	s15 =	simm.s32 $0x7;
	s17 =	sor.u32 s14, s17;
	s14 =	sor.u32 s14, s19  }
0x17: {  	[dreg:$0x8] =	wrdreg s11;
	s23 =	sadd.s32 s2, s12;
	s5 =	sadd.s32 $0x27A00, s5  }
0x18: {  	s19 =	sshll.u32 s16, $0x6;
	s22 =	sadd.s32 s20, s4;
	s16 =	simm.s32 $0x107E0  }
0x19: {  	s20 =	simm.s32 $0x2;
	[dreg:$0x9] =	wrdreg s23;
	s24 =	sshrl.u32 s17, $0x3  }
0x1a: {  	s26 =	sshrl.u32 s14, $0x3;
	[dreg:$0xd] =	wrdreg s5;
	s12 =	sshrl.u32 s29, $0x2  }
0x1b: {  	s14 =	sshll.u32 s13, $0x6;
	[dreg:$0x14] =	wrdreg s22;
	s23 =	smax.u32 s9, $0x1  }
0x1c: {  	s29 =	sadd.s32 $0x10, s6;
	s6 =	simm.s32 $0x40;
	[dreg:$0x15] =	wrdreg s23  }
0x1d: {  	s13 =	simm.s32 $0x1;
	s11 =	sadd.s32 s2, s24;
	[dreg:$0x19] =	wrdreg s29  }
0x1e: {  	s22 =	simm.s32 $0x8;
	s17 =	sadd.s32 s14, s4;
	[dreg:$0xa] =	wrdreg s11  }
0x1f: {  	s9 =	simm.s32 $0x0;
	s24 =	sadd.s32 $0x4000, s21;
	[dreg:$0x11] =	wrdreg s17  }
0x20: {  	s14 =	simm.s32 $0xA;
	s11 =	sadd.s32 s2, s25;
	[dreg:$0x16] =	wrdreg s24  }
0x21: {  	s23 =	simm.s32 $0x4;
	s2 =	sadd.s32 s2, s26;
	[dreg:$0xb] =	wrdreg s11  }
0x22: {  	s25 =	sadd.s32 $0x6000, s21;
	s26 =	sadd.s32 $0x8000, s21;
	[dreg:$0xc] =	wrdreg s2  }
0x23: {  	s21 =	simm.s32 $0xB;
	s24 =	simm.s32 $0x3;
	[dreg:$0x17] =	wrdreg s25  }
0x24: {  	s11 =	smul.u32 $0x2720, s0;
	s0 =	sadd.s32 s12, s4;
	[dreg:$0x18] =	wrdreg s26  }
0x25: {  	s2 =	simm.s32 $0xC620;
	[dreg:$0x10] =	wrdreg s0;
	s0 =	sadd.s32 s18, s4  }
0x26: {  	s25 =	simm.s32 $0xC;
	[dreg:$0x12] =	wrdreg s0;
	s0 =	sadd.s32 s19, s4  }
0x27: {  	v1 =	vimm.f32 $0.0e+00;
	s26 =	simm.s32 $0x9;
	v0 =	vmov s11;
	[dreg:$0x13] =	wrdreg s0;
	s0 =	simm.s32 $0x9F00  }
.LBB2_1:
0x28: {  	[dreg:$0x1a] =	wrdreg s9;
	s9 =	simm.s32 $0x100;
	s5 =	simm.s32 $0x0  }
.LBB2_2:
0x29: {  	p0 =	sne.s32 s9, $0x7F00;
	[tilespmem:s5+$0xC810] =	vst v1;
	s11 =	smov.u32 s9;
	s9 =	sadd.s32 $0x100, s9  }
.Ltmp0:
0x2a: {  	[tilespmem:s5+$0xC800] =	vst v1;
	(pc) =	sbr.rel @p0 .LBB2_2-.Ltmp0, $3  }
0x2b: {  	[tilespmem:s5+$0xC7E0] =	vst v1  }
0x2c: {  	[tilespmem:s5+$0xC7F0] =	vst v1;
	_ =	sdelay $0x1  }
0x2d: {  	s5 =	sshra.s32 s11, $0x2  }
0x2e: {  	[tilespmem:s5+$0xC810] =	vst v1  }
0x2f: {  	[tilespmem:s5+$0xC800] =	vst v1  }
0x30: {  	[tilespmem:s5+$0xC7E0] =	vst v1  }
0x31: {  	[tilespmem:s5+$0xC7F0] =	vst v1;
	s18 =	rddreg [dreg:$0x6]  }
0x32: {  	[spmem:s18] =	stream.linear.scatter [tilespmem:s30], [sflag:$0xD], $0x2000, $0x38;
	[tilespmem:$0x1C7E0] =	vst v63  }
0x33: {  	_ =	swait.ge [sflag:s31], $0x2000  }
0x34: {  	[sflag:s31] =	ssyncset.done $0x0  }
0x35: {  	s19 =	rddreg [dreg:$0x7];
	[sflag:s31] =	ssyncadd.s32 $0xFFFFE000  }
0x36: {  	[spmem:s19] =	stream.linear.scatter [tilespmem:s30], [sflag:$0xD], $0x2000, $0x38;
	[tilespmem:$0x1C7E0] =	vst v63  }
0x37: {  	_ =	swait.ge [sflag:s31], $0x2000  }
0x38: {  	[sflag:s31] =	ssyncset.done $0x0  }
0x39: {  	s29 =	rddreg [dreg:$0x16];
	[sflag:s31] =	ssyncadd.s32 $0xFFFFE000  }
0x3a: {  	[spmem:s29] =	stream.linear.scatter [tilespmem:s30], [sflag:$0xD], $0x2000, $0x38;
	[tilespmem:$0x1C7E0] =	vst v63  }
0x3b: {  	_ =	swait.ge [sflag:s31], $0x2000  }
0x3c: {  	[sflag:s31] =	ssyncset.done $0x0  }
0x3d: {  	s9 =	rddreg [dreg:$0x17];
	[sflag:s31] =	ssyncadd.s32 $0xFFFFE000  }
0x3e: {  	[spmem:s9] =	stream.linear.scatter [tilespmem:s30], [sflag:$0xD], $0x2000, $0x38;
	[tilespmem:$0x1C7E0] =	vst v63  }
0x3f: {  	_ =	swait.ge [sflag:s31], $0x2000  }
0x40: {  	[sflag:s31] =	ssyncset.done $0x0  }
0x41: {  	s11 =	rddreg [dreg:$0x18];
	[sflag:s31] =	ssyncadd.s32 $0xFFFFE000  }
0x42: {  	[spmem:s11] =	stream.linear.scatter [tilespmem:s30], [sflag:$0xD], $0x2000, $0x38;
	[tilespmem:$0x1C7E0] =	vst v63  }
0x43: {  	_ =	swait.ge [sflag:s31], $0x2000  }
0x44: {  	[sflag:s31] =	ssyncset.done $0x0  }
0x45: {  	[sflag:s31] =	ssyncadd.s32 $0xFFFFE000  }
0x46: {  	[bflag:$0x0] =	sbarrier.arrive $0xFFFF  }
0x47: {  	s9 =	simm.s32 $0x0;
	s12 =	rddreg [dreg:$0xd]  }
0x48: {  	[tilespmem:s9], [sflag:$0xD] =	stream.linear.gather [hbm4b:s12+s9], $0x4F80, $0x38;
	[tilespmem:$0x1C7E0] =	vst v63  }
0x49: {  	_ =	swait.ge [sflag:s31], $0x4F80  }
0x4a: {  	[sflag:s31] =	ssyncset.done $0x0  }
0x4b: {  	s11 =	simm.s32 $0x4F80;
	s17 =	rddreg [dreg:$0xe];
	[sflag:s31] =	ssyncadd.s32 $0xFFFFB080  }
0x4c: {  	[tilespmem:s11], [sflag:$0xD] =	stream.linear.gather [hbm4b:s17+s9], $0x4F80, $0x38;
	[tilespmem:$0x1C7E0] =	vst v63  }
0x4d: {  	_ =	swait.ge [sflag:s31], $0x4F80  }
0x4e: {  	[sflag:s31] =	ssyncset.done $0x0  }
0x4f: {  	s18 =	rddreg [dreg:$0x4];
	[sflag:s31] =	ssyncadd.s32 $0xFFFFB080  }
0x50: {  	[tilespmem:s0], [sflag:$0xD] =	stream.linear.gather [hbm4b:s18+s9], $0x2720, $0x38;
	[tilespmem:$0x1C7E0] =	vst v63  }
0x51: {  	_ =	swait.ge [sflag:s31], $0x2720  }
0x52: {  	[sflag:s31] =	ssyncset.done $0x0  }
0x53: {  	s19 =	rddreg [dreg:$0x5];
	[sflag:s31] =	ssyncadd.s32 $0xFFFFD8E0  }
0x54: {  	[tilespmem:s2], [sflag:$0xD] =	stream.linear.gather [hbm4b:s19+s9], $0x40, $0x38;
	[tilespmem:$0x1C7E0] =	vst v63  }
0x55: {  	_ =	swait.ge [sflag:s31], $0x40  }
0x56: {  	[sflag:s31] =	ssyncset.done $0x0  }
0x57: {  	[sflag:s31] =	ssyncadd.s32 $0xFFFFFFC0  }
0x58: {  	[tilespmem:s30], [sflag:$0x1] =	stream.indirect.gather [hbm4b:s1+s6], $0x40, s9, s6, $0xb8;
	[tilespmem:$0x1C7E0] =	vst v63  }
0x59: {  	s29 =	simm.s32 $0xD7E0  }
0x5a: {  	[tilespmem:s29], [sflag:$0xA] =	stream.indirect.gather [hbm4b:s1+s6], $0x40, s6, s6, $0xb8;
	[tilespmem:$0x1C7E0] =	vst v63  }
0x5b: {  	_ = 	snop  }
0x5c: {  	[tilespmem:s10], [sflag:$0x2] =	stream.indirect.gather [hbm4b:s1+s6], $0x40, s7, s6, $0xb8;
	[tilespmem:$0x1C7E0] =	vst v63  }
0x5d: {  	s12 =	simm.s32 $0xF7E0;
	s11 =	simm.s32 $0xC0  }
0x5e: {  	[tilespmem:s12], [sflag:$0xB] =	stream.indirect.gather [hbm4b:s1+s6], $0x40, s11, s6, $0xb8;
	[tilespmem:$0x1C7E0] =	vst v63  }
0x5f: {  	s18 =	simm.s32 $0xC660;
	s17 =	rddreg [dreg:$0xf]  }
0x60: {  	[tilespmem:s18], [sflag:$0x7] =	stream.linear.gather [hbm4b:s17+s9], $0x80, $0x38;
	[tilespmem:$0x1C7E0] =	vst v63  }
0x61: {  	s19 =	rddreg [dreg:$0x19];
	s29 =	simm.s32 $0xC6E0  }
0x62: {  	[tilespmem:s29], [sflag:$0x8] =	stream.linear.gather [hbm4b:s19+s9], $0x80, $0x38;
	[tilespmem:$0x1C7E0] =	vst v63  }
.LBB2_4:
0x63: {  	_ =	swait.ge [sflag:s13], $0x1000  }
0x64: {  	[sflag:s13] =	ssyncset.done $0x0  }
0x65: {  	s5 =	smul.u32 $0x600, s9;
	[sflag:s13] =	ssyncadd.s32 $0xFFFFF000  }
0x66: {  	_ =	swait.ge [sflag:s14], $0x1000  }
0x67: {  	s11 =	sshra.s32 s5, $0x2;
	[sflag:s14] =	ssyncset.done $0x0  }
0x68: {  	v2 =	vmov s11;
	[sflag:s14] =	ssyncadd.s32 $0xFFFFF000  }
0x69: {  	_ =	swait.ge [sflag:s15], $0x80  }
0x6a: {  	[sflag:s15] =	ssyncset.done $0x0  }
0x6b: {  	p0 =	por $0x1, $0x1;
	s12 =	simm.s32 $0x0;
	[sflag:s15] =	ssyncadd.s32 $0xFFFFFF80  }
.LBB2_5:
0x6c: {  	s29 =	sshll.u32 s12, $0x4  }
0x6d: {  	v3 =	vld.idx.msk [tilespmem:v2+s29+$0x0 ss:$0x1], $0xffff;
	_ =	sdelay $0x2  }
0x6e: {  	v5 =	vld [tilespmem:s29+$0xC660];
	_ =	sdelay $0x1  }
0x6f: {  	v4 =	vsub.s32 v3, v0  }
0x70: {  	v3 =	vand.u32 $0x7, v3;
	v4 =	vand.u32 $0xFFFFFFF8, v4  }
0x71: {  	v3 =	vor.u32 v3, v4;
	_ =	sdelay $0x3  }
0x72: {  	v26 =	vld.idx.msk [tilespmem:v5+s2+$0x0], $0xffff  }
0x73: {  	v3 =	vld.idx.msk [tilespmem:v3+s0+$0x0], $0xffff;
	_ =	sdelay $0x4  }
0x74: {  	v3 =	vadd.f32 v26, v3;
	_ =	sdelay $0x1  }
0x75: {  	v3 =	vsub.f32 $0.0e+00, v3;
	_ =	sdelay $0x1  }
0x76: {  	v3 =	vmul.f32 $1.442695020e+00, v3;
	_ =	sdelay $0x1  }
0x77: {  	(erf) = vpow2.f32 v3;
	_ =	sdelay $0x8  }
0x78: {  	v3 =	vpop (erf)  }
0x79: {  	v3 =	vadd.f32 $1.000000000e+00, v3;
	_ =	sdelay $0x1  }
0x7a: {  	(erf) = vrcp.f32 v3;
	_ =	sdelay $0x4  }
0x7b: {  	s18 =	sshll.u32 s12, $0xA  }
0x7c: {  	s18 =	sand.u32 $0x3FFFFC00, s18  }
0x7d: {  	v3 =	vld [tilespmem:s18+$0xC7E0]  }
0x7e: {  	v27 =	vld [tilespmem:s18+$0xC7F0]  }
0x7f: {  	v8 =	vld [tilespmem:s18+$0xC810];
	v4 =	vpop (erf)  }
0x80: {  	v6 =	vld [tilespmem:s18+$0xC800];
	v7 =	vbroadcast v4, $0x0  }
0x81: {  	v10 =	vld [tilespmem:s18+$0xC830]  }
0x82: {  	v9 =	vld [tilespmem:s18+$0xC820];
	v3 =	vmul.f32 v7, v3  }
0x83: {  	v12 =	vld [tilespmem:s18+$0xC850];
	v5 =	vmul.f32 v7, v27  }
0x84: {  	v11 =	vld [tilespmem:s18+$0xC840];
	v28 =	vbroadcast v4, $0x1;
	v29 =	vmul.f32 v7, v8;
	[tilespmem:s18+$0xC7E0] =	vst v3  }
0x85: {  	v31 =	vld [tilespmem:s18+$0xC870];
	v3 =	vmul.f32 v7, v6;
	[tilespmem:s18+$0xC7F0] =	vst v5  }
0x86: {  	v30 =	vld [tilespmem:s18+$0xC860];
	v32 =	vmul.f32 v10, v28;
	[tilespmem:s18+$0xC810] =	vst v29  }
0x87: {  	v35 =	vld [tilespmem:s18+$0xC890];
	[tilespmem:s18+$0xC800] =	vst v3;
	v3 =	vmul.f32 v9, v28  }
0x88: {  	v33 =	vld [tilespmem:s18+$0xC880];
	v34 =	vbroadcast v4, $0x2;
	v36 =	vmul.f32 v12, v28;
	[tilespmem:s18+$0xC830] =	vst v32  }
0x89: {  	v38 =	vld [tilespmem:s18+$0xC8B0];
	[tilespmem:s18+$0xC820] =	vst v3;
	v3 =	vmul.f32 v11, v28  }
0x8a: {  	v37 =	vld [tilespmem:s18+$0xC8A0];
	v39 =	vmul.f32 v31, v34;
	[tilespmem:s18+$0xC850] =	vst v36  }
0x8b: {  	v42 =	vld [tilespmem:s18+$0xC8D0];
	[tilespmem:s18+$0xC840] =	vst v3;
	v3 =	vmul.f32 v30, v34  }
0x8c: {  	v40 =	vld [tilespmem:s18+$0xC8C0];
	v41 =	vbroadcast v4, $0x3;
	v43 =	vmul.f32 v35, v34;
	[tilespmem:s18+$0xC870] =	vst v39  }
0x8d: {  	v45 =	vld [tilespmem:s18+$0xC8F0];
	[tilespmem:s18+$0xC860] =	vst v3;
	v3 =	vmul.f32 v33, v34  }
0x8e: {  	v44 =	vld [tilespmem:s18+$0xC8E0];
	v46 =	vmul.f32 v38, v41;
	[tilespmem:s18+$0xC890] =	vst v43  }
0x8f: {  	[tilespmem:s18+$0xC880] =	vst v3;
	v3 =	vmul.f32 v37, v41  }
0x90: {  	v47 =	vbroadcast v4, $0x4;
	v48 =	vmul.f32 v42, v41;
	[tilespmem:s18+$0xC8B0] =	vst v46  }
0x91: {  	[tilespmem:s18+$0xC8A0] =	vst v3;
	v3 =	vmul.f32 v40, v41  }
0x92: {  	v49 =	vmul.f32 v45, v47;
	[tilespmem:s18+$0xC8D0] =	vst v48  }
0x93: {  	[tilespmem:s18+$0xC8C0] =	vst v3;
	v3 =	vmul.f32 v44, v47  }
0x94: {  	[tilespmem:s18+$0xC8F0] =	vst v49  }
0x95: {  	[tilespmem:s18+$0xC8E0] =	vst v3  }
0x96: {  	s19 =	sor.u32 $0x10, s29;
	v3 =	vld [tilespmem:s18+$0xC900]  }
0x97: {  	v50 =	vld.idx.msk [tilespmem:v2+s19+$0x0 ss:$0x1], $0xffff  }
0x98: {  	v51 =	vld [tilespmem:s18+$0xC910]  }
0x99: {  	v52 =	vld [tilespmem:s18+$0xC920]  }
0x9a: {  	v53 =	vld [tilespmem:s18+$0xC930]  }
0x9b: {  	v55 =	vld [tilespmem:s29+$0xC670]  }
0x9c: {  	v56 =	vld [tilespmem:s18+$0xC940]  }
0x9d: {  	v13 =	vld [tilespmem:s18+$0xC950]  }
0x9e: {  	v57 =	vld [tilespmem:s18+$0xC960];
	v54 =	vsub.s32 v50, v0  }
0x9f: {  	v14 =	vld [tilespmem:s18+$0xC970];
	v5 =	vand.u32 $0x7, v50;
	v10 =	vand.u32 $0xFFFFFFF8, v54  }
0xa0: {  	v15 =	vld [tilespmem:s18+$0xC980];
	v5 =	vor.u32 v5, v10  }
0xa1: {  	v16 =	vld [tilespmem:s18+$0xC990]  }
0xa2: {  	v17 =	vld [tilespmem:s18+$0xC9A0]  }
0xa3: {  	v18 =	vld [tilespmem:s18+$0xC9B0]  }
0xa4: {  	v11 =	vld.idx.msk [tilespmem:v55+s2+$0x0], $0xffff  }
0xa5: {  	v5 =	vld.idx.msk [tilespmem:v5+s0+$0x0], $0xffff  }
0xa6: {  	v19 =	vld [tilespmem:s18+$0xC9C0]  }
0xa7: {  	v20 =	vbroadcast v4, $0x5;
	v21 =	vld [tilespmem:s18+$0xC9D0];
	v3 =	vmul.f32 v3, v47  }
0xa8: {  	v58 =	vld [tilespmem:s18+$0xC9E0]  }
0xa9: {  	v59 =	vld [tilespmem:s18+$0xC9F0];
	[tilespmem:s18+$0xC900] =	vst v3;
	v3 =	vmul.f32 v52, v20  }
0xaa: {  	v61 =	vld [tilespmem:s18+$0xCA00];
	v6 =	vmul.f32 v51, v47;
	v5 =	vadd.f32 v11, v5  }
0xab: {  	v62 =	vbroadcast v4, $0x6;
	v63 =	vld [tilespmem:s18+$0xCA10];
	[tilespmem:s18+$0xC920] =	vst v3;
	v3 =	vmul.f32 v56, v20  }
0xac: {  	v24 =	vld [tilespmem:s18+$0xCA20];
	v60 =	vmul.f32 v53, v20;
	[tilespmem:s18+$0xC910] =	vst v6;
	v5 =	vsub.f32 $0.0e+00, v5  }
0xad: {  	v25 =	vld [tilespmem:s18+$0xCA30];
	[tilespmem:s18+$0xC940] =	vst v3;
	v3 =	vmul.f32 v57, v62  }
0xae: {  	v27 =	vld [tilespmem:s18+$0xCA40];
	v23 =	vmul.f32 v13, v20;
	[tilespmem:s18+$0xC930] =	vst v60;
	v5 =	vmul.f32 $1.442695020e+00, v5  }
0xaf: {  	v28 =	vbroadcast v4, $0x7;
	v29 =	vld [tilespmem:s18+$0xCA50];
	[tilespmem:s18+$0xC960] =	vst v3;
	v3 =	vmul.f32 v15, v62  }
0xb0: {  	v31 =	vld [tilespmem:s18+$0xCA60];
	v26 =	vmul.f32 v14, v62;
	[tilespmem:s18+$0xC950] =	vst v23;
	(erf) = vpow2.f32 v5  }
0xb1: {  	v32 =	vld [tilespmem:s18+$0xCA70];
	[tilespmem:s18+$0xC980] =	vst v3;
	v3 =	vmul.f32 v17, v28  }
0xb2: {  	v34 =	vld [tilespmem:s18+$0xCA80];
	v30 =	vmul.f32 v16, v62;
	[tilespmem:s18+$0xC970] =	vst v26  }
0xb3: {  	v35 =	vbroadcast v4, $0x8;
	v36 =	vld [tilespmem:s18+$0xCA90];
	[tilespmem:s18+$0xC9A0] =	vst v3;
	v3 =	vmul.f32 v19, v28  }
0xb4: {  	v37 =	vld [tilespmem:s18+$0xCAA0];
	v33 =	vmul.f32 v18, v28;
	[tilespmem:s18+$0xC990] =	vst v30  }
0xb5: {  	v38 =	vld [tilespmem:s18+$0xCAB0];
	[tilespmem:s18+$0xC9C0] =	vst v3;
	v3 =	vmul.f32 v58, v35  }
0xb6: {  	v40 =	vld [tilespmem:s18+$0xCAC0];
	v39 =	vmul.f32 v59, v35;
	[tilespmem:s18+$0xC9B0] =	vst v33  }
0xb7: {  	v41 =	vbroadcast v4, $0x9;
	v42 =	vld [tilespmem:s18+$0xCAD0];
	[tilespmem:s18+$0xC9E0] =	vst v3;
	v3 =	vmul.f32 v61, v35  }
0xb8: {  	v45 =	vld [tilespmem:s18+$0xCAE0];
	v44 =	vmul.f32 v63, v35;
	[tilespmem:s18+$0xC9F0] =	vst v39  }
0xb9: {  	v49 =	vld [tilespmem:s18+$0xCB00];
	[tilespmem:s18+$0xCA00] =	vst v3;
	v3 =	vmul.f32 v24, v41;
	v43 =	vpop (erf)  }
0xba: {  	v47 =	vld [tilespmem:s18+$0xCAF0];
	v48 =	vmul.f32 v25, v41;
	[tilespmem:s18+$0xCA10] =	vst v44;
	v46 =	vadd.f32 $1.000000000e+00, v43  }
0xbb: {  	s12 =	sshll.u32 s19, $0x6;
	v50 =	vbroadcast v4, $0xA;
	v51 =	vld [tilespmem:s18+$0xCB10];
	[tilespmem:s18+$0xCA20] =	vst v3;
	v3 =	vmul.f32 v27, v41  }
0xbc: {  	s12 =	sand.u32 $0x3FFFFC00, s12;
	v53 =	vld [tilespmem:s18+$0xCB20];
	[tilespmem:s18+$0xCA30] =	vst v48;
	v52 =	vmul.f32 v29, v41;
	(erf) = vrcp.f32 v46  }
0xbd: {  	v63 =	vld [tilespmem:s12+$0xC7F0];
	[tilespmem:s18+$0xCA40] =	vst v3;
	v3 =	vmul.f32 v31, v50  }
0xbe: {  	v25 =	vld [tilespmem:s12+$0xC800];
	v59 =	vmul.f32 v36, v50;
	v36 =	vbroadcast v4, $0xD;
	[tilespmem:s18+$0xCA50] =	vst v52  }
0xbf: {  	v54 =	vld [tilespmem:s18+$0xCB30];
	v57 =	vbroadcast v4, $0xB;
	[tilespmem:s18+$0xCA60] =	vst v3;
	v3 =	vmul.f32 v34, v50  }
0xc0: {  	v55 =	vmul.f32 v32, v50;
	v56 =	vld [tilespmem:s18+$0xCB40];
	[tilespmem:s18+$0xCA90] =	vst v59  }
0xc1: {  	v60 =	vld [tilespmem:s18+$0xCB60];
	v9 =	vmul.f32 v53, v36;
	[tilespmem:s18+$0xCA80] =	vst v3;
	v3 =	vmul.f32 v37, v57  }
0xc2: {  	v30 =	vld [tilespmem:s18+$0xCB70];
	[tilespmem:s18+$0xCA70] =	vst v55;
	v62 =	vmul.f32 v38, v57  }
0xc3: {  	[tilespmem:s18+$0xCB20] =	vst v9;
	v61 =	vld [tilespmem:s12+$0xC7E0]  }
0xc4: {  	v8 =	vmul.f32 v40, v57;
	v26 =	vmul.f32 v42, v57;
	[tilespmem:s18+$0xCAB0] =	vst v62;
	v58 =	vld [tilespmem:s18+$0xCB50]  }
0xc5: {  	v33 =	vld [tilespmem:s18+$0xCBA0];
	v42 =	vmul.f32 v56, v36;
	v5 =	vmul.f32 v21, v28;
	[tilespmem:s18+$0xCAA0] =	vst v3;
	v3 =	vpop (erf)  }
0xc6: {  	[tilespmem:s18+$0xCAC0] =	vst v8;
	v24 =	vbroadcast v4, $0xC;
	v28 =	vld [tilespmem:s12+$0xC810];
	v27 =	vbroadcast v3, $0x0  }
0xc7: {  	v32 =	vld [tilespmem:s18+$0xCB90];
	[tilespmem:s18+$0xCAD0] =	vst v26;
	v11 =	vmul.f32 v54, v36  }
0xc8: {  	[tilespmem:s18+$0xCB40] =	vst v42;
	v35 =	vld [tilespmem:s18+$0xCBC0];
	v29 =	vmul.f32 v45, v24;
	v6 =	vmul.f32 v27, v61  }
0xc9: {  	[tilespmem:s18+$0xCB30] =	vst v11;
	v45 =	vmul.f32 v58, v36;
	v36 =	vld [tilespmem:s29+$0xC680];
	v7 =	vmul.f32 v27, v63  }
0xca: {  	v31 =	vld [tilespmem:s18+$0xCB80];
	v21 =	vmul.f32 v27, v25;
	[tilespmem:s12+$0xC7E0] =	vst v6  }
0xcb: {  	v34 =	vld [tilespmem:s18+$0xCBB0];
	v16 =	vmul.f32 v27, v28;
	[tilespmem:s12+$0xC7F0] =	vst v7  }
0xcc: {  	s17 =	sor.u32 $0x20, s29;
	v37 =	vld [tilespmem:s18+$0xCBD0];
	[tilespmem:s12+$0xC800] =	vst v21  }
0xcd: {  	v63 =	vld.idx.msk [tilespmem:v2+s17+$0x0 ss:$0x1], $0xffff;
	[tilespmem:s12+$0xC810] =	vst v16  }
0xce: {  	[tilespmem:s18+$0xC9D0] =	vst v5;
	v13 =	vmul.f32 v47, v24;
	v39 =	vld [tilespmem:s18+$0xCC20]  }
0xcf: {  	v10 =	vmul.f32 v49, v24;
	[tilespmem:s18+$0xCAE0] =	vst v29;
	v40 =	vld [tilespmem:s18+$0xCC30]  }
0xd0: {  	v38 =	vmul.f32 v51, v24;
	[tilespmem:s18+$0xCAF0] =	vst v13;
	v43 =	vbroadcast v4, $0xE;
	v41 =	vld [tilespmem:s18+$0xCC40]  }
0xd1: {  	[tilespmem:s18+$0xCB00] =	vst v10;
	v44 =	vld [tilespmem:s18+$0xCC50]  }
0xd2: {  	[tilespmem:s18+$0xCB10] =	vst v38;
	v47 =	vmul.f32 v60, v43;
	v46 =	vld [tilespmem:s18+$0xCC60]  }
0xd3: {  	[tilespmem:s18+$0xCB50] =	vst v45;
	v49 =	vmul.f32 v30, v43;
	v48 =	vld [tilespmem:s18+$0xCC70]  }
0xd4: {  	v4 =	vbroadcast v4, $0xF;
	v5 =	vmul.f32 v31, v43;
	[tilespmem:s18+$0xCB60] =	vst v47;
	v50 =	vld [tilespmem:s18+$0xCC80]  }
0xd5: {  	v8 =	vmul.f32 v32, v43;
	[tilespmem:s18+$0xCB70] =	vst v49;
	v51 =	vld [tilespmem:s18+$0xCC90]  }
0xd6: {  	v53 =	vmul.f32 v33, v4;
	[tilespmem:s18+$0xCB80] =	vst v5;
	v52 =	vld [tilespmem:s18+$0xCCA0]  }
0xd7: {  	v56 =	vmul.f32 v35, v4;
	[tilespmem:s18+$0xCB90] =	vst v8;
	v54 =	vld [tilespmem:s18+$0xCCB0]  }
0xd8: {  	[tilespmem:s18+$0xCBA0] =	vst v53;
	v57 =	vbroadcast v3, $0x1;
	v7 =	vmul.f32 v34, v4;
	v55 =	vld [tilespmem:s18+$0xCCC0]  }
0xd9: {  	[tilespmem:s18+$0xCBC0] =	vst v56;
	v4 =	vmul.f32 v37, v4;
	v58 =	vld [tilespmem:s18+$0xCCD0]  }
0xda: {  	v59 =	vld [tilespmem:s18+$0xCCE0];
	[tilespmem:s18+$0xCBB0] =	vst v7;
	v60 =	vmul.f32 v39, v57  }
0xdb: {  	v61 =	vld [tilespmem:s18+$0xCCF0];
	[tilespmem:s18+$0xCBD0] =	vst v4;
	v62 =	vmul.f32 v40, v57  }
0xdc: {  	v25 =	vbroadcast v3, $0x2;
	v26 =	vld [tilespmem:s18+$0xCD00];
	v24 =	vmul.f32 v41, v57;
	[tilespmem:s18+$0xCC20] =	vst v60  }
0xdd: {  	v28 =	vld [tilespmem:s18+$0xCD10];
	v27 =	vmul.f32 v44, v57;
	[tilespmem:s18+$0xCC30] =	vst v62  }
0xde: {  	v30 =	vld [tilespmem:s18+$0xCD20];
	v29 =	vmul.f32 v46, v25;
	[tilespmem:s18+$0xCC40] =	vst v24  }
0xdf: {  	v32 =	vld [tilespmem:s18+$0xCD30];
	v31 =	vmul.f32 v48, v25;
	[tilespmem:s18+$0xCC50] =	vst v27  }
0xe0: {  	v34 =	vbroadcast v3, $0x3;
	v38 =	vld [tilespmem:s18+$0xCD40];
	v33 =	vmul.f32 v50, v25;
	[tilespmem:s18+$0xCC60] =	vst v29  }
0xe1: {  	v43 =	vld [tilespmem:s18+$0xCD60];
	v37 =	vmul.f32 v51, v25;
	[tilespmem:s18+$0xCC70] =	vst v31  }
0xe2: {  	v56 =	vld [tilespmem:s18+$0xCDA0];
	v35 =	vsub.s32 v63, v0;
	v40 =	vmul.f32 v52, v34;
	[tilespmem:s18+$0xCC80] =	vst v33  }
0xe3: {  	v20 =	vld [tilespmem:s18+$0xCDE0];
	v10 =	vand.u32 $0x7, v63;
	v39 =	vand.u32 $0xFFFFFFF8, v35;
	v42 =	vmul.f32 v54, v34;
	[tilespmem:s18+$0xCC90] =	vst v37  }
0xe4: {  	v45 =	vbroadcast v3, $0x4;
	v22 =	vld [tilespmem:s18+$0xCDF0];
	v44 =	vmul.f32 v55, v34;
	v10 =	vor.u32 v10, v39;
	[tilespmem:s18+$0xCCA0] =	vst v40  }
0xe5: {  	v63 =	vld [tilespmem:s18+$0xCDD0];
	v47 =	vmul.f32 v58, v34;
	[tilespmem:s18+$0xCCB0] =	vst v42  }
0xe6: {  	v41 =	vld [tilespmem:s18+$0xCD50];
	v49 =	vmul.f32 v59, v45;
	[tilespmem:s18+$0xCCC0] =	vst v44  }
0xe7: {  	v46 =	vld [tilespmem:s18+$0xCD70];
	v51 =	vmul.f32 v61, v45;
	[tilespmem:s18+$0xCCD0] =	vst v47  }
0xe8: {  	v53 =	vbroadcast v3, $0x5;
	v52 =	vmul.f32 v26, v45;
	v54 =	vld.idx.msk [tilespmem:v36+s2+$0x0], $0xffff;
	[tilespmem:s18+$0xCCE0] =	vst v49  }
0xe9: {  	v55 =	vmul.f32 v28, v45;
	[tilespmem:s18+$0xCCF0] =	vst v51;
	v10 =	vld.idx.msk [tilespmem:v10+s0+$0x0], $0xffff  }
0xea: {  	v48 =	vld [tilespmem:s18+$0xCD80];
	v57 =	vmul.f32 v30, v53;
	[tilespmem:s18+$0xCD00] =	vst v52  }
0xeb: {  	v50 =	vld [tilespmem:s18+$0xCD90];
	v59 =	vmul.f32 v32, v53;
	v26 =	vbroadcast v3, $0x7;
	[tilespmem:s18+$0xCD10] =	vst v55  }
0xec: {  	v58 =	vld [tilespmem:s18+$0xCDB0];
	v61 =	vmul.f32 v38, v53;
	[tilespmem:s18+$0xCD20] =	vst v57  }
0xed: {  	v32 =	vld [tilespmem:s18+$0xCE30];
	v36 =	vbroadcast v3, $0x8;
	[tilespmem:s18+$0xCD30] =	vst v59;
	v31 =	vmul.f32 v56, v26  }
0xee: {  	v34 =	vld [tilespmem:s18+$0xCE40];
	[tilespmem:s18+$0xCD40] =	vst v61;
	v38 =	vmul.f32 v63, v26;
	v10 =	vadd.f32 v54, v10  }
0xef: {  	v39 =	vld [tilespmem:s18+$0xCE60];
	v62 =	vbroadcast v3, $0x6;
	v40 =	vmul.f32 v20, v36;
	[tilespmem:s18+$0xCDA0] =	vst v31  }
0xf0: {  	v60 =	vld [tilespmem:s18+$0xCDC0];
	v42 =	vmul.f32 v22, v36;
	[tilespmem:s18+$0xCDD0] =	vst v38;
	v10 =	vsub.f32 $0.0e+00, v10  }
0xf1: {  	v24 =	vld [tilespmem:s18+$0xCE00];
	v21 =	vmul.f32 v43, v62;
	[tilespmem:s18+$0xCDE0] =	vst v40  }
0xf2: {  	v27 =	vld [tilespmem:s18+$0xCE10];
	[tilespmem:s18+$0xCDF0] =	vst v42;
	v19 =	vmul.f32 v41, v53;
	v30 =	vmul.f32 $1.442695020e+00, v10  }
0xf3: {  	v29 =	vld [tilespmem:s18+$0xCE20];
	v23 =	vmul.f32 v46, v62;
	[tilespmem:s18+$0xCD60] =	vst v21  }
0xf4: {  	v37 =	vld [tilespmem:s18+$0xCE50];
	v25 =	vmul.f32 v48, v62;
	[tilespmem:s18+$0xCD50] =	vst v19;
	(erf) = vpow2.f32 v30  }
0xf5: {  	v45 =	vbroadcast v3, $0x9;
	v52 =	vld [tilespmem:s18+$0xCEC0];
	v28 =	vmul.f32 v50, v62;
	[tilespmem:s18+$0xCD70] =	vst v23  }
0xf6: {  	v55 =	vld [tilespmem:s18+$0xCED0];
	v33 =	vmul.f32 v58, v26;
	[tilespmem:s18+$0xCD80] =	vst v25  }
0xf7: {  	v61 =	vld [tilespmem:s18+$0xCEF0];
	v51 =	vmul.f32 v32, v45;
	[tilespmem:s18+$0xCD90] =	vst v28  }
0xf8: {  	v63 =	vld [tilespmem:s18+$0xCF00];
	v53 =	vmul.f32 v34, v45;
	[tilespmem:s18+$0xCDB0] =	vst v33  }
0xf9: {  	v20 =	vld [tilespmem:s18+$0xCF10];
	v35 =	vmul.f32 v60, v26;
	[tilespmem:s18+$0xCE30] =	vst v51  }
0xfa: {  	v22 =	vld [tilespmem:s18+$0xCF20];
	v44 =	vmul.f32 v24, v36;
	[tilespmem:s18+$0xCE40] =	vst v53  }
0xfb: {  	v43 =	vld [tilespmem:s18+$0xCE80];
	v47 =	vmul.f32 v27, v36;
	[tilespmem:s18+$0xCDC0] =	vst v35  }
0xfc: {  	v31 =	vld [tilespmem:s18+$0xCF60];
	v49 =	vmul.f32 v29, v45;
	v19 =	vbroadcast v3, $0xB;
	[tilespmem:s18+$0xCE00] =	vst v44  }
0xfd: {  	v42 =	vld [tilespmem:s18+$0xCF80];
	v57 =	vmul.f32 v37, v45;
	v28 =	vbroadcast v3, $0xC;
	[tilespmem:s18+$0xCE10] =	vst v47;
	v56 =	vpop (erf)  }
0xfe: {  	v48 =	vld [tilespmem:s18+$0xCEA0];
	[tilespmem:s18+$0xCE20] =	vst v49;
	v27 =	vmul.f32 v52, v19;
	v59 =	vadd.f32 $1.000000000e+00, v56  }
0xff: {  	v50 =	vld [tilespmem:s18+$0xCEB0];
	v36 =	vbroadcast v3, $0xD;
	[tilespmem:s18+$0xCE50] =	vst v57;
	v12 =	vmul.f32 v61, v28  }
0x100: {  	v58 =	vld [tilespmem:s18+$0xCEE0];
	v35 =	vmul.f32 v63, v28;
	[tilespmem:s18+$0xCEC0] =	vst v27;
	(erf) = vrcp.f32 v59  }
0x101: {  	v41 =	vld [tilespmem:s18+$0xCE70];
	v8 =	vmul.f32 v20, v28;
	[tilespmem:s18+$0xCEF0] =	vst v12  }
0x102: {  	v24 =	vld [tilespmem:s18+$0xCF30];
	v40 =	vmul.f32 v22, v36;
	[tilespmem:s18+$0xCF00] =	vst v35  }
0x103: {  	v26 =	vld [tilespmem:s18+$0xCF40];
	v23 =	vmul.f32 v48, v19;
	[tilespmem:s18+$0xCF10] =	vst v8  }
0x104: {  	s12 =	sshll.u32 s17, $0x6;
	v29 =	vld [tilespmem:s18+$0xCF50];
	v47 =	vbroadcast v3, $0xE;
	v25 =	vmul.f32 v50, v19;
	[tilespmem:s18+$0xCF20] =	vst v40  }
0x105: {  	s12 =	sand.u32 $0x3FFFFC00, s12;
	v46 =	vld [tilespmem:s18+$0xCE90];
	v32 =	vmul.f32 v58, v28;
	[tilespmem:s18+$0xCEA0] =	vst v23  }
0x106: {  	v34 =	vld [tilespmem:s12+$0xC7F0];
	v6 =	vmul.f32 v31, v47;
	[tilespmem:s18+$0xCEB0] =	vst v25  }
0x107: {  	v33 =	vld [tilespmem:s12+$0xC7E0];
	[tilespmem:s18+$0xCEE0] =	vst v32;
	v9 =	vmul.f32 v24, v36  }
0x108: {  	v37 =	vld [tilespmem:s12+$0xC800];
	v54 =	vbroadcast v3, $0xA;
	v7 =	vmul.f32 v26, v36;
	[tilespmem:s18+$0xCF60] =	vst v6  }
0x109: {  	v45 =	vld [tilespmem:s18+$0xCFB0];
	v49 =	vmul.f32 v29, v36;
	[tilespmem:s18+$0xCF30] =	vst v9;
	v4 =	vpop (erf)  }
0x10a: {  	v60 =	vmul.f32 v39, v54;
	v39 =	vld [tilespmem:s12+$0xC810];
	[tilespmem:s18+$0xCF40] =	vst v7;
	v38 =	vbroadcast v4, $0x0  }
0x10b: {  	v44 =	vld [tilespmem:s18+$0xCFA0];
	v62 =	vmul.f32 v41, v54;
	[tilespmem:s18+$0xCF50] =	vst v49  }
0x10c: {  	s19 =	sor.u32 $0x30, s29;
	v48 =	vld [tilespmem:s18+$0xCFD0];
	[tilespmem:s18+$0xCE60] =	vst v60;
	v13 =	vmul.f32 v38, v33  }
0x10d: {  	v28 =	vld.idx.msk [tilespmem:v2+s19+$0x0 ss:$0x1], $0xffff;
	[tilespmem:s18+$0xCE70] =	vst v62;
	v16 =	vmul.f32 v38, v34  }
0x10e: {  	v41 =	vld [tilespmem:s18+$0xCF70];
	v17 =	vmul.f32 v38, v37;
	[tilespmem:s12+$0xC7E0] =	vst v13  }
0x10f: {  	v18 =	vmul.f32 v43, v54;
	v43 =	vld [tilespmem:s18+$0xCF90];
	v12 =	vmul.f32 v38, v39;
	[tilespmem:s12+$0xC7F0] =	vst v16  }
0x110: {  	v21 =	vmul.f32 v46, v54;
	v46 =	vld [tilespmem:s18+$0xCFC0];
	[tilespmem:s12+$0xC800] =	vst v17  }
0x111: {  	v3 =	vbroadcast v3, $0xF;
	v38 =	vld [tilespmem:s29+$0xC690];
	[tilespmem:s12+$0xC810] =	vst v12  }
0x112: {  	v54 =	vmul.f32 v42, v47;
	[tilespmem:s18+$0xCE80] =	vst v18;
	v50 =	vld [tilespmem:s18+$0xD020]  }
0x113: {  	v57 =	vmul.f32 v44, v3;
	[tilespmem:s18+$0xCE90] =	vst v21;
	v51 =	vld [tilespmem:s18+$0xD030]  }
0x114: {  	[tilespmem:s18+$0xCF80] =	vst v54;
	v30 =	vmul.f32 v55, v19;
	v53 =	vld [tilespmem:s18+$0xD040]  }
0x115: {  	[tilespmem:s18+$0xCFA0] =	vst v57;
	v52 =	vmul.f32 v41, v47;
	v55 =	vld [tilespmem:s18+$0xD050]  }
0x116: {  	v5 =	vmul.f32 v43, v47;
	[tilespmem:s18+$0xCED0] =	vst v30;
	v56 =	vld [tilespmem:s18+$0xD060]  }
0x117: {  	v61 =	vmul.f32 v46, v3;
	[tilespmem:s18+$0xCF70] =	vst v52;
	v59 =	vmul.f32 v45, v3;
	v58 =	vld [tilespmem:s18+$0xD070]  }
0x118: {  	[tilespmem:s18+$0xCF90] =	vst v5;
	v3 =	vmul.f32 v48, v3;
	v62 =	vbroadcast v4, $0x1;
	v60 =	vld [tilespmem:s18+$0xD080]  }
0x119: {  	[tilespmem:s18+$0xCFC0] =	vst v61;
	v63 =	vld [tilespmem:s18+$0xD090]  }
0x11a: {  	[tilespmem:s18+$0xCFD0] =	vst v3;
	v18 =	vld [tilespmem:s18+$0xD0A0];
	v3 =	vmul.f32 v51, v62  }
0x11b: {  	[tilespmem:s18+$0xCFB0] =	vst v59;
	v20 =	vld [tilespmem:s18+$0xD0B0];
	v19 =	vmul.f32 v50, v62  }
0x11c: {  	v23 =	vbroadcast v4, $0x2;
	v21 =	vld [tilespmem:s18+$0xD0C0];
	[tilespmem:s18+$0xD030] =	vst v3;
	v3 =	vmul.f32 v55, v62  }
0x11d: {  	v24 =	vld [tilespmem:s18+$0xD0D0];
	v22 =	vmul.f32 v53, v62;
	[tilespmem:s18+$0xD020] =	vst v19  }
0x11e: {  	v25 =	vld [tilespmem:s18+$0xD0E0];
	[tilespmem:s18+$0xD050] =	vst v3;
	v3 =	vmul.f32 v58, v23  }
0x11f: {  	v27 =	vld [tilespmem:s18+$0xD0F0];
	v26 =	vmul.f32 v56, v23;
	[tilespmem:s18+$0xD040] =	vst v22  }
0x120: {  	v30 =	vbroadcast v4, $0x3;
	v31 =	vld [tilespmem:s18+$0xD100];
	[tilespmem:s18+$0xD070] =	vst v3;
	v3 =	vmul.f32 v63, v23  }
0x121: {  	v32 =	vld [tilespmem:s18+$0xD110];
	v29 =	vmul.f32 v60, v23;
	[tilespmem:s18+$0xD060] =	vst v26  }
0x122: {  	v33 =	vld [tilespmem:s18+$0xD120];
	[tilespmem:s18+$0xD090] =	vst v3;
	v3 =	vmul.f32 v20, v30  }
0x123: {  	v34 =	vld [tilespmem:s18+$0xD130];
	v5 =	vmul.f32 v18, v30;
	[tilespmem:s18+$0xD080] =	vst v29  }
0x124: {  	v36 =	vbroadcast v4, $0x4;
	v37 =	vsub.s32 v28, v0;
	v39 =	vld [tilespmem:s18+$0xD140];
	[tilespmem:s18+$0xD0B0] =	vst v3;
	v3 =	vmul.f32 v24, v30  }
0x125: {  	v40 =	vand.u32 $0xFFFFFFF8, v37;
	v13 =	vand.u32 $0x7, v28;
	v42 =	vld [tilespmem:s18+$0xD150];
	v35 =	vmul.f32 v21, v30;
	[tilespmem:s18+$0xD0A0] =	vst v5  }
0x126: {  	v13 =	vor.u32 v13, v40;
	v43 =	vld [tilespmem:s18+$0xD160];
	[tilespmem:s18+$0xD0D0] =	vst v3;
	v3 =	vmul.f32 v27, v36  }
0x127: {  	v46 =	vld [tilespmem:s18+$0xD170];
	v41 =	vmul.f32 v25, v36;
	[tilespmem:s18+$0xD0C0] =	vst v35  }
0x128: {  	v45 =	vbroadcast v4, $0x5;
	v47 =	vld [tilespmem:s18+$0xD180];
	[tilespmem:s18+$0xD0F0] =	vst v3;
	v3 =	vmul.f32 v32, v36  }
0x129: {  	v49 =	vld [tilespmem:s18+$0xD190];
	v44 =	vmul.f32 v31, v36;
	[tilespmem:s18+$0xD0E0] =	vst v41  }
0x12a: {  	v57 =	vld [tilespmem:s18+$0xD1C0];
	[tilespmem:s18+$0xD110] =	vst v3;
	v3 =	vmul.f32 v34, v45  }
0x12b: {  	v48 =	vmul.f32 v33, v45;
	v50 =	vld.idx.msk [tilespmem:v13+s0+$0x0], $0xffff;
	[tilespmem:s18+$0xD100] =	vst v44  }
0x12c: {  	v52 =	vbroadcast v4, $0x6;
	v53 =	vld.idx.msk [tilespmem:v38+s2+$0x0], $0xffff;
	[tilespmem:s18+$0xD130] =	vst v3;
	v3 =	vmul.f32 v42, v45  }
0x12d: {  	v59 =	vbroadcast v4, $0x7;
	v51 =	vmul.f32 v39, v45;
	v56 =	vld [tilespmem:s18+$0xD1B0];
	[tilespmem:s18+$0xD120] =	vst v48  }
0x12e: {  	v61 =	vld [tilespmem:s18+$0xD1E0];
	[tilespmem:s18+$0xD150] =	vst v3;
	v3 =	vmul.f32 v46, v52  }
0x12f: {  	v60 =	vld [tilespmem:s18+$0xD1D0];
	v17 =	vmul.f32 v57, v59;
	[tilespmem:s18+$0xD140] =	vst v51  }
0x130: {  	v54 =	vld [tilespmem:s18+$0xD1A0];
	[tilespmem:s18+$0xD170] =	vst v3;
	v3 =	vmul.f32 v49, v52  }
0x131: {  	v18 =	vbroadcast v4, $0x8;
	v55 =	vmul.f32 v43, v52;
	[tilespmem:s18+$0xD1C0] =	vst v17;
	v10 =	vadd.f32 v53, v50;
	v63 =	vld [tilespmem:s18+$0xD1F0]  }
0x132: {  	v16 =	vld [tilespmem:s18+$0xD200];
	[tilespmem:s18+$0xD190] =	vst v3;
	v3 =	vmul.f32 v56, v59  }
0x133: {  	v19 =	vld [tilespmem:s18+$0xD210];
	v21 =	vmul.f32 v61, v18;
	[tilespmem:s18+$0xD160] =	vst v55;
	v10 =	vsub.f32 $0.0e+00, v10  }
0x134: {  	v37 =	vld [tilespmem:s18+$0xD2C0];
	[tilespmem:s18+$0xD1B0] =	vst v3;
	v3 =	vmul.f32 v60, v59  }
0x135: {  	v62 =	vmul.f32 v54, v59;
	v22 =	vld [tilespmem:s18+$0xD230];
	[tilespmem:s18+$0xD1E0] =	vst v21;
	v10 =	vmul.f32 $1.442695020e+00, v10  }
0x136: {  	v39 =	vbroadcast v4, $0xB;
	v21 =	vld [tilespmem:s18+$0xD390];
	[tilespmem:s18+$0xD1D0] =	vst v3;
	v3 =	vmul.f32 v63, v18  }
0x137: {  	v26 =	vld [tilespmem:s18+$0xD250];
	v58 =	vmul.f32 v47, v52;
	[tilespmem:s18+$0xD1A0] =	vst v62;
	(erf) = vpow2.f32 v10  }
0x138: {  	v25 =	vbroadcast v4, $0x9;
	v33 =	vld [tilespmem:s18+$0xD290];
	[tilespmem:s18+$0xD1F0] =	vst v3;
	v3 =	vmul.f32 v19, v18  }
0x139: {  	v29 =	vld [tilespmem:s18+$0xD270];
	v47 =	vmul.f32 v37, v39;
	v62 =	vbroadcast v4, $0xE;
	[tilespmem:s18+$0xD180] =	vst v58  }
0x13a: {  	v50 =	vld [tilespmem:s18+$0xD320];
	[tilespmem:s18+$0xD210] =	vst v3;
	v3 =	vmul.f32 v22, v25  }
0x13b: {  	v53 =	vld [tilespmem:s18+$0xD340];
	[tilespmem:s18+$0xD2C0] =	vst v47;
	v5 =	vmul.f32 v21, v62  }
0x13c: {  	v23 =	vld [tilespmem:s18+$0xD240];
	v32 =	vbroadcast v4, $0xA;
	[tilespmem:s18+$0xD230] =	vst v3;
	v3 =	vmul.f32 v26, v25  }
0x13d: {  	v55 =	vbroadcast v4, $0xD;
	v24 =	vmul.f32 v16, v18;
	[tilespmem:s18+$0xD390] =	vst v5;
	v36 =	vld [tilespmem:s18+$0xD2B0]  }
0x13e: {  	v40 =	vld [tilespmem:s18+$0xD2D0];
	[tilespmem:s18+$0xD250] =	vst v3;
	v3 =	vmul.f32 v29, v32  }
0x13f: {  	v20 =	vld [tilespmem:s18+$0xD220];
	v58 =	vmul.f32 v50, v55;
	[tilespmem:s18+$0xD200] =	vst v24  }
0x140: {  	v30 =	vld [tilespmem:s18+$0xD280];
	v41 =	vpop (erf);
	[tilespmem:s18+$0xD270] =	vst v3;
	v3 =	vmul.f32 v33, v32  }
0x141: {  	v61 =	vmul.f32 v53, v55;
	[tilespmem:s18+$0xD320] =	vst v58;
	v45 =	vld [tilespmem:s18+$0xD2F0];
	v43 =	vadd.f32 $1.000000000e+00, v41  }
0x142: {  	v31 =	vmul.f32 v23, v25;
	v23 =	vld [tilespmem:s18+$0xD3B0];
	[tilespmem:s18+$0xD290] =	vst v3;
	v3 =	vmul.f32 v36, v39  }
0x143: {  	[tilespmem:s18+$0xD340] =	vst v61;
	v49 =	vld [tilespmem:s18+$0xD310];
	(erf) = vrcp.f32 v43  }
0x144: {  	v48 =	vbroadcast v4, $0xC;
	v27 =	vld [tilespmem:s18+$0xD260];
	[tilespmem:s18+$0xD2B0] =	vst v3;
	v3 =	vmul.f32 v40, v39  }
0x145: {  	v28 =	vmul.f32 v20, v25;
	[tilespmem:s18+$0xD240] =	vst v31  }
0x146: {  	v24 =	vld [tilespmem:s18+$0xD3C0];
	v4 =	vbroadcast v4, $0xF;
	[tilespmem:s18+$0xD2D0] =	vst v3;
	v3 =	vmul.f32 v45, v48  }
0x147: {  	[tilespmem:s18+$0xD220] =	vst v28;
	v34 =	vld [tilespmem:s18+$0xD2A0];
	v38 =	vmul.f32 v30, v32  }
0x148: {  	s12 =	sshll.u32 s19, $0x6;
	v28 =	vmul.f32 v23, v4;
	v42 =	vld [tilespmem:s18+$0xD2E0];
	[tilespmem:s18+$0xD2F0] =	vst v3;
	v3 =	vmul.f32 v49, v48  }
0x149: {  	s12 =	sand.u32 $0x3FFFFC00, s12;
	v35 =	vmul.f32 v27, v32;
	[tilespmem:s18+$0xD280] =	vst v38;
	v46 =	vld [tilespmem:s18+$0xD300]  }
0x14a: {  	[tilespmem:s18+$0xD3B0] =	vst v28;
	v59 =	vld [tilespmem:s12+$0xC7E0]  }
0x14b: {  	v30 =	vmul.f32 v24, v4;
	[tilespmem:s18+$0xD260] =	vst v35;
	v60 =	vld [tilespmem:s12+$0xC7F0]  }
0x14c: {  	v44 =	vmul.f32 v34, v39;
	v63 =	vld [tilespmem:s12+$0xC800];
	[tilespmem:s18+$0xD310] =	vst v3;
	v3 =	vpop (erf)  }
0x14d: {  	v17 =	vld [tilespmem:s12+$0xC810];
	[tilespmem:s18+$0xD3C0] =	vst v30;
	v51 =	vmul.f32 v42, v48;
	v16 =	vbroadcast v3, $0x0  }
0x14e: {  	v52 =	vld [tilespmem:s18+$0xD330];
	[tilespmem:s18+$0xD2A0] =	vst v44;
	v54 =	vmul.f32 v46, v48  }
0x14f: {  	v56 =	vld [tilespmem:s18+$0xD350];
	[tilespmem:s18+$0xD2E0] =	vst v51;
	v6 =	vmul.f32 v16, v59  }
0x150: {  	v20 =	vld [tilespmem:s18+$0xD380];
	[tilespmem:s18+$0xD300] =	vst v54;
	v12 =	vmul.f32 v16, v60  }
0x151: {  	v57 =	vld [tilespmem:s18+$0xD360];
	v13 =	vmul.f32 v16, v63;
	[tilespmem:s12+$0xC7E0] =	vst v6  }
0x152: {  	v19 =	vld [tilespmem:s18+$0xD370];
	v10 =	vmul.f32 v16, v17;
	[tilespmem:s12+$0xC7F0] =	vst v12  }
0x153: {  	v8 =	vmul.f32 v52, v55;
	v22 =	vld [tilespmem:s18+$0xD3A0];
	[tilespmem:s12+$0xC800] =	vst v13  }
0x154: {  	v15 =	vmul.f32 v56, v55;
	v25 =	vld [tilespmem:s18+$0xD3D0];
	[tilespmem:s12+$0xC810] =	vst v10  }
0x155: {  	[tilespmem:s18+$0xD330] =	vst v8;
	v8 =	vmul.f32 v20, v62;
	v26 =	vld [tilespmem:s18+$0xD420]  }
0x156: {  	v18 =	vmul.f32 v57, v62;
	[tilespmem:s18+$0xD350] =	vst v15;
	v27 =	vld [tilespmem:s18+$0xD430]  }
0x157: {  	[tilespmem:s18+$0xD380] =	vst v8;
	v7 =	vmul.f32 v19, v62;
	v29 =	vld [tilespmem:s18+$0xD440]  }
0x158: {  	[tilespmem:s18+$0xD360] =	vst v18;
	v31 =	vbroadcast v3, $0x1;
	v6 =	vmul.f32 v22, v4;
	v32 =	vld [tilespmem:s18+$0xD450]  }
0x159: {  	[tilespmem:s18+$0xD370] =	vst v7;
	v4 =	vmul.f32 v25, v4;
	v33 =	vld [tilespmem:s18+$0xD460]  }
0x15a: {  	v35 =	vld [tilespmem:s18+$0xD470];
	[tilespmem:s18+$0xD3A0] =	vst v6;
	v34 =	vmul.f32 v26, v31  }
0x15b: {  	v37 =	vld [tilespmem:s18+$0xD480];
	[tilespmem:s18+$0xD3D0] =	vst v4;
	v36 =	vmul.f32 v27, v31  }
0x15c: {  	v39 =	vbroadcast v3, $0x2;
	v40 =	vld [tilespmem:s18+$0xD490];
	v38 =	vmul.f32 v29, v31;
	[tilespmem:s18+$0xD420] =	vst v34  }
0x15d: {  	v42 =	vld [tilespmem:s18+$0xD4A0];
	v41 =	vmul.f32 v32, v31;
	[tilespmem:s18+$0xD430] =	vst v36  }
0x15e: {  	v43 =	vld [tilespmem:s18+$0xD4B0];
	v5 =	vmul.f32 v33, v39;
	[tilespmem:s18+$0xD440] =	vst v38  }
0x15f: {  	v45 =	vld [tilespmem:s18+$0xD4C0];
	v44 =	vmul.f32 v35, v39;
	[tilespmem:s18+$0xD450] =	vst v41  }
0x160: {  	v47 =	vbroadcast v3, $0x3;
	v48 =	vld [tilespmem:s18+$0xD4D0];
	v46 =	vmul.f32 v37, v39;
	[tilespmem:s18+$0xD460] =	vst v5  }
0x161: {  	v50 =	vld [tilespmem:s18+$0xD4E0];
	v49 =	vmul.f32 v40, v39;
	[tilespmem:s18+$0xD470] =	vst v44  }
0x162: {  	v52 =	vld [tilespmem:s18+$0xD4F0];
	v51 =	vmul.f32 v42, v47;
	[tilespmem:s18+$0xD480] =	vst v46  }
0x163: {  	v54 =	vld [tilespmem:s18+$0xD500];
	v53 =	vmul.f32 v43, v47;
	[tilespmem:s18+$0xD490] =	vst v49  }
0x164: {  	v56 =	vbroadcast v3, $0x4;
	v57 =	vld [tilespmem:s18+$0xD510];
	v55 =	vmul.f32 v45, v47;
	[tilespmem:s18+$0xD4A0] =	vst v51  }
0x165: {  	v59 =	vld [tilespmem:s18+$0xD520];
	v58 =	vmul.f32 v48, v47;
	[tilespmem:s18+$0xD4B0] =	vst v53  }
0x166: {  	v61 =	vld [tilespmem:s18+$0xD530];
	v60 =	vmul.f32 v50, v56;
	[tilespmem:s18+$0xD4C0] =	vst v55  }
0x167: {  	v63 =	vld [tilespmem:s18+$0xD540];
	v62 =	vmul.f32 v52, v56;
	[tilespmem:s18+$0xD4D0] =	vst v58  }
0x168: {  	v17 =	vbroadcast v3, $0x5;
	v18 =	vld [tilespmem:s18+$0xD550];
	v16 =	vmul.f32 v54, v56;
	[tilespmem:s18+$0xD4E0] =	vst v60  }
0x169: {  	v20 =	vld [tilespmem:s18+$0xD560];
	v19 =	vmul.f32 v57, v56;
	[tilespmem:s18+$0xD4F0] =	vst v62  }
0x16a: {  	v22 =	vld [tilespmem:s18+$0xD570];
	v21 =	vmul.f32 v59, v17;
	[tilespmem:s18+$0xD500] =	vst v16  }
0x16b: {  	v24 =	vld [tilespmem:s18+$0xD580];
	v23 =	vmul.f32 v61, v17;
	[tilespmem:s18+$0xD510] =	vst v19  }
0x16c: {  	v25 =	vmul.f32 v63, v17;
	v26 =	vbroadcast v3, $0x6;
	v27 =	vld [tilespmem:s18+$0xD590];
	[tilespmem:s18+$0xD520] =	vst v21  }
0x16d: {  	v28 =	vmul.f32 v18, v17;
	v29 =	vld [tilespmem:s18+$0xD5A0];
	[tilespmem:s18+$0xD530] =	vst v23  }
0x16e: {  	v31 =	vld [tilespmem:s18+$0xD5B0];
	[tilespmem:s18+$0xD540] =	vst v25;
	v30 =	vmul.f32 v20, v26  }
0x16f: {  	v33 =	vld [tilespmem:s18+$0xD5C0];
	[tilespmem:s18+$0xD550] =	vst v28;
	v32 =	vmul.f32 v22, v26  }
0x170: {  	v35 =	vbroadcast v3, $0x7;
	v40 =	vld [tilespmem:s18+$0xD5F0];
	v34 =	vmul.f32 v24, v26;
	[tilespmem:s18+$0xD560] =	vst v30  }
0x171: {  	v42 =	vld [tilespmem:s18+$0xD600];
	[tilespmem:s18+$0xD570] =	vst v32;
	v37 =	vmul.f32 v27, v26  }
0x172: {  	v45 =	vld [tilespmem:s18+$0xD610];
	[tilespmem:s18+$0xD580] =	vst v34;
	v39 =	vmul.f32 v29, v35  }
0x173: {  	v47 =	vld [tilespmem:s18+$0xD620];
	v44 =	vbroadcast v3, $0x8;
	v41 =	vmul.f32 v31, v35;
	[tilespmem:s18+$0xD590] =	vst v37  }
0x174: {  	v54 =	vld [tilespmem:s18+$0xD650];
	v43 =	vmul.f32 v33, v35;
	[tilespmem:s18+$0xD5A0] =	vst v39  }
0x175: {  	v56 =	vld [tilespmem:s18+$0xD660];
	v50 =	vmul.f32 v40, v44;
	[tilespmem:s18+$0xD5B0] =	vst v41  }
0x176: {  	v63 =	vld [tilespmem:s18+$0xD690];
	v53 =	vbroadcast v3, $0x9;
	v52 =	vmul.f32 v42, v44;
	[tilespmem:s18+$0xD5C0] =	vst v43  }
0x177: {  	v17 =	vld [tilespmem:s18+$0xD6A0];
	v55 =	vmul.f32 v45, v44;
	[tilespmem:s18+$0xD5F0] =	vst v50  }
0x178: {  	v36 =	vld [tilespmem:s18+$0xD5D0];
	v62 =	vbroadcast v3, $0xA;
	v57 =	vmul.f32 v47, v53;
	[tilespmem:s18+$0xD600] =	vst v52  }
0x179: {  	v38 =	vld [tilespmem:s18+$0xD5E0];
	v16 =	vmul.f32 v54, v53;
	[tilespmem:s18+$0xD610] =	vst v55  }
0x17a: {  	v49 =	vld [tilespmem:s18+$0xD630];
	v23 =	vbroadcast v3, $0xB;
	v18 =	vmul.f32 v56, v62;
	[tilespmem:s18+$0xD620] =	vst v57  }
0x17b: {  	v51 =	vld [tilespmem:s18+$0xD640];
	v25 =	vmul.f32 v63, v62;
	[tilespmem:s18+$0xD650] =	vst v16  }
0x17c: {  	v58 =	vld [tilespmem:s18+$0xD670];
	v27 =	vmul.f32 v17, v23;
	[tilespmem:s18+$0xD660] =	vst v18  }
0x17d: {  	v60 =	vld [tilespmem:s18+$0xD680];
	v46 =	vmul.f32 v36, v35;
	[tilespmem:s18+$0xD690] =	vst v25  }
0x17e: {  	v19 =	vld [tilespmem:s18+$0xD6B0];
	v48 =	vmul.f32 v38, v44;
	[tilespmem:s18+$0xD6A0] =	vst v27  }
0x17f: {  	v21 =	vld [tilespmem:s18+$0xD6C0];
	v59 =	vmul.f32 v49, v53;
	[tilespmem:s18+$0xD5D0] =	vst v46  }
0x180: {  	v24 =	vld [tilespmem:s18+$0xD6D0];
	v61 =	vmul.f32 v51, v53;
	[tilespmem:s18+$0xD5E0] =	vst v48  }
0x181: {  	v28 =	vld [tilespmem:s18+$0xD6F0];
	v20 =	vmul.f32 v58, v62;
	[tilespmem:s18+$0xD630] =	vst v59  }
0x182: {  	v30 =	vld [tilespmem:s18+$0xD700];
	v22 =	vmul.f32 v60, v62;
	[tilespmem:s18+$0xD640] =	vst v61  }
0x183: {  	v26 =	vld [tilespmem:s18+$0xD6E0];
	v29 =	vmul.f32 v19, v23;
	[tilespmem:s18+$0xD670] =	vst v20  }
0x184: {  	v32 =	vbroadcast v3, $0xC;
	v33 =	vld [tilespmem:s18+$0xD710];
	v31 =	vmul.f32 v21, v23;
	[tilespmem:s18+$0xD680] =	vst v22  }
0x185: {  	v42 =	vld [tilespmem:s18+$0xD750];
	v34 =	vmul.f32 v24, v23;
	[tilespmem:s18+$0xD6B0] =	vst v29  }
0x186: {  	v35 =	vld [tilespmem:s18+$0xD720];
	v38 =	vmul.f32 v28, v32;
	[tilespmem:s18+$0xD6C0] =	vst v31  }
0x187: {  	v37 =	vld [tilespmem:s18+$0xD730];
	[tilespmem:s18+$0xD6D0] =	vst v34;
	v40 =	vmul.f32 v30, v32  }
0x188: {  	v39 =	vld [tilespmem:s18+$0xD740];
	v41 =	vbroadcast v3, $0xD;
	[tilespmem:s18+$0xD6F0] =	vst v38;
	v36 =	vmul.f32 v26, v32  }
0x189: {  	v44 =	vld [tilespmem:s18+$0xD760];
	v43 =	vmul.f32 v33, v32;
	[tilespmem:s18+$0xD700] =	vst v40  }
0x18a: {  	v51 =	vld [tilespmem:s18+$0xD790];
	v52 =	vmul.f32 v42, v41;
	[tilespmem:s18+$0xD6E0] =	vst v36  }
0x18b: {  	v53 =	vld [tilespmem:s18+$0xD7A0];
	v45 =	vmul.f32 v35, v41;
	[tilespmem:s18+$0xD710] =	vst v43  }
0x18c: {  	v50 =	vbroadcast v3, $0xE;
	v55 =	vld [tilespmem:s18+$0xD7B0];
	v47 =	vmul.f32 v37, v41;
	[tilespmem:s18+$0xD750] =	vst v52  }
0x18d: {  	v57 =	vld [tilespmem:s18+$0xD7C0];
	v49 =	vmul.f32 v39, v41;
	[tilespmem:s18+$0xD720] =	vst v45  }
0x18e: {  	v3 =	vbroadcast v3, $0xF;
	v46 =	vld [tilespmem:s18+$0xD770];
	v54 =	vmul.f32 v44, v50;
	[tilespmem:s18+$0xD730] =	vst v47  }
0x18f: {  	v48 =	vld [tilespmem:s18+$0xD780];
	v60 =	vmul.f32 v51, v50;
	[tilespmem:s18+$0xD740] =	vst v49  }
0x190: {  	v59 =	vld [tilespmem:s18+$0xD7D0];
	v61 =	vmul.f32 v53, v3;
	[tilespmem:s18+$0xD760] =	vst v54  }
0x191: {  	v62 =	vmul.f32 v55, v3;
	[tilespmem:s18+$0xD790] =	vst v60  }
0x192: {  	p1 =	por p0, p0;
	v63 =	vmul.f32 v57, v3;
	[tilespmem:s18+$0xD7A0] =	vst v61  }
.Ltmp1:
0x193: {  	v56 =	vmul.f32 v46, v50;
	[tilespmem:s18+$0xD7B0] =	vst v62;
	(pc) =	sbr.rel @p1 .LBB2_5-.Ltmp1, $4  }
0x194: {  	v58 =	vmul.f32 v48, v50;
	[tilespmem:s18+$0xD7C0] =	vst v63  }
0x195: {  	v3 =	vmul.f32 v59, v3;
	[tilespmem:s18+$0xD770] =	vst v56  }
0x196: {  	[tilespmem:s18+$0xD780] =	vst v58  }
0x197: {  	p0 =	por $0x0, $0x0;
	s12 =	simm.s32 $0x4;
	[tilespmem:s18+$0xD7D0] =	vst v3  }
0x198: {  	p0 =	seq.s32 s9, $0x0  }
0x199: {  	s12 =	simm.s32 @!p0 $0x6  }
0x19a: {  	s29 =	smul.u32 $0x180, s9;
	_ =	swait.ge @!p0 [sflag:s12], $0x2000  }
0x19b: {  	[sflag:s12] =	ssyncset.done @!p0 $0x0  }
0x19c: {  	s18 =	sadd.s32 $0x100, s29;
	[sflag:s12] =	ssyncadd.s32 @!p0 $0xFFFFE000  }
0x19d: {  	[tilespmem:s16], [sflag:$0x3] =	stream.indirect.gather [hbm4b:s1+s6], $0x40, s18, s6, $0xb8;
	[tilespmem:$0x1C7E0] =	vst v63  }
0x19e: {  	s17 =	simm.s32 $0x117E0;
	s19 =	sadd.s32 $0x140, s29  }
0x19f: {  	[tilespmem:s17], [sflag:$0xC] =	stream.indirect.gather [hbm4b:s1+s6], $0x40, s19, s6, $0xb8;
	[tilespmem:$0x1C7E0] =	vst v63  }
0x1a0: {  	s19 =	sadd.s32 s3, s18  }
0x1a1: {  	s12 =	sshrl.u32 s19, $0x3  }
0x1a2: {  	s17 =	simm.s32 $0x0;
	s19 =	simm.s32 $0xC760;
	s12 =	sadd.s32 s8, s12  }
0x1a3: {  	[tilespmem:s19], [sflag:$0x9] =	stream.linear.gather [hbm4b:s12+s17], $0x80, $0x38;
	[tilespmem:$0x1C7E0] =	vst v63  }
0x1a4: {  	s11 =	sadd.s32 $0x4F80, s11  }
0x1a5: {  	[spmem:s4] =	stream.indirect.scatter.add.f32 [tilespmem:s30], [sflag:$0x4], $0x40, s11, s7, $0xb8;
	[tilespmem:$0x1C7E0] =	vst v63  }
0x1a6: {  	_ =	swait.ge [sflag:s20], $0x1000  }
0x1a7: {  	[sflag:s20] =	ssyncset.done $0x0  }
0x1a8: {  	[sflag:s20] =	ssyncadd.s32 $0xFFFFF000  }
0x1a9: {  	s5 =	sadd.s32 $0x200, s5;
	_ =	swait.ge [sflag:s21], $0x1000  }
0x1aa: {  	s5 =	sshra.s32 s5, $0x2;
	[sflag:s21] =	ssyncset.done $0x0  }
0x1ab: {  	v2 =	vmov s5;
	[sflag:s21] =	ssyncadd.s32 $0xFFFFF000  }
0x1ac: {  	_ =	swait.ge [sflag:s22], $0x80  }
0x1ad: {  	[sflag:s22] =	ssyncset.done $0x0  }
0x1ae: {  	p0 =	por $0x1, $0x1;
	[sflag:s22] =	ssyncadd.s32 $0xFFFFFF80  }
.LBB2_7:
0x1af: {  	s12 =	sshll.u32 s17, $0x4  }
0x1b0: {  	v3 =	vld.idx.msk [tilespmem:v2+s12+$0x0 ss:$0x1], $0xffff;
	_ =	sdelay $0x2  }
0x1b1: {  	v5 =	vld [tilespmem:s12+$0xC6E0];
	_ =	sdelay $0x1  }
0x1b2: {  	v4 =	vsub.s32 v3, v0  }
0x1b3: {  	v3 =	vand.u32 $0x7, v3;
	v4 =	vand.u32 $0xFFFFFFF8, v4  }
0x1b4: {  	v3 =	vor.u32 v3, v4;
	_ =	sdelay $0x3  }
0x1b5: {  	v26 =	vld.idx.msk [tilespmem:v5+s2+$0x0], $0xffff  }
0x1b6: {  	v3 =	vld.idx.msk [tilespmem:v3+s0+$0x0], $0xffff;
	_ =	sdelay $0x4  }
0x1b7: {  	v3 =	vadd.f32 v26, v3;
	_ =	sdelay $0x1  }
0x1b8: {  	v3 =	vsub.f32 $0.0e+00, v3;
	_ =	sdelay $0x1  }
0x1b9: {  	v3 =	vmul.f32 $1.442695020e+00, v3;
	_ =	sdelay $0x1  }
0x1ba: {  	(erf) = vpow2.f32 v3;
	_ =	sdelay $0x8  }
0x1bb: {  	v3 =	vpop (erf)  }
0x1bc: {  	v3 =	vadd.f32 $1.000000000e+00, v3;
	_ =	sdelay $0x1  }
0x1bd: {  	(erf) = vrcp.f32 v3;
	_ =	sdelay $0x4  }
0x1be: {  	s11 =	sshll.u32 s17, $0xA  }
0x1bf: {  	s11 =	sand.u32 $0x3FFFFC00, s11  }
0x1c0: {  	v3 =	vld [tilespmem:s11+$0xE7E0]  }
0x1c1: {  	v27 =	vld [tilespmem:s11+$0xE7F0]  }
0x1c2: {  	v8 =	vld [tilespmem:s11+$0xE810];
	v4 =	vpop (erf)  }
0x1c3: {  	v6 =	vld [tilespmem:s11+$0xE800];
	v7 =	vbroadcast v4, $0x0  }
0x1c4: {  	v10 =	vld [tilespmem:s11+$0xE830]  }
0x1c5: {  	v9 =	vld [tilespmem:s11+$0xE820];
	v3 =	vmul.f32 v7, v3  }
0x1c6: {  	v12 =	vld [tilespmem:s11+$0xE850];
	v5 =	vmul.f32 v7, v27  }
0x1c7: {  	v11 =	vld [tilespmem:s11+$0xE840];
	v28 =	vbroadcast v4, $0x1;
	v29 =	vmul.f32 v7, v8;
	[tilespmem:s11+$0xE7E0] =	vst v3  }
0x1c8: {  	v31 =	vld [tilespmem:s11+$0xE870];
	v3 =	vmul.f32 v7, v6;
	[tilespmem:s11+$0xE7F0] =	vst v5  }
0x1c9: {  	v30 =	vld [tilespmem:s11+$0xE860];
	v32 =	vmul.f32 v10, v28;
	[tilespmem:s11+$0xE810] =	vst v29  }
0x1ca: {  	v35 =	vld [tilespmem:s11+$0xE890];
	[tilespmem:s11+$0xE800] =	vst v3;
	v3 =	vmul.f32 v9, v28  }
0x1cb: {  	v33 =	vld [tilespmem:s11+$0xE880];
	v34 =	vbroadcast v4, $0x2;
	v36 =	vmul.f32 v12, v28;
	[tilespmem:s11+$0xE830] =	vst v32  }
0x1cc: {  	v38 =	vld [tilespmem:s11+$0xE8B0];
	[tilespmem:s11+$0xE820] =	vst v3;
	v3 =	vmul.f32 v11, v28  }
0x1cd: {  	v37 =	vld [tilespmem:s11+$0xE8A0];
	v39 =	vmul.f32 v31, v34;
	[tilespmem:s11+$0xE850] =	vst v36  }
0x1ce: {  	v42 =	vld [tilespmem:s11+$0xE8D0];
	[tilespmem:s11+$0xE840] =	vst v3;
	v3 =	vmul.f32 v30, v34  }
0x1cf: {  	v40 =	vld [tilespmem:s11+$0xE8C0];
	v41 =	vbroadcast v4, $0x3;
	v43 =	vmul.f32 v35, v34;
	[tilespmem:s11+$0xE870] =	vst v39  }
0x1d0: {  	v45 =	vld [tilespmem:s11+$0xE8F0];
	[tilespmem:s11+$0xE860] =	vst v3;
	v3 =	vmul.f32 v33, v34  }
0x1d1: {  	v44 =	vld [tilespmem:s11+$0xE8E0];
	v46 =	vmul.f32 v38, v41;
	[tilespmem:s11+$0xE890] =	vst v43  }
0x1d2: {  	[tilespmem:s11+$0xE880] =	vst v3;
	v3 =	vmul.f32 v37, v41  }
0x1d3: {  	v47 =	vbroadcast v4, $0x4;
	v48 =	vmul.f32 v42, v41;
	[tilespmem:s11+$0xE8B0] =	vst v46  }
0x1d4: {  	[tilespmem:s11+$0xE8A0] =	vst v3;
	v3 =	vmul.f32 v40, v41  }
0x1d5: {  	v49 =	vmul.f32 v45, v47;
	[tilespmem:s11+$0xE8D0] =	vst v48  }
0x1d6: {  	[tilespmem:s11+$0xE8C0] =	vst v3;
	v3 =	vmul.f32 v44, v47  }
0x1d7: {  	[tilespmem:s11+$0xE8F0] =	vst v49  }
0x1d8: {  	[tilespmem:s11+$0xE8E0] =	vst v3  }
0x1d9: {  	s19 =	sor.u32 $0x10, s12;
	v3 =	vld [tilespmem:s11+$0xE900]  }
0x1da: {  	v50 =	vld.idx.msk [tilespmem:v2+s19+$0x0 ss:$0x1], $0xffff  }
0x1db: {  	v51 =	vld [tilespmem:s11+$0xE910]  }
0x1dc: {  	v52 =	vld [tilespmem:s11+$0xE920]  }
0x1dd: {  	v53 =	vld [tilespmem:s11+$0xE930]  }
0x1de: {  	v55 =	vld [tilespmem:s12+$0xC6F0]  }
0x1df: {  	v56 =	vld [tilespmem:s11+$0xE940]  }
0x1e0: {  	v13 =	vld [tilespmem:s11+$0xE950]  }
0x1e1: {  	v57 =	vld [tilespmem:s11+$0xE960];
	v54 =	vsub.s32 v50, v0  }
0x1e2: {  	v14 =	vld [tilespmem:s11+$0xE970];
	v5 =	vand.u32 $0x7, v50;
	v10 =	vand.u32 $0xFFFFFFF8, v54  }
0x1e3: {  	v15 =	vld [tilespmem:s11+$0xE980];
	v5 =	vor.u32 v5, v10  }
0x1e4: {  	v16 =	vld [tilespmem:s11+$0xE990]  }
0x1e5: {  	v17 =	vld [tilespmem:s11+$0xE9A0]  }
0x1e6: {  	v18 =	vld [tilespmem:s11+$0xE9B0]  }
0x1e7: {  	v11 =	vld.idx.msk [tilespmem:v55+s2+$0x0], $0xffff  }
0x1e8: {  	v5 =	vld.idx.msk [tilespmem:v5+s0+$0x0], $0xffff  }
0x1e9: {  	v19 =	vld [tilespmem:s11+$0xE9C0]  }
0x1ea: {  	v20 =	vbroadcast v4, $0x5;
	v21 =	vld [tilespmem:s11+$0xE9D0];
	v3 =	vmul.f32 v3, v47  }
0x1eb: {  	v58 =	vld [tilespmem:s11+$0xE9E0]  }
0x1ec: {  	v59 =	vld [tilespmem:s11+$0xE9F0];
	[tilespmem:s11+$0xE900] =	vst v3;
	v3 =	vmul.f32 v52, v20  }
0x1ed: {  	v61 =	vld [tilespmem:s11+$0xEA00];
	v6 =	vmul.f32 v51, v47;
	v5 =	vadd.f32 v11, v5  }
0x1ee: {  	v62 =	vbroadcast v4, $0x6;
	v63 =	vld [tilespmem:s11+$0xEA10];
	[tilespmem:s11+$0xE920] =	vst v3;
	v3 =	vmul.f32 v56, v20  }
0x1ef: {  	v24 =	vld [tilespmem:s11+$0xEA20];
	v60 =	vmul.f32 v53, v20;
	[tilespmem:s11+$0xE910] =	vst v6;
	v5 =	vsub.f32 $0.0e+00, v5  }
0x1f0: {  	v25 =	vld [tilespmem:s11+$0xEA30];
	[tilespmem:s11+$0xE940] =	vst v3;
	v3 =	vmul.f32 v57, v62  }
0x1f1: {  	v27 =	vld [tilespmem:s11+$0xEA40];
	v23 =	vmul.f32 v13, v20;
	[tilespmem:s11+$0xE930] =	vst v60;
	v5 =	vmul.f32 $1.442695020e+00, v5  }
0x1f2: {  	v28 =	vbroadcast v4, $0x7;
	v29 =	vld [tilespmem:s11+$0xEA50];
	[tilespmem:s11+$0xE960] =	vst v3;
	v3 =	vmul.f32 v15, v62  }
0x1f3: {  	v31 =	vld [tilespmem:s11+$0xEA60];
	v26 =	vmul.f32 v14, v62;
	[tilespmem:s11+$0xE950] =	vst v23;
	(erf) = vpow2.f32 v5  }
0x1f4: {  	v32 =	vld [tilespmem:s11+$0xEA70];
	[tilespmem:s11+$0xE980] =	vst v3;
	v3 =	vmul.f32 v17, v28  }
0x1f5: {  	v34 =	vld [tilespmem:s11+$0xEA80];
	v30 =	vmul.f32 v16, v62;
	[tilespmem:s11+$0xE970] =	vst v26  }
0x1f6: {  	v35 =	vbroadcast v4, $0x8;
	v36 =	vld [tilespmem:s11+$0xEA90];
	[tilespmem:s11+$0xE9A0] =	vst v3;
	v3 =	vmul.f32 v19, v28  }
0x1f7: {  	v37 =	vld [tilespmem:s11+$0xEAA0];
	v33 =	vmul.f32 v18, v28;
	[tilespmem:s11+$0xE990] =	vst v30  }
0x1f8: {  	v38 =	vld [tilespmem:s11+$0xEAB0];
	[tilespmem:s11+$0xE9C0] =	vst v3;
	v3 =	vmul.f32 v58, v35  }
0x1f9: {  	v40 =	vld [tilespmem:s11+$0xEAC0];
	v39 =	vmul.f32 v59, v35;
	[tilespmem:s11+$0xE9B0] =	vst v33  }
0x1fa: {  	v41 =	vbroadcast v4, $0x9;
	v42 =	vld [tilespmem:s11+$0xEAD0];
	[tilespmem:s11+$0xE9E0] =	vst v3;
	v3 =	vmul.f32 v61, v35  }
0x1fb: {  	v45 =	vld [tilespmem:s11+$0xEAE0];
	v44 =	vmul.f32 v63, v35;
	[tilespmem:s11+$0xE9F0] =	vst v39  }
0x1fc: {  	v49 =	vld [tilespmem:s11+$0xEB00];
	[tilespmem:s11+$0xEA00] =	vst v3;
	v3 =	vmul.f32 v24, v41;
	v43 =	vpop (erf)  }
0x1fd: {  	v47 =	vld [tilespmem:s11+$0xEAF0];
	v48 =	vmul.f32 v25, v41;
	[tilespmem:s11+$0xEA10] =	vst v44;
	v46 =	vadd.f32 $1.000000000e+00, v43  }
0x1fe: {  	s17 =	sshll.u32 s19, $0x6;
	v50 =	vbroadcast v4, $0xA;
	v51 =	vld [tilespmem:s11+$0xEB10];
	[tilespmem:s11+$0xEA20] =	vst v3;
	v3 =	vmul.f32 v27, v41  }
0x1ff: {  	s17 =	sand.u32 $0x3FFFFC00, s17;
	v53 =	vld [tilespmem:s11+$0xEB20];
	[tilespmem:s11+$0xEA30] =	vst v48;
	v52 =	vmul.f32 v29, v41;
	(erf) = vrcp.f32 v46  }
0x200: {  	v63 =	vld [tilespmem:s17+$0xE7F0];
	[tilespmem:s11+$0xEA40] =	vst v3;
	v3 =	vmul.f32 v31, v50  }
0x201: {  	v25 =	vld [tilespmem:s17+$0xE800];
	v59 =	vmul.f32 v36, v50;
	v36 =	vbroadcast v4, $0xD;
	[tilespmem:s11+$0xEA50] =	vst v52  }
0x202: {  	v54 =	vld [tilespmem:s11+$0xEB30];
	v57 =	vbroadcast v4, $0xB;
	[tilespmem:s11+$0xEA60] =	vst v3;
	v3 =	vmul.f32 v34, v50  }
0x203: {  	v55 =	vmul.f32 v32, v50;
	v56 =	vld [tilespmem:s11+$0xEB40];
	[tilespmem:s11+$0xEA90] =	vst v59  }
0x204: {  	v60 =	vld [tilespmem:s11+$0xEB60];
	v9 =	vmul.f32 v53, v36;
	[tilespmem:s11+$0xEA80] =	vst v3;
	v3 =	vmul.f32 v37, v57  }
0x205: {  	v30 =	vld [tilespmem:s11+$0xEB70];
	[tilespmem:s11+$0xEA70] =	vst v55;
	v62 =	vmul.f32 v38, v57  }
0x206: {  	[tilespmem:s11+$0xEB20] =	vst v9;
	v61 =	vld [tilespmem:s17+$0xE7E0]  }
0x207: {  	v8 =	vmul.f32 v40, v57;
	v26 =	vmul.f32 v42, v57;
	[tilespmem:s11+$0xEAB0] =	vst v62;
	v58 =	vld [tilespmem:s11+$0xEB50]  }
0x208: {  	v33 =	vld [tilespmem:s11+$0xEBA0];
	v42 =	vmul.f32 v56, v36;
	v5 =	vmul.f32 v21, v28;
	[tilespmem:s11+$0xEAA0] =	vst v3;
	v3 =	vpop (erf)  }
0x209: {  	[tilespmem:s11+$0xEAC0] =	vst v8;
	v24 =	vbroadcast v4, $0xC;
	v28 =	vld [tilespmem:s17+$0xE810];
	v27 =	vbroadcast v3, $0x0  }
0x20a: {  	v32 =	vld [tilespmem:s11+$0xEB90];
	[tilespmem:s11+$0xEAD0] =	vst v26;
	v11 =	vmul.f32 v54, v36  }
0x20b: {  	[tilespmem:s11+$0xEB40] =	vst v42;
	v35 =	vld [tilespmem:s11+$0xEBC0];
	v29 =	vmul.f32 v45, v24;
	v6 =	vmul.f32 v27, v61  }
0x20c: {  	[tilespmem:s11+$0xEB30] =	vst v11;
	v45 =	vmul.f32 v58, v36;
	v36 =	vld [tilespmem:s12+$0xC700];
	v7 =	vmul.f32 v27, v63  }
0x20d: {  	v31 =	vld [tilespmem:s11+$0xEB80];
	v21 =	vmul.f32 v27, v25;
	[tilespmem:s17+$0xE7E0] =	vst v6  }
0x20e: {  	v34 =	vld [tilespmem:s11+$0xEBB0];
	v16 =	vmul.f32 v27, v28;
	[tilespmem:s17+$0xE7F0] =	vst v7  }
0x20f: {  	s19 =	sor.u32 $0x20, s12;
	v37 =	vld [tilespmem:s11+$0xEBD0];
	[tilespmem:s17+$0xE800] =	vst v21  }
0x210: {  	v63 =	vld.idx.msk [tilespmem:v2+s19+$0x0 ss:$0x1], $0xffff;
	[tilespmem:s17+$0xE810] =	vst v16  }
0x211: {  	[tilespmem:s11+$0xE9D0] =	vst v5;
	v13 =	vmul.f32 v47, v24;
	v39 =	vld [tilespmem:s11+$0xEC20]  }
0x212: {  	v10 =	vmul.f32 v49, v24;
	[tilespmem:s11+$0xEAE0] =	vst v29;
	v40 =	vld [tilespmem:s11+$0xEC30]  }
0x213: {  	v38 =	vmul.f32 v51, v24;
	[tilespmem:s11+$0xEAF0] =	vst v13;
	v43 =	vbroadcast v4, $0xE;
	v41 =	vld [tilespmem:s11+$0xEC40]  }
0x214: {  	[tilespmem:s11+$0xEB00] =	vst v10;
	v44 =	vld [tilespmem:s11+$0xEC50]  }
0x215: {  	[tilespmem:s11+$0xEB10] =	vst v38;
	v47 =	vmul.f32 v60, v43;
	v46 =	vld [tilespmem:s11+$0xEC60]  }
0x216: {  	[tilespmem:s11+$0xEB50] =	vst v45;
	v49 =	vmul.f32 v30, v43;
	v48 =	vld [tilespmem:s11+$0xEC70]  }
0x217: {  	v4 =	vbroadcast v4, $0xF;
	v5 =	vmul.f32 v31, v43;
	[tilespmem:s11+$0xEB60] =	vst v47;
	v50 =	vld [tilespmem:s11+$0xEC80]  }
0x218: {  	v8 =	vmul.f32 v32, v43;
	[tilespmem:s11+$0xEB70] =	vst v49;
	v51 =	vld [tilespmem:s11+$0xEC90]  }
0x219: {  	v53 =	vmul.f32 v33, v4;
	[tilespmem:s11+$0xEB80] =	vst v5;
	v52 =	vld [tilespmem:s11+$0xECA0]  }
0x21a: {  	v56 =	vmul.f32 v35, v4;
	[tilespmem:s11+$0xEB90] =	vst v8;
	v54 =	vld [tilespmem:s11+$0xECB0]  }
0x21b: {  	[tilespmem:s11+$0xEBA0] =	vst v53;
	v57 =	vbroadcast v3, $0x1;
	v7 =	vmul.f32 v34, v4;
	v55 =	vld [tilespmem:s11+$0xECC0]  }
0x21c: {  	[tilespmem:s11+$0xEBC0] =	vst v56;
	v4 =	vmul.f32 v37, v4;
	v58 =	vld [tilespmem:s11+$0xECD0]  }
0x21d: {  	v59 =	vld [tilespmem:s11+$0xECE0];
	[tilespmem:s11+$0xEBB0] =	vst v7;
	v60 =	vmul.f32 v39, v57  }
0x21e: {  	v61 =	vld [tilespmem:s11+$0xECF0];
	[tilespmem:s11+$0xEBD0] =	vst v4;
	v62 =	vmul.f32 v40, v57  }
0x21f: {  	v25 =	vbroadcast v3, $0x2;
	v26 =	vld [tilespmem:s11+$0xED00];
	v24 =	vmul.f32 v41, v57;
	[tilespmem:s11+$0xEC20] =	vst v60  }
0x220: {  	v28 =	vld [tilespmem:s11+$0xED10];
	v27 =	vmul.f32 v44, v57;
	[tilespmem:s11+$0xEC30] =	vst v62  }
0x221: {  	v30 =	vld [tilespmem:s11+$0xED20];
	v29 =	vmul.f32 v46, v25;
	[tilespmem:s11+$0xEC40] =	vst v24  }
0x222: {  	v32 =	vld [tilespmem:s11+$0xED30];
	v31 =	vmul.f32 v48, v25;
	[tilespmem:s11+$0xEC50] =	vst v27  }
0x223: {  	v34 =	vbroadcast v3, $0x3;
	v38 =	vld [tilespmem:s11+$0xED40];
	v33 =	vmul.f32 v50, v25;
	[tilespmem:s11+$0xEC60] =	vst v29  }
0x224: {  	v43 =	vld [tilespmem:s11+$0xED60];
	v37 =	vmul.f32 v51, v25;
	[tilespmem:s11+$0xEC70] =	vst v31  }
0x225: {  	v56 =	vld [tilespmem:s11+$0xEDA0];
	v35 =	vsub.s32 v63, v0;
	v40 =	vmul.f32 v52, v34;
	[tilespmem:s11+$0xEC80] =	vst v33  }
0x226: {  	v20 =	vld [tilespmem:s11+$0xEDE0];
	v10 =	vand.u32 $0x7, v63;
	v39 =	vand.u32 $0xFFFFFFF8, v35;
	v42 =	vmul.f32 v54, v34;
	[tilespmem:s11+$0xEC90] =	vst v37  }
0x227: {  	v45 =	vbroadcast v3, $0x4;
	v22 =	vld [tilespmem:s11+$0xEDF0];
	v44 =	vmul.f32 v55, v34;
	v10 =	vor.u32 v10, v39;
	[tilespmem:s11+$0xECA0] =	vst v40  }
0x228: {  	v63 =	vld [tilespmem:s11+$0xEDD0];
	v47 =	vmul.f32 v58, v34;
	[tilespmem:s11+$0xECB0] =	vst v42  }
0x229: {  	v41 =	vld [tilespmem:s11+$0xED50];
	v49 =	vmul.f32 v59, v45;
	[tilespmem:s11+$0xECC0] =	vst v44  }
0x22a: {  	v46 =	vld [tilespmem:s11+$0xED70];
	v51 =	vmul.f32 v61, v45;
	[tilespmem:s11+$0xECD0] =	vst v47  }
0x22b: {  	v53 =	vbroadcast v3, $0x5;
	v52 =	vmul.f32 v26, v45;
	v54 =	vld.idx.msk [tilespmem:v36+s2+$0x0], $0xffff;
	[tilespmem:s11+$0xECE0] =	vst v49  }
0x22c: {  	v55 =	vmul.f32 v28, v45;
	[tilespmem:s11+$0xECF0] =	vst v51;
	v10 =	vld.idx.msk [tilespmem:v10+s0+$0x0], $0xffff  }
0x22d: {  	v48 =	vld [tilespmem:s11+$0xED80];
	v57 =	vmul.f32 v30, v53;
	[tilespmem:s11+$0xED00] =	vst v52  }
0x22e: {  	v50 =	vld [tilespmem:s11+$0xED90];
	v59 =	vmul.f32 v32, v53;
	v26 =	vbroadcast v3, $0x7;
	[tilespmem:s11+$0xED10] =	vst v55  }
0x22f: {  	v58 =	vld [tilespmem:s11+$0xEDB0];
	v61 =	vmul.f32 v38, v53;
	[tilespmem:s11+$0xED20] =	vst v57  }
0x230: {  	v32 =	vld [tilespmem:s11+$0xEE30];
	v36 =	vbroadcast v3, $0x8;
	[tilespmem:s11+$0xED30] =	vst v59;
	v31 =	vmul.f32 v56, v26  }
0x231: {  	v34 =	vld [tilespmem:s11+$0xEE40];
	[tilespmem:s11+$0xED40] =	vst v61;
	v38 =	vmul.f32 v63, v26;
	v10 =	vadd.f32 v54, v10  }
0x232: {  	v39 =	vld [tilespmem:s11+$0xEE60];
	v62 =	vbroadcast v3, $0x6;
	v40 =	vmul.f32 v20, v36;
	[tilespmem:s11+$0xEDA0] =	vst v31  }
0x233: {  	v60 =	vld [tilespmem:s11+$0xEDC0];
	v42 =	vmul.f32 v22, v36;
	[tilespmem:s11+$0xEDD0] =	vst v38;
	v10 =	vsub.f32 $0.0e+00, v10  }
0x234: {  	v24 =	vld [tilespmem:s11+$0xEE00];
	v21 =	vmul.f32 v43, v62;
	[tilespmem:s11+$0xEDE0] =	vst v40  }
0x235: {  	v27 =	vld [tilespmem:s11+$0xEE10];
	[tilespmem:s11+$0xEDF0] =	vst v42;
	v19 =	vmul.f32 v41, v53;
	v30 =	vmul.f32 $1.442695020e+00, v10  }
0x236: {  	v29 =	vld [tilespmem:s11+$0xEE20];
	v23 =	vmul.f32 v46, v62;
	[tilespmem:s11+$0xED60] =	vst v21  }
0x237: {  	v37 =	vld [tilespmem:s11+$0xEE50];
	v25 =	vmul.f32 v48, v62;
	[tilespmem:s11+$0xED50] =	vst v19;
	(erf) = vpow2.f32 v30  }
0x238: {  	v45 =	vbroadcast v3, $0x9;
	v52 =	vld [tilespmem:s11+$0xEEC0];
	v28 =	vmul.f32 v50, v62;
	[tilespmem:s11+$0xED70] =	vst v23  }
0x239: {  	v55 =	vld [tilespmem:s11+$0xEED0];
	v33 =	vmul.f32 v58, v26;
	[tilespmem:s11+$0xED80] =	vst v25  }
0x23a: {  	v61 =	vld [tilespmem:s11+$0xEEF0];
	v51 =	vmul.f32 v32, v45;
	[tilespmem:s11+$0xED90] =	vst v28  }
0x23b: {  	v63 =	vld [tilespmem:s11+$0xEF00];
	v53 =	vmul.f32 v34, v45;
	[tilespmem:s11+$0xEDB0] =	vst v33  }
0x23c: {  	v20 =	vld [tilespmem:s11+$0xEF10];
	v35 =	vmul.f32 v60, v26;
	[tilespmem:s11+$0xEE30] =	vst v51  }
0x23d: {  	v22 =	vld [tilespmem:s11+$0xEF20];
	v44 =	vmul.f32 v24, v36;
	[tilespmem:s11+$0xEE40] =	vst v53  }
0x23e: {  	v43 =	vld [tilespmem:s11+$0xEE80];
	v47 =	vmul.f32 v27, v36;
	[tilespmem:s11+$0xEDC0] =	vst v35  }
0x23f: {  	v31 =	vld [tilespmem:s11+$0xEF60];
	v49 =	vmul.f32 v29, v45;
	v19 =	vbroadcast v3, $0xB;
	[tilespmem:s11+$0xEE00] =	vst v44  }
0x240: {  	v42 =	vld [tilespmem:s11+$0xEF80];
	v57 =	vmul.f32 v37, v45;
	v28 =	vbroadcast v3, $0xC;
	[tilespmem:s11+$0xEE10] =	vst v47;
	v56 =	vpop (erf)  }
0x241: {  	v48 =	vld [tilespmem:s11+$0xEEA0];
	[tilespmem:s11+$0xEE20] =	vst v49;
	v27 =	vmul.f32 v52, v19;
	v59 =	vadd.f32 $1.000000000e+00, v56  }
0x242: {  	v50 =	vld [tilespmem:s11+$0xEEB0];
	v36 =	vbroadcast v3, $0xD;
	[tilespmem:s11+$0xEE50] =	vst v57;
	v12 =	vmul.f32 v61, v28  }
0x243: {  	v58 =	vld [tilespmem:s11+$0xEEE0];
	v35 =	vmul.f32 v63, v28;
	[tilespmem:s11+$0xEEC0] =	vst v27;
	(erf) = vrcp.f32 v59  }
0x244: {  	v41 =	vld [tilespmem:s11+$0xEE70];
	v8 =	vmul.f32 v20, v28;
	[tilespmem:s11+$0xEEF0] =	vst v12  }
0x245: {  	v24 =	vld [tilespmem:s11+$0xEF30];
	v40 =	vmul.f32 v22, v36;
	[tilespmem:s11+$0xEF00] =	vst v35  }
0x246: {  	v26 =	vld [tilespmem:s11+$0xEF40];
	v23 =	vmul.f32 v48, v19;
	[tilespmem:s11+$0xEF10] =	vst v8  }
0x247: {  	s17 =	sshll.u32 s19, $0x6;
	v29 =	vld [tilespmem:s11+$0xEF50];
	v47 =	vbroadcast v3, $0xE;
	v25 =	vmul.f32 v50, v19;
	[tilespmem:s11+$0xEF20] =	vst v40  }
0x248: {  	s17 =	sand.u32 $0x3FFFFC00, s17;
	v46 =	vld [tilespmem:s11+$0xEE90];
	v32 =	vmul.f32 v58, v28;
	[tilespmem:s11+$0xEEA0] =	vst v23  }
0x249: {  	v34 =	vld [tilespmem:s17+$0xE7F0];
	v6 =	vmul.f32 v31, v47;
	[tilespmem:s11+$0xEEB0] =	vst v25  }
0x24a: {  	v33 =	vld [tilespmem:s17+$0xE7E0];
	[tilespmem:s11+$0xEEE0] =	vst v32;
	v9 =	vmul.f32 v24, v36  }
0x24b: {  	v37 =	vld [tilespmem:s17+$0xE800];
	v54 =	vbroadcast v3, $0xA;
	v7 =	vmul.f32 v26, v36;
	[tilespmem:s11+$0xEF60] =	vst v6  }
0x24c: {  	v45 =	vld [tilespmem:s11+$0xEFB0];
	v49 =	vmul.f32 v29, v36;
	[tilespmem:s11+$0xEF30] =	vst v9;
	v4 =	vpop (erf)  }
0x24d: {  	v60 =	vmul.f32 v39, v54;
	v39 =	vld [tilespmem:s17+$0xE810];
	[tilespmem:s11+$0xEF40] =	vst v7;
	v38 =	vbroadcast v4, $0x0  }
0x24e: {  	v44 =	vld [tilespmem:s11+$0xEFA0];
	v62 =	vmul.f32 v41, v54;
	[tilespmem:s11+$0xEF50] =	vst v49  }
0x24f: {  	s19 =	sor.u32 $0x30, s12;
	v48 =	vld [tilespmem:s11+$0xEFD0];
	[tilespmem:s11+$0xEE60] =	vst v60;
	v13 =	vmul.f32 v38, v33  }
0x250: {  	v28 =	vld.idx.msk [tilespmem:v2+s19+$0x0 ss:$0x1], $0xffff;
	[tilespmem:s11+$0xEE70] =	vst v62;
	v16 =	vmul.f32 v38, v34  }
0x251: {  	v41 =	vld [tilespmem:s11+$0xEF70];
	v17 =	vmul.f32 v38, v37;
	[tilespmem:s17+$0xE7E0] =	vst v13  }
0x252: {  	v18 =	vmul.f32 v43, v54;
	v43 =	vld [tilespmem:s11+$0xEF90];
	v12 =	vmul.f32 v38, v39;
	[tilespmem:s17+$0xE7F0] =	vst v16  }
0x253: {  	v21 =	vmul.f32 v46, v54;
	v46 =	vld [tilespmem:s11+$0xEFC0];
	[tilespmem:s17+$0xE800] =	vst v17  }
0x254: {  	v3 =	vbroadcast v3, $0xF;
	v38 =	vld [tilespmem:s12+$0xC710];
	[tilespmem:s17+$0xE810] =	vst v12  }
0x255: {  	v54 =	vmul.f32 v42, v47;
	[tilespmem:s11+$0xEE80] =	vst v18;
	v50 =	vld [tilespmem:s11+$0xF020]  }
0x256: {  	v57 =	vmul.f32 v44, v3;
	[tilespmem:s11+$0xEE90] =	vst v21;
	v51 =	vld [tilespmem:s11+$0xF030]  }
0x257: {  	[tilespmem:s11+$0xEF80] =	vst v54;
	v30 =	vmul.f32 v55, v19;
	v53 =	vld [tilespmem:s11+$0xF040]  }
0x258: {  	[tilespmem:s11+$0xEFA0] =	vst v57;
	v52 =	vmul.f32 v41, v47;
	v55 =	vld [tilespmem:s11+$0xF050]  }
0x259: {  	v5 =	vmul.f32 v43, v47;
	[tilespmem:s11+$0xEED0] =	vst v30;
	v56 =	vld [tilespmem:s11+$0xF060]  }
0x25a: {  	v61 =	vmul.f32 v46, v3;
	[tilespmem:s11+$0xEF70] =	vst v52;
	v59 =	vmul.f32 v45, v3;
	v58 =	vld [tilespmem:s11+$0xF070]  }
0x25b: {  	[tilespmem:s11+$0xEF90] =	vst v5;
	v3 =	vmul.f32 v48, v3;
	v62 =	vbroadcast v4, $0x1;
	v60 =	vld [tilespmem:s11+$0xF080]  }
0x25c: {  	[tilespmem:s11+$0xEFC0] =	vst v61;
	v63 =	vld [tilespmem:s11+$0xF090]  }
0x25d: {  	[tilespmem:s11+$0xEFD0] =	vst v3;
	v18 =	vld [tilespmem:s11+$0xF0A0];
	v3 =	vmul.f32 v51, v62  }
0x25e: {  	[tilespmem:s11+$0xEFB0] =	vst v59;
	v20 =	vld [tilespmem:s11+$0xF0B0];
	v19 =	vmul.f32 v50, v62  }
0x25f: {  	v23 =	vbroadcast v4, $0x2;
	v21 =	vld [tilespmem:s11+$0xF0C0];
	[tilespmem:s11+$0xF030] =	vst v3;
	v3 =	vmul.f32 v55, v62  }
0x260: {  	v24 =	vld [tilespmem:s11+$0xF0D0];
	v22 =	vmul.f32 v53, v62;
	[tilespmem:s11+$0xF020] =	vst v19  }
0x261: {  	v25 =	vld [tilespmem:s11+$0xF0E0];
	[tilespmem:s11+$0xF050] =	vst v3;
	v3 =	vmul.f32 v58, v23  }
0x262: {  	v27 =	vld [tilespmem:s11+$0xF0F0];
	v26 =	vmul.f32 v56, v23;
	[tilespmem:s11+$0xF040] =	vst v22  }
0x263: {  	v30 =	vbroadcast v4, $0x3;
	v31 =	vld [tilespmem:s11+$0xF100];
	[tilespmem:s11+$0xF070] =	vst v3;
	v3 =	vmul.f32 v63, v23  }
0x264: {  	v32 =	vld [tilespmem:s11+$0xF110];
	v29 =	vmul.f32 v60, v23;
	[tilespmem:s11+$0xF060] =	vst v26  }
0x265: {  	v33 =	vld [tilespmem:s11+$0xF120];
	[tilespmem:s11+$0xF090] =	vst v3;
	v3 =	vmul.f32 v20, v30  }
0x266: {  	v34 =	vld [tilespmem:s11+$0xF130];
	v5 =	vmul.f32 v18, v30;
	[tilespmem:s11+$0xF080] =	vst v29  }
0x267: {  	v36 =	vbroadcast v4, $0x4;
	v37 =	vsub.s32 v28, v0;
	v39 =	vld [tilespmem:s11+$0xF140];
	[tilespmem:s11+$0xF0B0] =	vst v3;
	v3 =	vmul.f32 v24, v30  }
0x268: {  	v40 =	vand.u32 $0xFFFFFFF8, v37;
	v13 =	vand.u32 $0x7, v28;
	v42 =	vld [tilespmem:s11+$0xF150];
	v35 =	vmul.f32 v21, v30;
	[tilespmem:s11+$0xF0A0] =	vst v5  }
0x269: {  	v13 =	vor.u32 v13, v40;
	v43 =	vld [tilespmem:s11+$0xF160];
	[tilespmem:s11+$0xF0D0] =	vst v3;
	v3 =	vmul.f32 v27, v36  }
0x26a: {  	v46 =	vld [tilespmem:s11+$0xF170];
	v41 =	vmul.f32 v25, v36;
	[tilespmem:s11+$0xF0C0] =	vst v35  }
0x26b: {  	v45 =	vbroadcast v4, $0x5;
	v47 =	vld [tilespmem:s11+$0xF180];
	[tilespmem:s11+$0xF0F0] =	vst v3;
	v3 =	vmul.f32 v32, v36  }
0x26c: {  	v49 =	vld [tilespmem:s11+$0xF190];
	v44 =	vmul.f32 v31, v36;
	[tilespmem:s11+$0xF0E0] =	vst v41  }
0x26d: {  	v57 =	vld [tilespmem:s11+$0xF1C0];
	[tilespmem:s11+$0xF110] =	vst v3;
	v3 =	vmul.f32 v34, v45  }
0x26e: {  	v48 =	vmul.f32 v33, v45;
	v50 =	vld.idx.msk [tilespmem:v13+s0+$0x0], $0xffff;
	[tilespmem:s11+$0xF100] =	vst v44  }
0x26f: {  	v52 =	vbroadcast v4, $0x6;
	v53 =	vld.idx.msk [tilespmem:v38+s2+$0x0], $0xffff;
	[tilespmem:s11+$0xF130] =	vst v3;
	v3 =	vmul.f32 v42, v45  }
0x270: {  	v59 =	vbroadcast v4, $0x7;
	v51 =	vmul.f32 v39, v45;
	v56 =	vld [tilespmem:s11+$0xF1B0];
	[tilespmem:s11+$0xF120] =	vst v48  }
0x271: {  	v61 =	vld [tilespmem:s11+$0xF1E0];
	[tilespmem:s11+$0xF150] =	vst v3;
	v3 =	vmul.f32 v46, v52  }
0x272: {  	v60 =	vld [tilespmem:s11+$0xF1D0];
	v17 =	vmul.f32 v57, v59;
	[tilespmem:s11+$0xF140] =	vst v51  }
0x273: {  	v54 =	vld [tilespmem:s11+$0xF1A0];
	[tilespmem:s11+$0xF170] =	vst v3;
	v3 =	vmul.f32 v49, v52  }
0x274: {  	v18 =	vbroadcast v4, $0x8;
	v55 =	vmul.f32 v43, v52;
	[tilespmem:s11+$0xF1C0] =	vst v17;
	v10 =	vadd.f32 v53, v50;
	v63 =	vld [tilespmem:s11+$0xF1F0]  }
0x275: {  	v16 =	vld [tilespmem:s11+$0xF200];
	[tilespmem:s11+$0xF190] =	vst v3;
	v3 =	vmul.f32 v56, v59  }
0x276: {  	v19 =	vld [tilespmem:s11+$0xF210];
	v21 =	vmul.f32 v61, v18;
	[tilespmem:s11+$0xF160] =	vst v55;
	v10 =	vsub.f32 $0.0e+00, v10  }
0x277: {  	v37 =	vld [tilespmem:s11+$0xF2C0];
	[tilespmem:s11+$0xF1B0] =	vst v3;
	v3 =	vmul.f32 v60, v59  }
0x278: {  	v62 =	vmul.f32 v54, v59;
	v22 =	vld [tilespmem:s11+$0xF230];
	[tilespmem:s11+$0xF1E0] =	vst v21;
	v10 =	vmul.f32 $1.442695020e+00, v10  }
0x279: {  	v39 =	vbroadcast v4, $0xB;
	v21 =	vld [tilespmem:s11+$0xF390];
	[tilespmem:s11+$0xF1D0] =	vst v3;
	v3 =	vmul.f32 v63, v18  }
0x27a: {  	v26 =	vld [tilespmem:s11+$0xF250];
	v58 =	vmul.f32 v47, v52;
	[tilespmem:s11+$0xF1A0] =	vst v62;
	(erf) = vpow2.f32 v10  }
0x27b: {  	v25 =	vbroadcast v4, $0x9;
	v33 =	vld [tilespmem:s11+$0xF290];
	[tilespmem:s11+$0xF1F0] =	vst v3;
	v3 =	vmul.f32 v19, v18  }
0x27c: {  	v29 =	vld [tilespmem:s11+$0xF270];
	v47 =	vmul.f32 v37, v39;
	v62 =	vbroadcast v4, $0xE;
	[tilespmem:s11+$0xF180] =	vst v58  }
0x27d: {  	v50 =	vld [tilespmem:s11+$0xF320];
	[tilespmem:s11+$0xF210] =	vst v3;
	v3 =	vmul.f32 v22, v25  }
0x27e: {  	v53 =	vld [tilespmem:s11+$0xF340];
	[tilespmem:s11+$0xF2C0] =	vst v47;
	v5 =	vmul.f32 v21, v62  }
0x27f: {  	v23 =	vld [tilespmem:s11+$0xF240];
	v32 =	vbroadcast v4, $0xA;
	[tilespmem:s11+$0xF230] =	vst v3;
	v3 =	vmul.f32 v26, v25  }
0x280: {  	v55 =	vbroadcast v4, $0xD;
	v24 =	vmul.f32 v16, v18;
	[tilespmem:s11+$0xF390] =	vst v5;
	v36 =	vld [tilespmem:s11+$0xF2B0]  }
0x281: {  	v40 =	vld [tilespmem:s11+$0xF2D0];
	[tilespmem:s11+$0xF250] =	vst v3;
	v3 =	vmul.f32 v29, v32  }
0x282: {  	v20 =	vld [tilespmem:s11+$0xF220];
	v58 =	vmul.f32 v50, v55;
	[tilespmem:s11+$0xF200] =	vst v24  }
0x283: {  	v30 =	vld [tilespmem:s11+$0xF280];
	v41 =	vpop (erf);
	[tilespmem:s11+$0xF270] =	vst v3;
	v3 =	vmul.f32 v33, v32  }
0x284: {  	v61 =	vmul.f32 v53, v55;
	[tilespmem:s11+$0xF320] =	vst v58;
	v45 =	vld [tilespmem:s11+$0xF2F0];
	v43 =	vadd.f32 $1.000000000e+00, v41  }
0x285: {  	v31 =	vmul.f32 v23, v25;
	v23 =	vld [tilespmem:s11+$0xF3B0];
	[tilespmem:s11+$0xF290] =	vst v3;
	v3 =	vmul.f32 v36, v39  }
0x286: {  	[tilespmem:s11+$0xF340] =	vst v61;
	v49 =	vld [tilespmem:s11+$0xF310];
	(erf) = vrcp.f32 v43  }
0x287: {  	v48 =	vbroadcast v4, $0xC;
	v27 =	vld [tilespmem:s11+$0xF260];
	[tilespmem:s11+$0xF2B0] =	vst v3;
	v3 =	vmul.f32 v40, v39  }
0x288: {  	v28 =	vmul.f32 v20, v25;
	[tilespmem:s11+$0xF240] =	vst v31  }
0x289: {  	v24 =	vld [tilespmem:s11+$0xF3C0];
	v4 =	vbroadcast v4, $0xF;
	[tilespmem:s11+$0xF2D0] =	vst v3;
	v3 =	vmul.f32 v45, v48  }
0x28a: {  	[tilespmem:s11+$0xF220] =	vst v28;
	v34 =	vld [tilespmem:s11+$0xF2A0];
	v38 =	vmul.f32 v30, v32  }
0x28b: {  	s19 =	sshll.u32 s19, $0x6;
	v28 =	vmul.f32 v23, v4;
	v42 =	vld [tilespmem:s11+$0xF2E0];
	[tilespmem:s11+$0xF2F0] =	vst v3;
	v3 =	vmul.f32 v49, v48  }
0x28c: {  	s12 =	sand.u32 $0x3FFFFC00, s19;
	v35 =	vmul.f32 v27, v32;
	[tilespmem:s11+$0xF280] =	vst v38;
	v46 =	vld [tilespmem:s11+$0xF300]  }
0x28d: {  	[tilespmem:s11+$0xF3B0] =	vst v28;
	v59 =	vld [tilespmem:s12+$0xE7E0]  }
0x28e: {  	v30 =	vmul.f32 v24, v4;
	[tilespmem:s11+$0xF260] =	vst v35;
	v60 =	vld [tilespmem:s12+$0xE7F0]  }
0x28f: {  	v44 =	vmul.f32 v34, v39;
	v63 =	vld [tilespmem:s12+$0xE800];
	[tilespmem:s11+$0xF310] =	vst v3;
	v3 =	vpop (erf)  }
0x290: {  	v17 =	vld [tilespmem:s12+$0xE810];
	[tilespmem:s11+$0xF3C0] =	vst v30;
	v51 =	vmul.f32 v42, v48;
	v16 =	vbroadcast v3, $0x0  }
0x291: {  	v52 =	vld [tilespmem:s11+$0xF330];
	[tilespmem:s11+$0xF2A0] =	vst v44;
	v54 =	vmul.f32 v46, v48  }
0x292: {  	v56 =	vld [tilespmem:s11+$0xF350];
	[tilespmem:s11+$0xF2E0] =	vst v51;
	v6 =	vmul.f32 v16, v59  }
0x293: {  	v20 =	vld [tilespmem:s11+$0xF380];
	[tilespmem:s11+$0xF300] =	vst v54;
	v12 =	vmul.f32 v16, v60  }
0x294: {  	v57 =	vld [tilespmem:s11+$0xF360];
	v13 =	vmul.f32 v16, v63;
	[tilespmem:s12+$0xE7E0] =	vst v6  }
0x295: {  	v19 =	vld [tilespmem:s11+$0xF370];
	v10 =	vmul.f32 v16, v17;
	[tilespmem:s12+$0xE7F0] =	vst v12  }
0x296: {  	v8 =	vmul.f32 v52, v55;
	v22 =	vld [tilespmem:s11+$0xF3A0];
	[tilespmem:s12+$0xE800] =	vst v13  }
0x297: {  	v15 =	vmul.f32 v56, v55;
	v25 =	vld [tilespmem:s11+$0xF3D0];
	[tilespmem:s12+$0xE810] =	vst v10  }
0x298: {  	[tilespmem:s11+$0xF330] =	vst v8;
	v8 =	vmul.f32 v20, v62;
	v26 =	vld [tilespmem:s11+$0xF420]  }
0x299: {  	v18 =	vmul.f32 v57, v62;
	[tilespmem:s11+$0xF350] =	vst v15;
	v27 =	vld [tilespmem:s11+$0xF430]  }
0x29a: {  	[tilespmem:s11+$0xF380] =	vst v8;
	v7 =	vmul.f32 v19, v62;
	v29 =	vld [tilespmem:s11+$0xF440]  }
0x29b: {  	[tilespmem:s11+$0xF360] =	vst v18;
	v31 =	vbroadcast v3, $0x1;
	v6 =	vmul.f32 v22, v4;
	v32 =	vld [tilespmem:s11+$0xF450]  }
0x29c: {  	[tilespmem:s11+$0xF370] =	vst v7;
	v4 =	vmul.f32 v25, v4;
	v33 =	vld [tilespmem:s11+$0xF460]  }
0x29d: {  	v35 =	vld [tilespmem:s11+$0xF470];
	[tilespmem:s11+$0xF3A0] =	vst v6;
	v34 =	vmul.f32 v26, v31  }
0x29e: {  	v37 =	vld [tilespmem:s11+$0xF480];
	[tilespmem:s11+$0xF3D0] =	vst v4;
	v36 =	vmul.f32 v27, v31  }
0x29f: {  	v39 =	vbroadcast v3, $0x2;
	v40 =	vld [tilespmem:s11+$0xF490];
	v38 =	vmul.f32 v29, v31;
	[tilespmem:s11+$0xF420] =	vst v34  }
0x2a0: {  	v42 =	vld [tilespmem:s11+$0xF4A0];
	v41 =	vmul.f32 v32, v31;
	[tilespmem:s11+$0xF430] =	vst v36  }
0x2a1: {  	v43 =	vld [tilespmem:s11+$0xF4B0];
	v5 =	vmul.f32 v33, v39;
	[tilespmem:s11+$0xF440] =	vst v38  }
0x2a2: {  	v45 =	vld [tilespmem:s11+$0xF4C0];
	v44 =	vmul.f32 v35, v39;
	[tilespmem:s11+$0xF450] =	vst v41  }
0x2a3: {  	v47 =	vbroadcast v3, $0x3;
	v48 =	vld [tilespmem:s11+$0xF4D0];
	v46 =	vmul.f32 v37, v39;
	[tilespmem:s11+$0xF460] =	vst v5  }
0x2a4: {  	v50 =	vld [tilespmem:s11+$0xF4E0];
	v49 =	vmul.f32 v40, v39;
	[tilespmem:s11+$0xF470] =	vst v44  }
0x2a5: {  	v52 =	vld [tilespmem:s11+$0xF4F0];
	v51 =	vmul.f32 v42, v47;
	[tilespmem:s11+$0xF480] =	vst v46  }
0x2a6: {  	v54 =	vld [tilespmem:s11+$0xF500];
	v53 =	vmul.f32 v43, v47;
	[tilespmem:s11+$0xF490] =	vst v49  }
0x2a7: {  	v56 =	vbroadcast v3, $0x4;
	v57 =	vld [tilespmem:s11+$0xF510];
	v55 =	vmul.f32 v45, v47;
	[tilespmem:s11+$0xF4A0] =	vst v51  }
0x2a8: {  	v59 =	vld [tilespmem:s11+$0xF520];
	v58 =	vmul.f32 v48, v47;
	[tilespmem:s11+$0xF4B0] =	vst v53  }
0x2a9: {  	v61 =	vld [tilespmem:s11+$0xF530];
	v60 =	vmul.f32 v50, v56;
	[tilespmem:s11+$0xF4C0] =	vst v55  }
0x2aa: {  	v63 =	vld [tilespmem:s11+$0xF540];
	v62 =	vmul.f32 v52, v56;
	[tilespmem:s11+$0xF4D0] =	vst v58  }
0x2ab: {  	v17 =	vbroadcast v3, $0x5;
	v18 =	vld [tilespmem:s11+$0xF550];
	v16 =	vmul.f32 v54, v56;
	[tilespmem:s11+$0xF4E0] =	vst v60  }
0x2ac: {  	v20 =	vld [tilespmem:s11+$0xF560];
	v19 =	vmul.f32 v57, v56;
	[tilespmem:s11+$0xF4F0] =	vst v62  }
0x2ad: {  	v22 =	vld [tilespmem:s11+$0xF570];
	v21 =	vmul.f32 v59, v17;
	[tilespmem:s11+$0xF500] =	vst v16  }
0x2ae: {  	v24 =	vld [tilespmem:s11+$0xF580];
	v23 =	vmul.f32 v61, v17;
	[tilespmem:s11+$0xF510] =	vst v19  }
0x2af: {  	v25 =	vmul.f32 v63, v17;
	v26 =	vbroadcast v3, $0x6;
	v27 =	vld [tilespmem:s11+$0xF590];
	[tilespmem:s11+$0xF520] =	vst v21  }
0x2b0: {  	v28 =	vmul.f32 v18, v17;
	v29 =	vld [tilespmem:s11+$0xF5A0];
	[tilespmem:s11+$0xF530] =	vst v23  }
0x2b1: {  	v31 =	vld [tilespmem:s11+$0xF5B0];
	[tilespmem:s11+$0xF540] =	vst v25;
	v30 =	vmul.f32 v20, v26  }
0x2b2: {  	v33 =	vld [tilespmem:s11+$0xF5C0];
	[tilespmem:s11+$0xF550] =	vst v28;
	v32 =	vmul.f32 v22, v26  }
0x2b3: {  	v35 =	vbroadcast v3, $0x7;
	v40 =	vld [tilespmem:s11+$0xF5F0];
	v34 =	vmul.f32 v24, v26;
	[tilespmem:s11+$0xF560] =	vst v30  }
0x2b4: {  	v42 =	vld [tilespmem:s11+$0xF600];
	[tilespmem:s11+$0xF570] =	vst v32;
	v37 =	vmul.f32 v27, v26  }
0x2b5: {  	v45 =	vld [tilespmem:s11+$0xF610];
	[tilespmem:s11+$0xF580] =	vst v34;
	v39 =	vmul.f32 v29, v35  }
0x2b6: {  	v47 =	vld [tilespmem:s11+$0xF620];
	v44 =	vbroadcast v3, $0x8;
	v41 =	vmul.f32 v31, v35;
	[tilespmem:s11+$0xF590] =	vst v37  }
0x2b7: {  	v54 =	vld [tilespmem:s11+$0xF650];
	v43 =	vmul.f32 v33, v35;
	[tilespmem:s11+$0xF5A0] =	vst v39  }
0x2b8: {  	v56 =	vld [tilespmem:s11+$0xF660];
	v50 =	vmul.f32 v40, v44;
	[tilespmem:s11+$0xF5B0] =	vst v41  }
0x2b9: {  	v63 =	vld [tilespmem:s11+$0xF690];
	v53 =	vbroadcast v3, $0x9;
	v52 =	vmul.f32 v42, v44;
	[tilespmem:s11+$0xF5C0] =	vst v43  }
0x2ba: {  	v17 =	vld [tilespmem:s11+$0xF6A0];
	v55 =	vmul.f32 v45, v44;
	[tilespmem:s11+$0xF5F0] =	vst v50  }
0x2bb: {  	v36 =	vld [tilespmem:s11+$0xF5D0];
	v62 =	vbroadcast v3, $0xA;
	v57 =	vmul.f32 v47, v53;
	[tilespmem:s11+$0xF600] =	vst v52  }
0x2bc: {  	v38 =	vld [tilespmem:s11+$0xF5E0];
	v16 =	vmul.f32 v54, v53;
	[tilespmem:s11+$0xF610] =	vst v55  }
0x2bd: {  	v49 =	vld [tilespmem:s11+$0xF630];
	v23 =	vbroadcast v3, $0xB;
	v18 =	vmul.f32 v56, v62;
	[tilespmem:s11+$0xF620] =	vst v57  }
0x2be: {  	v51 =	vld [tilespmem:s11+$0xF640];
	v25 =	vmul.f32 v63, v62;
	[tilespmem:s11+$0xF650] =	vst v16  }
0x2bf: {  	v58 =	vld [tilespmem:s11+$0xF670];
	v27 =	vmul.f32 v17, v23;
	[tilespmem:s11+$0xF660] =	vst v18  }
0x2c0: {  	v60 =	vld [tilespmem:s11+$0xF680];
	v46 =	vmul.f32 v36, v35;
	[tilespmem:s11+$0xF690] =	vst v25  }
0x2c1: {  	v19 =	vld [tilespmem:s11+$0xF6B0];
	v48 =	vmul.f32 v38, v44;
	[tilespmem:s11+$0xF6A0] =	vst v27  }
0x2c2: {  	v21 =	vld [tilespmem:s11+$0xF6C0];
	v59 =	vmul.f32 v49, v53;
	[tilespmem:s11+$0xF5D0] =	vst v46  }
0x2c3: {  	v24 =	vld [tilespmem:s11+$0xF6D0];
	v61 =	vmul.f32 v51, v53;
	[tilespmem:s11+$0xF5E0] =	vst v48  }
0x2c4: {  	v28 =	vld [tilespmem:s11+$0xF6F0];
	v20 =	vmul.f32 v58, v62;
	[tilespmem:s11+$0xF630] =	vst v59  }
0x2c5: {  	v30 =	vld [tilespmem:s11+$0xF700];
	v22 =	vmul.f32 v60, v62;
	[tilespmem:s11+$0xF640] =	vst v61  }
0x2c6: {  	v26 =	vld [tilespmem:s11+$0xF6E0];
	v29 =	vmul.f32 v19, v23;
	[tilespmem:s11+$0xF670] =	vst v20  }
0x2c7: {  	v32 =	vbroadcast v3, $0xC;
	v33 =	vld [tilespmem:s11+$0xF710];
	v31 =	vmul.f32 v21, v23;
	[tilespmem:s11+$0xF680] =	vst v22  }
0x2c8: {  	v42 =	vld [tilespmem:s11+$0xF750];
	v34 =	vmul.f32 v24, v23;
	[tilespmem:s11+$0xF6B0] =	vst v29  }
0x2c9: {  	v35 =	vld [tilespmem:s11+$0xF720];
	v38 =	vmul.f32 v28, v32;
	[tilespmem:s11+$0xF6C0] =	vst v31  }
0x2ca: {  	v37 =	vld [tilespmem:s11+$0xF730];
	[tilespmem:s11+$0xF6D0] =	vst v34;
	v40 =	vmul.f32 v30, v32  }
0x2cb: {  	v39 =	vld [tilespmem:s11+$0xF740];
	v41 =	vbroadcast v3, $0xD;
	[tilespmem:s11+$0xF6F0] =	vst v38;
	v36 =	vmul.f32 v26, v32  }
0x2cc: {  	v44 =	vld [tilespmem:s11+$0xF760];
	v43 =	vmul.f32 v33, v32;
	[tilespmem:s11+$0xF700] =	vst v40  }
0x2cd: {  	v51 =	vld [tilespmem:s11+$0xF790];
	v52 =	vmul.f32 v42, v41;
	[tilespmem:s11+$0xF6E0] =	vst v36  }
0x2ce: {  	v53 =	vld [tilespmem:s11+$0xF7A0];
	v45 =	vmul.f32 v35, v41;
	[tilespmem:s11+$0xF710] =	vst v43  }
0x2cf: {  	v50 =	vbroadcast v3, $0xE;
	v55 =	vld [tilespmem:s11+$0xF7B0];
	v47 =	vmul.f32 v37, v41;
	[tilespmem:s11+$0xF750] =	vst v52  }
0x2d0: {  	v57 =	vld [tilespmem:s11+$0xF7C0];
	v49 =	vmul.f32 v39, v41;
	[tilespmem:s11+$0xF720] =	vst v45  }
0x2d1: {  	v3 =	vbroadcast v3, $0xF;
	v46 =	vld [tilespmem:s11+$0xF770];
	v54 =	vmul.f32 v44, v50;
	[tilespmem:s11+$0xF730] =	vst v47  }
0x2d2: {  	v48 =	vld [tilespmem:s11+$0xF780];
	v60 =	vmul.f32 v51, v50;
	[tilespmem:s11+$0xF740] =	vst v49  }
0x2d3: {  	v59 =	vld [tilespmem:s11+$0xF7D0];
	v61 =	vmul.f32 v53, v3;
	[tilespmem:s11+$0xF760] =	vst v54  }
0x2d4: {  	v62 =	vmul.f32 v55, v3;
	[tilespmem:s11+$0xF790] =	vst v60  }
0x2d5: {  	p1 =	por p0, p0;
	v63 =	vmul.f32 v57, v3;
	[tilespmem:s11+$0xF7A0] =	vst v61  }
.Ltmp2:
0x2d6: {  	v56 =	vmul.f32 v46, v50;
	[tilespmem:s11+$0xF7B0] =	vst v62;
	(pc) =	sbr.rel @p1 .LBB2_7-.Ltmp2, $4  }
0x2d7: {  	v58 =	vmul.f32 v48, v50;
	[tilespmem:s11+$0xF7C0] =	vst v63  }
0x2d8: {  	v3 =	vmul.f32 v59, v3;
	[tilespmem:s11+$0xF770] =	vst v56  }
0x2d9: {  	[tilespmem:s11+$0xF780] =	vst v58  }
0x2da: {  	p0 =	por $0x0, $0x0;
	s17 =	simm.s32 $0x4;
	[tilespmem:s11+$0xF7D0] =	vst v3  }
0x2db: {  	_ =	swait.ge [sflag:s23], $0x2000;
	p0 =	seq.s32 s9, $0x34  }
0x2dc: {  	[sflag:s23] =	ssyncset.done $0x0;
	s11 =	sadd.s32 @!p0 $0x180, s29  }
0x2dd: {  	s12 =	simm.s32 @!p0 $0x40;
	s17 =	simm.s32 @!p0 $0xC7E0;
	[sflag:s23] =	ssyncadd.s32 $0xFFFFE000  }
0x2de: {  	[tilespmem:s17], [sflag:$0x1] =	stream.indirect.gather @!p0 [hbm4b:s1+s12], $0x40, s11, s12, $0xb8;
	[tilespmem:$0x1C7E0] =	vst v63  }
0x2df: {  	s11 =	sadd.s32 @!p0 s3, s11  }
0x2e0: {  	s19 =	simm.s32 @!p0 $0xD7E0;
	s17 =	sadd.s32 @!p0 $0x1C0, s29;
	s11 =	sshrl.u32 @!p0 s11, $0x3  }
0x2e1: {  	[tilespmem:s19], [sflag:$0xA] =	stream.indirect.gather @!p0 [hbm4b:s1+s12], $0x40, s17, s12, $0xb8;
	[tilespmem:$0x1C7E0] =	vst v63  }
0x2e2: {  	s11 =	sadd.s32 @!p0 s8, s11;
	s12 =	simm.s32 @!p0 $0x0;
	s17 =	simm.s32 @!p0 $0xC660  }
0x2e3: {  	[tilespmem:s17], [sflag:$0x7] =	stream.linear.gather @!p0 [hbm4b:s11+s12], $0x80, $0x38;
	[tilespmem:$0x1C7E0] =	vst v63  }
0x2e4: {  	s5 =	sadd.s32 $0x4F80, s5  }
0x2e5: {  	[spmem:s4] =	stream.indirect.scatter.add.f32 [tilespmem:s10], [sflag:$0x5], $0x40, s5, s7, $0xb8;
	[tilespmem:$0x1C7E0] =	vst v63  }
0x2e6: {  	_ =	swait.ge [sflag:s24], $0x1000  }
0x2e7: {  	[sflag:s24] =	ssyncset.done $0x0  }
0x2e8: {  	[sflag:s24] =	ssyncadd.s32 $0xFFFFF000  }
0x2e9: {  	_ =	swait.ge [sflag:s25], $0x1000  }
0x2ea: {  	[sflag:s25] =	ssyncset.done $0x0  }
0x2eb: {  	v2 =	vmov s18;
	[sflag:s25] =	ssyncadd.s32 $0xFFFFF000  }
0x2ec: {  	_ =	swait.ge [sflag:s26], $0x80  }
0x2ed: {  	[sflag:s26] =	ssyncset.done $0x0  }
0x2ee: {  	p1 =	por $0x1, $0x1;
	s5 =	simm.s32 $0x0;
	[sflag:s26] =	ssyncadd.s32 $0xFFFFFF80  }
.LBB2_9:
0x2ef: {  	s11 =	sshll.u32 s5, $0x4  }
0x2f0: {  	v3 =	vld.idx.msk [tilespmem:v2+s11+$0x0 ss:$0x1], $0xffff;
	_ =	sdelay $0x2  }
0x2f1: {  	v5 =	vld [tilespmem:s11+$0xC760];
	_ =	sdelay $0x1  }
0x2f2: {  	v4 =	vsub.s32 v3, v0  }
0x2f3: {  	v3 =	vand.u32 $0x7, v3;
	v4 =	vand.u32 $0xFFFFFFF8, v4  }
0x2f4: {  	v3 =	vor.u32 v3, v4;
	_ =	sdelay $0x3  }
0x2f5: {  	v26 =	vld.idx.msk [tilespmem:v5+s2+$0x0], $0xffff  }
0x2f6: {  	v3 =	vld.idx.msk [tilespmem:v3+s0+$0x0], $0xffff;
	_ =	sdelay $0x4  }
0x2f7: {  	v3 =	vadd.f32 v26, v3;
	_ =	sdelay $0x1  }
0x2f8: {  	v3 =	vsub.f32 $0.0e+00, v3;
	_ =	sdelay $0x1  }
0x2f9: {  	v3 =	vmul.f32 $1.442695020e+00, v3;
	_ =	sdelay $0x1  }
0x2fa: {  	(erf) = vpow2.f32 v3;
	_ =	sdelay $0x8  }
0x2fb: {  	v3 =	vpop (erf)  }
0x2fc: {  	v3 =	vadd.f32 $1.000000000e+00, v3;
	_ =	sdelay $0x1  }
0x2fd: {  	(erf) = vrcp.f32 v3;
	_ =	sdelay $0x4  }
0x2fe: {  	s17 =	sshll.u32 s5, $0xA  }
0x2ff: {  	s5 =	sand.u32 $0x3FFFFC00, s17  }
0x300: {  	v3 =	vld [tilespmem:s5+$0x107E0]  }
0x301: {  	v27 =	vld [tilespmem:s5+$0x107F0]  }
0x302: {  	v8 =	vld [tilespmem:s5+$0x10810];
	v4 =	vpop (erf)  }
0x303: {  	v6 =	vld [tilespmem:s5+$0x10800];
	v7 =	vbroadcast v4, $0x0  }
0x304: {  	v10 =	vld [tilespmem:s5+$0x10830]  }
0x305: {  	v9 =	vld [tilespmem:s5+$0x10820];
	v3 =	vmul.f32 v7, v3  }
0x306: {  	v12 =	vld [tilespmem:s5+$0x10850];
	v5 =	vmul.f32 v7, v27  }
0x307: {  	v11 =	vld [tilespmem:s5+$0x10840];
	v28 =	vbroadcast v4, $0x1;
	v29 =	vmul.f32 v7, v8;
	[tilespmem:s5+$0x107E0] =	vst v3  }
0x308: {  	v31 =	vld [tilespmem:s5+$0x10870];
	v3 =	vmul.f32 v7, v6;
	[tilespmem:s5+$0x107F0] =	vst v5  }
0x309: {  	v30 =	vld [tilespmem:s5+$0x10860];
	v32 =	vmul.f32 v10, v28;
	[tilespmem:s5+$0x10810] =	vst v29  }
0x30a: {  	v35 =	vld [tilespmem:s5+$0x10890];
	[tilespmem:s5+$0x10800] =	vst v3;
	v3 =	vmul.f32 v9, v28  }
0x30b: {  	v33 =	vld [tilespmem:s5+$0x10880];
	v34 =	vbroadcast v4, $0x2;
	v36 =	vmul.f32 v12, v28;
	[tilespmem:s5+$0x10830] =	vst v32  }
0x30c: {  	v38 =	vld [tilespmem:s5+$0x108B0];
	[tilespmem:s5+$0x10820] =	vst v3;
	v3 =	vmul.f32 v11, v28  }
0x30d: {  	v37 =	vld [tilespmem:s5+$0x108A0];
	v39 =	vmul.f32 v31, v34;
	[tilespmem:s5+$0x10850] =	vst v36  }
0x30e: {  	v42 =	vld [tilespmem:s5+$0x108D0];
	[tilespmem:s5+$0x10840] =	vst v3;
	v3 =	vmul.f32 v30, v34  }
0x30f: {  	v40 =	vld [tilespmem:s5+$0x108C0];
	v41 =	vbroadcast v4, $0x3;
	v43 =	vmul.f32 v35, v34;
	[tilespmem:s5+$0x10870] =	vst v39  }
0x310: {  	v45 =	vld [tilespmem:s5+$0x108F0];
	[tilespmem:s5+$0x10860] =	vst v3;
	v3 =	vmul.f32 v33, v34  }
0x311: {  	v44 =	vld [tilespmem:s5+$0x108E0];
	v46 =	vmul.f32 v38, v41;
	[tilespmem:s5+$0x10890] =	vst v43  }
0x312: {  	[tilespmem:s5+$0x10880] =	vst v3;
	v3 =	vmul.f32 v37, v41  }
0x313: {  	v47 =	vbroadcast v4, $0x4;
	v48 =	vmul.f32 v42, v41;
	[tilespmem:s5+$0x108B0] =	vst v46  }
0x314: {  	[tilespmem:s5+$0x108A0] =	vst v3;
	v3 =	vmul.f32 v40, v41  }
0x315: {  	v49 =	vmul.f32 v45, v47;
	[tilespmem:s5+$0x108D0] =	vst v48  }
0x316: {  	[tilespmem:s5+$0x108C0] =	vst v3;
	v3 =	vmul.f32 v44, v47  }
0x317: {  	[tilespmem:s5+$0x108F0] =	vst v49  }
0x318: {  	[tilespmem:s5+$0x108E0] =	vst v3  }
0x319: {  	s12 =	sor.u32 $0x10, s11;
	v3 =	vld [tilespmem:s5+$0x10900]  }
0x31a: {  	v50 =	vld.idx.msk [tilespmem:v2+s12+$0x0 ss:$0x1], $0xffff  }
0x31b: {  	v51 =	vld [tilespmem:s5+$0x10910]  }
0x31c: {  	v52 =	vld [tilespmem:s5+$0x10920]  }
0x31d: {  	v53 =	vld [tilespmem:s5+$0x10930]  }
0x31e: {  	v55 =	vld [tilespmem:s11+$0xC770]  }
0x31f: {  	v56 =	vld [tilespmem:s5+$0x10940]  }
0x320: {  	v13 =	vld [tilespmem:s5+$0x10950]  }
0x321: {  	v57 =	vld [tilespmem:s5+$0x10960];
	v54 =	vsub.s32 v50, v0  }
0x322: {  	v14 =	vld [tilespmem:s5+$0x10970];
	v5 =	vand.u32 $0x7, v50;
	v10 =	vand.u32 $0xFFFFFFF8, v54  }
0x323: {  	v15 =	vld [tilespmem:s5+$0x10980];
	v5 =	vor.u32 v5, v10  }
0x324: {  	v16 =	vld [tilespmem:s5+$0x10990]  }
0x325: {  	v17 =	vld [tilespmem:s5+$0x109A0]  }
0x326: {  	v18 =	vld [tilespmem:s5+$0x109B0]  }
0x327: {  	v11 =	vld.idx.msk [tilespmem:v55+s2+$0x0], $0xffff  }
0x328: {  	v5 =	vld.idx.msk [tilespmem:v5+s0+$0x0], $0xffff  }
0x329: {  	v19 =	vld [tilespmem:s5+$0x109C0]  }
0x32a: {  	v20 =	vbroadcast v4, $0x5;
	v21 =	vld [tilespmem:s5+$0x109D0];
	v3 =	vmul.f32 v3, v47  }
0x32b: {  	v58 =	vld [tilespmem:s5+$0x109E0]  }
0x32c: {  	v59 =	vld [tilespmem:s5+$0x109F0];
	[tilespmem:s5+$0x10900] =	vst v3;
	v3 =	vmul.f32 v52, v20  }
0x32d: {  	v61 =	vld [tilespmem:s5+$0x10A00];
	v6 =	vmul.f32 v51, v47;
	v5 =	vadd.f32 v11, v5  }
0x32e: {  	v62 =	vbroadcast v4, $0x6;
	v63 =	vld [tilespmem:s5+$0x10A10];
	[tilespmem:s5+$0x10920] =	vst v3;
	v3 =	vmul.f32 v56, v20  }
0x32f: {  	v24 =	vld [tilespmem:s5+$0x10A20];
	v60 =	vmul.f32 v53, v20;
	[tilespmem:s5+$0x10910] =	vst v6;
	v5 =	vsub.f32 $0.0e+00, v5  }
0x330: {  	v25 =	vld [tilespmem:s5+$0x10A30];
	[tilespmem:s5+$0x10940] =	vst v3;
	v3 =	vmul.f32 v57, v62  }
0x331: {  	v27 =	vld [tilespmem:s5+$0x10A40];
	v23 =	vmul.f32 v13, v20;
	[tilespmem:s5+$0x10930] =	vst v60;
	v5 =	vmul.f32 $1.442695020e+00, v5  }
0x332: {  	v28 =	vbroadcast v4, $0x7;
	v29 =	vld [tilespmem:s5+$0x10A50];
	[tilespmem:s5+$0x10960] =	vst v3;
	v3 =	vmul.f32 v15, v62  }
0x333: {  	v31 =	vld [tilespmem:s5+$0x10A60];
	v26 =	vmul.f32 v14, v62;
	[tilespmem:s5+$0x10950] =	vst v23;
	(erf) = vpow2.f32 v5  }
0x334: {  	v32 =	vld [tilespmem:s5+$0x10A70];
	[tilespmem:s5+$0x10980] =	vst v3;
	v3 =	vmul.f32 v17, v28  }
0x335: {  	v34 =	vld [tilespmem:s5+$0x10A80];
	v30 =	vmul.f32 v16, v62;
	[tilespmem:s5+$0x10970] =	vst v26  }
0x336: {  	v35 =	vbroadcast v4, $0x8;
	v36 =	vld [tilespmem:s5+$0x10A90];
	[tilespmem:s5+$0x109A0] =	vst v3;
	v3 =	vmul.f32 v19, v28  }
0x337: {  	v37 =	vld [tilespmem:s5+$0x10AA0];
	v33 =	vmul.f32 v18, v28;
	[tilespmem:s5+$0x10990] =	vst v30  }
0x338: {  	v38 =	vld [tilespmem:s5+$0x10AB0];
	[tilespmem:s5+$0x109C0] =	vst v3;
	v3 =	vmul.f32 v58, v35  }
0x339: {  	v40 =	vld [tilespmem:s5+$0x10AC0];
	v39 =	vmul.f32 v59, v35;
	[tilespmem:s5+$0x109B0] =	vst v33  }
0x33a: {  	v41 =	vbroadcast v4, $0x9;
	v42 =	vld [tilespmem:s5+$0x10AD0];
	[tilespmem:s5+$0x109E0] =	vst v3;
	v3 =	vmul.f32 v61, v35  }
0x33b: {  	v45 =	vld [tilespmem:s5+$0x10AE0];
	v44 =	vmul.f32 v63, v35;
	[tilespmem:s5+$0x109F0] =	vst v39  }
0x33c: {  	v49 =	vld [tilespmem:s5+$0x10B00];
	[tilespmem:s5+$0x10A00] =	vst v3;
	v3 =	vmul.f32 v24, v41;
	v43 =	vpop (erf)  }
0x33d: {  	v47 =	vld [tilespmem:s5+$0x10AF0];
	v48 =	vmul.f32 v25, v41;
	[tilespmem:s5+$0x10A10] =	vst v44;
	v46 =	vadd.f32 $1.000000000e+00, v43  }
0x33e: {  	s12 =	sshll.u32 s12, $0x6;
	v50 =	vbroadcast v4, $0xA;
	v51 =	vld [tilespmem:s5+$0x10B10];
	[tilespmem:s5+$0x10A20] =	vst v3;
	v3 =	vmul.f32 v27, v41  }
0x33f: {  	s12 =	sand.u32 $0x3FFFFC00, s12;
	v53 =	vld [tilespmem:s5+$0x10B20];
	[tilespmem:s5+$0x10A30] =	vst v48;
	v52 =	vmul.f32 v29, v41;
	(erf) = vrcp.f32 v46  }
0x340: {  	v63 =	vld [tilespmem:s12+$0x107F0];
	[tilespmem:s5+$0x10A40] =	vst v3;
	v3 =	vmul.f32 v31, v50  }
0x341: {  	v25 =	vld [tilespmem:s12+$0x10800];
	v59 =	vmul.f32 v36, v50;
	v36 =	vbroadcast v4, $0xD;
	[tilespmem:s5+$0x10A50] =	vst v52  }
0x342: {  	v54 =	vld [tilespmem:s5+$0x10B30];
	v57 =	vbroadcast v4, $0xB;
	[tilespmem:s5+$0x10A60] =	vst v3;
	v3 =	vmul.f32 v34, v50  }
0x343: {  	v55 =	vmul.f32 v32, v50;
	v56 =	vld [tilespmem:s5+$0x10B40];
	[tilespmem:s5+$0x10A90] =	vst v59  }
0x344: {  	v60 =	vld [tilespmem:s5+$0x10B60];
	v9 =	vmul.f32 v53, v36;
	[tilespmem:s5+$0x10A80] =	vst v3;
	v3 =	vmul.f32 v37, v57  }
0x345: {  	v30 =	vld [tilespmem:s5+$0x10B70];
	[tilespmem:s5+$0x10A70] =	vst v55;
	v62 =	vmul.f32 v38, v57  }
0x346: {  	[tilespmem:s5+$0x10B20] =	vst v9;
	v61 =	vld [tilespmem:s12+$0x107E0]  }
0x347: {  	v8 =	vmul.f32 v40, v57;
	v26 =	vmul.f32 v42, v57;
	[tilespmem:s5+$0x10AB0] =	vst v62;
	v58 =	vld [tilespmem:s5+$0x10B50]  }
0x348: {  	v33 =	vld [tilespmem:s5+$0x10BA0];
	v42 =	vmul.f32 v56, v36;
	v5 =	vmul.f32 v21, v28;
	[tilespmem:s5+$0x10AA0] =	vst v3;
	v3 =	vpop (erf)  }
0x349: {  	[tilespmem:s5+$0x10AC0] =	vst v8;
	v24 =	vbroadcast v4, $0xC;
	v28 =	vld [tilespmem:s12+$0x10810];
	v27 =	vbroadcast v3, $0x0  }
0x34a: {  	v32 =	vld [tilespmem:s5+$0x10B90];
	[tilespmem:s5+$0x10AD0] =	vst v26;
	v11 =	vmul.f32 v54, v36  }
0x34b: {  	[tilespmem:s5+$0x10B40] =	vst v42;
	v35 =	vld [tilespmem:s5+$0x10BC0];
	v29 =	vmul.f32 v45, v24;
	v6 =	vmul.f32 v27, v61  }
0x34c: {  	[tilespmem:s5+$0x10B30] =	vst v11;
	v45 =	vmul.f32 v58, v36;
	v36 =	vld [tilespmem:s11+$0xC780];
	v7 =	vmul.f32 v27, v63  }
0x34d: {  	v31 =	vld [tilespmem:s5+$0x10B80];
	v21 =	vmul.f32 v27, v25;
	[tilespmem:s12+$0x107E0] =	vst v6  }
0x34e: {  	v34 =	vld [tilespmem:s5+$0x10BB0];
	v16 =	vmul.f32 v27, v28;
	[tilespmem:s12+$0x107F0] =	vst v7  }
0x34f: {  	s19 =	sor.u32 $0x20, s11;
	v37 =	vld [tilespmem:s5+$0x10BD0];
	[tilespmem:s12+$0x10800] =	vst v21  }
0x350: {  	v63 =	vld.idx.msk [tilespmem:v2+s19+$0x0 ss:$0x1], $0xffff;
	[tilespmem:s12+$0x10810] =	vst v16  }
0x351: {  	[tilespmem:s5+$0x109D0] =	vst v5;
	v13 =	vmul.f32 v47, v24;
	v39 =	vld [tilespmem:s5+$0x10C20]  }
0x352: {  	v10 =	vmul.f32 v49, v24;
	[tilespmem:s5+$0x10AE0] =	vst v29;
	v40 =	vld [tilespmem:s5+$0x10C30]  }
0x353: {  	v38 =	vmul.f32 v51, v24;
	[tilespmem:s5+$0x10AF0] =	vst v13;
	v43 =	vbroadcast v4, $0xE;
	v41 =	vld [tilespmem:s5+$0x10C40]  }
0x354: {  	[tilespmem:s5+$0x10B00] =	vst v10;
	v44 =	vld [tilespmem:s5+$0x10C50]  }
0x355: {  	[tilespmem:s5+$0x10B10] =	vst v38;
	v47 =	vmul.f32 v60, v43;
	v46 =	vld [tilespmem:s5+$0x10C60]  }
0x356: {  	[tilespmem:s5+$0x10B50] =	vst v45;
	v49 =	vmul.f32 v30, v43;
	v48 =	vld [tilespmem:s5+$0x10C70]  }
0x357: {  	v4 =	vbroadcast v4, $0xF;
	v5 =	vmul.f32 v31, v43;
	[tilespmem:s5+$0x10B60] =	vst v47;
	v50 =	vld [tilespmem:s5+$0x10C80]  }
0x358: {  	v8 =	vmul.f32 v32, v43;
	[tilespmem:s5+$0x10B70] =	vst v49;
	v51 =	vld [tilespmem:s5+$0x10C90]  }
0x359: {  	v53 =	vmul.f32 v33, v4;
	[tilespmem:s5+$0x10B80] =	vst v5;
	v52 =	vld [tilespmem:s5+$0x10CA0]  }
0x35a: {  	v56 =	vmul.f32 v35, v4;
	[tilespmem:s5+$0x10B90] =	vst v8;
	v54 =	vld [tilespmem:s5+$0x10CB0]  }
0x35b: {  	[tilespmem:s5+$0x10BA0] =	vst v53;
	v57 =	vbroadcast v3, $0x1;
	v7 =	vmul.f32 v34, v4;
	v55 =	vld [tilespmem:s5+$0x10CC0]  }
0x35c: {  	[tilespmem:s5+$0x10BC0] =	vst v56;
	v4 =	vmul.f32 v37, v4;
	v58 =	vld [tilespmem:s5+$0x10CD0]  }
0x35d: {  	v59 =	vld [tilespmem:s5+$0x10CE0];
	[tilespmem:s5+$0x10BB0] =	vst v7;
	v60 =	vmul.f32 v39, v57  }
0x35e: {  	v61 =	vld [tilespmem:s5+$0x10CF0];
	[tilespmem:s5+$0x10BD0] =	vst v4;
	v62 =	vmul.f32 v40, v57  }
0x35f: {  	v25 =	vbroadcast v3, $0x2;
	v26 =	vld [tilespmem:s5+$0x10D00];
	v24 =	vmul.f32 v41, v57;
	[tilespmem:s5+$0x10C20] =	vst v60  }
0x360: {  	v28 =	vld [tilespmem:s5+$0x10D10];
	v27 =	vmul.f32 v44, v57;
	[tilespmem:s5+$0x10C30] =	vst v62  }
0x361: {  	v30 =	vld [tilespmem:s5+$0x10D20];
	v29 =	vmul.f32 v46, v25;
	[tilespmem:s5+$0x10C40] =	vst v24  }
0x362: {  	v32 =	vld [tilespmem:s5+$0x10D30];
	v31 =	vmul.f32 v48, v25;
	[tilespmem:s5+$0x10C50] =	vst v27  }
0x363: {  	v34 =	vbroadcast v3, $0x3;
	v38 =	vld [tilespmem:s5+$0x10D40];
	v33 =	vmul.f32 v50, v25;
	[tilespmem:s5+$0x10C60] =	vst v29  }
0x364: {  	v43 =	vld [tilespmem:s5+$0x10D60];
	v37 =	vmul.f32 v51, v25;
	[tilespmem:s5+$0x10C70] =	vst v31  }
0x365: {  	v56 =	vld [tilespmem:s5+$0x10DA0];
	v35 =	vsub.s32 v63, v0;
	v40 =	vmul.f32 v52, v34;
	[tilespmem:s5+$0x10C80] =	vst v33  }
0x366: {  	v20 =	vld [tilespmem:s5+$0x10DE0];
	v10 =	vand.u32 $0x7, v63;
	v39 =	vand.u32 $0xFFFFFFF8, v35;
	v42 =	vmul.f32 v54, v34;
	[tilespmem:s5+$0x10C90] =	vst v37  }
0x367: {  	v45 =	vbroadcast v3, $0x4;
	v22 =	vld [tilespmem:s5+$0x10DF0];
	v44 =	vmul.f32 v55, v34;
	v10 =	vor.u32 v10, v39;
	[tilespmem:s5+$0x10CA0] =	vst v40  }
0x368: {  	v63 =	vld [tilespmem:s5+$0x10DD0];
	v47 =	vmul.f32 v58, v34;
	[tilespmem:s5+$0x10CB0] =	vst v42  }
0x369: {  	v41 =	vld [tilespmem:s5+$0x10D50];
	v49 =	vmul.f32 v59, v45;
	[tilespmem:s5+$0x10CC0] =	vst v44  }
0x36a: {  	v46 =	vld [tilespmem:s5+$0x10D70];
	v51 =	vmul.f32 v61, v45;
	[tilespmem:s5+$0x10CD0] =	vst v47  }
0x36b: {  	v53 =	vbroadcast v3, $0x5;
	v52 =	vmul.f32 v26, v45;
	v54 =	vld.idx.msk [tilespmem:v36+s2+$0x0], $0xffff;
	[tilespmem:s5+$0x10CE0] =	vst v49  }
0x36c: {  	v55 =	vmul.f32 v28, v45;
	[tilespmem:s5+$0x10CF0] =	vst v51;
	v10 =	vld.idx.msk [tilespmem:v10+s0+$0x0], $0xffff  }
0x36d: {  	v48 =	vld [tilespmem:s5+$0x10D80];
	v57 =	vmul.f32 v30, v53;
	[tilespmem:s5+$0x10D00] =	vst v52  }
0x36e: {  	v50 =	vld [tilespmem:s5+$0x10D90];
	v59 =	vmul.f32 v32, v53;
	v26 =	vbroadcast v3, $0x7;
	[tilespmem:s5+$0x10D10] =	vst v55  }
0x36f: {  	v58 =	vld [tilespmem:s5+$0x10DB0];
	v61 =	vmul.f32 v38, v53;
	[tilespmem:s5+$0x10D20] =	vst v57  }
0x370: {  	v32 =	vld [tilespmem:s5+$0x10E30];
	v36 =	vbroadcast v3, $0x8;
	[tilespmem:s5+$0x10D30] =	vst v59;
	v31 =	vmul.f32 v56, v26  }
0x371: {  	v34 =	vld [tilespmem:s5+$0x10E40];
	[tilespmem:s5+$0x10D40] =	vst v61;
	v38 =	vmul.f32 v63, v26;
	v10 =	vadd.f32 v54, v10  }
0x372: {  	v39 =	vld [tilespmem:s5+$0x10E60];
	v62 =	vbroadcast v3, $0x6;
	v40 =	vmul.f32 v20, v36;
	[tilespmem:s5+$0x10DA0] =	vst v31  }
0x373: {  	v60 =	vld [tilespmem:s5+$0x10DC0];
	v42 =	vmul.f32 v22, v36;
	[tilespmem:s5+$0x10DD0] =	vst v38;
	v10 =	vsub.f32 $0.0e+00, v10  }
0x374: {  	v24 =	vld [tilespmem:s5+$0x10E00];
	v21 =	vmul.f32 v43, v62;
	[tilespmem:s5+$0x10DE0] =	vst v40  }
0x375: {  	v27 =	vld [tilespmem:s5+$0x10E10];
	[tilespmem:s5+$0x10DF0] =	vst v42;
	v19 =	vmul.f32 v41, v53;
	v30 =	vmul.f32 $1.442695020e+00, v10  }
0x376: {  	v29 =	vld [tilespmem:s5+$0x10E20];
	v23 =	vmul.f32 v46, v62;
	[tilespmem:s5+$0x10D60] =	vst v21  }
0x377: {  	v37 =	vld [tilespmem:s5+$0x10E50];
	v25 =	vmul.f32 v48, v62;
	[tilespmem:s5+$0x10D50] =	vst v19;
	(erf) = vpow2.f32 v30  }
0x378: {  	v45 =	vbroadcast v3, $0x9;
	v52 =	vld [tilespmem:s5+$0x10EC0];
	v28 =	vmul.f32 v50, v62;
	[tilespmem:s5+$0x10D70] =	vst v23  }
0x379: {  	v55 =	vld [tilespmem:s5+$0x10ED0];
	v33 =	vmul.f32 v58, v26;
	[tilespmem:s5+$0x10D80] =	vst v25  }
0x37a: {  	v61 =	vld [tilespmem:s5+$0x10EF0];
	v51 =	vmul.f32 v32, v45;
	[tilespmem:s5+$0x10D90] =	vst v28  }
0x37b: {  	v63 =	vld [tilespmem:s5+$0x10F00];
	v53 =	vmul.f32 v34, v45;
	[tilespmem:s5+$0x10DB0] =	vst v33  }
0x37c: {  	v20 =	vld [tilespmem:s5+$0x10F10];
	v35 =	vmul.f32 v60, v26;
	[tilespmem:s5+$0x10E30] =	vst v51  }
0x37d: {  	v22 =	vld [tilespmem:s5+$0x10F20];
	v44 =	vmul.f32 v24, v36;
	[tilespmem:s5+$0x10E40] =	vst v53  }
0x37e: {  	v43 =	vld [tilespmem:s5+$0x10E80];
	v47 =	vmul.f32 v27, v36;
	[tilespmem:s5+$0x10DC0] =	vst v35  }
0x37f: {  	v31 =	vld [tilespmem:s5+$0x10F60];
	v49 =	vmul.f32 v29, v45;
	v19 =	vbroadcast v3, $0xB;
	[tilespmem:s5+$0x10E00] =	vst v44  }
0x380: {  	v42 =	vld [tilespmem:s5+$0x10F80];
	v57 =	vmul.f32 v37, v45;
	v28 =	vbroadcast v3, $0xC;
	[tilespmem:s5+$0x10E10] =	vst v47;
	v56 =	vpop (erf)  }
0x381: {  	v48 =	vld [tilespmem:s5+$0x10EA0];
	[tilespmem:s5+$0x10E20] =	vst v49;
	v27 =	vmul.f32 v52, v19;
	v59 =	vadd.f32 $1.000000000e+00, v56  }
0x382: {  	v50 =	vld [tilespmem:s5+$0x10EB0];
	v36 =	vbroadcast v3, $0xD;
	[tilespmem:s5+$0x10E50] =	vst v57;
	v12 =	vmul.f32 v61, v28  }
0x383: {  	v58 =	vld [tilespmem:s5+$0x10EE0];
	v35 =	vmul.f32 v63, v28;
	[tilespmem:s5+$0x10EC0] =	vst v27;
	(erf) = vrcp.f32 v59  }
0x384: {  	v41 =	vld [tilespmem:s5+$0x10E70];
	v8 =	vmul.f32 v20, v28;
	[tilespmem:s5+$0x10EF0] =	vst v12  }
0x385: {  	v24 =	vld [tilespmem:s5+$0x10F30];
	v40 =	vmul.f32 v22, v36;
	[tilespmem:s5+$0x10F00] =	vst v35  }
0x386: {  	v26 =	vld [tilespmem:s5+$0x10F40];
	v23 =	vmul.f32 v48, v19;
	[tilespmem:s5+$0x10F10] =	vst v8  }
0x387: {  	s12 =	sshll.u32 s19, $0x6;
	v29 =	vld [tilespmem:s5+$0x10F50];
	v47 =	vbroadcast v3, $0xE;
	v25 =	vmul.f32 v50, v19;
	[tilespmem:s5+$0x10F20] =	vst v40  }
0x388: {  	s12 =	sand.u32 $0x3FFFFC00, s12;
	v46 =	vld [tilespmem:s5+$0x10E90];
	v32 =	vmul.f32 v58, v28;
	[tilespmem:s5+$0x10EA0] =	vst v23  }
0x389: {  	v34 =	vld [tilespmem:s12+$0x107F0];
	v6 =	vmul.f32 v31, v47;
	[tilespmem:s5+$0x10EB0] =	vst v25  }
0x38a: {  	v33 =	vld [tilespmem:s12+$0x107E0];
	[tilespmem:s5+$0x10EE0] =	vst v32;
	v9 =	vmul.f32 v24, v36  }
0x38b: {  	v37 =	vld [tilespmem:s12+$0x10800];
	v54 =	vbroadcast v3, $0xA;
	v7 =	vmul.f32 v26, v36;
	[tilespmem:s5+$0x10F60] =	vst v6  }
0x38c: {  	v45 =	vld [tilespmem:s5+$0x10FB0];
	v49 =	vmul.f32 v29, v36;
	[tilespmem:s5+$0x10F30] =	vst v9;
	v4 =	vpop (erf)  }
0x38d: {  	v60 =	vmul.f32 v39, v54;
	v39 =	vld [tilespmem:s12+$0x10810];
	[tilespmem:s5+$0x10F40] =	vst v7;
	v38 =	vbroadcast v4, $0x0  }
0x38e: {  	v44 =	vld [tilespmem:s5+$0x10FA0];
	v62 =	vmul.f32 v41, v54;
	[tilespmem:s5+$0x10F50] =	vst v49  }
0x38f: {  	s17 =	sor.u32 $0x30, s11;
	v48 =	vld [tilespmem:s5+$0x10FD0];
	[tilespmem:s5+$0x10E60] =	vst v60;
	v13 =	vmul.f32 v38, v33  }
0x390: {  	v28 =	vld.idx.msk [tilespmem:v2+s17+$0x0 ss:$0x1], $0xffff;
	[tilespmem:s5+$0x10E70] =	vst v62;
	v16 =	vmul.f32 v38, v34  }
0x391: {  	v41 =	vld [tilespmem:s5+$0x10F70];
	v17 =	vmul.f32 v38, v37;
	[tilespmem:s12+$0x107E0] =	vst v13  }
0x392: {  	v18 =	vmul.f32 v43, v54;
	v43 =	vld [tilespmem:s5+$0x10F90];
	v12 =	vmul.f32 v38, v39;
	[tilespmem:s12+$0x107F0] =	vst v16  }
0x393: {  	v21 =	vmul.f32 v46, v54;
	v46 =	vld [tilespmem:s5+$0x10FC0];
	[tilespmem:s12+$0x10800] =	vst v17  }
0x394: {  	v3 =	vbroadcast v3, $0xF;
	v38 =	vld [tilespmem:s11+$0xC790];
	[tilespmem:s12+$0x10810] =	vst v12  }
0x395: {  	v54 =	vmul.f32 v42, v47;
	[tilespmem:s5+$0x10E80] =	vst v18;
	v50 =	vld [tilespmem:s5+$0x11020]  }
0x396: {  	v57 =	vmul.f32 v44, v3;
	[tilespmem:s5+$0x10E90] =	vst v21;
	v51 =	vld [tilespmem:s5+$0x11030]  }
0x397: {  	[tilespmem:s5+$0x10F80] =	vst v54;
	v30 =	vmul.f32 v55, v19;
	v53 =	vld [tilespmem:s5+$0x11040]  }
0x398: {  	[tilespmem:s5+$0x10FA0] =	vst v57;
	v52 =	vmul.f32 v41, v47;
	v55 =	vld [tilespmem:s5+$0x11050]  }
0x399: {  	v5 =	vmul.f32 v43, v47;
	[tilespmem:s5+$0x10ED0] =	vst v30;
	v56 =	vld [tilespmem:s5+$0x11060]  }
0x39a: {  	v61 =	vmul.f32 v46, v3;
	[tilespmem:s5+$0x10F70] =	vst v52;
	v59 =	vmul.f32 v45, v3;
	v58 =	vld [tilespmem:s5+$0x11070]  }
0x39b: {  	[tilespmem:s5+$0x10F90] =	vst v5;
	v3 =	vmul.f32 v48, v3;
	v62 =	vbroadcast v4, $0x1;
	v60 =	vld [tilespmem:s5+$0x11080]  }
0x39c: {  	[tilespmem:s5+$0x10FC0] =	vst v61;
	v63 =	vld [tilespmem:s5+$0x11090]  }
0x39d: {  	[tilespmem:s5+$0x10FD0] =	vst v3;
	v18 =	vld [tilespmem:s5+$0x110A0];
	v3 =	vmul.f32 v51, v62  }
0x39e: {  	[tilespmem:s5+$0x10FB0] =	vst v59;
	v20 =	vld [tilespmem:s5+$0x110B0];
	v19 =	vmul.f32 v50, v62  }
0x39f: {  	v23 =	vbroadcast v4, $0x2;
	v21 =	vld [tilespmem:s5+$0x110C0];
	[tilespmem:s5+$0x11030] =	vst v3;
	v3 =	vmul.f32 v55, v62  }
0x3a0: {  	v24 =	vld [tilespmem:s5+$0x110D0];
	v22 =	vmul.f32 v53, v62;
	[tilespmem:s5+$0x11020] =	vst v19  }
0x3a1: {  	v25 =	vld [tilespmem:s5+$0x110E0];
	[tilespmem:s5+$0x11050] =	vst v3;
	v3 =	vmul.f32 v58, v23  }
0x3a2: {  	v27 =	vld [tilespmem:s5+$0x110F0];
	v26 =	vmul.f32 v56, v23;
	[tilespmem:s5+$0x11040] =	vst v22  }
0x3a3: {  	v30 =	vbroadcast v4, $0x3;
	v31 =	vld [tilespmem:s5+$0x11100];
	[tilespmem:s5+$0x11070] =	vst v3;
	v3 =	vmul.f32 v63, v23  }
0x3a4: {  	v32 =	vld [tilespmem:s5+$0x11110];
	v29 =	vmul.f32 v60, v23;
	[tilespmem:s5+$0x11060] =	vst v26  }
0x3a5: {  	v33 =	vld [tilespmem:s5+$0x11120];
	[tilespmem:s5+$0x11090] =	vst v3;
	v3 =	vmul.f32 v20, v30  }
0x3a6: {  	v34 =	vld [tilespmem:s5+$0x11130];
	v5 =	vmul.f32 v18, v30;
	[tilespmem:s5+$0x11080] =	vst v29  }
0x3a7: {  	v36 =	vbroadcast v4, $0x4;
	v37 =	vsub.s32 v28, v0;
	v39 =	vld [tilespmem:s5+$0x11140];
	[tilespmem:s5+$0x110B0] =	vst v3;
	v3 =	vmul.f32 v24, v30  }
0x3a8: {  	v40 =	vand.u32 $0xFFFFFFF8, v37;
	v13 =	vand.u32 $0x7, v28;
	v42 =	vld [tilespmem:s5+$0x11150];
	v35 =	vmul.f32 v21, v30;
	[tilespmem:s5+$0x110A0] =	vst v5  }
0x3a9: {  	v13 =	vor.u32 v13, v40;
	v43 =	vld [tilespmem:s5+$0x11160];
	[tilespmem:s5+$0x110D0] =	vst v3;
	v3 =	vmul.f32 v27, v36  }
0x3aa: {  	v46 =	vld [tilespmem:s5+$0x11170];
	v41 =	vmul.f32 v25, v36;
	[tilespmem:s5+$0x110C0] =	vst v35  }
0x3ab: {  	v45 =	vbroadcast v4, $0x5;
	v47 =	vld [tilespmem:s5+$0x11180];
	[tilespmem:s5+$0x110F0] =	vst v3;
	v3 =	vmul.f32 v32, v36  }
0x3ac: {  	v49 =	vld [tilespmem:s5+$0x11190];
	v44 =	vmul.f32 v31, v36;
	[tilespmem:s5+$0x110E0] =	vst v41  }
0x3ad: {  	v57 =	vld [tilespmem:s5+$0x111C0];
	[tilespmem:s5+$0x11110] =	vst v3;
	v3 =	vmul.f32 v34, v45  }
0x3ae: {  	v48 =	vmul.f32 v33, v45;
	v50 =	vld.idx.msk [tilespmem:v13+s0+$0x0], $0xffff;
	[tilespmem:s5+$0x11100] =	vst v44  }
0x3af: {  	v52 =	vbroadcast v4, $0x6;
	v53 =	vld.idx.msk [tilespmem:v38+s2+$0x0], $0xffff;
	[tilespmem:s5+$0x11130] =	vst v3;
	v3 =	vmul.f32 v42, v45  }
0x3b0: {  	v59 =	vbroadcast v4, $0x7;
	v51 =	vmul.f32 v39, v45;
	v56 =	vld [tilespmem:s5+$0x111B0];
	[tilespmem:s5+$0x11120] =	vst v48  }
0x3b1: {  	v61 =	vld [tilespmem:s5+$0x111E0];
	[tilespmem:s5+$0x11150] =	vst v3;
	v3 =	vmul.f32 v46, v52  }
0x3b2: {  	v60 =	vld [tilespmem:s5+$0x111D0];
	v17 =	vmul.f32 v57, v59;
	[tilespmem:s5+$0x11140] =	vst v51  }
0x3b3: {  	v54 =	vld [tilespmem:s5+$0x111A0];
	[tilespmem:s5+$0x11170] =	vst v3;
	v3 =	vmul.f32 v49, v52  }
0x3b4: {  	v18 =	vbroadcast v4, $0x8;
	v55 =	vmul.f32 v43, v52;
	[tilespmem:s5+$0x111C0] =	vst v17;
	v10 =	vadd.f32 v53, v50;
	v63 =	vld [tilespmem:s5+$0x111F0]  }
0x3b5: {  	v16 =	vld [tilespmem:s5+$0x11200];
	[tilespmem:s5+$0x11190] =	vst v3;
	v3 =	vmul.f32 v56, v59  }
0x3b6: {  	v19 =	vld [tilespmem:s5+$0x11210];
	v21 =	vmul.f32 v61, v18;
	[tilespmem:s5+$0x11160] =	vst v55;
	v10 =	vsub.f32 $0.0e+00, v10  }
0x3b7: {  	v37 =	vld [tilespmem:s5+$0x112C0];
	[tilespmem:s5+$0x111B0] =	vst v3;
	v3 =	vmul.f32 v60, v59  }
0x3b8: {  	v62 =	vmul.f32 v54, v59;
	v22 =	vld [tilespmem:s5+$0x11230];
	[tilespmem:s5+$0x111E0] =	vst v21;
	v10 =	vmul.f32 $1.442695020e+00, v10  }
0x3b9: {  	v39 =	vbroadcast v4, $0xB;
	v21 =	vld [tilespmem:s5+$0x11390];
	[tilespmem:s5+$0x111D0] =	vst v3;
	v3 =	vmul.f32 v63, v18  }
0x3ba: {  	v26 =	vld [tilespmem:s5+$0x11250];
	v58 =	vmul.f32 v47, v52;
	[tilespmem:s5+$0x111A0] =	vst v62;
	(erf) = vpow2.f32 v10  }
0x3bb: {  	v25 =	vbroadcast v4, $0x9;
	v33 =	vld [tilespmem:s5+$0x11290];
	[tilespmem:s5+$0x111F0] =	vst v3;
	v3 =	vmul.f32 v19, v18  }
0x3bc: {  	v29 =	vld [tilespmem:s5+$0x11270];
	v47 =	vmul.f32 v37, v39;
	v62 =	vbroadcast v4, $0xE;
	[tilespmem:s5+$0x11180] =	vst v58  }
0x3bd: {  	v50 =	vld [tilespmem:s5+$0x11320];
	[tilespmem:s5+$0x11210] =	vst v3;
	v3 =	vmul.f32 v22, v25  }
0x3be: {  	v53 =	vld [tilespmem:s5+$0x11340];
	[tilespmem:s5+$0x112C0] =	vst v47;
	v5 =	vmul.f32 v21, v62  }
0x3bf: {  	v23 =	vld [tilespmem:s5+$0x11240];
	v32 =	vbroadcast v4, $0xA;
	[tilespmem:s5+$0x11230] =	vst v3;
	v3 =	vmul.f32 v26, v25  }
0x3c0: {  	v55 =	vbroadcast v4, $0xD;
	v24 =	vmul.f32 v16, v18;
	[tilespmem:s5+$0x11390] =	vst v5;
	v36 =	vld [tilespmem:s5+$0x112B0]  }
0x3c1: {  	v40 =	vld [tilespmem:s5+$0x112D0];
	[tilespmem:s5+$0x11250] =	vst v3;
	v3 =	vmul.f32 v29, v32  }
0x3c2: {  	v20 =	vld [tilespmem:s5+$0x11220];
	v58 =	vmul.f32 v50, v55;
	[tilespmem:s5+$0x11200] =	vst v24  }
0x3c3: {  	v30 =	vld [tilespmem:s5+$0x11280];
	v41 =	vpop (erf);
	[tilespmem:s5+$0x11270] =	vst v3;
	v3 =	vmul.f32 v33, v32  }
0x3c4: {  	v61 =	vmul.f32 v53, v55;
	[tilespmem:s5+$0x11320] =	vst v58;
	v45 =	vld [tilespmem:s5+$0x112F0];
	v43 =	vadd.f32 $1.000000000e+00, v41  }
0x3c5: {  	v31 =	vmul.f32 v23, v25;
	v23 =	vld [tilespmem:s5+$0x113B0];
	[tilespmem:s5+$0x11290] =	vst v3;
	v3 =	vmul.f32 v36, v39  }
0x3c6: {  	[tilespmem:s5+$0x11340] =	vst v61;
	v49 =	vld [tilespmem:s5+$0x11310];
	(erf) = vrcp.f32 v43  }
0x3c7: {  	v48 =	vbroadcast v4, $0xC;
	v27 =	vld [tilespmem:s5+$0x11260];
	[tilespmem:s5+$0x112B0] =	vst v3;
	v3 =	vmul.f32 v40, v39  }
0x3c8: {  	v28 =	vmul.f32 v20, v25;
	[tilespmem:s5+$0x11240] =	vst v31  }
0x3c9: {  	v24 =	vld [tilespmem:s5+$0x113C0];
	v4 =	vbroadcast v4, $0xF;
	[tilespmem:s5+$0x112D0] =	vst v3;
	v3 =	vmul.f32 v45, v48  }
0x3ca: {  	[tilespmem:s5+$0x11220] =	vst v28;
	v34 =	vld [tilespmem:s5+$0x112A0];
	v38 =	vmul.f32 v30, v32  }
0x3cb: {  	s19 =	sshll.u32 s17, $0x6;
	v28 =	vmul.f32 v23, v4;
	v42 =	vld [tilespmem:s5+$0x112E0];
	[tilespmem:s5+$0x112F0] =	vst v3;
	v3 =	vmul.f32 v49, v48  }
0x3cc: {  	s11 =	sand.u32 $0x3FFFFC00, s19;
	v35 =	vmul.f32 v27, v32;
	[tilespmem:s5+$0x11280] =	vst v38;
	v46 =	vld [tilespmem:s5+$0x11300]  }
0x3cd: {  	[tilespmem:s5+$0x113B0] =	vst v28;
	v59 =	vld [tilespmem:s11+$0x107E0]  }
0x3ce: {  	v30 =	vmul.f32 v24, v4;
	[tilespmem:s5+$0x11260] =	vst v35;
	v60 =	vld [tilespmem:s11+$0x107F0]  }
0x3cf: {  	v44 =	vmul.f32 v34, v39;
	v63 =	vld [tilespmem:s11+$0x10800];
	[tilespmem:s5+$0x11310] =	vst v3;
	v3 =	vpop (erf)  }
0x3d0: {  	v17 =	vld [tilespmem:s11+$0x10810];
	[tilespmem:s5+$0x113C0] =	vst v30;
	v51 =	vmul.f32 v42, v48;
	v16 =	vbroadcast v3, $0x0  }
0x3d1: {  	v52 =	vld [tilespmem:s5+$0x11330];
	[tilespmem:s5+$0x112A0] =	vst v44;
	v54 =	vmul.f32 v46, v48  }
0x3d2: {  	v56 =	vld [tilespmem:s5+$0x11350];
	[tilespmem:s5+$0x112E0] =	vst v51;
	v6 =	vmul.f32 v16, v59  }
0x3d3: {  	v20 =	vld [tilespmem:s5+$0x11380];
	[tilespmem:s5+$0x11300] =	vst v54;
	v12 =	vmul.f32 v16, v60  }
0x3d4: {  	v57 =	vld [tilespmem:s5+$0x11360];
	v13 =	vmul.f32 v16, v63;
	[tilespmem:s11+$0x107E0] =	vst v6  }
0x3d5: {  	v19 =	vld [tilespmem:s5+$0x11370];
	v10 =	vmul.f32 v16, v17;
	[tilespmem:s11+$0x107F0] =	vst v12  }
0x3d6: {  	v8 =	vmul.f32 v52, v55;
	v22 =	vld [tilespmem:s5+$0x113A0];
	[tilespmem:s11+$0x10800] =	vst v13  }
0x3d7: {  	v15 =	vmul.f32 v56, v55;
	v25 =	vld [tilespmem:s5+$0x113D0];
	[tilespmem:s11+$0x10810] =	vst v10  }
0x3d8: {  	[tilespmem:s5+$0x11330] =	vst v8;
	v8 =	vmul.f32 v20, v62;
	v26 =	vld [tilespmem:s5+$0x11420]  }
0x3d9: {  	v18 =	vmul.f32 v57, v62;
	[tilespmem:s5+$0x11350] =	vst v15;
	v27 =	vld [tilespmem:s5+$0x11430]  }
0x3da: {  	[tilespmem:s5+$0x11380] =	vst v8;
	v7 =	vmul.f32 v19, v62;
	v29 =	vld [tilespmem:s5+$0x11440]  }
0x3db: {  	[tilespmem:s5+$0x11360] =	vst v18;
	v31 =	vbroadcast v3, $0x1;
	v6 =	vmul.f32 v22, v4;
	v32 =	vld [tilespmem:s5+$0x11450]  }
0x3dc: {  	[tilespmem:s5+$0x11370] =	vst v7;
	v4 =	vmul.f32 v25, v4;
	v33 =	vld [tilespmem:s5+$0x11460]  }
0x3dd: {  	v35 =	vld [tilespmem:s5+$0x11470];
	[tilespmem:s5+$0x113A0] =	vst v6;
	v34 =	vmul.f32 v26, v31  }
0x3de: {  	v37 =	vld [tilespmem:s5+$0x11480];
	[tilespmem:s5+$0x113D0] =	vst v4;
	v36 =	vmul.f32 v27, v31  }
0x3df: {  	v39 =	vbroadcast v3, $0x2;
	v40 =	vld [tilespmem:s5+$0x11490];
	v38 =	vmul.f32 v29, v31;
	[tilespmem:s5+$0x11420] =	vst v34  }
0x3e0: {  	v42 =	vld [tilespmem:s5+$0x114A0];
	v41 =	vmul.f32 v32, v31;
	[tilespmem:s5+$0x11430] =	vst v36  }
0x3e1: {  	v43 =	vld [tilespmem:s5+$0x114B0];
	v5 =	vmul.f32 v33, v39;
	[tilespmem:s5+$0x11440] =	vst v38  }
0x3e2: {  	v45 =	vld [tilespmem:s5+$0x114C0];
	v44 =	vmul.f32 v35, v39;
	[tilespmem:s5+$0x11450] =	vst v41  }
0x3e3: {  	v47 =	vbroadcast v3, $0x3;
	v48 =	vld [tilespmem:s5+$0x114D0];
	v46 =	vmul.f32 v37, v39;
	[tilespmem:s5+$0x11460] =	vst v5  }
0x3e4: {  	v50 =	vld [tilespmem:s5+$0x114E0];
	v49 =	vmul.f32 v40, v39;
	[tilespmem:s5+$0x11470] =	vst v44  }
0x3e5: {  	v52 =	vld [tilespmem:s5+$0x114F0];
	v51 =	vmul.f32 v42, v47;
	[tilespmem:s5+$0x11480] =	vst v46  }
0x3e6: {  	v54 =	vld [tilespmem:s5+$0x11500];
	v53 =	vmul.f32 v43, v47;
	[tilespmem:s5+$0x11490] =	vst v49  }
0x3e7: {  	v56 =	vbroadcast v3, $0x4;
	v57 =	vld [tilespmem:s5+$0x11510];
	v55 =	vmul.f32 v45, v47;
	[tilespmem:s5+$0x114A0] =	vst v51  }
0x3e8: {  	v59 =	vld [tilespmem:s5+$0x11520];
	v58 =	vmul.f32 v48, v47;
	[tilespmem:s5+$0x114B0] =	vst v53  }
0x3e9: {  	v61 =	vld [tilespmem:s5+$0x11530];
	v60 =	vmul.f32 v50, v56;
	[tilespmem:s5+$0x114C0] =	vst v55  }
0x3ea: {  	v63 =	vld [tilespmem:s5+$0x11540];
	v62 =	vmul.f32 v52, v56;
	[tilespmem:s5+$0x114D0] =	vst v58  }
0x3eb: {  	v17 =	vbroadcast v3, $0x5;
	v18 =	vld [tilespmem:s5+$0x11550];
	v16 =	vmul.f32 v54, v56;
	[tilespmem:s5+$0x114E0] =	vst v60  }
0x3ec: {  	v20 =	vld [tilespmem:s5+$0x11560];
	v19 =	vmul.f32 v57, v56;
	[tilespmem:s5+$0x114F0] =	vst v62  }
0x3ed: {  	v22 =	vld [tilespmem:s5+$0x11570];
	v21 =	vmul.f32 v59, v17;
	[tilespmem:s5+$0x11500] =	vst v16  }
0x3ee: {  	v24 =	vld [tilespmem:s5+$0x11580];
	v23 =	vmul.f32 v61, v17;
	[tilespmem:s5+$0x11510] =	vst v19  }
0x3ef: {  	v25 =	vmul.f32 v63, v17;
	v26 =	vbroadcast v3, $0x6;
	v27 =	vld [tilespmem:s5+$0x11590];
	[tilespmem:s5+$0x11520] =	vst v21  }
0x3f0: {  	v28 =	vmul.f32 v18, v17;
	v29 =	vld [tilespmem:s5+$0x115A0];
	[tilespmem:s5+$0x11530] =	vst v23  }
0x3f1: {  	v31 =	vld [tilespmem:s5+$0x115B0];
	[tilespmem:s5+$0x11540] =	vst v25;
	v30 =	vmul.f32 v20, v26  }
0x3f2: {  	v33 =	vld [tilespmem:s5+$0x115C0];
	[tilespmem:s5+$0x11550] =	vst v28;
	v32 =	vmul.f32 v22, v26  }
0x3f3: {  	v35 =	vbroadcast v3, $0x7;
	v40 =	vld [tilespmem:s5+$0x115F0];
	v34 =	vmul.f32 v24, v26;
	[tilespmem:s5+$0x11560] =	vst v30  }
0x3f4: {  	v42 =	vld [tilespmem:s5+$0x11600];
	[tilespmem:s5+$0x11570] =	vst v32;
	v37 =	vmul.f32 v27, v26  }
0x3f5: {  	v45 =	vld [tilespmem:s5+$0x11610];
	[tilespmem:s5+$0x11580] =	vst v34;
	v39 =	vmul.f32 v29, v35  }
0x3f6: {  	v47 =	vld [tilespmem:s5+$0x11620];
	v44 =	vbroadcast v3, $0x8;
	v41 =	vmul.f32 v31, v35;
	[tilespmem:s5+$0x11590] =	vst v37  }
0x3f7: {  	v54 =	vld [tilespmem:s5+$0x11650];
	v43 =	vmul.f32 v33, v35;
	[tilespmem:s5+$0x115A0] =	vst v39  }
0x3f8: {  	v56 =	vld [tilespmem:s5+$0x11660];
	v50 =	vmul.f32 v40, v44;
	[tilespmem:s5+$0x115B0] =	vst v41  }
0x3f9: {  	v63 =	vld [tilespmem:s5+$0x11690];
	v53 =	vbroadcast v3, $0x9;
	v52 =	vmul.f32 v42, v44;
	[tilespmem:s5+$0x115C0] =	vst v43  }
0x3fa: {  	v17 =	vld [tilespmem:s5+$0x116A0];
	v55 =	vmul.f32 v45, v44;
	[tilespmem:s5+$0x115F0] =	vst v50  }
0x3fb: {  	v36 =	vld [tilespmem:s5+$0x115D0];
	v62 =	vbroadcast v3, $0xA;
	v57 =	vmul.f32 v47, v53;
	[tilespmem:s5+$0x11600] =	vst v52  }
0x3fc: {  	v38 =	vld [tilespmem:s5+$0x115E0];
	v16 =	vmul.f32 v54, v53;
	[tilespmem:s5+$0x11610] =	vst v55  }
0x3fd: {  	v49 =	vld [tilespmem:s5+$0x11630];
	v23 =	vbroadcast v3, $0xB;
	v18 =	vmul.f32 v56, v62;
	[tilespmem:s5+$0x11620] =	vst v57  }
0x3fe: {  	v51 =	vld [tilespmem:s5+$0x11640];
	v25 =	vmul.f32 v63, v62;
	[tilespmem:s5+$0x11650] =	vst v16  }
0x3ff: {  	v58 =	vld [tilespmem:s5+$0x11670];
	v27 =	vmul.f32 v17, v23;
	[tilespmem:s5+$0x11660] =	vst v18  }
0x400: {  	v60 =	vld [tilespmem:s5+$0x11680];
	v46 =	vmul.f32 v36, v35;
	[tilespmem:s5+$0x11690] =	vst v25  }
0x401: {  	v19 =	vld [tilespmem:s5+$0x116B0];
	v48 =	vmul.f32 v38, v44;
	[tilespmem:s5+$0x116A0] =	vst v27  }
0x402: {  	v21 =	vld [tilespmem:s5+$0x116C0];
	v59 =	vmul.f32 v49, v53;
	[tilespmem:s5+$0x115D0] =	vst v46  }
0x403: {  	v24 =	vld [tilespmem:s5+$0x116D0];
	v61 =	vmul.f32 v51, v53;
	[tilespmem:s5+$0x115E0] =	vst v48  }
0x404: {  	v28 =	vld [tilespmem:s5+$0x116F0];
	v20 =	vmul.f32 v58, v62;
	[tilespmem:s5+$0x11630] =	vst v59  }
0x405: {  	v30 =	vld [tilespmem:s5+$0x11700];
	v22 =	vmul.f32 v60, v62;
	[tilespmem:s5+$0x11640] =	vst v61  }
0x406: {  	v26 =	vld [tilespmem:s5+$0x116E0];
	v29 =	vmul.f32 v19, v23;
	[tilespmem:s5+$0x11670] =	vst v20  }
0x407: {  	v32 =	vbroadcast v3, $0xC;
	v33 =	vld [tilespmem:s5+$0x11710];
	v31 =	vmul.f32 v21, v23;
	[tilespmem:s5+$0x11680] =	vst v22  }
0x408: {  	v42 =	vld [tilespmem:s5+$0x11750];
	v34 =	vmul.f32 v24, v23;
	[tilespmem:s5+$0x116B0] =	vst v29  }
0x409: {  	v35 =	vld [tilespmem:s5+$0x11720];
	v38 =	vmul.f32 v28, v32;
	[tilespmem:s5+$0x116C0] =	vst v31  }
0x40a: {  	v37 =	vld [tilespmem:s5+$0x11730];
	[tilespmem:s5+$0x116D0] =	vst v34;
	v40 =	vmul.f32 v30, v32  }
0x40b: {  	v39 =	vld [tilespmem:s5+$0x11740];
	v41 =	vbroadcast v3, $0xD;
	[tilespmem:s5+$0x116F0] =	vst v38;
	v36 =	vmul.f32 v26, v32  }
0x40c: {  	v44 =	vld [tilespmem:s5+$0x11760];
	v43 =	vmul.f32 v33, v32;
	[tilespmem:s5+$0x11700] =	vst v40  }
0x40d: {  	v51 =	vld [tilespmem:s5+$0x11790];
	v52 =	vmul.f32 v42, v41;
	[tilespmem:s5+$0x116E0] =	vst v36  }
0x40e: {  	v53 =	vld [tilespmem:s5+$0x117A0];
	v45 =	vmul.f32 v35, v41;
	[tilespmem:s5+$0x11710] =	vst v43  }
0x40f: {  	v50 =	vbroadcast v3, $0xE;
	v55 =	vld [tilespmem:s5+$0x117B0];
	v47 =	vmul.f32 v37, v41;
	[tilespmem:s5+$0x11750] =	vst v52  }
0x410: {  	v57 =	vld [tilespmem:s5+$0x117C0];
	v49 =	vmul.f32 v39, v41;
	[tilespmem:s5+$0x11720] =	vst v45  }
0x411: {  	v3 =	vbroadcast v3, $0xF;
	v46 =	vld [tilespmem:s5+$0x11770];
	v54 =	vmul.f32 v44, v50;
	[tilespmem:s5+$0x11730] =	vst v47  }
0x412: {  	v48 =	vld [tilespmem:s5+$0x11780];
	v60 =	vmul.f32 v51, v50;
	[tilespmem:s5+$0x11740] =	vst v49  }
0x413: {  	v59 =	vld [tilespmem:s5+$0x117D0];
	v61 =	vmul.f32 v53, v3;
	[tilespmem:s5+$0x11760] =	vst v54  }
0x414: {  	v62 =	vmul.f32 v55, v3;
	[tilespmem:s5+$0x11790] =	vst v60  }
0x415: {  	p2 =	por p1, p1;
	v63 =	vmul.f32 v57, v3;
	[tilespmem:s5+$0x117A0] =	vst v61  }
.Ltmp3:
0x416: {  	v56 =	vmul.f32 v46, v50;
	[tilespmem:s5+$0x117B0] =	vst v62;
	(pc) =	sbr.rel @p2 .LBB2_9-.Ltmp3, $4  }
0x417: {  	v58 =	vmul.f32 v48, v50;
	[tilespmem:s5+$0x117C0] =	vst v63  }
0x418: {  	v3 =	vmul.f32 v59, v3;
	[tilespmem:s5+$0x11770] =	vst v56  }
0x419: {  	[tilespmem:s5+$0x11780] =	vst v58  }
0x41a: {  	p1 =	por $0x0, $0x0;
	[tilespmem:s5+$0x117D0] =	vst v3;
	s5 =	simm.s32 $0x4  }
.Ltmp4:
0x41b: {  	(pc) =	sbr.rel @p0 .LBB2_12-.Ltmp4, $4  }
0x41c: {  	_ = 	snop  }
0x41d: {  	_ =	swait.ge [sflag:s28], $0x2000  }
0x41e: {  	[sflag:s28] =	ssyncset.done $0x0  }
0x41f: {  	s5 =	sadd.s32 $0x4F80, s18;
	[sflag:s28] =	ssyncadd.s32 $0xFFFFE000  }
0x420: {  	s11 =	sadd.s32 $0x200, s29  }
0x421: {  	[tilespmem:s10], [sflag:$0x2] =	stream.indirect.gather [hbm4b:s1+s6], $0x40, s11, s6, $0xb8;
	[tilespmem:$0x1C7E0] =	vst v63  }
0x422: {  	s12 =	sadd.s32 $0x240, s29;
	s17 =	simm.s32 $0xF7E0;
	s11 =	sadd.s32 s3, s11  }
0x423: {  	[tilespmem:s17], [sflag:$0xB] =	stream.indirect.gather [hbm4b:s1+s6], $0x40, s12, s6, $0xb8;
	[tilespmem:$0x1C7E0] =	vst v63  }
.Ltmp5:
0x424: {  	s11 =	sshrl.u32 s11, $0x3;
	(pc) =	sbr.rel .LBB2_4-.Ltmp5, $4  }
0x425: {  	s19 =	simm.s32 $0x0;
	s29 =	simm.s32 $0xC6E0;
	s11 =	sadd.s32 s8, s11  }
0x426: {  	[tilespmem:s29], [sflag:$0x8] =	stream.linear.gather [hbm4b:s11+s19], $0x80, $0x38;
	[tilespmem:$0x1C7E0] =	vst v63  }
0x427: {  	s9 =	sadd.s32 $0x1, s9  }
0x428: {  	[spmem:s4] =	stream.indirect.scatter.add.f32 [tilespmem:s16], [sflag:$0x6], $0x40, s5, s7, $0xb8;
	[tilespmem:$0x1C7E0] =	vst v63  }
.LBB2_12:
0x429: {  	[spmem:s4] =	stream.indirect.scatter.add.f32 [tilespmem:s16], [sflag:$0x6], $0x40, s5, s7, $0xb8;
	[tilespmem:$0x1C7E0] =	vst v63  }
0x42a: {  	s19 =	simm.s32 $0x6  }
0x42b: {  	_ =	swait.ge [sflag:s19], $0x2000  }
0x42c: {  	[sflag:s19] =	ssyncset.done $0x0  }
0x42d: {  	[sflag:s19] =	ssyncadd.s32 $0xFFFFE000  }
0x42e: {  	[bflag:$0x0] =	sbarrier.arrive $0xFFFF  }
0x42f: {  	s29 =	rddreg [dreg:$0x10]  }
0x430: {  	[tilespmem:s30], [sflag:$0xD] =	stream.linear.gather [spmem:s29], $0x1F40, $0x38;
	[tilespmem:$0x1C7E0] =	vst v63  }
0x431: {  	_ =	swait.ge [sflag:s31], $0x1F40  }
0x432: {  	[sflag:s31] =	ssyncset.done $0x0  }
0x433: {  	s5 =	simm.s32 $0x0;
	[sflag:s31] =	ssyncadd.s32 $0xFFFFE0C0  }
0x434: {  	v4 =	vld [tilespmem:s5+$0xC7E0]  }
0x435: {  	v3 =	vld [tilespmem:s5+$0xC7F0]  }
0x436: {  	s9 =	simm.s32 $0x100;
	v2 =	vld [tilespmem:s5+$0xC800]  }
.LBB2_13:
0x437: {  	p0 =	sne.s32 s9, $0x7C00;
	v5 =	vld [tilespmem:s5+$0xC810];
	_ =	sdelay $0x1  }
.Ltmp6:
0x438: {  	v4 =	vmax.f32 v4, $0.0e+00;
	(pc) =	sbr.rel @p0 .LBB2_13-.Ltmp6, $4  }
0x439: {  	s11 =	sshra.s32 s9, $0x2;
	[tilespmem:s5+$0xC7E0] =	vst v4;
	v3 =	vmax.f32 v3, $0.0e+00  }
0x43a: {  	v4 =	vld [tilespmem:s11+$0xC7E0];
	[tilespmem:s5+$0xC7F0] =	vst v3;
	v2 =	vmax.f32 v2, $0.0e+00  }
0x43b: {  	v3 =	vld [tilespmem:s11+$0xC7F0];
	[tilespmem:s5+$0xC800] =	vst v2;
	v5 =	vmax.f32 v5, $0.0e+00  }
0x43c: {  	s9 =	sadd.s32 $0x100, s9;
	v2 =	vld [tilespmem:s11+$0xC800];
	[tilespmem:s5+$0xC810] =	vst v5;
	s5 =	smov.u32 s11  }
0x43d: {  	v5 =	vld [tilespmem:s5+$0xC810];
	_ =	sdelay $0x1  }
0x43e: {  	v4 =	vmax.f32 v4, $0.0e+00  }
0x43f: {  	[tilespmem:s5+$0xC7E0] =	vst v4;
	v3 =	vmax.f32 v3, $0.0e+00  }
0x440: {  	[tilespmem:s5+$0xC7F0] =	vst v3;
	v2 =	vmax.f32 v2, $0.0e+00  }
0x441: {  	[tilespmem:s5+$0xC800] =	vst v2;
	v2 =	vmax.f32 v5, $0.0e+00  }
0x442: {  	s19 =	rddreg [dreg:$0x8];
	[tilespmem:s5+$0xC810] =	vst v2  }
0x443: {  	[hbm4b:s19+s6] =	stream.strided.scatter [tilespmem:s30], [sflag:$0xD], $0x1F40, s7, s6, $0x38;
	[tilespmem:$0x1C7E0] =	vst v63  }
0x444: {  	_ =	swait.ge [sflag:s31], $0x1F40  }
0x445: {  	[sflag:s31] =	ssyncset.done $0x0  }
0x446: {  	s29 =	rddreg [dreg:$0x11];
	[sflag:s31] =	ssyncadd.s32 $0xFFFFE0C0  }
0x447: {  	[tilespmem:s30], [sflag:$0xD] =	stream.linear.gather [spmem:s29], $0x1F40, $0x38;
	[tilespmem:$0x1C7E0] =	vst v63  }
0x448: {  	_ =	swait.ge [sflag:s31], $0x1F40  }
0x449: {  	[sflag:s31] =	ssyncset.done $0x0  }
0x44a: {  	s5 =	simm.s32 $0x0;
	[sflag:s31] =	ssyncadd.s32 $0xFFFFE0C0  }
0x44b: {  	v4 =	vld [tilespmem:s5+$0xC7E0]  }
0x44c: {  	v3 =	vld [tilespmem:s5+$0xC7F0]  }
0x44d: {  	s9 =	simm.s32 $0x100;
	v2 =	vld [tilespmem:s5+$0xC800]  }
.LBB2_15:
0x44e: {  	p0 =	sne.s32 s9, $0x7C00;
	v5 =	vld [tilespmem:s5+$0xC810];
	_ =	sdelay $0x1  }
.Ltmp7:
0x44f: {  	v4 =	vmax.f32 v4, $0.0e+00;
	(pc) =	sbr.rel @p0 .LBB2_15-.Ltmp7, $4  }
0x450: {  	s11 =	sshra.s32 s9, $0x2;
	[tilespmem:s5+$0xC7E0] =	vst v4;
	v3 =	vmax.f32 v3, $0.0e+00  }
0x451: {  	v4 =	vld [tilespmem:s11+$0xC7E0];
	[tilespmem:s5+$0xC7F0] =	vst v3;
	v2 =	vmax.f32 v2, $0.0e+00  }
0x452: {  	v3 =	vld [tilespmem:s11+$0xC7F0];
	[tilespmem:s5+$0xC800] =	vst v2;
	v5 =	vmax.f32 v5, $0.0e+00  }
0x453: {  	s9 =	sadd.s32 $0x100, s9;
	v2 =	vld [tilespmem:s11+$0xC800];
	[tilespmem:s5+$0xC810] =	vst v5;
	s5 =	smov.u32 s11  }
0x454: {  	v5 =	vld [tilespmem:s5+$0xC810];
	_ =	sdelay $0x1  }
0x455: {  	v4 =	vmax.f32 v4, $0.0e+00  }
0x456: {  	[tilespmem:s5+$0xC7E0] =	vst v4;
	v3 =	vmax.f32 v3, $0.0e+00  }
0x457: {  	[tilespmem:s5+$0xC7F0] =	vst v3;
	v2 =	vmax.f32 v2, $0.0e+00  }
0x458: {  	[tilespmem:s5+$0xC800] =	vst v2;
	v2 =	vmax.f32 v5, $0.0e+00  }
0x459: {  	s19 =	rddreg [dreg:$0x9];
	[tilespmem:s5+$0xC810] =	vst v2  }
0x45a: {  	[hbm4b:s19+s6] =	stream.strided.scatter [tilespmem:s30], [sflag:$0xD], $0x1F40, s7, s6, $0x38;
	[tilespmem:$0x1C7E0] =	vst v63  }
0x45b: {  	_ =	swait.ge [sflag:s31], $0x1F40  }
0x45c: {  	[sflag:s31] =	ssyncset.done $0x0  }
0x45d: {  	s29 =	rddreg [dreg:$0x12];
	[sflag:s31] =	ssyncadd.s32 $0xFFFFE0C0  }
0x45e: {  	[tilespmem:s30], [sflag:$0xD] =	stream.linear.gather [spmem:s29], $0x1F40, $0x38;
	[tilespmem:$0x1C7E0] =	vst v63  }
0x45f: {  	_ =	swait.ge [sflag:s31], $0x1F40  }
0x460: {  	[sflag:s31] =	ssyncset.done $0x0  }
0x461: {  	s5 =	simm.s32 $0x0;
	[sflag:s31] =	ssyncadd.s32 $0xFFFFE0C0  }
0x462: {  	v4 =	vld [tilespmem:s5+$0xC7E0]  }
0x463: {  	v3 =	vld [tilespmem:s5+$0xC7F0]  }
0x464: {  	s9 =	simm.s32 $0x100;
	v2 =	vld [tilespmem:s5+$0xC800]  }
.LBB2_17:
0x465: {  	p0 =	sne.s32 s9, $0x7C00;
	v5 =	vld [tilespmem:s5+$0xC810];
	_ =	sdelay $0x1  }
.Ltmp8:
0x466: {  	v4 =	vmax.f32 v4, $0.0e+00;
	(pc) =	sbr.rel @p0 .LBB2_17-.Ltmp8, $4  }
0x467: {  	s11 =	sshra.s32 s9, $0x2;
	[tilespmem:s5+$0xC7E0] =	vst v4;
	v3 =	vmax.f32 v3, $0.0e+00  }
0x468: {  	v4 =	vld [tilespmem:s11+$0xC7E0];
	[tilespmem:s5+$0xC7F0] =	vst v3;
	v2 =	vmax.f32 v2, $0.0e+00  }
0x469: {  	v3 =	vld [tilespmem:s11+$0xC7F0];
	[tilespmem:s5+$0xC800] =	vst v2;
	v5 =	vmax.f32 v5, $0.0e+00  }
0x46a: {  	s9 =	sadd.s32 $0x100, s9;
	v2 =	vld [tilespmem:s11+$0xC800];
	[tilespmem:s5+$0xC810] =	vst v5;
	s5 =	smov.u32 s11  }
0x46b: {  	v5 =	vld [tilespmem:s5+$0xC810];
	_ =	sdelay $0x1  }
0x46c: {  	v4 =	vmax.f32 v4, $0.0e+00  }
0x46d: {  	[tilespmem:s5+$0xC7E0] =	vst v4;
	v3 =	vmax.f32 v3, $0.0e+00  }
0x46e: {  	[tilespmem:s5+$0xC7F0] =	vst v3;
	v2 =	vmax.f32 v2, $0.0e+00  }
0x46f: {  	[tilespmem:s5+$0xC800] =	vst v2;
	v2 =	vmax.f32 v5, $0.0e+00  }
0x470: {  	s19 =	rddreg [dreg:$0xa];
	[tilespmem:s5+$0xC810] =	vst v2  }
0x471: {  	[hbm4b:s19+s6] =	stream.strided.scatter [tilespmem:s30], [sflag:$0xD], $0x1F40, s7, s6, $0x38;
	[tilespmem:$0x1C7E0] =	vst v63  }
0x472: {  	_ =	swait.ge [sflag:s31], $0x1F40  }
0x473: {  	[sflag:s31] =	ssyncset.done $0x0  }
0x474: {  	s29 =	rddreg [dreg:$0x13];
	[sflag:s31] =	ssyncadd.s32 $0xFFFFE0C0  }
0x475: {  	[tilespmem:s30], [sflag:$0xD] =	stream.linear.gather [spmem:s29], $0x1F40, $0x38;
	[tilespmem:$0x1C7E0] =	vst v63  }
0x476: {  	_ =	swait.ge [sflag:s31], $0x1F40  }
0x477: {  	[sflag:s31] =	ssyncset.done $0x0  }
0x478: {  	s5 =	simm.s32 $0x0;
	[sflag:s31] =	ssyncadd.s32 $0xFFFFE0C0  }
0x479: {  	v4 =	vld [tilespmem:s5+$0xC7E0]  }
0x47a: {  	v3 =	vld [tilespmem:s5+$0xC7F0]  }
0x47b: {  	s9 =	simm.s32 $0x100;
	v2 =	vld [tilespmem:s5+$0xC800]  }
.LBB2_19:
0x47c: {  	p0 =	sne.s32 s9, $0x7C00;
	v5 =	vld [tilespmem:s5+$0xC810];
	_ =	sdelay $0x1  }
.Ltmp9:
0x47d: {  	v4 =	vmax.f32 v4, $0.0e+00;
	(pc) =	sbr.rel @p0 .LBB2_19-.Ltmp9, $4  }
0x47e: {  	s11 =	sshra.s32 s9, $0x2;
	[tilespmem:s5+$0xC7E0] =	vst v4;
	v3 =	vmax.f32 v3, $0.0e+00  }
0x47f: {  	v4 =	vld [tilespmem:s11+$0xC7E0];
	[tilespmem:s5+$0xC7F0] =	vst v3;
	v2 =	vmax.f32 v2, $0.0e+00  }
0x480: {  	v3 =	vld [tilespmem:s11+$0xC7F0];
	[tilespmem:s5+$0xC800] =	vst v2;
	v5 =	vmax.f32 v5, $0.0e+00  }
0x481: {  	s9 =	sadd.s32 $0x100, s9;
	v2 =	vld [tilespmem:s11+$0xC800];
	[tilespmem:s5+$0xC810] =	vst v5;
	s5 =	smov.u32 s11  }
0x482: {  	v5 =	vld [tilespmem:s5+$0xC810];
	_ =	sdelay $0x1  }
0x483: {  	v4 =	vmax.f32 v4, $0.0e+00  }
0x484: {  	[tilespmem:s5+$0xC7E0] =	vst v4;
	v3 =	vmax.f32 v3, $0.0e+00  }
0x485: {  	[tilespmem:s5+$0xC7F0] =	vst v3;
	v2 =	vmax.f32 v2, $0.0e+00  }
0x486: {  	[tilespmem:s5+$0xC800] =	vst v2;
	v2 =	vmax.f32 v5, $0.0e+00  }
0x487: {  	s19 =	rddreg [dreg:$0xb];
	[tilespmem:s5+$0xC810] =	vst v2  }
0x488: {  	[hbm4b:s19+s6] =	stream.strided.scatter [tilespmem:s30], [sflag:$0xD], $0x1F40, s7, s6, $0x38;
	[tilespmem:$0x1C7E0] =	vst v63  }
0x489: {  	_ =	swait.ge [sflag:s31], $0x1F40  }
0x48a: {  	[sflag:s31] =	ssyncset.done $0x0  }
0x48b: {  	s29 =	rddreg [dreg:$0x14];
	[sflag:s31] =	ssyncadd.s32 $0xFFFFE0C0  }
0x48c: {  	[tilespmem:s30], [sflag:$0xD] =	stream.linear.gather [spmem:s29], $0x1F40, $0x38;
	[tilespmem:$0x1C7E0] =	vst v63  }
0x48d: {  	_ =	swait.ge [sflag:s31], $0x1F40  }
0x48e: {  	[sflag:s31] =	ssyncset.done $0x0  }
0x48f: {  	s5 =	simm.s32 $0x0;
	[sflag:s31] =	ssyncadd.s32 $0xFFFFE0C0  }
0x490: {  	v4 =	vld [tilespmem:s5+$0xC7E0]  }
0x491: {  	v3 =	vld [tilespmem:s5+$0xC7F0]  }
0x492: {  	s9 =	simm.s32 $0x100;
	v2 =	vld [tilespmem:s5+$0xC800]  }
.LBB2_21:
0x493: {  	p0 =	sne.s32 s9, $0x7C00;
	v5 =	vld [tilespmem:s5+$0xC810];
	_ =	sdelay $0x1  }
.Ltmp10:
0x494: {  	v4 =	vmax.f32 v4, $0.0e+00;
	(pc) =	sbr.rel @p0 .LBB2_21-.Ltmp10, $4  }
0x495: {  	s11 =	sshra.s32 s9, $0x2;
	[tilespmem:s5+$0xC7E0] =	vst v4;
	v3 =	vmax.f32 v3, $0.0e+00  }
0x496: {  	v4 =	vld [tilespmem:s11+$0xC7E0];
	[tilespmem:s5+$0xC7F0] =	vst v3;
	v2 =	vmax.f32 v2, $0.0e+00  }
0x497: {  	v3 =	vld [tilespmem:s11+$0xC7F0];
	[tilespmem:s5+$0xC800] =	vst v2;
	v5 =	vmax.f32 v5, $0.0e+00  }
0x498: {  	s9 =	sadd.s32 $0x100, s9;
	v2 =	vld [tilespmem:s11+$0xC800];
	[tilespmem:s5+$0xC810] =	vst v5;
	s5 =	smov.u32 s11  }
0x499: {  	v5 =	vld [tilespmem:s5+$0xC810];
	_ =	sdelay $0x1  }
0x49a: {  	v4 =	vmax.f32 v4, $0.0e+00  }
0x49b: {  	[tilespmem:s5+$0xC7E0] =	vst v4;
	v3 =	vmax.f32 v3, $0.0e+00  }
0x49c: {  	[tilespmem:s5+$0xC7F0] =	vst v3;
	v2 =	vmax.f32 v2, $0.0e+00  }
0x49d: {  	[tilespmem:s5+$0xC800] =	vst v2;
	v2 =	vmax.f32 v5, $0.0e+00  }
0x49e: {  	s19 =	rddreg [dreg:$0xc];
	[tilespmem:s5+$0xC810] =	vst v2  }
0x49f: {  	[hbm4b:s19+s6] =	stream.strided.scatter [tilespmem:s30], [sflag:$0xD], $0x1F40, s7, s6, $0x38;
	[tilespmem:$0x1C7E0] =	vst v63  }
0x4a0: {  	_ =	swait.ge [sflag:s31], $0x1F40  }
0x4a1: {  	s9 =	rddreg [dreg:$0x1a]  }
0x4a2: {  	s29 =	rddreg [dreg:$0x15];
	s9 =	sadd.s32 $0x1, s9  }
0x4a3: {  	p0 =	sne.s32 s9, s29  }
.Ltmp11:
0x4a4: {  	_ = 	snop;
	(pc) =	sbr.rel @p0 .LBB2_1-.Ltmp11, $3  }
0x4a5: {  	_ =	sdelay $0x1  }
0x4a6: {  	[sflag:s31] =	ssyncset.done $0x0  }
0x4a7: {  	[sflag:s31] =	ssyncadd.s32 $0xFFFFE0C0  }
0x4a8: {  	_ =	sfence.sel $0x180000  }
0x4a9: {  	[bflag:$0x0] =	sbarrier.arrive $0xFFFF  }
0x4aa: {  	_ =	strace $0x90000047  }
0x4ab: {  	s0 =	stileid.u32;
	[bflag:$0x2] =	sbarrier.arrive $0xFFFF  }
0x4ac: {  	p0 =	sne.s32 s0, $0x0;
	s0 =	rddreg [dreg:$0x3]  }
0x4ad: {  	s0 =	sadd.s32 @!p0 $0x100000, s0  }
0x4ae: {  	[sflag:s0] =	ssyncadd.tile.s32 @!p0 $0x1;
	_ =	shalt  }
.Lfunc_end2:
_tile_overlayer_lowered:
.L_overlay_start_2:
0x4af: {  	(tag) =	ssettag $0x2  }
0x4b0: {  	s0 =	rddreg [dreg:$0x0];
	s2 =	stileid.u32  }
0x4b1: {  	s1 =	rddreg [dreg:$0x1];
	p0 =	sne.s32 s2, $0x0  }
0x4b2: {  	s3 =	rddreg [dreg:$0x2];
	[bflag:$0x3] =	sbarrier.arrive $0xFFFF;
	s2 =	simm.s32 @!p0 $0x1C0D  }
0x4b3: {  	[timem:s3], [sflag:s2] =	dma.local @!p0 [hbm:s0], s1  }
0x4b4: {  	s0 =	simm.s32 @!p0 $0xD  }
0x4b5: {  	_ =	swait.ge @!p0 [sflag:s0], s1  }
0x4b6: {  	s1 =	ssub.s32 @!p0 $0x0, s1;
	[sflag:s0] =	ssyncset.done @!p0 $0x0  }
0x4b7: {  	[sflag:s0] =	ssyncadd.s32 @!p0 s1  }
0x4b8: {  	[bflag:$0x3] =	sbarrier.arrive $0xFFFF  }
0x4b9: {  	_ =	shalt  }

</sc_bundles>
